<compile_context>
chip_gen: v7x
topology: tpu7x:2x2x1
jax: 0.10.2.dev20260603
libtpu: 0.0.44.dev20260713+nightly
codegen_flags: <defaults>
</compile_context>

<pallas_src>
import functools

import jax
import jax.numpy as jnp
from jax import lax
from jax.experimental import pallas as pl
from jax.experimental.pallas import tpu as pltpu
from jax.experimental.pallas import tpu_sc as plsc

B = 16384
D = 64
NREL = 5
NC = 2
NS = 16
NW = NC * NS
CH = B // NW
G = 128
L = 16
KD = D // L

_GDN = lax.GatherDimensionNumbers(
    offset_dims=(), collapsed_slice_dims=(0,), start_index_map=(0,))


def _lane_shuffle(x, perm):
  return lax.gather(x, perm.reshape(L, 1), _GDN, (1,),
                    mode=lax.GatherScatterMode.PROMISE_IN_BOUNDS)


def _lane_sum(x):
  lanes = jnp.arange(L, dtype=jnp.int32)
  for sh in (8, 4, 2, 1):
    x = x + _lane_shuffle(x, lanes ^ sh)
  return x


def _sc_body(uid, wrote, cited, coauth, ven, aff,
             user_t, venue_t, aff_t, doc_t, rel_t, hyp_t,
             o_user, o_wrote, o_cited, o_co, o_ven, o_aff,
             o_rw, o_rc, o_rco, o_rv, o_ra,
             idx_v, buf, bcast, hyp_v, rel_v, sem, osem):
  wid = lax.axis_index("s") * NC + lax.axis_index("c")
  base = wid * CH

  pltpu.sync_copy(hyp_t, hyp_v)
  pltpu.sync_copy(rel_t, rel_v)

  idx_in = (uid, wrote, cited, coauth, ven, aff)
  for r in range(6):
    pltpu.sync_copy(idx_in[r].at[pl.ds(base, CH)], idx_v.at[r])

  streams = (
      (user_t, o_user, None),
      (doc_t, o_wrote, 0),
      (doc_t, o_cited, 1),
      (user_t, o_co, 2),
      (venue_t, o_ven, 3),
      (aff_t, o_aff, 4),
  )

  def fire(r):
    tab = streams[r][0]

    @plsc.parallel_loop(0, CH, step=L)
    def _(i):
      rows = idx_v[r, pl.ds(i, L)]
      for j in range(L):
        pltpu.async_copy(
            tab.at[pl.ds(rows[j], 1)], buf.at[pl.ds(i + j, 1)], sem)

  fire(0)

  bro = (o_rw, o_rc, o_rco, o_rv, o_ra)
  for rel in range(NREL):
    rv = [rel_v[rel, pl.ds(k * L, L)] for k in range(KD)]

    @plsc.parallel_loop(0, G, unroll=4)
    def _(i):
      for k in range(KD):
        bcast[i, pl.ds(k * L, L)] = rv[k]

    for j in range(CH // G):
      pltpu.sync_copy(bcast, bro[rel].at[pl.ds(base + j * G, G)])

  for r, (tab, out, rel) in enumerate(streams):
    @plsc.parallel_loop(0, CH, unroll=8)
    def _(i):
      pltpu.make_async_copy(
          tab.at[pl.ds(0, 1)], buf.at[pl.ds(0, 1)], sem).wait()

    if rel is not None:
      h = [hyp_v[rel, pl.ds(k * L, L)] for k in range(KD)]
      psq = h[0] * h[0]
      for k in range(1, KD):
        psq = psq + h[k] * h[k]
      nsq = _lane_sum(psq)
      scale = 1.0 / jnp.maximum(nsq, 1e-24)

      @plsc.parallel_loop(0, CH, unroll=4)
      def _(i):
        e = [buf[i, pl.ds(k * L, L)] for k in range(KD)]
        p = e[0] * h[0]
        for k in range(1, KD):
          p = p + e[k] * h[k]
        s = _lane_sum(p) * scale
        for k in range(KD):
          buf[i, pl.ds(k * L, L)] = e[k] - s * h[k]

    pltpu.sync_copy(buf, out.at[pl.ds(base, CH)])
    if r + 1 < len(streams):
      fire(r + 1)


@jax.jit
def _run(uid, wrote, cited, coauth, ven, aff,
         user_t, venue_t, aff_t, doc_t, rel_t, hyp_t):
  out = jax.ShapeDtypeStruct((B, D), jnp.float32)
  mesh = plsc.VectorSubcoreMesh(
      core_axis_name="c", subcore_axis_name="s", num_cores=NC, num_subcores=NS)
  return pl.kernel(
      _sc_body,
      out_type=tuple(out for _ in range(11)),
      mesh=mesh,
      scratch_types=[
          pltpu.VMEM((6, CH), jnp.int32),
          pltpu.VMEM((CH, D), jnp.float32),
          pltpu.VMEM((G, D), jnp.float32),
          pltpu.VMEM((NREL, D), jnp.float32),
          pltpu.VMEM((NREL, D), jnp.float32),
          pltpu.SemaphoreType.DMA,
          pltpu.SemaphoreType.DMA,
      ],
  )(uid, wrote, cited, coauth, ven, aff,
    user_t, venue_t, aff_t, doc_t, rel_t, hyp_t)


def kernel(user_id, wrote, cited, coauthor, venue, affiliation,
           user_table, venue_table, affiliation_table, doc_embedding,
           relation_table, hyper_plane):
  return _run(user_id, wrote, cited, coauthor, venue, affiliation,
              user_table, venue_table, affiliation_table, doc_embedding,
              relation_table, hyper_plane)

# --- scband reference (transcript-rebuilt; emitter-appended) ---
"""Pipeline reference for scband-unified-graph-trans-h-17987323036331 (READ-ONLY COPY).

The authoritative reference and input builder live on the scoring server;
editing this copy changes nothing except your own understanding.
"""

import jax, jax.numpy as jnp
import numpy as np

B = 16384
D = 64
N_USER = 100000
N_VENUE = 100000
N_AFF = 100000
N_DOC = 1000000
N_REL = 5


def _xavier(k, shape):
    limit = float(np.sqrt(6.0 / (shape[0] + shape[1])))
    return jax.random.uniform(k, shape, jnp.float32, -limit, limit)


def setup_inputs(seed: int = 0) -> dict:
    key = jax.random.key(seed)
    ks = jax.random.split(key, 12)
    inp = {}
    inp["user_id"] = jax.random.randint(ks[0], (B,), 0, N_USER, dtype=jnp.int32)
    inp["wrote"] = jax.random.randint(ks[1], (B,), 0, N_DOC, dtype=jnp.int32)
    inp["cited"] = jax.random.randint(ks[2], (B,), 0, N_DOC, dtype=jnp.int32)
    inp["coauthor"] = jax.random.randint(ks[3], (B,), 0, N_USER, dtype=jnp.int32)
    inp["venue"] = jax.random.randint(ks[4], (B,), 0, N_VENUE, dtype=jnp.int32)
    inp["affiliation"] = jax.random.randint(ks[5], (B,), 0, N_AFF, dtype=jnp.int32)
    inp["user_table"] = _xavier(ks[6], (N_USER, D))
    inp["venue_table"] = _xavier(ks[7], (N_VENUE, D))
    inp["affiliation_table"] = _xavier(ks[8], (N_AFF, D))
    inp["doc_embedding"] = jax.random.normal(ks[9], (N_DOC, D), jnp.float32)
    inp["relation_table"] = _xavier(ks[10], (N_REL, D))
    inp["hyper_plane"] = _xavier(ks[11], (N_REL, D))
    return inp


def _translation(entity, hyper_plane):
    # F.normalize(hyper_plane, p=2, dim=-1) with eps=1e-12
    w = hyper_plane / jnp.maximum(jnp.linalg.norm(hyper_plane, axis=-1, keepdims=True), 1e-12)
    proj = jnp.sum(entity * w, axis=-1, keepdims=True)
    return entity - proj * w


def reference(user_id, wrote, cited, coauthor, venue, affiliation,
              user_table, venue_table, affiliation_table, doc_embedding,
              relation_table, hyper_plane):
    user_embs = jnp.take(user_table, user_id, axis=0)
    wrote_embs = jnp.take(doc_embedding, wrote, axis=0)
    cited_embs = jnp.take(doc_embedding, cited, axis=0)
    coauthor_embs = jnp.take(user_table, coauthor, axis=0)
    venue_embs = jnp.take(venue_table, venue, axis=0)
    affiliation_embs = jnp.take(affiliation_table, affiliation, axis=0)
    # mode == 'transh': project each entity onto relation hyperplane
    wrote_embs = _translation(wrote_embs, hyper_plane[0])
    cited_embs = _translation(cited_embs, hyper_plane[1])
    coauthor_embs = _translation(coauthor_embs, hyper_plane[2])
    venue_embs = _translation(venue_embs, hyper_plane[3])
    affiliation_embs = _translation(affiliation_embs, hyper_plane[4])
    # relation embeddings broadcast to batch shape
    wrote_rel = jnp.broadcast_to(relation_table[0][None, :], wrote_embs.shape)
    cited_rel = jnp.broadcast_to(relation_table[1][None, :], cited_embs.shape)
    co_author_rel = jnp.broadcast_to(relation_table[2][None, :], coauthor_embs.shape)
    venue_rel = jnp.broadcast_to(relation_table[3][None, :], venue_embs.shape)
    affiliation_rel = jnp.broadcast_to(relation_table[4][None, :], affiliation_embs.shape)
    return (user_embs, wrote_embs, cited_embs, coauthor_embs, venue_embs,
            affiliation_embs, wrote_rel, cited_rel, co_author_rel,
            venue_rel, affiliation_rel)

if __name__ == "__main__":
    import jax
    _d = setup_inputs()
    print(jax.jit(kernel)(*tuple(_d.values())))

</pallas_src>

<mosaic_0001>
#map = affine_map<(d0, d1) -> (0)>
#map1 = affine_map<(d0, d1) -> (0, 0)>
module attributes {stable_mosaic.version = 14 : i64} {
  func.func @_sc_body(%arg0: i32, %arg1: i32, %arg2: memref<16384xi32, #tpu.memory_space<hbm>>, %arg3: memref<16384xi32, #tpu.memory_space<hbm>>, %arg4: memref<16384xi32, #tpu.memory_space<hbm>>, %arg5: memref<16384xi32, #tpu.memory_space<hbm>>, %arg6: memref<16384xi32, #tpu.memory_space<hbm>>, %arg7: memref<16384xi32, #tpu.memory_space<hbm>>, %arg8: memref<100000x64xf32, #tpu.memory_space<hbm>>, %arg9: memref<100000x64xf32, #tpu.memory_space<hbm>>, %arg10: memref<100000x64xf32, #tpu.memory_space<hbm>>, %arg11: memref<1000000x64xf32, #tpu.memory_space<hbm>>, %arg12: memref<5x64xf32, #tpu.memory_space<hbm>>, %arg13: memref<5x64xf32, #tpu.memory_space<hbm>>, %arg14: memref<16384x64xf32, #tpu.memory_space<hbm>>, %arg15: memref<16384x64xf32, #tpu.memory_space<hbm>>, %arg16: memref<16384x64xf32, #tpu.memory_space<hbm>>, %arg17: memref<16384x64xf32, #tpu.memory_space<hbm>>, %arg18: memref<16384x64xf32, #tpu.memory_space<hbm>>, %arg19: memref<16384x64xf32, #tpu.memory_space<hbm>>, %arg20: memref<16384x64xf32, #tpu.memory_space<hbm>>, %arg21: memref<16384x64xf32, #tpu.memory_space<hbm>>, %arg22: memref<16384x64xf32, #tpu.memory_space<hbm>>, %arg23: memref<16384x64xf32, #tpu.memory_space<hbm>>, %arg24: memref<16384x64xf32, #tpu.memory_space<hbm>>, %arg25: memref<6x512xi32, #tpu.memory_space<vmem>>, %arg26: memref<512x64xf32, #tpu.memory_space<vmem>>, %arg27: memref<128x64xf32, #tpu.memory_space<vmem>>, %arg28: memref<5x64xf32, #tpu.memory_space<vmem>>, %arg29: memref<5x64xf32, #tpu.memory_space<vmem>>, %arg30: memref<!tpu.dma_semaphore, #tpu.memory_space<semaphore_mem>>, %arg31: memref<!tpu.dma_semaphore, #tpu.memory_space<semaphore_mem>>) attributes {dimension_semantics = [#tpu.dimension_semantics<core_parallel>, #tpu.dimension_semantics<subcore_parallel>], iteration_bounds = array<i64: 2, 16>, scalar_prefetch = 0 : i64, scratch_operands = 7 : i64, tpu.core_type = #tpu.core_type<sc_vector_subcore>, window_params = [{transform_indices = #map}, {transform_indices = #map}, {transform_indices = #map}, {transform_indices = #map}, {transform_indices = #map}, {transform_indices = #map}, {transform_indices = #map1}, {transform_indices = #map1}, {transform_indices = #map1}, {transform_indices = #map1}, {transform_indices = #map1}, {transform_indices = #map1}, {transform_indices = #map1}, {transform_indices = #map1}, {transform_indices = #map1}, {transform_indices = #map1}, {transform_indices = #map1}, {transform_indices = #map1}, {transform_indices = #map1}, {transform_indices = #map1}, {transform_indices = #map1}, {transform_indices = #map1}, {transform_indices = #map1}]} {
    %mul3A = arith.constant 2 : i32
    %mul3A_0 = arith.muli %arg1, %mul3A : i32
    %add3A = arith.addi %mul3A_0, %arg0 : i32
    %mul3A_1 = arith.constant 512 : i32
    %mul3A_2 = arith.muli %add3A, %mul3A_1 : i32
    "tpu.region"() ({
      %run_scoped3A_516 = tpu.sem_alloc : memref<!tpu.dma_semaphore, #tpu.memory_space<semaphore_mem>>
      tpu.enqueue_dma source(%arg13 : memref<5x64xf32, #tpu.memory_space<hbm>>) target(%arg28 : memref<5x64xf32, #tpu.memory_space<vmem>>) target_semaphore(%run_scoped3A_516 : memref<!tpu.dma_semaphore, #tpu.memory_space<semaphore_mem>>)
      tpu.wait_dma2 semaphore(%run_scoped3A_516 : memref<!tpu.dma_semaphore, #tpu.memory_space<semaphore_mem>>) src(%arg13 : memref<5x64xf32, #tpu.memory_space<hbm>>) dst(%arg28 : memref<5x64xf32, #tpu.memory_space<vmem>>)
      tpu.yield
    }) : () -> ()
    "tpu.region"() ({
      %run_scoped3A_516 = tpu.sem_alloc : memref<!tpu.dma_semaphore, #tpu.memory_space<semaphore_mem>>
      tpu.enqueue_dma source(%arg12 : memref<5x64xf32, #tpu.memory_space<hbm>>) target(%arg29 : memref<5x64xf32, #tpu.memory_space<vmem>>) target_semaphore(%run_scoped3A_516 : memref<!tpu.dma_semaphore, #tpu.memory_space<semaphore_mem>>)
      tpu.wait_dma2 semaphore(%run_scoped3A_516 : memref<!tpu.dma_semaphore, #tpu.memory_space<semaphore_mem>>) src(%arg12 : memref<5x64xf32, #tpu.memory_space<hbm>>) dst(%arg29 : memref<5x64xf32, #tpu.memory_space<vmem>>)
      tpu.yield
    }) : () -> ()
    %run_scoped3A = arith.constant 0 : i32
    "tpu.region"() ({
      %run_scoped3A_516 = tpu.sem_alloc : memref<!tpu.dma_semaphore, #tpu.memory_space<semaphore_mem>>
      %dma_start3A = arith.constant 0 : i32
      %dma_start3A_517 = tpu.memref_slice %arg25[%run_scoped3A, %dma_start3A] : memref<6x512xi32, #tpu.memory_space<vmem>> -> memref<1x512xi32, #tpu.memory_space<vmem>>
      %dma_start3A_518 = tpu.memref_squeeze %dma_start3A_517 : memref<1x512xi32, #tpu.memory_space<vmem>> -> memref<512xi32, #tpu.memory_space<vmem>>
      %dma_start3A_519 = tpu.memref_slice %arg2[%mul3A_2] : memref<16384xi32, #tpu.memory_space<hbm>> -> memref<512xi32, #tpu.memory_space<hbm>>
      %dma_start3A_520 = arith.constant 0 : i32
      %dma_start3A_521 = tpu.memref_slice %arg25[%run_scoped3A, %dma_start3A_520] : memref<6x512xi32, #tpu.memory_space<vmem>> -> memref<1x512xi32, #tpu.memory_space<vmem>>
      %dma_start3A_522 = tpu.memref_squeeze %dma_start3A_521 : memref<1x512xi32, #tpu.memory_space<vmem>> -> memref<512xi32, #tpu.memory_space<vmem>>
      %dma_start3A_523 = tpu.memref_slice %arg2[%mul3A_2] : memref<16384xi32, #tpu.memory_space<hbm>> -> memref<512xi32, #tpu.memory_space<hbm>>
      tpu.enqueue_dma source(%dma_start3A_523 : memref<512xi32, #tpu.memory_space<hbm>>) target(%dma_start3A_522 : memref<512xi32, #tpu.memory_space<vmem>>) target_semaphore(%run_scoped3A_516 : memref<!tpu.dma_semaphore, #tpu.memory_space<semaphore_mem>>)
      %dma_wait3A = arith.constant 0 : i32
      %dma_wait3A_524 = tpu.memref_slice %arg25[%run_scoped3A, %dma_wait3A] : memref<6x512xi32, #tpu.memory_space<vmem>> -> memref<1x512xi32, #tpu.memory_space<vmem>>
      %dma_wait3A_525 = tpu.memref_squeeze %dma_wait3A_524 : memref<1x512xi32, #tpu.memory_space<vmem>> -> memref<512xi32, #tpu.memory_space<vmem>>
      %dma_wait3A_526 = tpu.memref_slice %arg2[%mul3A_2] : memref<16384xi32, #tpu.memory_space<hbm>> -> memref<512xi32, #tpu.memory_space<hbm>>
      %dma_wait3A_527 = arith.constant 0 : i32
      %dma_wait3A_528 = tpu.memref_slice %arg25[%run_scoped3A, %dma_wait3A_527] : memref<6x512xi32, #tpu.memory_space<vmem>> -> memref<1x512xi32, #tpu.memory_space<vmem>>
      %dma_wait3A_529 = tpu.memref_squeeze %dma_wait3A_528 : memref<1x512xi32, #tpu.memory_space<vmem>> -> memref<512xi32, #tpu.memory_space<vmem>>
      %dma_wait3A_530 = tpu.memref_slice %arg2[%mul3A_2] : memref<16384xi32, #tpu.memory_space<hbm>> -> memref<512xi32, #tpu.memory_space<hbm>>
      tpu.wait_dma2 semaphore(%run_scoped3A_516 : memref<!tpu.dma_semaphore, #tpu.memory_space<semaphore_mem>>) src(%dma_wait3A_530 : memref<512xi32, #tpu.memory_space<hbm>>) dst(%dma_wait3A_529 : memref<512xi32, #tpu.memory_space<vmem>>)
      tpu.yield
    }) : () -> ()
    %run_scoped3A_3 = arith.constant 1 : i32
    "tpu.region"() ({
      %run_scoped3A_516 = tpu.sem_alloc : memref<!tpu.dma_semaphore, #tpu.memory_space<semaphore_mem>>
      %dma_start3A = arith.constant 0 : i32
      %dma_start3A_517 = tpu.memref_slice %arg25[%run_scoped3A_3, %dma_start3A] : memref<6x512xi32, #tpu.memory_space<vmem>> -> memref<1x512xi32, #tpu.memory_space<vmem>>
      %dma_start3A_518 = tpu.memref_squeeze %dma_start3A_517 : memref<1x512xi32, #tpu.memory_space<vmem>> -> memref<512xi32, #tpu.memory_space<vmem>>
      %dma_start3A_519 = tpu.memref_slice %arg3[%mul3A_2] : memref<16384xi32, #tpu.memory_space<hbm>> -> memref<512xi32, #tpu.memory_space<hbm>>
      %dma_start3A_520 = arith.constant 0 : i32
      %dma_start3A_521 = tpu.memref_slice %arg25[%run_scoped3A_3, %dma_start3A_520] : memref<6x512xi32, #tpu.memory_space<vmem>> -> memref<1x512xi32, #tpu.memory_space<vmem>>
      %dma_start3A_522 = tpu.memref_squeeze %dma_start3A_521 : memref<1x512xi32, #tpu.memory_space<vmem>> -> memref<512xi32, #tpu.memory_space<vmem>>
      %dma_start3A_523 = tpu.memref_slice %arg3[%mul3A_2] : memref<16384xi32, #tpu.memory_space<hbm>> -> memref<512xi32, #tpu.memory_space<hbm>>
      tpu.enqueue_dma source(%dma_start3A_523 : memref<512xi32, #tpu.memory_space<hbm>>) target(%dma_start3A_522 : memref<512xi32, #tpu.memory_space<vmem>>) target_semaphore(%run_scoped3A_516 : memref<!tpu.dma_semaphore, #tpu.memory_space<semaphore_mem>>)
      %dma_wait3A = arith.constant 0 : i32
      %dma_wait3A_524 = tpu.memref_slice %arg25[%run_scoped3A_3, %dma_wait3A] : memref<6x512xi32, #tpu.memory_space<vmem>> -> memref<1x512xi32, #tpu.memory_space<vmem>>
      %dma_wait3A_525 = tpu.memref_squeeze %dma_wait3A_524 : memref<1x512xi32, #tpu.memory_space<vmem>> -> memref<512xi32, #tpu.memory_space<vmem>>
      %dma_wait3A_526 = tpu.memref_slice %arg3[%mul3A_2] : memref<16384xi32, #tpu.memory_space<hbm>> -> memref<512xi32, #tpu.memory_space<hbm>>
      %dma_wait3A_527 = arith.constant 0 : i32
      %dma_wait3A_528 = tpu.memref_slice %arg25[%run_scoped3A_3, %dma_wait3A_527] : memref<6x512xi32, #tpu.memory_space<vmem>> -> memref<1x512xi32, #tpu.memory_space<vmem>>
      %dma_wait3A_529 = tpu.memref_squeeze %dma_wait3A_528 : memref<1x512xi32, #tpu.memory_space<vmem>> -> memref<512xi32, #tpu.memory_space<vmem>>
      %dma_wait3A_530 = tpu.memref_slice %arg3[%mul3A_2] : memref<16384xi32, #tpu.memory_space<hbm>> -> memref<512xi32, #tpu.memory_space<hbm>>
      tpu.wait_dma2 semaphore(%run_scoped3A_516 : memref<!tpu.dma_semaphore, #tpu.memory_space<semaphore_mem>>) src(%dma_wait3A_530 : memref<512xi32, #tpu.memory_space<hbm>>) dst(%dma_wait3A_529 : memref<512xi32, #tpu.memory_space<vmem>>)
      tpu.yield
    }) : () -> ()
    %run_scoped3A_4 = arith.constant 2 : i32
    "tpu.region"() ({
      %run_scoped3A_516 = tpu.sem_alloc : memref<!tpu.dma_semaphore, #tpu.memory_space<semaphore_mem>>
      %dma_start3A = arith.constant 0 : i32
      %dma_start3A_517 = tpu.memref_slice %arg25[%run_scoped3A_4, %dma_start3A] : memref<6x512xi32, #tpu.memory_space<vmem>> -> memref<1x512xi32, #tpu.memory_space<vmem>>
      %dma_start3A_518 = tpu.memref_squeeze %dma_start3A_517 : memref<1x512xi32, #tpu.memory_space<vmem>> -> memref<512xi32, #tpu.memory_space<vmem>>
      %dma_start3A_519 = tpu.memref_slice %arg4[%mul3A_2] : memref<16384xi32, #tpu.memory_space<hbm>> -> memref<512xi32, #tpu.memory_space<hbm>>
      %dma_start3A_520 = arith.constant 0 : i32
      %dma_start3A_521 = tpu.memref_slice %arg25[%run_scoped3A_4, %dma_start3A_520] : memref<6x512xi32, #tpu.memory_space<vmem>> -> memref<1x512xi32, #tpu.memory_space<vmem>>
      %dma_start3A_522 = tpu.memref_squeeze %dma_start3A_521 : memref<1x512xi32, #tpu.memory_space<vmem>> -> memref<512xi32, #tpu.memory_space<vmem>>
      %dma_start3A_523 = tpu.memref_slice %arg4[%mul3A_2] : memref<16384xi32, #tpu.memory_space<hbm>> -> memref<512xi32, #tpu.memory_space<hbm>>
      tpu.enqueue_dma source(%dma_start3A_523 : memref<512xi32, #tpu.memory_space<hbm>>) target(%dma_start3A_522 : memref<512xi32, #tpu.memory_space<vmem>>) target_semaphore(%run_scoped3A_516 : memref<!tpu.dma_semaphore, #tpu.memory_space<semaphore_mem>>)
      %dma_wait3A = arith.constant 0 : i32
      %dma_wait3A_524 = tpu.memref_slice %arg25[%run_scoped3A_4, %dma_wait3A] : memref<6x512xi32, #tpu.memory_space<vmem>> -> memref<1x512xi32, #tpu.memory_space<vmem>>
      %dma_wait3A_525 = tpu.memref_squeeze %dma_wait3A_524 : memref<1x512xi32, #tpu.memory_space<vmem>> -> memref<512xi32, #tpu.memory_space<vmem>>
      %dma_wait3A_526 = tpu.memref_slice %arg4[%mul3A_2] : memref<16384xi32, #tpu.memory_space<hbm>> -> memref<512xi32, #tpu.memory_space<hbm>>
      %dma_wait3A_527 = arith.constant 0 : i32
      %dma_wait3A_528 = tpu.memref_slice %arg25[%run_scoped3A_4, %dma_wait3A_527] : memref<6x512xi32, #tpu.memory_space<vmem>> -> memref<1x512xi32, #tpu.memory_space<vmem>>
      %dma_wait3A_529 = tpu.memref_squeeze %dma_wait3A_528 : memref<1x512xi32, #tpu.memory_space<vmem>> -> memref<512xi32, #tpu.memory_space<vmem>>
      %dma_wait3A_530 = tpu.memref_slice %arg4[%mul3A_2] : memref<16384xi32, #tpu.memory_space<hbm>> -> memref<512xi32, #tpu.memory_space<hbm>>
      tpu.wait_dma2 semaphore(%run_scoped3A_516 : memref<!tpu.dma_semaphore, #tpu.memory_space<semaphore_mem>>) src(%dma_wait3A_530 : memref<512xi32, #tpu.memory_space<hbm>>) dst(%dma_wait3A_529 : memref<512xi32, #tpu.memory_space<vmem>>)
      tpu.yield
    }) : () -> ()
    %run_scoped3A_5 = arith.constant 3 : i32
    "tpu.region"() ({
      %run_scoped3A_516 = tpu.sem_alloc : memref<!tpu.dma_semaphore, #tpu.memory_space<semaphore_mem>>
      %dma_start3A = arith.constant 0 : i32
      %dma_start3A_517 = tpu.memref_slice %arg25[%run_scoped3A_5, %dma_start3A] : memref<6x512xi32, #tpu.memory_space<vmem>> -> memref<1x512xi32, #tpu.memory_space<vmem>>
      %dma_start3A_518 = tpu.memref_squeeze %dma_start3A_517 : memref<1x512xi32, #tpu.memory_space<vmem>> -> memref<512xi32, #tpu.memory_space<vmem>>
      %dma_start3A_519 = tpu.memref_slice %arg5[%mul3A_2] : memref<16384xi32, #tpu.memory_space<hbm>> -> memref<512xi32, #tpu.memory_space<hbm>>
      %dma_start3A_520 = arith.constant 0 : i32
      %dma_start3A_521 = tpu.memref_slice %arg25[%run_scoped3A_5, %dma_start3A_520] : memref<6x512xi32, #tpu.memory_space<vmem>> -> memref<1x512xi32, #tpu.memory_space<vmem>>
      %dma_start3A_522 = tpu.memref_squeeze %dma_start3A_521 : memref<1x512xi32, #tpu.memory_space<vmem>> -> memref<512xi32, #tpu.memory_space<vmem>>
      %dma_start3A_523 = tpu.memref_slice %arg5[%mul3A_2] : memref<16384xi32, #tpu.memory_space<hbm>> -> memref<512xi32, #tpu.memory_space<hbm>>
      tpu.enqueue_dma source(%dma_start3A_523 : memref<512xi32, #tpu.memory_space<hbm>>) target(%dma_start3A_522 : memref<512xi32, #tpu.memory_space<vmem>>) target_semaphore(%run_scoped3A_516 : memref<!tpu.dma_semaphore, #tpu.memory_space<semaphore_mem>>)
      %dma_wait3A = arith.constant 0 : i32
      %dma_wait3A_524 = tpu.memref_slice %arg25[%run_scoped3A_5, %dma_wait3A] : memref<6x512xi32, #tpu.memory_space<vmem>> -> memref<1x512xi32, #tpu.memory_space<vmem>>
      %dma_wait3A_525 = tpu.memref_squeeze %dma_wait3A_524 : memref<1x512xi32, #tpu.memory_space<vmem>> -> memref<512xi32, #tpu.memory_space<vmem>>
      %dma_wait3A_526 = tpu.memref_slice %arg5[%mul3A_2] : memref<16384xi32, #tpu.memory_space<hbm>> -> memref<512xi32, #tpu.memory_space<hbm>>
      %dma_wait3A_527 = arith.constant 0 : i32
      %dma_wait3A_528 = tpu.memref_slice %arg25[%run_scoped3A_5, %dma_wait3A_527] : memref<6x512xi32, #tpu.memory_space<vmem>> -> memref<1x512xi32, #tpu.memory_space<vmem>>
      %dma_wait3A_529 = tpu.memref_squeeze %dma_wait3A_528 : memref<1x512xi32, #tpu.memory_space<vmem>> -> memref<512xi32, #tpu.memory_space<vmem>>
      %dma_wait3A_530 = tpu.memref_slice %arg5[%mul3A_2] : memref<16384xi32, #tpu.memory_space<hbm>> -> memref<512xi32, #tpu.memory_space<hbm>>
      tpu.wait_dma2 semaphore(%run_scoped3A_516 : memref<!tpu.dma_semaphore, #tpu.memory_space<semaphore_mem>>) src(%dma_wait3A_530 : memref<512xi32, #tpu.memory_space<hbm>>) dst(%dma_wait3A_529 : memref<512xi32, #tpu.memory_space<vmem>>)
      tpu.yield
    }) : () -> ()
    %run_scoped3A_6 = arith.constant 4 : i32
    "tpu.region"() ({
      %run_scoped3A_516 = tpu.sem_alloc : memref<!tpu.dma_semaphore, #tpu.memory_space<semaphore_mem>>
      %dma_start3A = arith.constant 0 : i32
      %dma_start3A_517 = tpu.memref_slice %arg25[%run_scoped3A_6, %dma_start3A] : memref<6x512xi32, #tpu.memory_space<vmem>> -> memref<1x512xi32, #tpu.memory_space<vmem>>
      %dma_start3A_518 = tpu.memref_squeeze %dma_start3A_517 : memref<1x512xi32, #tpu.memory_space<vmem>> -> memref<512xi32, #tpu.memory_space<vmem>>
      %dma_start3A_519 = tpu.memref_slice %arg6[%mul3A_2] : memref<16384xi32, #tpu.memory_space<hbm>> -> memref<512xi32, #tpu.memory_space<hbm>>
      %dma_start3A_520 = arith.constant 0 : i32
      %dma_start3A_521 = tpu.memref_slice %arg25[%run_scoped3A_6, %dma_start3A_520] : memref<6x512xi32, #tpu.memory_space<vmem>> -> memref<1x512xi32, #tpu.memory_space<vmem>>
      %dma_start3A_522 = tpu.memref_squeeze %dma_start3A_521 : memref<1x512xi32, #tpu.memory_space<vmem>> -> memref<512xi32, #tpu.memory_space<vmem>>
      %dma_start3A_523 = tpu.memref_slice %arg6[%mul3A_2] : memref<16384xi32, #tpu.memory_space<hbm>> -> memref<512xi32, #tpu.memory_space<hbm>>
      tpu.enqueue_dma source(%dma_start3A_523 : memref<512xi32, #tpu.memory_space<hbm>>) target(%dma_start3A_522 : memref<512xi32, #tpu.memory_space<vmem>>) target_semaphore(%run_scoped3A_516 : memref<!tpu.dma_semaphore, #tpu.memory_space<semaphore_mem>>)
      %dma_wait3A = arith.constant 0 : i32
      %dma_wait3A_524 = tpu.memref_slice %arg25[%run_scoped3A_6, %dma_wait3A] : memref<6x512xi32, #tpu.memory_space<vmem>> -> memref<1x512xi32, #tpu.memory_space<vmem>>
      %dma_wait3A_525 = tpu.memref_squeeze %dma_wait3A_524 : memref<1x512xi32, #tpu.memory_space<vmem>> -> memref<512xi32, #tpu.memory_space<vmem>>
      %dma_wait3A_526 = tpu.memref_slice %arg6[%mul3A_2] : memref<16384xi32, #tpu.memory_space<hbm>> -> memref<512xi32, #tpu.memory_space<hbm>>
      %dma_wait3A_527 = arith.constant 0 : i32
      %dma_wait3A_528 = tpu.memref_slice %arg25[%run_scoped3A_6, %dma_wait3A_527] : memref<6x512xi32, #tpu.memory_space<vmem>> -> memref<1x512xi32, #tpu.memory_space<vmem>>
      %dma_wait3A_529 = tpu.memref_squeeze %dma_wait3A_528 : memref<1x512xi32, #tpu.memory_space<vmem>> -> memref<512xi32, #tpu.memory_space<vmem>>
      %dma_wait3A_530 = tpu.memref_slice %arg6[%mul3A_2] : memref<16384xi32, #tpu.memory_space<hbm>> -> memref<512xi32, #tpu.memory_space<hbm>>
      tpu.wait_dma2 semaphore(%run_scoped3A_516 : memref<!tpu.dma_semaphore, #tpu.memory_space<semaphore_mem>>) src(%dma_wait3A_530 : memref<512xi32, #tpu.memory_space<hbm>>) dst(%dma_wait3A_529 : memref<512xi32, #tpu.memory_space<vmem>>)
      tpu.yield
    }) : () -> ()
    %run_scoped3A_7 = arith.constant 5 : i32
    "tpu.region"() ({
      %run_scoped3A_516 = tpu.sem_alloc : memref<!tpu.dma_semaphore, #tpu.memory_space<semaphore_mem>>
      %dma_start3A = arith.constant 0 : i32
      %dma_start3A_517 = tpu.memref_slice %arg25[%run_scoped3A_7, %dma_start3A] : memref<6x512xi32, #tpu.memory_space<vmem>> -> memref<1x512xi32, #tpu.memory_space<vmem>>
      %dma_start3A_518 = tpu.memref_squeeze %dma_start3A_517 : memref<1x512xi32, #tpu.memory_space<vmem>> -> memref<512xi32, #tpu.memory_space<vmem>>
      %dma_start3A_519 = tpu.memref_slice %arg7[%mul3A_2] : memref<16384xi32, #tpu.memory_space<hbm>> -> memref<512xi32, #tpu.memory_space<hbm>>
      %dma_start3A_520 = arith.constant 0 : i32
      %dma_start3A_521 = tpu.memref_slice %arg25[%run_scoped3A_7, %dma_start3A_520] : memref<6x512xi32, #tpu.memory_space<vmem>> -> memref<1x512xi32, #tpu.memory_space<vmem>>
      %dma_start3A_522 = tpu.memref_squeeze %dma_start3A_521 : memref<1x512xi32, #tpu.memory_space<vmem>> -> memref<512xi32, #tpu.memory_space<vmem>>
      %dma_start3A_523 = tpu.memref_slice %arg7[%mul3A_2] : memref<16384xi32, #tpu.memory_space<hbm>> -> memref<512xi32, #tpu.memory_space<hbm>>
      tpu.enqueue_dma source(%dma_start3A_523 : memref<512xi32, #tpu.memory_space<hbm>>) target(%dma_start3A_522 : memref<512xi32, #tpu.memory_space<vmem>>) target_semaphore(%run_scoped3A_516 : memref<!tpu.dma_semaphore, #tpu.memory_space<semaphore_mem>>)
      %dma_wait3A = arith.constant 0 : i32
      %dma_wait3A_524 = tpu.memref_slice %arg25[%run_scoped3A_7, %dma_wait3A] : memref<6x512xi32, #tpu.memory_space<vmem>> -> memref<1x512xi32, #tpu.memory_space<vmem>>
      %dma_wait3A_525 = tpu.memref_squeeze %dma_wait3A_524 : memref<1x512xi32, #tpu.memory_space<vmem>> -> memref<512xi32, #tpu.memory_space<vmem>>
      %dma_wait3A_526 = tpu.memref_slice %arg7[%mul3A_2] : memref<16384xi32, #tpu.memory_space<hbm>> -> memref<512xi32, #tpu.memory_space<hbm>>
      %dma_wait3A_527 = arith.constant 0 : i32
      %dma_wait3A_528 = tpu.memref_slice %arg25[%run_scoped3A_7, %dma_wait3A_527] : memref<6x512xi32, #tpu.memory_space<vmem>> -> memref<1x512xi32, #tpu.memory_space<vmem>>
      %dma_wait3A_529 = tpu.memref_squeeze %dma_wait3A_528 : memref<1x512xi32, #tpu.memory_space<vmem>> -> memref<512xi32, #tpu.memory_space<vmem>>
      %dma_wait3A_530 = tpu.memref_slice %arg7[%mul3A_2] : memref<16384xi32, #tpu.memory_space<hbm>> -> memref<512xi32, #tpu.memory_space<hbm>>
      tpu.wait_dma2 semaphore(%run_scoped3A_516 : memref<!tpu.dma_semaphore, #tpu.memory_space<semaphore_mem>>) src(%dma_wait3A_530 : memref<512xi32, #tpu.memory_space<hbm>>) dst(%dma_wait3A_529 : memref<512xi32, #tpu.memory_space<vmem>>)
      tpu.yield
    }) : () -> ()
    %parallel_loop3A = arith.constant 0 : i32
    %parallel_loop3A_8 = arith.constant 512 : i32
    %parallel_loop3A_9 = arith.constant 16 : i32
    scf.for %parallel_loop3A_516 = %parallel_loop3A to %parallel_loop3A_8 step %parallel_loop3A_9  : i32 {
      %parallel_loop3A_517 = arith.constant 0 : i32
      %parallel_loop3A_518 = arith.index_cast %parallel_loop3A_517 : i32 to index
      %parallel_loop3A_519 = arith.index_cast %parallel_loop3A_516 : i32 to index
      %parallel_loop3A_520 = tpu.vector_load %arg25[%parallel_loop3A_518, %parallel_loop3A_519] {strides = array<i32>} : memref<6x512xi32, #tpu.memory_space<vmem>>, vector<1x16xi32>,
      %parallel_loop3A_521 = vector.shape_cast %parallel_loop3A_520 : vector<1x16xi32> to vector<16xi32>
      %parallel_loop3A_522 = vector.extract_strided_slice %parallel_loop3A_521 {offsets = [0], sizes = [1], strides = [1]} : vector<16xi32> to vector<1xi32>
      %parallel_loop3A_523 = vector.extract %parallel_loop3A_522[0] : i32 from vector<1xi32>
      %parallel_loop3A_524 = arith.constant 0 : i32
      %parallel_loop3A_525 = arith.addi %parallel_loop3A_516, %parallel_loop3A_524 : i32
      %parallel_loop3A_526 = arith.constant 0 : i32
      %parallel_loop3A_527 = tpu.memref_slice %arg26[%parallel_loop3A_525, %parallel_loop3A_526] : memref<512x64xf32, #tpu.memory_space<vmem>> -> memref<1x64xf32, #tpu.memory_space<vmem>>
      %parallel_loop3A_528 = arith.constant 0 : i32
      %parallel_loop3A_529 = tpu.memref_slice %arg8[%parallel_loop3A_523, %parallel_loop3A_528] : memref<100000x64xf32, #tpu.memory_space<hbm>> -> memref<1x64xf32, #tpu.memory_space<hbm>>
      %parallel_loop3A_530 = arith.constant 0 : i32
      %parallel_loop3A_531 = tpu.memref_slice %arg26[%parallel_loop3A_525, %parallel_loop3A_530] : memref<512x64xf32, #tpu.memory_space<vmem>> -> memref<1x64xf32, #tpu.memory_space<vmem>>
      %parallel_loop3A_532 = arith.constant 0 : i32
      %parallel_loop3A_533 = tpu.memref_slice %arg8[%parallel_loop3A_523, %parallel_loop3A_532] : memref<100000x64xf32, #tpu.memory_space<hbm>> -> memref<1x64xf32, #tpu.memory_space<hbm>>
      tpu.enqueue_dma source(%parallel_loop3A_533 : memref<1x64xf32, #tpu.memory_space<hbm>>) target(%parallel_loop3A_531 : memref<1x64xf32, #tpu.memory_space<vmem>>) target_semaphore(%arg30 : memref<!tpu.dma_semaphore, #tpu.memory_space<semaphore_mem>>)
      %parallel_loop3A_534 = vector.extract_strided_slice %parallel_loop3A_521 {offsets = [1], sizes = [1], strides = [1]} : vector<16xi32> to vector<1xi32>
      %parallel_loop3A_535 = vector.extract %parallel_loop3A_534[0] : i32 from vector<1xi32>
      %parallel_loop3A_536 = arith.constant 1 : i32
      %parallel_loop3A_537 = arith.addi %parallel_loop3A_516, %parallel_loop3A_536 : i32
      %parallel_loop3A_538 = arith.constant 0 : i32
      %parallel_loop3A_539 = tpu.memref_slice %arg26[%parallel_loop3A_537, %parallel_loop3A_538] : memref<512x64xf32, #tpu.memory_space<vmem>> -> memref<1x64xf32, #tpu.memory_space<vmem>>
      %parallel_loop3A_540 = arith.constant 0 : i32
      %parallel_loop3A_541 = tpu.memref_slice %arg8[%parallel_loop3A_535, %parallel_loop3A_540] : memref<100000x64xf32, #tpu.memory_space<hbm>> -> memref<1x64xf32, #tpu.memory_space<hbm>>
      %parallel_loop3A_542 = arith.constant 0 : i32
      %parallel_loop3A_543 = tpu.memref_slice %arg26[%parallel_loop3A_537, %parallel_loop3A_542] : memref<512x64xf32, #tpu.memory_space<vmem>> -> memref<1x64xf32, #tpu.memory_space<vmem>>
      %parallel_loop3A_544 = arith.constant 0 : i32
      %parallel_loop3A_545 = tpu.memref_slice %arg8[%parallel_loop3A_535, %parallel_loop3A_544] : memref<100000x64xf32, #tpu.memory_space<hbm>> -> memref<1x64xf32, #tpu.memory_space<hbm>>
      tpu.enqueue_dma source(%parallel_loop3A_545 : memref<1x64xf32, #tpu.memory_space<hbm>>) target(%parallel_loop3A_543 : memref<1x64xf32, #tpu.memory_space<vmem>>) target_semaphore(%arg30 : memref<!tpu.dma_semaphore, #tpu.memory_space<semaphore_mem>>)
      %parallel_loop3A_546 = vector.extract_strided_slice %parallel_loop3A_521 {offsets = [2], sizes = [1], strides = [1]} : vector<16xi32> to vector<1xi32>
      %parallel_loop3A_547 = vector.extract %parallel_loop3A_546[0] : i32 from vector<1xi32>
      %parallel_loop3A_548 = arith.constant 2 : i32
      %parallel_loop3A_549 = arith.addi %parallel_loop3A_516, %parallel_loop3A_548 : i32
      %parallel_loop3A_550 = arith.constant 0 : i32
      %parallel_loop3A_551 = tpu.memref_slice %arg26[%parallel_loop3A_549, %parallel_loop3A_550] : memref<512x64xf32, #tpu.memory_space<vmem>> -> memref<1x64xf32, #tpu.memory_space<vmem>>
      %parallel_loop3A_552 = arith.constant 0 : i32
      %parallel_loop3A_553 = tpu.memref_slice %arg8[%parallel_loop3A_547, %parallel_loop3A_552] : memref<100000x64xf32, #tpu.memory_space<hbm>> -> memref<1x64xf32, #tpu.memory_space<hbm>>
      %parallel_loop3A_554 = arith.constant 0 : i32
      %parallel_loop3A_555 = tpu.memref_slice %arg26[%parallel_loop3A_549, %parallel_loop3A_554] : memref<512x64xf32, #tpu.memory_space<vmem>> -> memref<1x64xf32, #tpu.memory_space<vmem>>
      %parallel_loop3A_556 = arith.constant 0 : i32
      %parallel_loop3A_557 = tpu.memref_slice %arg8[%parallel_loop3A_547, %parallel_loop3A_556] : memref<100000x64xf32, #tpu.memory_space<hbm>> -> memref<1x64xf32, #tpu.memory_space<hbm>>
      tpu.enqueue_dma source(%parallel_loop3A_557 : memref<1x64xf32, #tpu.memory_space<hbm>>) target(%parallel_loop3A_555 : memref<1x64xf32, #tpu.memory_space<vmem>>) target_semaphore(%arg30 : memref<!tpu.dma_semaphore, #tpu.memory_space<semaphore_mem>>)
      %parallel_loop3A_558 = vector.extract_strided_slice %parallel_loop3A_521 {offsets = [3], sizes = [1], strides = [1]} : vector<16xi32> to vector<1xi32>
      %parallel_loop3A_559 = vector.extract %parallel_loop3A_558[0] : i32 from vector<1xi32>
      %parallel_loop3A_560 = arith.constant 3 : i32
      %parallel_loop3A_561 = arith.addi %parallel_loop3A_516, %parallel_loop3A_560 : i32
      %parallel_loop3A_562 = arith.constant 0 : i32
      %parallel_loop3A_563 = tpu.memref_slice %arg26[%parallel_loop3A_561, %parallel_loop3A_562] : memref<512x64xf32, #tpu.memory_space<vmem>> -> memref<1x64xf32, #tpu.memory_space<vmem>>
      %parallel_loop3A_564 = arith.constant 0 : i32
      %parallel_loop3A_565 = tpu.memref_slice %arg8[%parallel_loop3A_559, %parallel_loop3A_564] : memref<100000x64xf32, #tpu.memory_space<hbm>> -> memref<1x64xf32, #tpu.memory_space<hbm>>
      %parallel_loop3A_566 = arith.constant 0 : i32
      %parallel_loop3A_567 = tpu.memref_slice %arg26[%parallel_loop3A_561, %parallel_loop3A_566] : memref<512x64xf32, #tpu.memory_space<vmem>> -> memref<1x64xf32, #tpu.memory_space<vmem>>
      %parallel_loop3A_568 = arith.constant 0 : i32
      %parallel_loop3A_569 = tpu.memref_slice %arg8[%parallel_loop3A_559, %parallel_loop3A_568] : memref<100000x64xf32, #tpu.memory_space<hbm>> -> memref<1x64xf32, #tpu.memory_space<hbm>>
      tpu.enqueue_dma source(%parallel_loop3A_569 : memref<1x64xf32, #tpu.memory_space<hbm>>) target(%parallel_loop3A_567 : memref<1x64xf32, #tpu.memory_space<vmem>>) target_semaphore(%arg30 : memref<!tpu.dma_semaphore, #tpu.memory_space<semaphore_mem>>)
      %parallel_loop3A_570 = vector.extract_strided_slice %parallel_loop3A_521 {offsets = [4], sizes = [1], strides = [1]} : vector<16xi32> to vector<1xi32>
      %parallel_loop3A_571 = vector.extract %parallel_loop3A_570[0] : i32 from vector<1xi32>
      %parallel_loop3A_572 = arith.constant 4 : i32
      %parallel_loop3A_573 = arith.addi %parallel_loop3A_516, %parallel_loop3A_572 : i32
      %parallel_loop3A_574 = arith.constant 0 : i32
      %parallel_loop3A_575 = tpu.memref_slice %arg26[%parallel_loop3A_573, %parallel_loop3A_574] : memref<512x64xf32, #tpu.memory_space<vmem>> -> memref<1x64xf32, #tpu.memory_space<vmem>>
      %parallel_loop3A_576 = arith.constant 0 : i32
      %parallel_loop3A_577 = tpu.memref_slice %arg8[%parallel_loop3A_571, %parallel_loop3A_576] : memref<100000x64xf32, #tpu.memory_space<hbm>> -> memref<1x64xf32, #tpu.memory_space<hbm>>
      %parallel_loop3A_578 = arith.constant 0 : i32
      %parallel_loop3A_579 = tpu.memref_slice %arg26[%parallel_loop3A_573, %parallel_loop3A_578] : memref<512x64xf32, #tpu.memory_space<vmem>> -> memref<1x64xf32, #tpu.memory_space<vmem>>
      %parallel_loop3A_580 = arith.constant 0 : i32
      %parallel_loop3A_581 = tpu.memref_slice %arg8[%parallel_loop3A_571, %parallel_loop3A_580] : memref<100000x64xf32, #tpu.memory_space<hbm>> -> memref<1x64xf32, #tpu.memory_space<hbm>>
      tpu.enqueue_dma source(%parallel_loop3A_581 : memref<1x64xf32, #tpu.memory_space<hbm>>) target(%parallel_loop3A_579 : memref<1x64xf32, #tpu.memory_space<vmem>>) target_semaphore(%arg30 : memref<!tpu.dma_semaphore, #tpu.memory_space<semaphore_mem>>)
      %parallel_loop3A_582 = vector.extract_strided_slice %parallel_loop3A_521 {offsets = [5], sizes = [1], strides = [1]} : vector<16xi32> to vector<1xi32>
      %parallel_loop3A_583 = vector.extract %parallel_loop3A_582[0] : i32 from vector<1xi32>
      %parallel_loop3A_584 = arith.constant 5 : i32
      %parallel_loop3A_585 = arith.addi %parallel_loop3A_516, %parallel_loop3A_584 : i32
      %parallel_loop3A_586 = arith.constant 0 : i32
      %parallel_loop3A_587 = tpu.memref_slice %arg26[%parallel_loop3A_585, %parallel_loop3A_586] : memref<512x64xf32, #tpu.memory_space<vmem>> -> memref<1x64xf32, #tpu.memory_space<vmem>>
      %parallel_loop3A_588 = arith.constant 0 : i32
      %parallel_loop3A_589 = tpu.memref_slice %arg8[%parallel_loop3A_583, %parallel_loop3A_588] : memref<100000x64xf32, #tpu.memory_space<hbm>> -> memref<1x64xf32, #tpu.memory_space<hbm>>
      %parallel_loop3A_590 = arith.constant 0 : i32
      %parallel_loop3A_591 = tpu.memref_slice %arg26[%parallel_loop3A_585, %parallel_loop3A_590] : memref<512x64xf32, #tpu.memory_space<vmem>> -> memref<1x64xf32, #tpu.memory_space<vmem>>
      %parallel_loop3A_592 = arith.constant 0 : i32
      %parallel_loop3A_593 = tpu.memref_slice %arg8[%parallel_loop3A_583, %parallel_loop3A_592] : memref<100000x64xf32, #tpu.memory_space<hbm>> -> memref<1x64xf32, #tpu.memory_space<hbm>>
      tpu.enqueue_dma source(%parallel_loop3A_593 : memref<1x64xf32, #tpu.memory_space<hbm>>) target(%parallel_loop3A_591 : memref<1x64xf32, #tpu.memory_space<vmem>>) target_semaphore(%arg30 : memref<!tpu.dma_semaphore, #tpu.memory_space<semaphore_mem>>)
      %parallel_loop3A_594 = vector.extract_strided_slice %parallel_loop3A_521 {offsets = [6], sizes = [1], strides = [1]} : vector<16xi32> to vector<1xi32>
      %parallel_loop3A_595 = vector.extract %parallel_loop3A_594[0] : i32 from vector<1xi32>
      %parallel_loop3A_596 = arith.constant 6 : i32
      %parallel_loop3A_597 = arith.addi %parallel_loop3A_516, %parallel_loop3A_596 : i32
      %parallel_loop3A_598 = arith.constant 0 : i32
      %parallel_loop3A_599 = tpu.memref_slice %arg26[%parallel_loop3A_597, %parallel_loop3A_598] : memref<512x64xf32, #tpu.memory_space<vmem>> -> memref<1x64xf32, #tpu.memory_space<vmem>>
      %parallel_loop3A_600 = arith.constant 0 : i32
      %parallel_loop3A_601 = tpu.memref_slice %arg8[%parallel_loop3A_595, %parallel_loop3A_600] : memref<100000x64xf32, #tpu.memory_space<hbm>> -> memref<1x64xf32, #tpu.memory_space<hbm>>
      %parallel_loop3A_602 = arith.constant 0 : i32
      %parallel_loop3A_603 = tpu.memref_slice %arg26[%parallel_loop3A_597, %parallel_loop3A_602] : memref<512x64xf32, #tpu.memory_space<vmem>> -> memref<1x64xf32, #tpu.memory_space<vmem>>
      %parallel_loop3A_604 = arith.constant 0 : i32
      %parallel_loop3A_605 = tpu.memref_slice %arg8[%parallel_loop3A_595, %parallel_loop3A_604] : memref<100000x64xf32, #tpu.memory_space<hbm>> -> memref<1x64xf32, #tpu.memory_space<hbm>>
      tpu.enqueue_dma source(%parallel_loop3A_605 : memref<1x64xf32, #tpu.memory_space<hbm>>) target(%parallel_loop3A_603 : memref<1x64xf32, #tpu.memory_space<vmem>>) target_semaphore(%arg30 : memref<!tpu.dma_semaphore, #tpu.memory_space<semaphore_mem>>)
      %parallel_loop3A_606 = vector.extract_strided_slice %parallel_loop3A_521 {offsets = [7], sizes = [1], strides = [1]} : vector<16xi32> to vector<1xi32>
      %parallel_loop3A_607 = vector.extract %parallel_loop3A_606[0] : i32 from vector<1xi32>
      %parallel_loop3A_608 = arith.constant 7 : i32
      %parallel_loop3A_609 = arith.addi %parallel_loop3A_516, %parallel_loop3A_608 : i32
      %parallel_loop3A_610 = arith.constant 0 : i32
      %parallel_loop3A_611 = tpu.memref_slice %arg26[%parallel_loop3A_609, %parallel_loop3A_610] : memref<512x64xf32, #tpu.memory_space<vmem>> -> memref<1x64xf32, #tpu.memory_space<vmem>>
      %parallel_loop3A_612 = arith.constant 0 : i32
      %parallel_loop3A_613 = tpu.memref_slice %arg8[%parallel_loop3A_607, %parallel_loop3A_612] : memref<100000x64xf32, #tpu.memory_space<hbm>> -> memref<1x64xf32, #tpu.memory_space<hbm>>
      %parallel_loop3A_614 = arith.constant 0 : i32
      %parallel_loop3A_615 = tpu.memref_slice %arg26[%parallel_loop3A_609, %parallel_loop3A_614] : memref<512x64xf32, #tpu.memory_space<vmem>> -> memref<1x64xf32, #tpu.memory_space<vmem>>
      %parallel_loop3A_616 = arith.constant 0 : i32
      %parallel_loop3A_617 = tpu.memref_slice %arg8[%parallel_loop3A_607, %parallel_loop3A_616] : memref<100000x64xf32, #tpu.memory_space<hbm>> -> memref<1x64xf32, #tpu.memory_space<hbm>>
      tpu.enqueue_dma source(%parallel_loop3A_617 : memref<1x64xf32, #tpu.memory_space<hbm>>) target(%parallel_loop3A_615 : memref<1x64xf32, #tpu.memory_space<vmem>>) target_semaphore(%arg30 : memref<!tpu.dma_semaphore, #tpu.memory_space<semaphore_mem>>)
      %parallel_loop3A_618 = vector.extract_strided_slice %parallel_loop3A_521 {offsets = [8], sizes = [1], strides = [1]} : vector<16xi32> to vector<1xi32>
      %parallel_loop3A_619 = vector.extract %parallel_loop3A_618[0] : i32 from vector<1xi32>
      %parallel_loop3A_620 = arith.constant 8 : i32
      %parallel_loop3A_621 = arith.addi %parallel_loop3A_516, %parallel_loop3A_620 : i32
      %parallel_loop3A_622 = arith.constant 0 : i32
      %parallel_loop3A_623 = tpu.memref_slice %arg26[%parallel_loop3A_621, %parallel_loop3A_622] : memref<512x64xf32, #tpu.memory_space<vmem>> -> memref<1x64xf32, #tpu.memory_space<vmem>>
      %parallel_loop3A_624 = arith.constant 0 : i32
      %parallel_loop3A_625 = tpu.memref_slice %arg8[%parallel_loop3A_619, %parallel_loop3A_624] : memref<100000x64xf32, #tpu.memory_space<hbm>> -> memref<1x64xf32, #tpu.memory_space<hbm>>
      %parallel_loop3A_626 = arith.constant 0 : i32
      %parallel_loop3A_627 = tpu.memref_slice %arg26[%parallel_loop3A_621, %parallel_loop3A_626] : memref<512x64xf32, #tpu.memory_space<vmem>> -> memref<1x64xf32, #tpu.memory_space<vmem>>
      %parallel_loop3A_628 = arith.constant 0 : i32
      %parallel_loop3A_629 = tpu.memref_slice %arg8[%parallel_loop3A_619, %parallel_loop3A_628] : memref<100000x64xf32, #tpu.memory_space<hbm>> -> memref<1x64xf32, #tpu.memory_space<hbm>>
      tpu.enqueue_dma source(%parallel_loop3A_629 : memref<1x64xf32, #tpu.memory_space<hbm>>) target(%parallel_loop3A_627 : memref<1x64xf32, #tpu.memory_space<vmem>>) target_semaphore(%arg30 : memref<!tpu.dma_semaphore, #tpu.memory_space<semaphore_mem>>)
      %parallel_loop3A_630 = vector.extract_strided_slice %parallel_loop3A_521 {offsets = [9], sizes = [1], strides = [1]} : vector<16xi32> to vector<1xi32>
      %parallel_loop3A_631 = vector.extract %parallel_loop3A_630[0] : i32 from vector<1xi32>
      %parallel_loop3A_632 = arith.constant 9 : i32
      %parallel_loop3A_633 = arith.addi %parallel_loop3A_516, %parallel_loop3A_632 : i32
      %parallel_loop3A_634 = arith.constant 0 : i32
      %parallel_loop3A_635 = tpu.memref_slice %arg26[%parallel_loop3A_633, %parallel_loop3A_634] : memref<512x64xf32, #tpu.memory_space<vmem>> -> memref<1x64xf32, #tpu.memory_space<vmem>>
      %parallel_loop3A_636 = arith.constant 0 : i32
      %parallel_loop3A_637 = tpu.memref_slice %arg8[%parallel_loop3A_631, %parallel_loop3A_636] : memref<100000x64xf32, #tpu.memory_space<hbm>> -> memref<1x64xf32, #tpu.memory_space<hbm>>
      %parallel_loop3A_638 = arith.constant 0 : i32
      %parallel_loop3A_639 = tpu.memref_slice %arg26[%parallel_loop3A_633, %parallel_loop3A_638] : memref<512x64xf32, #tpu.memory_space<vmem>> -> memref<1x64xf32, #tpu.memory_space<vmem>>
      %parallel_loop3A_640 = arith.constant 0 : i32
      %parallel_loop3A_641 = tpu.memref_slice %arg8[%parallel_loop3A_631, %parallel_loop3A_640] : memref<100000x64xf32, #tpu.memory_space<hbm>> -> memref<1x64xf32, #tpu.memory_space<hbm>>
      tpu.enqueue_dma source(%parallel_loop3A_641 : memref<1x64xf32, #tpu.memory_space<hbm>>) target(%parallel_loop3A_639 : memref<1x64xf32, #tpu.memory_space<vmem>>) target_semaphore(%arg30 : memref<!tpu.dma_semaphore, #tpu.memory_space<semaphore_mem>>)
      %parallel_loop3A_642 = vector.extract_strided_slice %parallel_loop3A_521 {offsets = [10], sizes = [1], strides = [1]} : vector<16xi32> to vector<1xi32>
      %parallel_loop3A_643 = vector.extract %parallel_loop3A_642[0] : i32 from vector<1xi32>
      %parallel_loop3A_644 = arith.constant 10 : i32
      %parallel_loop3A_645 = arith.addi %parallel_loop3A_516, %parallel_loop3A_644 : i32
      %parallel_loop3A_646 = arith.constant 0 : i32
      %parallel_loop3A_647 = tpu.memref_slice %arg26[%parallel_loop3A_645, %parallel_loop3A_646] : memref<512x64xf32, #tpu.memory_space<vmem>> -> memref<1x64xf32, #tpu.memory_space<vmem>>
      %parallel_loop3A_648 = arith.constant 0 : i32
      %parallel_loop3A_649 = tpu.memref_slice %arg8[%parallel_loop3A_643, %parallel_loop3A_648] : memref<100000x64xf32, #tpu.memory_space<hbm>> -> memref<1x64xf32, #tpu.memory_space<hbm>>
      %parallel_loop3A_650 = arith.constant 0 : i32
      %parallel_loop3A_651 = tpu.memref_slice %arg26[%parallel_loop3A_645, %parallel_loop3A_650] : memref<512x64xf32, #tpu.memory_space<vmem>> -> memref<1x64xf32, #tpu.memory_space<vmem>>
      %parallel_loop3A_652 = arith.constant 0 : i32
      %parallel_loop3A_653 = tpu.memref_slice %arg8[%parallel_loop3A_643, %parallel_loop3A_652] : memref<100000x64xf32, #tpu.memory_space<hbm>> -> memref<1x64xf32, #tpu.memory_space<hbm>>
      tpu.enqueue_dma source(%parallel_loop3A_653 : memref<1x64xf32, #tpu.memory_space<hbm>>) target(%parallel_loop3A_651 : memref<1x64xf32, #tpu.memory_space<vmem>>) target_semaphore(%arg30 : memref<!tpu.dma_semaphore, #tpu.memory_space<semaphore_mem>>)
      %parallel_loop3A_654 = vector.extract_strided_slice %parallel_loop3A_521 {offsets = [11], sizes = [1], strides = [1]} : vector<16xi32> to vector<1xi32>
      %parallel_loop3A_655 = vector.extract %parallel_loop3A_654[0] : i32 from vector<1xi32>
      %parallel_loop3A_656 = arith.constant 11 : i32
      %parallel_loop3A_657 = arith.addi %parallel_loop3A_516, %parallel_loop3A_656 : i32
      %parallel_loop3A_658 = arith.constant 0 : i32
      %parallel_loop3A_659 = tpu.memref_slice %arg26[%parallel_loop3A_657, %parallel_loop3A_658] : memref<512x64xf32, #tpu.memory_space<vmem>> -> memref<1x64xf32, #tpu.memory_space<vmem>>
      %parallel_loop3A_660 = arith.constant 0 : i32
      %parallel_loop3A_661 = tpu.memref_slice %arg8[%parallel_loop3A_655, %parallel_loop3A_660] : memref<100000x64xf32, #tpu.memory_space<hbm>> -> memref<1x64xf32, #tpu.memory_space<hbm>>
      %parallel_loop3A_662 = arith.constant 0 : i32
      %parallel_loop3A_663 = tpu.memref_slice %arg26[%parallel_loop3A_657, %parallel_loop3A_662] : memref<512x64xf32, #tpu.memory_space<vmem>> -> memref<1x64xf32, #tpu.memory_space<vmem>>
      %parallel_loop3A_664 = arith.constant 0 : i32
      %parallel_loop3A_665 = tpu.memref_slice %arg8[%parallel_loop3A_655, %parallel_loop3A_664] : memref<100000x64xf32, #tpu.memory_space<hbm>> -> memref<1x64xf32, #tpu.memory_space<hbm>>
      tpu.enqueue_dma source(%parallel_loop3A_665 : memref<1x64xf32, #tpu.memory_space<hbm>>) target(%parallel_loop3A_663 : memref<1x64xf32, #tpu.memory_space<vmem>>) target_semaphore(%arg30 : memref<!tpu.dma_semaphore, #tpu.memory_space<semaphore_mem>>)
      %parallel_loop3A_666 = vector.extract_strided_slice %parallel_loop3A_521 {offsets = [12], sizes = [1], strides = [1]} : vector<16xi32> to vector<1xi32>
      %parallel_loop3A_667 = vector.extract %parallel_loop3A_666[0] : i32 from vector<1xi32>
      %parallel_loop3A_668 = arith.constant 12 : i32
      %parallel_loop3A_669 = arith.addi %parallel_loop3A_516, %parallel_loop3A_668 : i32
      %parallel_loop3A_670 = arith.constant 0 : i32
      %parallel_loop3A_671 = tpu.memref_slice %arg26[%parallel_loop3A_669, %parallel_loop3A_670] : memref<512x64xf32, #tpu.memory_space<vmem>> -> memref<1x64xf32, #tpu.memory_space<vmem>>
      %parallel_loop3A_672 = arith.constant 0 : i32
      %parallel_loop3A_673 = tpu.memref_slice %arg8[%parallel_loop3A_667, %parallel_loop3A_672] : memref<100000x64xf32, #tpu.memory_space<hbm>> -> memref<1x64xf32, #tpu.memory_space<hbm>>
      %parallel_loop3A_674 = arith.constant 0 : i32
      %parallel_loop3A_675 = tpu.memref_slice %arg26[%parallel_loop3A_669, %parallel_loop3A_674] : memref<512x64xf32, #tpu.memory_space<vmem>> -> memref<1x64xf32, #tpu.memory_space<vmem>>
      %parallel_loop3A_676 = arith.constant 0 : i32
      %parallel_loop3A_677 = tpu.memref_slice %arg8[%parallel_loop3A_667, %parallel_loop3A_676] : memref<100000x64xf32, #tpu.memory_space<hbm>> -> memref<1x64xf32, #tpu.memory_space<hbm>>
      tpu.enqueue_dma source(%parallel_loop3A_677 : memref<1x64xf32, #tpu.memory_space<hbm>>) target(%parallel_loop3A_675 : memref<1x64xf32, #tpu.memory_space<vmem>>) target_semaphore(%arg30 : memref<!tpu.dma_semaphore, #tpu.memory_space<semaphore_mem>>)
      %parallel_loop3A_678 = vector.extract_strided_slice %parallel_loop3A_521 {offsets = [13], sizes = [1], strides = [1]} : vector<16xi32> to vector<1xi32>
      %parallel_loop3A_679 = vector.extract %parallel_loop3A_678[0] : i32 from vector<1xi32>
      %parallel_loop3A_680 = arith.constant 13 : i32
      %parallel_loop3A_681 = arith.addi %parallel_loop3A_516, %parallel_loop3A_680 : i32
      %parallel_loop3A_682 = arith.constant 0 : i32
      %parallel_loop3A_683 = tpu.memref_slice %arg26[%parallel_loop3A_681, %parallel_loop3A_682] : memref<512x64xf32, #tpu.memory_space<vmem>> -> memref<1x64xf32, #tpu.memory_space<vmem>>
      %parallel_loop3A_684 = arith.constant 0 : i32
      %parallel_loop3A_685 = tpu.memref_slice %arg8[%parallel_loop3A_679, %parallel_loop3A_684] : memref<100000x64xf32, #tpu.memory_space<hbm>> -> memref<1x64xf32, #tpu.memory_space<hbm>>
      %parallel_loop3A_686 = arith.constant 0 : i32
      %parallel_loop3A_687 = tpu.memref_slice %arg26[%parallel_loop3A_681, %parallel_loop3A_686] : memref<512x64xf32, #tpu.memory_space<vmem>> -> memref<1x64xf32, #tpu.memory_space<vmem>>
      %parallel_loop3A_688 = arith.constant 0 : i32
      %parallel_loop3A_689 = tpu.memref_slice %arg8[%parallel_loop3A_679, %parallel_loop3A_688] : memref<100000x64xf32, #tpu.memory_space<hbm>> -> memref<1x64xf32, #tpu.memory_space<hbm>>
      tpu.enqueue_dma source(%parallel_loop3A_689 : memref<1x64xf32, #tpu.memory_space<hbm>>) target(%parallel_loop3A_687 : memref<1x64xf32, #tpu.memory_space<vmem>>) target_semaphore(%arg30 : memref<!tpu.dma_semaphore, #tpu.memory_space<semaphore_mem>>)
      %parallel_loop3A_690 = vector.extract_strided_slice %parallel_loop3A_521 {offsets = [14], sizes = [1], strides = [1]} : vector<16xi32> to vector<1xi32>
      %parallel_loop3A_691 = vector.extract %parallel_loop3A_690[0] : i32 from vector<1xi32>
      %parallel_loop3A_692 = arith.constant 14 : i32
      %parallel_loop3A_693 = arith.addi %parallel_loop3A_516, %parallel_loop3A_692 : i32
      %parallel_loop3A_694 = arith.constant 0 : i32
      %parallel_loop3A_695 = tpu.memref_slice %arg26[%parallel_loop3A_693, %parallel_loop3A_694] : memref<512x64xf32, #tpu.memory_space<vmem>> -> memref<1x64xf32, #tpu.memory_space<vmem>>
      %parallel_loop3A_696 = arith.constant 0 : i32
      %parallel_loop3A_697 = tpu.memref_slice %arg8[%parallel_loop3A_691, %parallel_loop3A_696] : memref<100000x64xf32, #tpu.memory_space<hbm>> -> memref<1x64xf32, #tpu.memory_space<hbm>>
      %parallel_loop3A_698 = arith.constant 0 : i32
      %parallel_loop3A_699 = tpu.memref_slice %arg26[%parallel_loop3A_693, %parallel_loop3A_698] : memref<512x64xf32, #tpu.memory_space<vmem>> -> memref<1x64xf32, #tpu.memory_space<vmem>>
      %parallel_loop3A_700 = arith.constant 0 : i32
      %parallel_loop3A_701 = tpu.memref_slice %arg8[%parallel_loop3A_691, %parallel_loop3A_700] : memref<100000x64xf32, #tpu.memory_space<hbm>> -> memref<1x64xf32, #tpu.memory_space<hbm>>
      tpu.enqueue_dma source(%parallel_loop3A_701 : memref<1x64xf32, #tpu.memory_space<hbm>>) target(%parallel_loop3A_699 : memref<1x64xf32, #tpu.memory_space<vmem>>) target_semaphore(%arg30 : memref<!tpu.dma_semaphore, #tpu.memory_space<semaphore_mem>>)
      %parallel_loop3A_702 = vector.extract_strided_slice %parallel_loop3A_521 {offsets = [15], sizes = [1], strides = [1]} : vector<16xi32> to vector<1xi32>
      %parallel_loop3A_703 = vector.extract %parallel_loop3A_702[0] : i32 from vector<1xi32>
      %parallel_loop3A_704 = arith.constant 15 : i32
      %parallel_loop3A_705 = arith.addi %parallel_loop3A_516, %parallel_loop3A_704 : i32
      %parallel_loop3A_706 = arith.constant 0 : i32
      %parallel_loop3A_707 = tpu.memref_slice %arg26[%parallel_loop3A_705, %parallel_loop3A_706] : memref<512x64xf32, #tpu.memory_space<vmem>> -> memref<1x64xf32, #tpu.memory_space<vmem>>
      %parallel_loop3A_708 = arith.constant 0 : i32
      %parallel_loop3A_709 = tpu.memref_slice %arg8[%parallel_loop3A_703, %parallel_loop3A_708] : memref<100000x64xf32, #tpu.memory_space<hbm>> -> memref<1x64xf32, #tpu.memory_space<hbm>>
      %parallel_loop3A_710 = arith.constant 0 : i32
      %parallel_loop3A_711 = tpu.memref_slice %arg26[%parallel_loop3A_705, %parallel_loop3A_710] : memref<512x64xf32, #tpu.memory_space<vmem>> -> memref<1x64xf32, #tpu.memory_space<vmem>>
      %parallel_loop3A_712 = arith.constant 0 : i32
      %parallel_loop3A_713 = tpu.memref_slice %arg8[%parallel_loop3A_703, %parallel_loop3A_712] : memref<100000x64xf32, #tpu.memory_space<hbm>> -> memref<1x64xf32, #tpu.memory_space<hbm>>
      tpu.enqueue_dma source(%parallel_loop3A_713 : memref<1x64xf32, #tpu.memory_space<hbm>>) target(%parallel_loop3A_711 : memref<1x64xf32, #tpu.memory_space<vmem>>) target_semaphore(%arg30 : memref<!tpu.dma_semaphore, #tpu.memory_space<semaphore_mem>>)
    } {sc.loop_unroll_factor = 1 : i64, sc.parallel_access}
    %get3A = arith.constant 0 : i32
    %get3A_10 = arith.index_cast %get3A : i32 to index
    %get3A_11 = arith.constant 0 : index
    %get3A_12 = tpu.vector_load %arg29[%get3A_10, %get3A_11] {strides = array<i32>} : memref<5x64xf32, #tpu.memory_space<vmem>>, vector<1x16xf32>,
    %get3A_13 = vector.shape_cast %get3A_12 : vector<1x16xf32> to vector<16xf32>
    %get3A_14 = arith.constant 0 : i32
    %get3A_15 = arith.index_cast %get3A_14 : i32 to index
    %get3A_16 = arith.constant 16 : index
    %get3A_17 = tpu.vector_load %arg29[%get3A_15, %get3A_16] {strides = array<i32>} : memref<5x64xf32, #tpu.memory_space<vmem>>, vector<1x16xf32>,
    %get3A_18 = vector.shape_cast %get3A_17 : vector<1x16xf32> to vector<16xf32>
    %get3A_19 = arith.constant 0 : i32
    %get3A_20 = arith.index_cast %get3A_19 : i32 to index
    %get3A_21 = arith.constant 32 : index
    %get3A_22 = tpu.vector_load %arg29[%get3A_20, %get3A_21] {strides = array<i32>} : memref<5x64xf32, #tpu.memory_space<vmem>>, vector<1x16xf32>,
    %get3A_23 = vector.shape_cast %get3A_22 : vector<1x16xf32> to vector<16xf32>
    %get3A_24 = arith.constant 0 : i32
    %get3A_25 = arith.index_cast %get3A_24 : i32 to index
    %get3A_26 = arith.constant 48 : index
    %get3A_27 = tpu.vector_load %arg29[%get3A_25, %get3A_26] {strides = array<i32>} : memref<5x64xf32, #tpu.memory_space<vmem>>, vector<1x16xf32>,
    %get3A_28 = vector.shape_cast %get3A_27 : vector<1x16xf32> to vector<16xf32>
    %parallel_loop3A_29 = arith.constant 0 : i32
    %parallel_loop3A_30 = arith.constant 128 : i32
    %parallel_loop3A_31 = arith.constant 1 : i32
    scf.for %parallel_loop3A_516 = %parallel_loop3A_29 to %parallel_loop3A_30 step %parallel_loop3A_31  : i32 {
      %parallel_loop3A_517 = arith.index_cast %parallel_loop3A_516 : i32 to index
      %parallel_loop3A_518 = arith.constant 0 : index
      %parallel_loop3A_519 = tpu.vector_load %arg27[%parallel_loop3A_517, %parallel_loop3A_518] {strides = array<i32>} : memref<128x64xf32, #tpu.memory_space<vmem>>, vector<1x16xf32>,
      %parallel_loop3A_520 = vector.shape_cast %parallel_loop3A_519 : vector<1x16xf32> to vector<16xf32>
      %parallel_loop3A_521 = vector.shape_cast %get3A_13 : vector<16xf32> to vector<1x16xf32>
      tpu.vector_store %arg27[%parallel_loop3A_517, %parallel_loop3A_518], %parallel_loop3A_521 {strides = array<i32>} : memref<128x64xf32, #tpu.memory_space<vmem>>, vector<1x16xf32>,
      %parallel_loop3A_522 = arith.index_cast %parallel_loop3A_516 : i32 to index
      %parallel_loop3A_523 = arith.constant 16 : index
      %parallel_loop3A_524 = tpu.vector_load %arg27[%parallel_loop3A_522, %parallel_loop3A_523] {strides = array<i32>} : memref<128x64xf32, #tpu.memory_space<vmem>>, vector<1x16xf32>,
      %parallel_loop3A_525 = vector.shape_cast %parallel_loop3A_524 : vector<1x16xf32> to vector<16xf32>
      %parallel_loop3A_526 = vector.shape_cast %get3A_18 : vector<16xf32> to vector<1x16xf32>
      tpu.vector_store %arg27[%parallel_loop3A_522, %parallel_loop3A_523], %parallel_loop3A_526 {strides = array<i32>} : memref<128x64xf32, #tpu.memory_space<vmem>>, vector<1x16xf32>,
      %parallel_loop3A_527 = arith.index_cast %parallel_loop3A_516 : i32 to index
      %parallel_loop3A_528 = arith.constant 32 : index
      %parallel_loop3A_529 = tpu.vector_load %arg27[%parallel_loop3A_527, %parallel_loop3A_528] {strides = array<i32>} : memref<128x64xf32, #tpu.memory_space<vmem>>, vector<1x16xf32>,
      %parallel_loop3A_530 = vector.shape_cast %parallel_loop3A_529 : vector<1x16xf32> to vector<16xf32>
      %parallel_loop3A_531 = vector.shape_cast %get3A_23 : vector<16xf32> to vector<1x16xf32>
      tpu.vector_store %arg27[%parallel_loop3A_527, %parallel_loop3A_528], %parallel_loop3A_531 {strides = array<i32>} : memref<128x64xf32, #tpu.memory_space<vmem>>, vector<1x16xf32>,
      %parallel_loop3A_532 = arith.index_cast %parallel_loop3A_516 : i32 to index
      %parallel_loop3A_533 = arith.constant 48 : index
      %parallel_loop3A_534 = tpu.vector_load %arg27[%parallel_loop3A_532, %parallel_loop3A_533] {strides = array<i32>} : memref<128x64xf32, #tpu.memory_space<vmem>>, vector<1x16xf32>,
      %parallel_loop3A_535 = vector.shape_cast %parallel_loop3A_534 : vector<1x16xf32> to vector<16xf32>
      %parallel_loop3A_536 = vector.shape_cast %get3A_28 : vector<16xf32> to vector<1x16xf32>
      tpu.vector_store %arg27[%parallel_loop3A_532, %parallel_loop3A_533], %parallel_loop3A_536 {strides = array<i32>} : memref<128x64xf32, #tpu.memory_space<vmem>>, vector<1x16xf32>,
    } {sc.loop_unroll_factor = 4 : i64, sc.parallel_access}
    %add3A_32 = arith.constant 0 : i32
    %add3A_33 = arith.addi %mul3A_2, %add3A_32 : i32
    "tpu.region"() ({
      %run_scoped3A_516 = tpu.sem_alloc : memref<!tpu.dma_semaphore, #tpu.memory_space<semaphore_mem>>
      %dma_start3A = arith.constant 0 : i32
      %dma_start3A_517 = tpu.memref_slice %arg20[%add3A_33, %dma_start3A] : memref<16384x64xf32, #tpu.memory_space<hbm>> -> memref<128x64xf32, #tpu.memory_space<hbm>>
      %dma_start3A_518 = arith.constant 0 : i32
      %dma_start3A_519 = tpu.memref_slice %arg20[%add3A_33, %dma_start3A_518] : memref<16384x64xf32, #tpu.memory_space<hbm>> -> memref<128x64xf32, #tpu.memory_space<hbm>>
      tpu.enqueue_dma source(%arg27 : memref<128x64xf32, #tpu.memory_space<vmem>>) target(%dma_start3A_519 : memref<128x64xf32, #tpu.memory_space<hbm>>) target_semaphore(%run_scoped3A_516 : memref<!tpu.dma_semaphore, #tpu.memory_space<semaphore_mem>>)
      %dma_wait3A = arith.constant 0 : i32
      %dma_wait3A_520 = tpu.memref_slice %arg20[%add3A_33, %dma_wait3A] : memref<16384x64xf32, #tpu.memory_space<hbm>> -> memref<128x64xf32, #tpu.memory_space<hbm>>
      %dma_wait3A_521 = arith.constant 0 : i32
      %dma_wait3A_522 = tpu.memref_slice %arg20[%add3A_33, %dma_wait3A_521] : memref<16384x64xf32, #tpu.memory_space<hbm>> -> memref<128x64xf32, #tpu.memory_space<hbm>>
      tpu.wait_dma2 semaphore(%run_scoped3A_516 : memref<!tpu.dma_semaphore, #tpu.memory_space<semaphore_mem>>) src(%arg27 : memref<128x64xf32, #tpu.memory_space<vmem>>) dst(%dma_wait3A_522 : memref<128x64xf32, #tpu.memory_space<hbm>>)
      tpu.yield
    }) : () -> ()
    %add3A_34 = arith.constant 128 : i32
    %add3A_35 = arith.addi %mul3A_2, %add3A_34 : i32
    "tpu.region"() ({
      %run_scoped3A_516 = tpu.sem_alloc : memref<!tpu.dma_semaphore, #tpu.memory_space<semaphore_mem>>
      %dma_start3A = arith.constant 0 : i32
      %dma_start3A_517 = tpu.memref_slice %arg20[%add3A_35, %dma_start3A] : memref<16384x64xf32, #tpu.memory_space<hbm>> -> memref<128x64xf32, #tpu.memory_space<hbm>>
      %dma_start3A_518 = arith.constant 0 : i32
      %dma_start3A_519 = tpu.memref_slice %arg20[%add3A_35, %dma_start3A_518] : memref<16384x64xf32, #tpu.memory_space<hbm>> -> memref<128x64xf32, #tpu.memory_space<hbm>>
      tpu.enqueue_dma source(%arg27 : memref<128x64xf32, #tpu.memory_space<vmem>>) target(%dma_start3A_519 : memref<128x64xf32, #tpu.memory_space<hbm>>) target_semaphore(%run_scoped3A_516 : memref<!tpu.dma_semaphore, #tpu.memory_space<semaphore_mem>>)
      %dma_wait3A = arith.constant 0 : i32
      %dma_wait3A_520 = tpu.memref_slice %arg20[%add3A_35, %dma_wait3A] : memref<16384x64xf32, #tpu.memory_space<hbm>> -> memref<128x64xf32, #tpu.memory_space<hbm>>
      %dma_wait3A_521 = arith.constant 0 : i32
      %dma_wait3A_522 = tpu.memref_slice %arg20[%add3A_35, %dma_wait3A_521] : memref<16384x64xf32, #tpu.memory_space<hbm>> -> memref<128x64xf32, #tpu.memory_space<hbm>>
      tpu.wait_dma2 semaphore(%run_scoped3A_516 : memref<!tpu.dma_semaphore, #tpu.memory_space<semaphore_mem>>) src(%arg27 : memref<128x64xf32, #tpu.memory_space<vmem>>) dst(%dma_wait3A_522 : memref<128x64xf32, #tpu.memory_space<hbm>>)
      tpu.yield
    }) : () -> ()
    %add3A_36 = arith.constant 256 : i32
    %add3A_37 = arith.addi %mul3A_2, %add3A_36 : i32
    "tpu.region"() ({
      %run_scoped3A_516 = tpu.sem_alloc : memref<!tpu.dma_semaphore, #tpu.memory_space<semaphore_mem>>
      %dma_start3A = arith.constant 0 : i32
      %dma_start3A_517 = tpu.memref_slice %arg20[%add3A_37, %dma_start3A] : memref<16384x64xf32, #tpu.memory_space<hbm>> -> memref<128x64xf32, #tpu.memory_space<hbm>>
      %dma_start3A_518 = arith.constant 0 : i32
      %dma_start3A_519 = tpu.memref_slice %arg20[%add3A_37, %dma_start3A_518] : memref<16384x64xf32, #tpu.memory_space<hbm>> -> memref<128x64xf32, #tpu.memory_space<hbm>>
      tpu.enqueue_dma source(%arg27 : memref<128x64xf32, #tpu.memory_space<vmem>>) target(%dma_start3A_519 : memref<128x64xf32, #tpu.memory_space<hbm>>) target_semaphore(%run_scoped3A_516 : memref<!tpu.dma_semaphore, #tpu.memory_space<semaphore_mem>>)
      %dma_wait3A = arith.constant 0 : i32
      %dma_wait3A_520 = tpu.memref_slice %arg20[%add3A_37, %dma_wait3A] : memref<16384x64xf32, #tpu.memory_space<hbm>> -> memref<128x64xf32, #tpu.memory_space<hbm>>
      %dma_wait3A_521 = arith.constant 0 : i32
      %dma_wait3A_522 = tpu.memref_slice %arg20[%add3A_37, %dma_wait3A_521] : memref<16384x64xf32, #tpu.memory_space<hbm>> -> memref<128x64xf32, #tpu.memory_space<hbm>>
      tpu.wait_dma2 semaphore(%run_scoped3A_516 : memref<!tpu.dma_semaphore, #tpu.memory_space<semaphore_mem>>) src(%arg27 : memref<128x64xf32, #tpu.memory_space<vmem>>) dst(%dma_wait3A_522 : memref<128x64xf32, #tpu.memory_space<hbm>>)
      tpu.yield
    }) : () -> ()
    %add3A_38 = arith.constant 384 : i32
    %add3A_39 = arith.addi %mul3A_2, %add3A_38 : i32
    "tpu.region"() ({
      %run_scoped3A_516 = tpu.sem_alloc : memref<!tpu.dma_semaphore, #tpu.memory_space<semaphore_mem>>
      %dma_start3A = arith.constant 0 : i32
      %dma_start3A_517 = tpu.memref_slice %arg20[%add3A_39, %dma_start3A] : memref<16384x64xf32, #tpu.memory_space<hbm>> -> memref<128x64xf32, #tpu.memory_space<hbm>>
      %dma_start3A_518 = arith.constant 0 : i32
      %dma_start3A_519 = tpu.memref_slice %arg20[%add3A_39, %dma_start3A_518] : memref<16384x64xf32, #tpu.memory_space<hbm>> -> memref<128x64xf32, #tpu.memory_space<hbm>>
      tpu.enqueue_dma source(%arg27 : memref<128x64xf32, #tpu.memory_space<vmem>>) target(%dma_start3A_519 : memref<128x64xf32, #tpu.memory_space<hbm>>) target_semaphore(%run_scoped3A_516 : memref<!tpu.dma_semaphore, #tpu.memory_space<semaphore_mem>>)
      %dma_wait3A = arith.constant 0 : i32
      %dma_wait3A_520 = tpu.memref_slice %arg20[%add3A_39, %dma_wait3A] : memref<16384x64xf32, #tpu.memory_space<hbm>> -> memref<128x64xf32, #tpu.memory_space<hbm>>
      %dma_wait3A_521 = arith.constant 0 : i32
      %dma_wait3A_522 = tpu.memref_slice %arg20[%add3A_39, %dma_wait3A_521] : memref<16384x64xf32, #tpu.memory_space<hbm>> -> memref<128x64xf32, #tpu.memory_space<hbm>>
      tpu.wait_dma2 semaphore(%run_scoped3A_516 : memref<!tpu.dma_semaphore, #tpu.memory_space<semaphore_mem>>) src(%arg27 : memref<128x64xf32, #tpu.memory_space<vmem>>) dst(%dma_wait3A_522 : memref<128x64xf32, #tpu.memory_space<hbm>>)
      tpu.yield
    }) : () -> ()
    %get3A_40 = arith.constant 1 : i32
    %get3A_41 = arith.index_cast %get3A_40 : i32 to index
    %get3A_42 = arith.constant 0 : index
    %get3A_43 = tpu.vector_load %arg29[%get3A_41, %get3A_42] {strides = array<i32>} : memref<5x64xf32, #tpu.memory_space<vmem>>, vector<1x16xf32>,
    %get3A_44 = vector.shape_cast %get3A_43 : vector<1x16xf32> to vector<16xf32>
    %get3A_45 = arith.constant 1 : i32
    %get3A_46 = arith.index_cast %get3A_45 : i32 to index
    %get3A_47 = arith.constant 16 : index
    %get3A_48 = tpu.vector_load %arg29[%get3A_46, %get3A_47] {strides = array<i32>} : memref<5x64xf32, #tpu.memory_space<vmem>>, vector<1x16xf32>,
    %get3A_49 = vector.shape_cast %get3A_48 : vector<1x16xf32> to vector<16xf32>
    %get3A_50 = arith.constant 1 : i32
    %get3A_51 = arith.index_cast %get3A_50 : i32 to index
    %get3A_52 = arith.constant 32 : index
    %get3A_53 = tpu.vector_load %arg29[%get3A_51, %get3A_52] {strides = array<i32>} : memref<5x64xf32, #tpu.memory_space<vmem>>, vector<1x16xf32>,
    %get3A_54 = vector.shape_cast %get3A_53 : vector<1x16xf32> to vector<16xf32>
    %get3A_55 = arith.constant 1 : i32
    %get3A_56 = arith.index_cast %get3A_55 : i32 to index
    %get3A_57 = arith.constant 48 : index
    %get3A_58 = tpu.vector_load %arg29[%get3A_56, %get3A_57] {strides = array<i32>} : memref<5x64xf32, #tpu.memory_space<vmem>>, vector<1x16xf32>,
    %get3A_59 = vector.shape_cast %get3A_58 : vector<1x16xf32> to vector<16xf32>
    %parallel_loop3A_60 = arith.constant 0 : i32
    %parallel_loop3A_61 = arith.constant 128 : i32
    %parallel_loop3A_62 = arith.constant 1 : i32
    scf.for %parallel_loop3A_516 = %parallel_loop3A_60 to %parallel_loop3A_61 step %parallel_loop3A_62  : i32 {
      %parallel_loop3A_517 = arith.index_cast %parallel_loop3A_516 : i32 to index
      %parallel_loop3A_518 = arith.constant 0 : index
      %parallel_loop3A_519 = tpu.vector_load %arg27[%parallel_loop3A_517, %parallel_loop3A_518] {strides = array<i32>} : memref<128x64xf32, #tpu.memory_space<vmem>>, vector<1x16xf32>,
      %parallel_loop3A_520 = vector.shape_cast %parallel_loop3A_519 : vector<1x16xf32> to vector<16xf32>
      %parallel_loop3A_521 = vector.shape_cast %get3A_44 : vector<16xf32> to vector<1x16xf32>
      tpu.vector_store %arg27[%parallel_loop3A_517, %parallel_loop3A_518], %parallel_loop3A_521 {strides = array<i32>} : memref<128x64xf32, #tpu.memory_space<vmem>>, vector<1x16xf32>,
      %parallel_loop3A_522 = arith.index_cast %parallel_loop3A_516 : i32 to index
      %parallel_loop3A_523 = arith.constant 16 : index
      %parallel_loop3A_524 = tpu.vector_load %arg27[%parallel_loop3A_522, %parallel_loop3A_523] {strides = array<i32>} : memref<128x64xf32, #tpu.memory_space<vmem>>, vector<1x16xf32>,
      %parallel_loop3A_525 = vector.shape_cast %parallel_loop3A_524 : vector<1x16xf32> to vector<16xf32>
      %parallel_loop3A_526 = vector.shape_cast %get3A_49 : vector<16xf32> to vector<1x16xf32>
      tpu.vector_store %arg27[%parallel_loop3A_522, %parallel_loop3A_523], %parallel_loop3A_526 {strides = array<i32>} : memref<128x64xf32, #tpu.memory_space<vmem>>, vector<1x16xf32>,
      %parallel_loop3A_527 = arith.index_cast %parallel_loop3A_516 : i32 to index
      %parallel_loop3A_528 = arith.constant 32 : index
      %parallel_loop3A_529 = tpu.vector_load %arg27[%parallel_loop3A_527, %parallel_loop3A_528] {strides = array<i32>} : memref<128x64xf32, #tpu.memory_space<vmem>>, vector<1x16xf32>,
      %parallel_loop3A_530 = vector.shape_cast %parallel_loop3A_529 : vector<1x16xf32> to vector<16xf32>
      %parallel_loop3A_531 = vector.shape_cast %get3A_54 : vector<16xf32> to vector<1x16xf32>
      tpu.vector_store %arg27[%parallel_loop3A_527, %parallel_loop3A_528], %parallel_loop3A_531 {strides = array<i32>} : memref<128x64xf32, #tpu.memory_space<vmem>>, vector<1x16xf32>,
      %parallel_loop3A_532 = arith.index_cast %parallel_loop3A_516 : i32 to index
      %parallel_loop3A_533 = arith.constant 48 : index
      %parallel_loop3A_534 = tpu.vector_load %arg27[%parallel_loop3A_532, %parallel_loop3A_533] {strides = array<i32>} : memref<128x64xf32, #tpu.memory_space<vmem>>, vector<1x16xf32>,
      %parallel_loop3A_535 = vector.shape_cast %parallel_loop3A_534 : vector<1x16xf32> to vector<16xf32>
      %parallel_loop3A_536 = vector.shape_cast %get3A_59 : vector<16xf32> to vector<1x16xf32>
      tpu.vector_store %arg27[%parallel_loop3A_532, %parallel_loop3A_533], %parallel_loop3A_536 {strides = array<i32>} : memref<128x64xf32, #tpu.memory_space<vmem>>, vector<1x16xf32>,
    } {sc.loop_unroll_factor = 4 : i64, sc.parallel_access}
    %add3A_63 = arith.constant 0 : i32
    %add3A_64 = arith.addi %mul3A_2, %add3A_63 : i32
    "tpu.region"() ({
      %run_scoped3A_516 = tpu.sem_alloc : memref<!tpu.dma_semaphore, #tpu.memory_space<semaphore_mem>>
      %dma_start3A = arith.constant 0 : i32
      %dma_start3A_517 = tpu.memref_slice %arg21[%add3A_64, %dma_start3A] : memref<16384x64xf32, #tpu.memory_space<hbm>> -> memref<128x64xf32, #tpu.memory_space<hbm>>
      %dma_start3A_518 = arith.constant 0 : i32
      %dma_start3A_519 = tpu.memref_slice %arg21[%add3A_64, %dma_start3A_518] : memref<16384x64xf32, #tpu.memory_space<hbm>> -> memref<128x64xf32, #tpu.memory_space<hbm>>
      tpu.enqueue_dma source(%arg27 : memref<128x64xf32, #tpu.memory_space<vmem>>) target(%dma_start3A_519 : memref<128x64xf32, #tpu.memory_space<hbm>>) target_semaphore(%run_scoped3A_516 : memref<!tpu.dma_semaphore, #tpu.memory_space<semaphore_mem>>)
      %dma_wait3A = arith.constant 0 : i32
      %dma_wait3A_520 = tpu.memref_slice %arg21[%add3A_64, %dma_wait3A] : memref<16384x64xf32, #tpu.memory_space<hbm>> -> memref<128x64xf32, #tpu.memory_space<hbm>>
      %dma_wait3A_521 = arith.constant 0 : i32
      %dma_wait3A_522 = tpu.memref_slice %arg21[%add3A_64, %dma_wait3A_521] : memref<16384x64xf32, #tpu.memory_space<hbm>> -> memref<128x64xf32, #tpu.memory_space<hbm>>
      tpu.wait_dma2 semaphore(%run_scoped3A_516 : memref<!tpu.dma_semaphore, #tpu.memory_space<semaphore_mem>>) src(%arg27 : memref<128x64xf32, #tpu.memory_space<vmem>>) dst(%dma_wait3A_522 : memref<128x64xf32, #tpu.memory_space<hbm>>)
      tpu.yield
    }) : () -> ()
    %add3A_65 = arith.constant 128 : i32
    %add3A_66 = arith.addi %mul3A_2, %add3A_65 : i32
    "tpu.region"() ({
      %run_scoped3A_516 = tpu.sem_alloc : memref<!tpu.dma_semaphore, #tpu.memory_space<semaphore_mem>>
      %dma_start3A = arith.constant 0 : i32
      %dma_start3A_517 = tpu.memref_slice %arg21[%add3A_66, %dma_start3A] : memref<16384x64xf32, #tpu.memory_space<hbm>> -> memref<128x64xf32, #tpu.memory_space<hbm>>
      %dma_start3A_518 = arith.constant 0 : i32
      %dma_start3A_519 = tpu.memref_slice %arg21[%add3A_66, %dma_start3A_518] : memref<16384x64xf32, #tpu.memory_space<hbm>> -> memref<128x64xf32, #tpu.memory_space<hbm>>
      tpu.enqueue_dma source(%arg27 : memref<128x64xf32, #tpu.memory_space<vmem>>) target(%dma_start3A_519 : memref<128x64xf32, #tpu.memory_space<hbm>>) target_semaphore(%run_scoped3A_516 : memref<!tpu.dma_semaphore, #tpu.memory_space<semaphore_mem>>)
      %dma_wait3A = arith.constant 0 : i32
      %dma_wait3A_520 = tpu.memref_slice %arg21[%add3A_66, %dma_wait3A] : memref<16384x64xf32, #tpu.memory_space<hbm>> -> memref<128x64xf32, #tpu.memory_space<hbm>>
      %dma_wait3A_521 = arith.constant 0 : i32
      %dma_wait3A_522 = tpu.memref_slice %arg21[%add3A_66, %dma_wait3A_521] : memref<16384x64xf32, #tpu.memory_space<hbm>> -> memref<128x64xf32, #tpu.memory_space<hbm>>
      tpu.wait_dma2 semaphore(%run_scoped3A_516 : memref<!tpu.dma_semaphore, #tpu.memory_space<semaphore_mem>>) src(%arg27 : memref<128x64xf32, #tpu.memory_space<vmem>>) dst(%dma_wait3A_522 : memref<128x64xf32, #tpu.memory_space<hbm>>)
      tpu.yield
    }) : () -> ()
    %add3A_67 = arith.constant 256 : i32
    %add3A_68 = arith.addi %mul3A_2, %add3A_67 : i32
    "tpu.region"() ({
      %run_scoped3A_516 = tpu.sem_alloc : memref<!tpu.dma_semaphore, #tpu.memory_space<semaphore_mem>>
      %dma_start3A = arith.constant 0 : i32
      %dma_start3A_517 = tpu.memref_slice %arg21[%add3A_68, %dma_start3A] : memref<16384x64xf32, #tpu.memory_space<hbm>> -> memref<128x64xf32, #tpu.memory_space<hbm>>
      %dma_start3A_518 = arith.constant 0 : i32
      %dma_start3A_519 = tpu.memref_slice %arg21[%add3A_68, %dma_start3A_518] : memref<16384x64xf32, #tpu.memory_space<hbm>> -> memref<128x64xf32, #tpu.memory_space<hbm>>
      tpu.enqueue_dma source(%arg27 : memref<128x64xf32, #tpu.memory_space<vmem>>) target(%dma_start3A_519 : memref<128x64xf32, #tpu.memory_space<hbm>>) target_semaphore(%run_scoped3A_516 : memref<!tpu.dma_semaphore, #tpu.memory_space<semaphore_mem>>)
      %dma_wait3A = arith.constant 0 : i32
      %dma_wait3A_520 = tpu.memref_slice %arg21[%add3A_68, %dma_wait3A] : memref<16384x64xf32, #tpu.memory_space<hbm>> -> memref<128x64xf32, #tpu.memory_space<hbm>>
      %dma_wait3A_521 = arith.constant 0 : i32
      %dma_wait3A_522 = tpu.memref_slice %arg21[%add3A_68, %dma_wait3A_521] : memref<16384x64xf32, #tpu.memory_space<hbm>> -> memref<128x64xf32, #tpu.memory_space<hbm>>
      tpu.wait_dma2 semaphore(%run_scoped3A_516 : memref<!tpu.dma_semaphore, #tpu.memory_space<semaphore_mem>>) src(%arg27 : memref<128x64xf32, #tpu.memory_space<vmem>>) dst(%dma_wait3A_522 : memref<128x64xf32, #tpu.memory_space<hbm>>)
      tpu.yield
    }) : () -> ()
    %add3A_69 = arith.constant 384 : i32
    %add3A_70 = arith.addi %mul3A_2, %add3A_69 : i32
    "tpu.region"() ({
      %run_scoped3A_516 = tpu.sem_alloc : memref<!tpu.dma_semaphore, #tpu.memory_space<semaphore_mem>>
      %dma_start3A = arith.constant 0 : i32
      %dma_start3A_517 = tpu.memref_slice %arg21[%add3A_70, %dma_start3A] : memref<16384x64xf32, #tpu.memory_space<hbm>> -> memref<128x64xf32, #tpu.memory_space<hbm>>
      %dma_start3A_518 = arith.constant 0 : i32
      %dma_start3A_519 = tpu.memref_slice %arg21[%add3A_70, %dma_start3A_518] : memref<16384x64xf32, #tpu.memory_space<hbm>> -> memref<128x64xf32, #tpu.memory_space<hbm>>
      tpu.enqueue_dma source(%arg27 : memref<128x64xf32, #tpu.memory_space<vmem>>) target(%dma_start3A_519 : memref<128x64xf32, #tpu.memory_space<hbm>>) target_semaphore(%run_scoped3A_516 : memref<!tpu.dma_semaphore, #tpu.memory_space<semaphore_mem>>)
      %dma_wait3A = arith.constant 0 : i32
      %dma_wait3A_520 = tpu.memref_slice %arg21[%add3A_70, %dma_wait3A] : memref<16384x64xf32, #tpu.memory_space<hbm>> -> memref<128x64xf32, #tpu.memory_space<hbm>>
      %dma_wait3A_521 = arith.constant 0 : i32
      %dma_wait3A_522 = tpu.memref_slice %arg21[%add3A_70, %dma_wait3A_521] : memref<16384x64xf32, #tpu.memory_space<hbm>> -> memref<128x64xf32, #tpu.memory_space<hbm>>
      tpu.wait_dma2 semaphore(%run_scoped3A_516 : memref<!tpu.dma_semaphore, #tpu.memory_space<semaphore_mem>>) src(%arg27 : memref<128x64xf32, #tpu.memory_space<vmem>>) dst(%dma_wait3A_522 : memref<128x64xf32, #tpu.memory_space<hbm>>)
      tpu.yield
    }) : () -> ()
    %get3A_71 = arith.constant 2 : i32
    %get3A_72 = arith.index_cast %get3A_71 : i32 to index
    %get3A_73 = arith.constant 0 : index
    %get3A_74 = tpu.vector_load %arg29[%get3A_72, %get3A_73] {strides = array<i32>} : memref<5x64xf32, #tpu.memory_space<vmem>>, vector<1x16xf32>,
    %get3A_75 = vector.shape_cast %get3A_74 : vector<1x16xf32> to vector<16xf32>
    %get3A_76 = arith.constant 2 : i32
    %get3A_77 = arith.index_cast %get3A_76 : i32 to index
    %get3A_78 = arith.constant 16 : index
    %get3A_79 = tpu.vector_load %arg29[%get3A_77, %get3A_78] {strides = array<i32>} : memref<5x64xf32, #tpu.memory_space<vmem>>, vector<1x16xf32>,
    %get3A_80 = vector.shape_cast %get3A_79 : vector<1x16xf32> to vector<16xf32>
    %get3A_81 = arith.constant 2 : i32
    %get3A_82 = arith.index_cast %get3A_81 : i32 to index
    %get3A_83 = arith.constant 32 : index
    %get3A_84 = tpu.vector_load %arg29[%get3A_82, %get3A_83] {strides = array<i32>} : memref<5x64xf32, #tpu.memory_space<vmem>>, vector<1x16xf32>,
    %get3A_85 = vector.shape_cast %get3A_84 : vector<1x16xf32> to vector<16xf32>
    %get3A_86 = arith.constant 2 : i32
    %get3A_87 = arith.index_cast %get3A_86 : i32 to index
    %get3A_88 = arith.constant 48 : index
    %get3A_89 = tpu.vector_load %arg29[%get3A_87, %get3A_88] {strides = array<i32>} : memref<5x64xf32, #tpu.memory_space<vmem>>, vector<1x16xf32>,
    %get3A_90 = vector.shape_cast %get3A_89 : vector<1x16xf32> to vector<16xf32>
    %parallel_loop3A_91 = arith.constant 0 : i32
    %parallel_loop3A_92 = arith.constant 128 : i32
    %parallel_loop3A_93 = arith.constant 1 : i32
    scf.for %parallel_loop3A_516 = %parallel_loop3A_91 to %parallel_loop3A_92 step %parallel_loop3A_93  : i32 {
      %parallel_loop3A_517 = arith.index_cast %parallel_loop3A_516 : i32 to index
      %parallel_loop3A_518 = arith.constant 0 : index
      %parallel_loop3A_519 = tpu.vector_load %arg27[%parallel_loop3A_517, %parallel_loop3A_518] {strides = array<i32>} : memref<128x64xf32, #tpu.memory_space<vmem>>, vector<1x16xf32>,
      %parallel_loop3A_520 = vector.shape_cast %parallel_loop3A_519 : vector<1x16xf32> to vector<16xf32>
      %parallel_loop3A_521 = vector.shape_cast %get3A_75 : vector<16xf32> to vector<1x16xf32>
      tpu.vector_store %arg27[%parallel_loop3A_517, %parallel_loop3A_518], %parallel_loop3A_521 {strides = array<i32>} : memref<128x64xf32, #tpu.memory_space<vmem>>, vector<1x16xf32>,
      %parallel_loop3A_522 = arith.index_cast %parallel_loop3A_516 : i32 to index
      %parallel_loop3A_523 = arith.constant 16 : index
      %parallel_loop3A_524 = tpu.vector_load %arg27[%parallel_loop3A_522, %parallel_loop3A_523] {strides = array<i32>} : memref<128x64xf32, #tpu.memory_space<vmem>>, vector<1x16xf32>,
      %parallel_loop3A_525 = vector.shape_cast %parallel_loop3A_524 : vector<1x16xf32> to vector<16xf32>
      %parallel_loop3A_526 = vector.shape_cast %get3A_80 : vector<16xf32> to vector<1x16xf32>
      tpu.vector_store %arg27[%parallel_loop3A_522, %parallel_loop3A_523], %parallel_loop3A_526 {strides = array<i32>} : memref<128x64xf32, #tpu.memory_space<vmem>>, vector<1x16xf32>,
      %parallel_loop3A_527 = arith.index_cast %parallel_loop3A_516 : i32 to index
      %parallel_loop3A_528 = arith.constant 32 : index
      %parallel_loop3A_529 = tpu.vector_load %arg27[%parallel_loop3A_527, %parallel_loop3A_528] {strides = array<i32>} : memref<128x64xf32, #tpu.memory_space<vmem>>, vector<1x16xf32>,
      %parallel_loop3A_530 = vector.shape_cast %parallel_loop3A_529 : vector<1x16xf32> to vector<16xf32>
      %parallel_loop3A_531 = vector.shape_cast %get3A_85 : vector<16xf32> to vector<1x16xf32>
      tpu.vector_store %arg27[%parallel_loop3A_527, %parallel_loop3A_528], %parallel_loop3A_531 {strides = array<i32>} : memref<128x64xf32, #tpu.memory_space<vmem>>, vector<1x16xf32>,
      %parallel_loop3A_532 = arith.index_cast %parallel_loop3A_516 : i32 to index
      %parallel_loop3A_533 = arith.constant 48 : index
      %parallel_loop3A_534 = tpu.vector_load %arg27[%parallel_loop3A_532, %parallel_loop3A_533] {strides = array<i32>} : memref<128x64xf32, #tpu.memory_space<vmem>>, vector<1x16xf32>,
      %parallel_loop3A_535 = vector.shape_cast %parallel_loop3A_534 : vector<1x16xf32> to vector<16xf32>
      %parallel_loop3A_536 = vector.shape_cast %get3A_90 : vector<16xf32> to vector<1x16xf32>
      tpu.vector_store %arg27[%parallel_loop3A_532, %parallel_loop3A_533], %parallel_loop3A_536 {strides = array<i32>} : memref<128x64xf32, #tpu.memory_space<vmem>>, vector<1x16xf32>,
    } {sc.loop_unroll_factor = 4 : i64, sc.parallel_access}
    %add3A_94 = arith.constant 0 : i32
    %add3A_95 = arith.addi %mul3A_2, %add3A_94 : i32
    "tpu.region"() ({
      %run_scoped3A_516 = tpu.sem_alloc : memref<!tpu.dma_semaphore, #tpu.memory_space<semaphore_mem>>
      %dma_start3A = arith.constant 0 : i32
      %dma_start3A_517 = tpu.memref_slice %arg22[%add3A_95, %dma_start3A] : memref<16384x64xf32, #tpu.memory_space<hbm>> -> memref<128x64xf32, #tpu.memory_space<hbm>>
      %dma_start3A_518 = arith.constant 0 : i32
      %dma_start3A_519 = tpu.memref_slice %arg22[%add3A_95, %dma_start3A_518] : memref<16384x64xf32, #tpu.memory_space<hbm>> -> memref<128x64xf32, #tpu.memory_space<hbm>>
      tpu.enqueue_dma source(%arg27 : memref<128x64xf32, #tpu.memory_space<vmem>>) target(%dma_start3A_519 : memref<128x64xf32, #tpu.memory_space<hbm>>) target_semaphore(%run_scoped3A_516 : memref<!tpu.dma_semaphore, #tpu.memory_space<semaphore_mem>>)
      %dma_wait3A = arith.constant 0 : i32
      %dma_wait3A_520 = tpu.memref_slice %arg22[%add3A_95, %dma_wait3A] : memref<16384x64xf32, #tpu.memory_space<hbm>> -> memref<128x64xf32, #tpu.memory_space<hbm>>
      %dma_wait3A_521 = arith.constant 0 : i32
      %dma_wait3A_522 = tpu.memref_slice %arg22[%add3A_95, %dma_wait3A_521] : memref<16384x64xf32, #tpu.memory_space<hbm>> -> memref<128x64xf32, #tpu.memory_space<hbm>>
      tpu.wait_dma2 semaphore(%run_scoped3A_516 : memref<!tpu.dma_semaphore, #tpu.memory_space<semaphore_mem>>) src(%arg27 : memref<128x64xf32, #tpu.memory_space<vmem>>) dst(%dma_wait3A_522 : memref<128x64xf32, #tpu.memory_space<hbm>>)
      tpu.yield
    }) : () -> ()
    %add3A_96 = arith.constant 128 : i32
    %add3A_97 = arith.addi %mul3A_2, %add3A_96 : i32
    "tpu.region"() ({
      %run_scoped3A_516 = tpu.sem_alloc : memref<!tpu.dma_semaphore, #tpu.memory_space<semaphore_mem>>
      %dma_start3A = arith.constant 0 : i32
      %dma_start3A_517 = tpu.memref_slice %arg22[%add3A_97, %dma_start3A] : memref<16384x64xf32, #tpu.memory_space<hbm>> -> memref<128x64xf32, #tpu.memory_space<hbm>>
      %dma_start3A_518 = arith.constant 0 : i32
      %dma_start3A_519 = tpu.memref_slice %arg22[%add3A_97, %dma_start3A_518] : memref<16384x64xf32, #tpu.memory_space<hbm>> -> memref<128x64xf32, #tpu.memory_space<hbm>>
      tpu.enqueue_dma source(%arg27 : memref<128x64xf32, #tpu.memory_space<vmem>>) target(%dma_start3A_519 : memref<128x64xf32, #tpu.memory_space<hbm>>) target_semaphore(%run_scoped3A_516 : memref<!tpu.dma_semaphore, #tpu.memory_space<semaphore_mem>>)
      %dma_wait3A = arith.constant 0 : i32
      %dma_wait3A_520 = tpu.memref_slice %arg22[%add3A_97, %dma_wait3A] : memref<16384x64xf32, #tpu.memory_space<hbm>> -> memref<128x64xf32, #tpu.memory_space<hbm>>
      %dma_wait3A_521 = arith.constant 0 : i32
      %dma_wait3A_522 = tpu.memref_slice %arg22[%add3A_97, %dma_wait3A_521] : memref<16384x64xf32, #tpu.memory_space<hbm>> -> memref<128x64xf32, #tpu.memory_space<hbm>>
      tpu.wait_dma2 semaphore(%run_scoped3A_516 : memref<!tpu.dma_semaphore, #tpu.memory_space<semaphore_mem>>) src(%arg27 : memref<128x64xf32, #tpu.memory_space<vmem>>) dst(%dma_wait3A_522 : memref<128x64xf32, #tpu.memory_space<hbm>>)
      tpu.yield
    }) : () -> ()
    %add3A_98 = arith.constant 256 : i32
    %add3A_99 = arith.addi %mul3A_2, %add3A_98 : i32
    "tpu.region"() ({
      %run_scoped3A_516 = tpu.sem_alloc : memref<!tpu.dma_semaphore, #tpu.memory_space<semaphore_mem>>
      %dma_start3A = arith.constant 0 : i32
      %dma_start3A_517 = tpu.memref_slice %arg22[%add3A_99, %dma_start3A] : memref<16384x64xf32, #tpu.memory_space<hbm>> -> memref<128x64xf32, #tpu.memory_space<hbm>>
      %dma_start3A_518 = arith.constant 0 : i32
      %dma_start3A_519 = tpu.memref_slice %arg22[%add3A_99, %dma_start3A_518] : memref<16384x64xf32, #tpu.memory_space<hbm>> -> memref<128x64xf32, #tpu.memory_space<hbm>>
      tpu.enqueue_dma source(%arg27 : memref<128x64xf32, #tpu.memory_space<vmem>>) target(%dma_start3A_519 : memref<128x64xf32, #tpu.memory_space<hbm>>) target_semaphore(%run_scoped3A_516 : memref<!tpu.dma_semaphore, #tpu.memory_space<semaphore_mem>>)
      %dma_wait3A = arith.constant 0 : i32
      %dma_wait3A_520 = tpu.memref_slice %arg22[%add3A_99, %dma_wait3A] : memref<16384x64xf32, #tpu.memory_space<hbm>> -> memref<128x64xf32, #tpu.memory_space<hbm>>
      %dma_wait3A_521 = arith.constant 0 : i32
      %dma_wait3A_522 = tpu.memref_slice %arg22[%add3A_99, %dma_wait3A_521] : memref<16384x64xf32, #tpu.memory_space<hbm>> -> memref<128x64xf32, #tpu.memory_space<hbm>>
      tpu.wait_dma2 semaphore(%run_scoped3A_516 : memref<!tpu.dma_semaphore, #tpu.memory_space<semaphore_mem>>) src(%arg27 : memref<128x64xf32, #tpu.memory_space<vmem>>) dst(%dma_wait3A_522 : memref<128x64xf32, #tpu.memory_space<hbm>>)
      tpu.yield
    }) : () -> ()
    %add3A_100 = arith.constant 384 : i32
    %add3A_101 = arith.addi %mul3A_2, %add3A_100 : i32
    "tpu.region"() ({
      %run_scoped3A_516 = tpu.sem_alloc : memref<!tpu.dma_semaphore, #tpu.memory_space<semaphore_mem>>
      %dma_start3A = arith.constant 0 : i32
      %dma_start3A_517 = tpu.memref_slice %arg22[%add3A_101, %dma_start3A] : memref<16384x64xf32, #tpu.memory_space<hbm>> -> memref<128x64xf32, #tpu.memory_space<hbm>>
      %dma_start3A_518 = arith.constant 0 : i32
      %dma_start3A_519 = tpu.memref_slice %arg22[%add3A_101, %dma_start3A_518] : memref<16384x64xf32, #tpu.memory_space<hbm>> -> memref<128x64xf32, #tpu.memory_space<hbm>>
      tpu.enqueue_dma source(%arg27 : memref<128x64xf32, #tpu.memory_space<vmem>>) target(%dma_start3A_519 : memref<128x64xf32, #tpu.memory_space<hbm>>) target_semaphore(%run_scoped3A_516 : memref<!tpu.dma_semaphore, #tpu.memory_space<semaphore_mem>>)
      %dma_wait3A = arith.constant 0 : i32
      %dma_wait3A_520 = tpu.memref_slice %arg22[%add3A_101, %dma_wait3A] : memref<16384x64xf32, #tpu.memory_space<hbm>> -> memref<128x64xf32, #tpu.memory_space<hbm>>
      %dma_wait3A_521 = arith.constant 0 : i32
      %dma_wait3A_522 = tpu.memref_slice %arg22[%add3A_101, %dma_wait3A_521] : memref<16384x64xf32, #tpu.memory_space<hbm>> -> memref<128x64xf32, #tpu.memory_space<hbm>>
      tpu.wait_dma2 semaphore(%run_scoped3A_516 : memref<!tpu.dma_semaphore, #tpu.memory_space<semaphore_mem>>) src(%arg27 : memref<128x64xf32, #tpu.memory_space<vmem>>) dst(%dma_wait3A_522 : memref<128x64xf32, #tpu.memory_space<hbm>>)
      tpu.yield
    }) : () -> ()
    %get3A_102 = arith.constant 3 : i32
    %get3A_103 = arith.index_cast %get3A_102 : i32 to index
    %get3A_104 = arith.constant 0 : index
    %get3A_105 = tpu.vector_load %arg29[%get3A_103, %get3A_104] {strides = array<i32>} : memref<5x64xf32, #tpu.memory_space<vmem>>, vector<1x16xf32>,
    %get3A_106 = vector.shape_cast %get3A_105 : vector<1x16xf32> to vector<16xf32>
    %get3A_107 = arith.constant 3 : i32
    %get3A_108 = arith.index_cast %get3A_107 : i32 to index
    %get3A_109 = arith.constant 16 : index
    %get3A_110 = tpu.vector_load %arg29[%get3A_108, %get3A_109] {strides = array<i32>} : memref<5x64xf32, #tpu.memory_space<vmem>>, vector<1x16xf32>,
    %get3A_111 = vector.shape_cast %get3A_110 : vector<1x16xf32> to vector<16xf32>
    %get3A_112 = arith.constant 3 : i32
    %get3A_113 = arith.index_cast %get3A_112 : i32 to index
    %get3A_114 = arith.constant 32 : index
    %get3A_115 = tpu.vector_load %arg29[%get3A_113, %get3A_114] {strides = array<i32>} : memref<5x64xf32, #tpu.memory_space<vmem>>, vector<1x16xf32>,
    %get3A_116 = vector.shape_cast %get3A_115 : vector<1x16xf32> to vector<16xf32>
    %get3A_117 = arith.constant 3 : i32
    %get3A_118 = arith.index_cast %get3A_117 : i32 to index
    %get3A_119 = arith.constant 48 : index
    %get3A_120 = tpu.vector_load %arg29[%get3A_118, %get3A_119] {strides = array<i32>} : memref<5x64xf32, #tpu.memory_space<vmem>>, vector<1x16xf32>,
    %get3A_121 = vector.shape_cast %get3A_120 : vector<1x16xf32> to vector<16xf32>
    %parallel_loop3A_122 = arith.constant 0 : i32
    %parallel_loop3A_123 = arith.constant 128 : i32
    %parallel_loop3A_124 = arith.constant 1 : i32
    scf.for %parallel_loop3A_516 = %parallel_loop3A_122 to %parallel_loop3A_123 step %parallel_loop3A_124  : i32 {
      %parallel_loop3A_517 = arith.index_cast %parallel_loop3A_516 : i32 to index
      %parallel_loop3A_518 = arith.constant 0 : index
      %parallel_loop3A_519 = tpu.vector_load %arg27[%parallel_loop3A_517, %parallel_loop3A_518] {strides = array<i32>} : memref<128x64xf32, #tpu.memory_space<vmem>>, vector<1x16xf32>,
      %parallel_loop3A_520 = vector.shape_cast %parallel_loop3A_519 : vector<1x16xf32> to vector<16xf32>
      %parallel_loop3A_521 = vector.shape_cast %get3A_106 : vector<16xf32> to vector<1x16xf32>
      tpu.vector_store %arg27[%parallel_loop3A_517, %parallel_loop3A_518], %parallel_loop3A_521 {strides = array<i32>} : memref<128x64xf32, #tpu.memory_space<vmem>>, vector<1x16xf32>,
      %parallel_loop3A_522 = arith.index_cast %parallel_loop3A_516 : i32 to index
      %parallel_loop3A_523 = arith.constant 16 : index
      %parallel_loop3A_524 = tpu.vector_load %arg27[%parallel_loop3A_522, %parallel_loop3A_523] {strides = array<i32>} : memref<128x64xf32, #tpu.memory_space<vmem>>, vector<1x16xf32>,
      %parallel_loop3A_525 = vector.shape_cast %parallel_loop3A_524 : vector<1x16xf32> to vector<16xf32>
      %parallel_loop3A_526 = vector.shape_cast %get3A_111 : vector<16xf32> to vector<1x16xf32>
      tpu.vector_store %arg27[%parallel_loop3A_522, %parallel_loop3A_523], %parallel_loop3A_526 {strides = array<i32>} : memref<128x64xf32, #tpu.memory_space<vmem>>, vector<1x16xf32>,
      %parallel_loop3A_527 = arith.index_cast %parallel_loop3A_516 : i32 to index
      %parallel_loop3A_528 = arith.constant 32 : index
      %parallel_loop3A_529 = tpu.vector_load %arg27[%parallel_loop3A_527, %parallel_loop3A_528] {strides = array<i32>} : memref<128x64xf32, #tpu.memory_space<vmem>>, vector<1x16xf32>,
      %parallel_loop3A_530 = vector.shape_cast %parallel_loop3A_529 : vector<1x16xf32> to vector<16xf32>
      %parallel_loop3A_531 = vector.shape_cast %get3A_116 : vector<16xf32> to vector<1x16xf32>
      tpu.vector_store %arg27[%parallel_loop3A_527, %parallel_loop3A_528], %parallel_loop3A_531 {strides = array<i32>} : memref<128x64xf32, #tpu.memory_space<vmem>>, vector<1x16xf32>,
      %parallel_loop3A_532 = arith.index_cast %parallel_loop3A_516 : i32 to index
      %parallel_loop3A_533 = arith.constant 48 : index
      %parallel_loop3A_534 = tpu.vector_load %arg27[%parallel_loop3A_532, %parallel_loop3A_533] {strides = array<i32>} : memref<128x64xf32, #tpu.memory_space<vmem>>, vector<1x16xf32>,
      %parallel_loop3A_535 = vector.shape_cast %parallel_loop3A_534 : vector<1x16xf32> to vector<16xf32>
      %parallel_loop3A_536 = vector.shape_cast %get3A_121 : vector<16xf32> to vector<1x16xf32>
      tpu.vector_store %arg27[%parallel_loop3A_532, %parallel_loop3A_533], %parallel_loop3A_536 {strides = array<i32>} : memref<128x64xf32, #tpu.memory_space<vmem>>, vector<1x16xf32>,
    } {sc.loop_unroll_factor = 4 : i64, sc.parallel_access}
    %add3A_125 = arith.constant 0 : i32
    %add3A_126 = arith.addi %mul3A_2, %add3A_125 : i32
    "tpu.region"() ({
      %run_scoped3A_516 = tpu.sem_alloc : memref<!tpu.dma_semaphore, #tpu.memory_space<semaphore_mem>>
      %dma_start3A = arith.constant 0 : i32
      %dma_start3A_517 = tpu.memref_slice %arg23[%add3A_126, %dma_start3A] : memref<16384x64xf32, #tpu.memory_space<hbm>> -> memref<128x64xf32, #tpu.memory_space<hbm>>
      %dma_start3A_518 = arith.constant 0 : i32
      %dma_start3A_519 = tpu.memref_slice %arg23[%add3A_126, %dma_start3A_518] : memref<16384x64xf32, #tpu.memory_space<hbm>> -> memref<128x64xf32, #tpu.memory_space<hbm>>
      tpu.enqueue_dma source(%arg27 : memref<128x64xf32, #tpu.memory_space<vmem>>) target(%dma_start3A_519 : memref<128x64xf32, #tpu.memory_space<hbm>>) target_semaphore(%run_scoped3A_516 : memref<!tpu.dma_semaphore, #tpu.memory_space<semaphore_mem>>)
      %dma_wait3A = arith.constant 0 : i32
      %dma_wait3A_520 = tpu.memref_slice %arg23[%add3A_126, %dma_wait3A] : memref<16384x64xf32, #tpu.memory_space<hbm>> -> memref<128x64xf32, #tpu.memory_space<hbm>>
      %dma_wait3A_521 = arith.constant 0 : i32
      %dma_wait3A_522 = tpu.memref_slice %arg23[%add3A_126, %dma_wait3A_521] : memref<16384x64xf32, #tpu.memory_space<hbm>> -> memref<128x64xf32, #tpu.memory_space<hbm>>
      tpu.wait_dma2 semaphore(%run_scoped3A_516 : memref<!tpu.dma_semaphore, #tpu.memory_space<semaphore_mem>>) src(%arg27 : memref<128x64xf32, #tpu.memory_space<vmem>>) dst(%dma_wait3A_522 : memref<128x64xf32, #tpu.memory_space<hbm>>)
      tpu.yield
    }) : () -> ()
    %add3A_127 = arith.constant 128 : i32
    %add3A_128 = arith.addi %mul3A_2, %add3A_127 : i32
    "tpu.region"() ({
      %run_scoped3A_516 = tpu.sem_alloc : memref<!tpu.dma_semaphore, #tpu.memory_space<semaphore_mem>>
      %dma_start3A = arith.constant 0 : i32
      %dma_start3A_517 = tpu.memref_slice %arg23[%add3A_128, %dma_start3A] : memref<16384x64xf32, #tpu.memory_space<hbm>> -> memref<128x64xf32, #tpu.memory_space<hbm>>
      %dma_start3A_518 = arith.constant 0 : i32
      %dma_start3A_519 = tpu.memref_slice %arg23[%add3A_128, %dma_start3A_518] : memref<16384x64xf32, #tpu.memory_space<hbm>> -> memref<128x64xf32, #tpu.memory_space<hbm>>
      tpu.enqueue_dma source(%arg27 : memref<128x64xf32, #tpu.memory_space<vmem>>) target(%dma_start3A_519 : memref<128x64xf32, #tpu.memory_space<hbm>>) target_semaphore(%run_scoped3A_516 : memref<!tpu.dma_semaphore, #tpu.memory_space<semaphore_mem>>)
      %dma_wait3A = arith.constant 0 : i32
      %dma_wait3A_520 = tpu.memref_slice %arg23[%add3A_128, %dma_wait3A] : memref<16384x64xf32, #tpu.memory_space<hbm>> -> memref<128x64xf32, #tpu.memory_space<hbm>>
      %dma_wait3A_521 = arith.constant 0 : i32
      %dma_wait3A_522 = tpu.memref_slice %arg23[%add3A_128, %dma_wait3A_521] : memref<16384x64xf32, #tpu.memory_space<hbm>> -> memref<128x64xf32, #tpu.memory_space<hbm>>
      tpu.wait_dma2 semaphore(%run_scoped3A_516 : memref<!tpu.dma_semaphore, #tpu.memory_space<semaphore_mem>>) src(%arg27 : memref<128x64xf32, #tpu.memory_space<vmem>>) dst(%dma_wait3A_522 : memref<128x64xf32, #tpu.memory_space<hbm>>)
      tpu.yield
    }) : () -> ()
    %add3A_129 = arith.constant 256 : i32
    %add3A_130 = arith.addi %mul3A_2, %add3A_129 : i32
    "tpu.region"() ({
      %run_scoped3A_516 = tpu.sem_alloc : memref<!tpu.dma_semaphore, #tpu.memory_space<semaphore_mem>>
      %dma_start3A = arith.constant 0 : i32
      %dma_start3A_517 = tpu.memref_slice %arg23[%add3A_130, %dma_start3A] : memref<16384x64xf32, #tpu.memory_space<hbm>> -> memref<128x64xf32, #tpu.memory_space<hbm>>
      %dma_start3A_518 = arith.constant 0 : i32
      %dma_start3A_519 = tpu.memref_slice %arg23[%add3A_130, %dma_start3A_518] : memref<16384x64xf32, #tpu.memory_space<hbm>> -> memref<128x64xf32, #tpu.memory_space<hbm>>
      tpu.enqueue_dma source(%arg27 : memref<128x64xf32, #tpu.memory_space<vmem>>) target(%dma_start3A_519 : memref<128x64xf32, #tpu.memory_space<hbm>>) target_semaphore(%run_scoped3A_516 : memref<!tpu.dma_semaphore, #tpu.memory_space<semaphore_mem>>)
      %dma_wait3A = arith.constant 0 : i32
      %dma_wait3A_520 = tpu.memref_slice %arg23[%add3A_130, %dma_wait3A] : memref<16384x64xf32, #tpu.memory_space<hbm>> -> memref<128x64xf32, #tpu.memory_space<hbm>>
      %dma_wait3A_521 = arith.constant 0 : i32
      %dma_wait3A_522 = tpu.memref_slice %arg23[%add3A_130, %dma_wait3A_521] : memref<16384x64xf32, #tpu.memory_space<hbm>> -> memref<128x64xf32, #tpu.memory_space<hbm>>
      tpu.wait_dma2 semaphore(%run_scoped3A_516 : memref<!tpu.dma_semaphore, #tpu.memory_space<semaphore_mem>>) src(%arg27 : memref<128x64xf32, #tpu.memory_space<vmem>>) dst(%dma_wait3A_522 : memref<128x64xf32, #tpu.memory_space<hbm>>)
      tpu.yield
    }) : () -> ()
    %add3A_131 = arith.constant 384 : i32
    %add3A_132 = arith.addi %mul3A_2, %add3A_131 : i32
    "tpu.region"() ({
      %run_scoped3A_516 = tpu.sem_alloc : memref<!tpu.dma_semaphore, #tpu.memory_space<semaphore_mem>>
      %dma_start3A = arith.constant 0 : i32
      %dma_start3A_517 = tpu.memref_slice %arg23[%add3A_132, %dma_start3A] : memref<16384x64xf32, #tpu.memory_space<hbm>> -> memref<128x64xf32, #tpu.memory_space<hbm>>
      %dma_start3A_518 = arith.constant 0 : i32
      %dma_start3A_519 = tpu.memref_slice %arg23[%add3A_132, %dma_start3A_518] : memref<16384x64xf32, #tpu.memory_space<hbm>> -> memref<128x64xf32, #tpu.memory_space<hbm>>
      tpu.enqueue_dma source(%arg27 : memref<128x64xf32, #tpu.memory_space<vmem>>) target(%dma_start3A_519 : memref<128x64xf32, #tpu.memory_space<hbm>>) target_semaphore(%run_scoped3A_516 : memref<!tpu.dma_semaphore, #tpu.memory_space<semaphore_mem>>)
      %dma_wait3A = arith.constant 0 : i32
      %dma_wait3A_520 = tpu.memref_slice %arg23[%add3A_132, %dma_wait3A] : memref<16384x64xf32, #tpu.memory_space<hbm>> -> memref<128x64xf32, #tpu.memory_space<hbm>>
      %dma_wait3A_521 = arith.constant 0 : i32
      %dma_wait3A_522 = tpu.memref_slice %arg23[%add3A_132, %dma_wait3A_521] : memref<16384x64xf32, #tpu.memory_space<hbm>> -> memref<128x64xf32, #tpu.memory_space<hbm>>
      tpu.wait_dma2 semaphore(%run_scoped3A_516 : memref<!tpu.dma_semaphore, #tpu.memory_space<semaphore_mem>>) src(%arg27 : memref<128x64xf32, #tpu.memory_space<vmem>>) dst(%dma_wait3A_522 : memref<128x64xf32, #tpu.memory_space<hbm>>)
      tpu.yield
    }) : () -> ()
    %get3A_133 = arith.constant 4 : i32
    %get3A_134 = arith.index_cast %get3A_133 : i32 to index
    %get3A_135 = arith.constant 0 : index
    %get3A_136 = tpu.vector_load %arg29[%get3A_134, %get3A_135] {strides = array<i32>} : memref<5x64xf32, #tpu.memory_space<vmem>>, vector<1x16xf32>,
    %get3A_137 = vector.shape_cast %get3A_136 : vector<1x16xf32> to vector<16xf32>
    %get3A_138 = arith.constant 4 : i32
    %get3A_139 = arith.index_cast %get3A_138 : i32 to index
    %get3A_140 = arith.constant 16 : index
    %get3A_141 = tpu.vector_load %arg29[%get3A_139, %get3A_140] {strides = array<i32>} : memref<5x64xf32, #tpu.memory_space<vmem>>, vector<1x16xf32>,
    %get3A_142 = vector.shape_cast %get3A_141 : vector<1x16xf32> to vector<16xf32>
    %get3A_143 = arith.constant 4 : i32
    %get3A_144 = arith.index_cast %get3A_143 : i32 to index
    %get3A_145 = arith.constant 32 : index
    %get3A_146 = tpu.vector_load %arg29[%get3A_144, %get3A_145] {strides = array<i32>} : memref<5x64xf32, #tpu.memory_space<vmem>>, vector<1x16xf32>,
    %get3A_147 = vector.shape_cast %get3A_146 : vector<1x16xf32> to vector<16xf32>
    %get3A_148 = arith.constant 4 : i32
    %get3A_149 = arith.index_cast %get3A_148 : i32 to index
    %get3A_150 = arith.constant 48 : index
    %get3A_151 = tpu.vector_load %arg29[%get3A_149, %get3A_150] {strides = array<i32>} : memref<5x64xf32, #tpu.memory_space<vmem>>, vector<1x16xf32>,
    %get3A_152 = vector.shape_cast %get3A_151 : vector<1x16xf32> to vector<16xf32>
    %parallel_loop3A_153 = arith.constant 0 : i32
    %parallel_loop3A_154 = arith.constant 128 : i32
    %parallel_loop3A_155 = arith.constant 1 : i32
    scf.for %parallel_loop3A_516 = %parallel_loop3A_153 to %parallel_loop3A_154 step %parallel_loop3A_155  : i32 {
      %parallel_loop3A_517 = arith.index_cast %parallel_loop3A_516 : i32 to index
      %parallel_loop3A_518 = arith.constant 0 : index
      %parallel_loop3A_519 = tpu.vector_load %arg27[%parallel_loop3A_517, %parallel_loop3A_518] {strides = array<i32>} : memref<128x64xf32, #tpu.memory_space<vmem>>, vector<1x16xf32>,
      %parallel_loop3A_520 = vector.shape_cast %parallel_loop3A_519 : vector<1x16xf32> to vector<16xf32>
      %parallel_loop3A_521 = vector.shape_cast %get3A_137 : vector<16xf32> to vector<1x16xf32>
      tpu.vector_store %arg27[%parallel_loop3A_517, %parallel_loop3A_518], %parallel_loop3A_521 {strides = array<i32>} : memref<128x64xf32, #tpu.memory_space<vmem>>, vector<1x16xf32>,
      %parallel_loop3A_522 = arith.index_cast %parallel_loop3A_516 : i32 to index
      %parallel_loop3A_523 = arith.constant 16 : index
      %parallel_loop3A_524 = tpu.vector_load %arg27[%parallel_loop3A_522, %parallel_loop3A_523] {strides = array<i32>} : memref<128x64xf32, #tpu.memory_space<vmem>>, vector<1x16xf32>,
      %parallel_loop3A_525 = vector.shape_cast %parallel_loop3A_524 : vector<1x16xf32> to vector<16xf32>
      %parallel_loop3A_526 = vector.shape_cast %get3A_142 : vector<16xf32> to vector<1x16xf32>
      tpu.vector_store %arg27[%parallel_loop3A_522, %parallel_loop3A_523], %parallel_loop3A_526 {strides = array<i32>} : memref<128x64xf32, #tpu.memory_space<vmem>>, vector<1x16xf32>,
      %parallel_loop3A_527 = arith.index_cast %parallel_loop3A_516 : i32 to index
      %parallel_loop3A_528 = arith.constant 32 : index
      %parallel_loop3A_529 = tpu.vector_load %arg27[%parallel_loop3A_527, %parallel_loop3A_528] {strides = array<i32>} : memref<128x64xf32, #tpu.memory_space<vmem>>, vector<1x16xf32>,
      %parallel_loop3A_530 = vector.shape_cast %parallel_loop3A_529 : vector<1x16xf32> to vector<16xf32>
      %parallel_loop3A_531 = vector.shape_cast %get3A_147 : vector<16xf32> to vector<1x16xf32>
      tpu.vector_store %arg27[%parallel_loop3A_527, %parallel_loop3A_528], %parallel_loop3A_531 {strides = array<i32>} : memref<128x64xf32, #tpu.memory_space<vmem>>, vector<1x16xf32>,
      %parallel_loop3A_532 = arith.index_cast %parallel_loop3A_516 : i32 to index
      %parallel_loop3A_533 = arith.constant 48 : index
      %parallel_loop3A_534 = tpu.vector_load %arg27[%parallel_loop3A_532, %parallel_loop3A_533] {strides = array<i32>} : memref<128x64xf32, #tpu.memory_space<vmem>>, vector<1x16xf32>,
      %parallel_loop3A_535 = vector.shape_cast %parallel_loop3A_534 : vector<1x16xf32> to vector<16xf32>
      %parallel_loop3A_536 = vector.shape_cast %get3A_152 : vector<16xf32> to vector<1x16xf32>
      tpu.vector_store %arg27[%parallel_loop3A_532, %parallel_loop3A_533], %parallel_loop3A_536 {strides = array<i32>} : memref<128x64xf32, #tpu.memory_space<vmem>>, vector<1x16xf32>,
    } {sc.loop_unroll_factor = 4 : i64, sc.parallel_access}
    %add3A_156 = arith.constant 0 : i32
    %add3A_157 = arith.addi %mul3A_2, %add3A_156 : i32
    "tpu.region"() ({
      %run_scoped3A_516 = tpu.sem_alloc : memref<!tpu.dma_semaphore, #tpu.memory_space<semaphore_mem>>
      %dma_start3A = arith.constant 0 : i32
      %dma_start3A_517 = tpu.memref_slice %arg24[%add3A_157, %dma_start3A] : memref<16384x64xf32, #tpu.memory_space<hbm>> -> memref<128x64xf32, #tpu.memory_space<hbm>>
      %dma_start3A_518 = arith.constant 0 : i32
      %dma_start3A_519 = tpu.memref_slice %arg24[%add3A_157, %dma_start3A_518] : memref<16384x64xf32, #tpu.memory_space<hbm>> -> memref<128x64xf32, #tpu.memory_space<hbm>>
      tpu.enqueue_dma source(%arg27 : memref<128x64xf32, #tpu.memory_space<vmem>>) target(%dma_start3A_519 : memref<128x64xf32, #tpu.memory_space<hbm>>) target_semaphore(%run_scoped3A_516 : memref<!tpu.dma_semaphore, #tpu.memory_space<semaphore_mem>>)
      %dma_wait3A = arith.constant 0 : i32
      %dma_wait3A_520 = tpu.memref_slice %arg24[%add3A_157, %dma_wait3A] : memref<16384x64xf32, #tpu.memory_space<hbm>> -> memref<128x64xf32, #tpu.memory_space<hbm>>
      %dma_wait3A_521 = arith.constant 0 : i32
      %dma_wait3A_522 = tpu.memref_slice %arg24[%add3A_157, %dma_wait3A_521] : memref<16384x64xf32, #tpu.memory_space<hbm>> -> memref<128x64xf32, #tpu.memory_space<hbm>>
      tpu.wait_dma2 semaphore(%run_scoped3A_516 : memref<!tpu.dma_semaphore, #tpu.memory_space<semaphore_mem>>) src(%arg27 : memref<128x64xf32, #tpu.memory_space<vmem>>) dst(%dma_wait3A_522 : memref<128x64xf32, #tpu.memory_space<hbm>>)
      tpu.yield
    }) : () -> ()
    %add3A_158 = arith.constant 128 : i32
    %add3A_159 = arith.addi %mul3A_2, %add3A_158 : i32
    "tpu.region"() ({
      %run_scoped3A_516 = tpu.sem_alloc : memref<!tpu.dma_semaphore, #tpu.memory_space<semaphore_mem>>
      %dma_start3A = arith.constant 0 : i32
      %dma_start3A_517 = tpu.memref_slice %arg24[%add3A_159, %dma_start3A] : memref<16384x64xf32, #tpu.memory_space<hbm>> -> memref<128x64xf32, #tpu.memory_space<hbm>>
      %dma_start3A_518 = arith.constant 0 : i32
      %dma_start3A_519 = tpu.memref_slice %arg24[%add3A_159, %dma_start3A_518] : memref<16384x64xf32, #tpu.memory_space<hbm>> -> memref<128x64xf32, #tpu.memory_space<hbm>>
      tpu.enqueue_dma source(%arg27 : memref<128x64xf32, #tpu.memory_space<vmem>>) target(%dma_start3A_519 : memref<128x64xf32, #tpu.memory_space<hbm>>) target_semaphore(%run_scoped3A_516 : memref<!tpu.dma_semaphore, #tpu.memory_space<semaphore_mem>>)
      %dma_wait3A = arith.constant 0 : i32
      %dma_wait3A_520 = tpu.memref_slice %arg24[%add3A_159, %dma_wait3A] : memref<16384x64xf32, #tpu.memory_space<hbm>> -> memref<128x64xf32, #tpu.memory_space<hbm>>
      %dma_wait3A_521 = arith.constant 0 : i32
      %dma_wait3A_522 = tpu.memref_slice %arg24[%add3A_159, %dma_wait3A_521] : memref<16384x64xf32, #tpu.memory_space<hbm>> -> memref<128x64xf32, #tpu.memory_space<hbm>>
      tpu.wait_dma2 semaphore(%run_scoped3A_516 : memref<!tpu.dma_semaphore, #tpu.memory_space<semaphore_mem>>) src(%arg27 : memref<128x64xf32, #tpu.memory_space<vmem>>) dst(%dma_wait3A_522 : memref<128x64xf32, #tpu.memory_space<hbm>>)
      tpu.yield
    }) : () -> ()
    %add3A_160 = arith.constant 256 : i32
    %add3A_161 = arith.addi %mul3A_2, %add3A_160 : i32
    "tpu.region"() ({
      %run_scoped3A_516 = tpu.sem_alloc : memref<!tpu.dma_semaphore, #tpu.memory_space<semaphore_mem>>
      %dma_start3A = arith.constant 0 : i32
      %dma_start3A_517 = tpu.memref_slice %arg24[%add3A_161, %dma_start3A] : memref<16384x64xf32, #tpu.memory_space<hbm>> -> memref<128x64xf32, #tpu.memory_space<hbm>>
      %dma_start3A_518 = arith.constant 0 : i32
      %dma_start3A_519 = tpu.memref_slice %arg24[%add3A_161, %dma_start3A_518] : memref<16384x64xf32, #tpu.memory_space<hbm>> -> memref<128x64xf32, #tpu.memory_space<hbm>>
      tpu.enqueue_dma source(%arg27 : memref<128x64xf32, #tpu.memory_space<vmem>>) target(%dma_start3A_519 : memref<128x64xf32, #tpu.memory_space<hbm>>) target_semaphore(%run_scoped3A_516 : memref<!tpu.dma_semaphore, #tpu.memory_space<semaphore_mem>>)
      %dma_wait3A = arith.constant 0 : i32
      %dma_wait3A_520 = tpu.memref_slice %arg24[%add3A_161, %dma_wait3A] : memref<16384x64xf32, #tpu.memory_space<hbm>> -> memref<128x64xf32, #tpu.memory_space<hbm>>
      %dma_wait3A_521 = arith.constant 0 : i32
      %dma_wait3A_522 = tpu.memref_slice %arg24[%add3A_161, %dma_wait3A_521] : memref<16384x64xf32, #tpu.memory_space<hbm>> -> memref<128x64xf32, #tpu.memory_space<hbm>>
      tpu.wait_dma2 semaphore(%run_scoped3A_516 : memref<!tpu.dma_semaphore, #tpu.memory_space<semaphore_mem>>) src(%arg27 : memref<128x64xf32, #tpu.memory_space<vmem>>) dst(%dma_wait3A_522 : memref<128x64xf32, #tpu.memory_space<hbm>>)
      tpu.yield
    }) : () -> ()
    %add3A_162 = arith.constant 384 : i32
    %add3A_163 = arith.addi %mul3A_2, %add3A_162 : i32
    "tpu.region"() ({
      %run_scoped3A_516 = tpu.sem_alloc : memref<!tpu.dma_semaphore, #tpu.memory_space<semaphore_mem>>
      %dma_start3A = arith.constant 0 : i32
      %dma_start3A_517 = tpu.memref_slice %arg24[%add3A_163, %dma_start3A] : memref<16384x64xf32, #tpu.memory_space<hbm>> -> memref<128x64xf32, #tpu.memory_space<hbm>>
      %dma_start3A_518 = arith.constant 0 : i32
      %dma_start3A_519 = tpu.memref_slice %arg24[%add3A_163, %dma_start3A_518] : memref<16384x64xf32, #tpu.memory_space<hbm>> -> memref<128x64xf32, #tpu.memory_space<hbm>>
      tpu.enqueue_dma source(%arg27 : memref<128x64xf32, #tpu.memory_space<vmem>>) target(%dma_start3A_519 : memref<128x64xf32, #tpu.memory_space<hbm>>) target_semaphore(%run_scoped3A_516 : memref<!tpu.dma_semaphore, #tpu.memory_space<semaphore_mem>>)
      %dma_wait3A = arith.constant 0 : i32
      %dma_wait3A_520 = tpu.memref_slice %arg24[%add3A_163, %dma_wait3A] : memref<16384x64xf32, #tpu.memory_space<hbm>> -> memref<128x64xf32, #tpu.memory_space<hbm>>
      %dma_wait3A_521 = arith.constant 0 : i32
      %dma_wait3A_522 = tpu.memref_slice %arg24[%add3A_163, %dma_wait3A_521] : memref<16384x64xf32, #tpu.memory_space<hbm>> -> memref<128x64xf32, #tpu.memory_space<hbm>>
      tpu.wait_dma2 semaphore(%run_scoped3A_516 : memref<!tpu.dma_semaphore, #tpu.memory_space<semaphore_mem>>) src(%arg27 : memref<128x64xf32, #tpu.memory_space<vmem>>) dst(%dma_wait3A_522 : memref<128x64xf32, #tpu.memory_space<hbm>>)
      tpu.yield
    }) : () -> ()
    %parallel_loop3A_164 = arith.constant 0 : i32
    %parallel_loop3A_165 = arith.constant 512 : i32
    %parallel_loop3A_166 = arith.constant 1 : i32
    scf.for %parallel_loop3A_516 = %parallel_loop3A_164 to %parallel_loop3A_165 step %parallel_loop3A_166  : i32 {
      %parallel_loop3A_517 = arith.constant 0 : i32
      %parallel_loop3A_518 = arith.constant 0 : i32
      %parallel_loop3A_519 = tpu.memref_slice %arg26[%parallel_loop3A_517, %parallel_loop3A_518] : memref<512x64xf32, #tpu.memory_space<vmem>> -> memref<1x64xf32, #tpu.memory_space<vmem>>
      %parallel_loop3A_520 = arith.constant 0 : i32
      %parallel_loop3A_521 = arith.constant 0 : i32
      %parallel_loop3A_522 = tpu.memref_slice %arg8[%parallel_loop3A_520, %parallel_loop3A_521] : memref<100000x64xf32, #tpu.memory_space<hbm>> -> memref<1x64xf32, #tpu.memory_space<hbm>>
      %parallel_loop3A_523 = arith.constant 0 : i32
      %parallel_loop3A_524 = arith.constant 0 : i32
      %parallel_loop3A_525 = tpu.memref_slice %arg26[%parallel_loop3A_523, %parallel_loop3A_524] : memref<512x64xf32, #tpu.memory_space<vmem>> -> memref<1x64xf32, #tpu.memory_space<vmem>>
      %parallel_loop3A_526 = arith.constant 0 : i32
      %parallel_loop3A_527 = arith.constant 0 : i32
      %parallel_loop3A_528 = tpu.memref_slice %arg8[%parallel_loop3A_526, %parallel_loop3A_527] : memref<100000x64xf32, #tpu.memory_space<hbm>> -> memref<1x64xf32, #tpu.memory_space<hbm>>
      tpu.wait_dma2 semaphore(%arg30 : memref<!tpu.dma_semaphore, #tpu.memory_space<semaphore_mem>>) src(%parallel_loop3A_528 : memref<1x64xf32, #tpu.memory_space<hbm>>) dst(%parallel_loop3A_525 : memref<1x64xf32, #tpu.memory_space<vmem>>)
    } {sc.loop_unroll_factor = 8 : i64, sc.parallel_access}
    "tpu.region"() ({
      %run_scoped3A_516 = tpu.sem_alloc : memref<!tpu.dma_semaphore, #tpu.memory_space<semaphore_mem>>
      %dma_start3A = arith.constant 0 : i32
      %dma_start3A_517 = tpu.memref_slice %arg14[%mul3A_2, %dma_start3A] : memref<16384x64xf32, #tpu.memory_space<hbm>> -> memref<512x64xf32, #tpu.memory_space<hbm>>
      %dma_start3A_518 = arith.constant 0 : i32
      %dma_start3A_519 = tpu.memref_slice %arg14[%mul3A_2, %dma_start3A_518] : memref<16384x64xf32, #tpu.memory_space<hbm>> -> memref<512x64xf32, #tpu.memory_space<hbm>>
      tpu.enqueue_dma source(%arg26 : memref<512x64xf32, #tpu.memory_space<vmem>>) target(%dma_start3A_519 : memref<512x64xf32, #tpu.memory_space<hbm>>) target_semaphore(%run_scoped3A_516 : memref<!tpu.dma_semaphore, #tpu.memory_space<semaphore_mem>>)
      %dma_wait3A = arith.constant 0 : i32
      %dma_wait3A_520 = tpu.memref_slice %arg14[%mul3A_2, %dma_wait3A] : memref<16384x64xf32, #tpu.memory_space<hbm>> -> memref<512x64xf32, #tpu.memory_space<hbm>>
      %dma_wait3A_521 = arith.constant 0 : i32
      %dma_wait3A_522 = tpu.memref_slice %arg14[%mul3A_2, %dma_wait3A_521] : memref<16384x64xf32, #tpu.memory_space<hbm>> -> memref<512x64xf32, #tpu.memory_space<hbm>>
      tpu.wait_dma2 semaphore(%run_scoped3A_516 : memref<!tpu.dma_semaphore, #tpu.memory_space<semaphore_mem>>) src(%arg26 : memref<512x64xf32, #tpu.memory_space<vmem>>) dst(%dma_wait3A_522 : memref<512x64xf32, #tpu.memory_space<hbm>>)
      tpu.yield
    }) : () -> ()
    %parallel_loop3A_167 = arith.constant 0 : i32
    %parallel_loop3A_168 = arith.constant 512 : i32
    %parallel_loop3A_169 = arith.constant 16 : i32
    scf.for %parallel_loop3A_516 = %parallel_loop3A_167 to %parallel_loop3A_168 step %parallel_loop3A_169  : i32 {
      %parallel_loop3A_517 = arith.constant 1 : i32
      %parallel_loop3A_518 = arith.index_cast %parallel_loop3A_517 : i32 to index
      %parallel_loop3A_519 = arith.index_cast %parallel_loop3A_516 : i32 to index
      %parallel_loop3A_520 = tpu.vector_load %arg25[%parallel_loop3A_518, %parallel_loop3A_519] {strides = array<i32>} : memref<6x512xi32, #tpu.memory_space<vmem>>, vector<1x16xi32>,
      %parallel_loop3A_521 = vector.shape_cast %parallel_loop3A_520 : vector<1x16xi32> to vector<16xi32>
      %parallel_loop3A_522 = vector.extract_strided_slice %parallel_loop3A_521 {offsets = [0], sizes = [1], strides = [1]} : vector<16xi32> to vector<1xi32>
      %parallel_loop3A_523 = vector.extract %parallel_loop3A_522[0] : i32 from vector<1xi32>
      %parallel_loop3A_524 = arith.constant 0 : i32
      %parallel_loop3A_525 = arith.addi %parallel_loop3A_516, %parallel_loop3A_524 : i32
      %parallel_loop3A_526 = arith.constant 0 : i32
      %parallel_loop3A_527 = tpu.memref_slice %arg26[%parallel_loop3A_525, %parallel_loop3A_526] : memref<512x64xf32, #tpu.memory_space<vmem>> -> memref<1x64xf32, #tpu.memory_space<vmem>>
      %parallel_loop3A_528 = arith.constant 0 : i32
      %parallel_loop3A_529 = tpu.memref_slice %arg11[%parallel_loop3A_523, %parallel_loop3A_528] : memref<1000000x64xf32, #tpu.memory_space<hbm>> -> memref<1x64xf32, #tpu.memory_space<hbm>>
      %parallel_loop3A_530 = arith.constant 0 : i32
      %parallel_loop3A_531 = tpu.memref_slice %arg26[%parallel_loop3A_525, %parallel_loop3A_530] : memref<512x64xf32, #tpu.memory_space<vmem>> -> memref<1x64xf32, #tpu.memory_space<vmem>>
      %parallel_loop3A_532 = arith.constant 0 : i32
      %parallel_loop3A_533 = tpu.memref_slice %arg11[%parallel_loop3A_523, %parallel_loop3A_532] : memref<1000000x64xf32, #tpu.memory_space<hbm>> -> memref<1x64xf32, #tpu.memory_space<hbm>>
      tpu.enqueue_dma source(%parallel_loop3A_533 : memref<1x64xf32, #tpu.memory_space<hbm>>) target(%parallel_loop3A_531 : memref<1x64xf32, #tpu.memory_space<vmem>>) target_semaphore(%arg30 : memref<!tpu.dma_semaphore, #tpu.memory_space<semaphore_mem>>)
      %parallel_loop3A_534 = vector.extract_strided_slice %parallel_loop3A_521 {offsets = [1], sizes = [1], strides = [1]} : vector<16xi32> to vector<1xi32>
      %parallel_loop3A_535 = vector.extract %parallel_loop3A_534[0] : i32 from vector<1xi32>
      %parallel_loop3A_536 = arith.constant 1 : i32
      %parallel_loop3A_537 = arith.addi %parallel_loop3A_516, %parallel_loop3A_536 : i32
      %parallel_loop3A_538 = arith.constant 0 : i32
      %parallel_loop3A_539 = tpu.memref_slice %arg26[%parallel_loop3A_537, %parallel_loop3A_538] : memref<512x64xf32, #tpu.memory_space<vmem>> -> memref<1x64xf32, #tpu.memory_space<vmem>>
      %parallel_loop3A_540 = arith.constant 0 : i32
      %parallel_loop3A_541 = tpu.memref_slice %arg11[%parallel_loop3A_535, %parallel_loop3A_540] : memref<1000000x64xf32, #tpu.memory_space<hbm>> -> memref<1x64xf32, #tpu.memory_space<hbm>>
      %parallel_loop3A_542 = arith.constant 0 : i32
      %parallel_loop3A_543 = tpu.memref_slice %arg26[%parallel_loop3A_537, %parallel_loop3A_542] : memref<512x64xf32, #tpu.memory_space<vmem>> -> memref<1x64xf32, #tpu.memory_space<vmem>>
      %parallel_loop3A_544 = arith.constant 0 : i32
      %parallel_loop3A_545 = tpu.memref_slice %arg11[%parallel_loop3A_535, %parallel_loop3A_544] : memref<1000000x64xf32, #tpu.memory_space<hbm>> -> memref<1x64xf32, #tpu.memory_space<hbm>>
      tpu.enqueue_dma source(%parallel_loop3A_545 : memref<1x64xf32, #tpu.memory_space<hbm>>) target(%parallel_loop3A_543 : memref<1x64xf32, #tpu.memory_space<vmem>>) target_semaphore(%arg30 : memref<!tpu.dma_semaphore, #tpu.memory_space<semaphore_mem>>)
      %parallel_loop3A_546 = vector.extract_strided_slice %parallel_loop3A_521 {offsets = [2], sizes = [1], strides = [1]} : vector<16xi32> to vector<1xi32>
      %parallel_loop3A_547 = vector.extract %parallel_loop3A_546[0] : i32 from vector<1xi32>
      %parallel_loop3A_548 = arith.constant 2 : i32
      %parallel_loop3A_549 = arith.addi %parallel_loop3A_516, %parallel_loop3A_548 : i32
      %parallel_loop3A_550 = arith.constant 0 : i32
      %parallel_loop3A_551 = tpu.memref_slice %arg26[%parallel_loop3A_549, %parallel_loop3A_550] : memref<512x64xf32, #tpu.memory_space<vmem>> -> memref<1x64xf32, #tpu.memory_space<vmem>>
      %parallel_loop3A_552 = arith.constant 0 : i32
      %parallel_loop3A_553 = tpu.memref_slice %arg11[%parallel_loop3A_547, %parallel_loop3A_552] : memref<1000000x64xf32, #tpu.memory_space<hbm>> -> memref<1x64xf32, #tpu.memory_space<hbm>>
      %parallel_loop3A_554 = arith.constant 0 : i32
      %parallel_loop3A_555 = tpu.memref_slice %arg26[%parallel_loop3A_549, %parallel_loop3A_554] : memref<512x64xf32, #tpu.memory_space<vmem>> -> memref<1x64xf32, #tpu.memory_space<vmem>>
      %parallel_loop3A_556 = arith.constant 0 : i32
      %parallel_loop3A_557 = tpu.memref_slice %arg11[%parallel_loop3A_547, %parallel_loop3A_556] : memref<1000000x64xf32, #tpu.memory_space<hbm>> -> memref<1x64xf32, #tpu.memory_space<hbm>>
      tpu.enqueue_dma source(%parallel_loop3A_557 : memref<1x64xf32, #tpu.memory_space<hbm>>) target(%parallel_loop3A_555 : memref<1x64xf32, #tpu.memory_space<vmem>>) target_semaphore(%arg30 : memref<!tpu.dma_semaphore, #tpu.memory_space<semaphore_mem>>)
      %parallel_loop3A_558 = vector.extract_strided_slice %parallel_loop3A_521 {offsets = [3], sizes = [1], strides = [1]} : vector<16xi32> to vector<1xi32>
      %parallel_loop3A_559 = vector.extract %parallel_loop3A_558[0] : i32 from vector<1xi32>
      %parallel_loop3A_560 = arith.constant 3 : i32
      %parallel_loop3A_561 = arith.addi %parallel_loop3A_516, %parallel_loop3A_560 : i32
      %parallel_loop3A_562 = arith.constant 0 : i32
      %parallel_loop3A_563 = tpu.memref_slice %arg26[%parallel_loop3A_561, %parallel_loop3A_562] : memref<512x64xf32, #tpu.memory_space<vmem>> -> memref<1x64xf32, #tpu.memory_space<vmem>>
      %parallel_loop3A_564 = arith.constant 0 : i32
      %parallel_loop3A_565 = tpu.memref_slice %arg11[%parallel_loop3A_559, %parallel_loop3A_564] : memref<1000000x64xf32, #tpu.memory_space<hbm>> -> memref<1x64xf32, #tpu.memory_space<hbm>>
      %parallel_loop3A_566 = arith.constant 0 : i32
      %parallel_loop3A_567 = tpu.memref_slice %arg26[%parallel_loop3A_561, %parallel_loop3A_566] : memref<512x64xf32, #tpu.memory_space<vmem>> -> memref<1x64xf32, #tpu.memory_space<vmem>>
      %parallel_loop3A_568 = arith.constant 0 : i32
      %parallel_loop3A_569 = tpu.memref_slice %arg11[%parallel_loop3A_559, %parallel_loop3A_568] : memref<1000000x64xf32, #tpu.memory_space<hbm>> -> memref<1x64xf32, #tpu.memory_space<hbm>>
      tpu.enqueue_dma source(%parallel_loop3A_569 : memref<1x64xf32, #tpu.memory_space<hbm>>) target(%parallel_loop3A_567 : memref<1x64xf32, #tpu.memory_space<vmem>>) target_semaphore(%arg30 : memref<!tpu.dma_semaphore, #tpu.memory_space<semaphore_mem>>)
      %parallel_loop3A_570 = vector.extract_strided_slice %parallel_loop3A_521 {offsets = [4], sizes = [1], strides = [1]} : vector<16xi32> to vector<1xi32>
      %parallel_loop3A_571 = vector.extract %parallel_loop3A_570[0] : i32 from vector<1xi32>
      %parallel_loop3A_572 = arith.constant 4 : i32
      %parallel_loop3A_573 = arith.addi %parallel_loop3A_516, %parallel_loop3A_572 : i32
      %parallel_loop3A_574 = arith.constant 0 : i32
      %parallel_loop3A_575 = tpu.memref_slice %arg26[%parallel_loop3A_573, %parallel_loop3A_574] : memref<512x64xf32, #tpu.memory_space<vmem>> -> memref<1x64xf32, #tpu.memory_space<vmem>>
      %parallel_loop3A_576 = arith.constant 0 : i32
      %parallel_loop3A_577 = tpu.memref_slice %arg11[%parallel_loop3A_571, %parallel_loop3A_576] : memref<1000000x64xf32, #tpu.memory_space<hbm>> -> memref<1x64xf32, #tpu.memory_space<hbm>>
      %parallel_loop3A_578 = arith.constant 0 : i32
      %parallel_loop3A_579 = tpu.memref_slice %arg26[%parallel_loop3A_573, %parallel_loop3A_578] : memref<512x64xf32, #tpu.memory_space<vmem>> -> memref<1x64xf32, #tpu.memory_space<vmem>>
      %parallel_loop3A_580 = arith.constant 0 : i32
      %parallel_loop3A_581 = tpu.memref_slice %arg11[%parallel_loop3A_571, %parallel_loop3A_580] : memref<1000000x64xf32, #tpu.memory_space<hbm>> -> memref<1x64xf32, #tpu.memory_space<hbm>>
      tpu.enqueue_dma source(%parallel_loop3A_581 : memref<1x64xf32, #tpu.memory_space<hbm>>) target(%parallel_loop3A_579 : memref<1x64xf32, #tpu.memory_space<vmem>>) target_semaphore(%arg30 : memref<!tpu.dma_semaphore, #tpu.memory_space<semaphore_mem>>)
      %parallel_loop3A_582 = vector.extract_strided_slice %parallel_loop3A_521 {offsets = [5], sizes = [1], strides = [1]} : vector<16xi32> to vector<1xi32>
      %parallel_loop3A_583 = vector.extract %parallel_loop3A_582[0] : i32 from vector<1xi32>
      %parallel_loop3A_584 = arith.constant 5 : i32
      %parallel_loop3A_585 = arith.addi %parallel_loop3A_516, %parallel_loop3A_584 : i32
      %parallel_loop3A_586 = arith.constant 0 : i32
      %parallel_loop3A_587 = tpu.memref_slice %arg26[%parallel_loop3A_585, %parallel_loop3A_586] : memref<512x64xf32, #tpu.memory_space<vmem>> -> memref<1x64xf32, #tpu.memory_space<vmem>>
      %parallel_loop3A_588 = arith.constant 0 : i32
      %parallel_loop3A_589 = tpu.memref_slice %arg11[%parallel_loop3A_583, %parallel_loop3A_588] : memref<1000000x64xf32, #tpu.memory_space<hbm>> -> memref<1x64xf32, #tpu.memory_space<hbm>>
      %parallel_loop3A_590 = arith.constant 0 : i32
      %parallel_loop3A_591 = tpu.memref_slice %arg26[%parallel_loop3A_585, %parallel_loop3A_590] : memref<512x64xf32, #tpu.memory_space<vmem>> -> memref<1x64xf32, #tpu.memory_space<vmem>>
      %parallel_loop3A_592 = arith.constant 0 : i32
      %parallel_loop3A_593 = tpu.memref_slice %arg11[%parallel_loop3A_583, %parallel_loop3A_592] : memref<1000000x64xf32, #tpu.memory_space<hbm>> -> memref<1x64xf32, #tpu.memory_space<hbm>>
      tpu.enqueue_dma source(%parallel_loop3A_593 : memref<1x64xf32, #tpu.memory_space<hbm>>) target(%parallel_loop3A_591 : memref<1x64xf32, #tpu.memory_space<vmem>>) target_semaphore(%arg30 : memref<!tpu.dma_semaphore, #tpu.memory_space<semaphore_mem>>)
      %parallel_loop3A_594 = vector.extract_strided_slice %parallel_loop3A_521 {offsets = [6], sizes = [1], strides = [1]} : vector<16xi32> to vector<1xi32>
      %parallel_loop3A_595 = vector.extract %parallel_loop3A_594[0] : i32 from vector<1xi32>
      %parallel_loop3A_596 = arith.constant 6 : i32
      %parallel_loop3A_597 = arith.addi %parallel_loop3A_516, %parallel_loop3A_596 : i32
      %parallel_loop3A_598 = arith.constant 0 : i32
      %parallel_loop3A_599 = tpu.memref_slice %arg26[%parallel_loop3A_597, %parallel_loop3A_598] : memref<512x64xf32, #tpu.memory_space<vmem>> -> memref<1x64xf32, #tpu.memory_space<vmem>>
      %parallel_loop3A_600 = arith.constant 0 : i32
      %parallel_loop3A_601 = tpu.memref_slice %arg11[%parallel_loop3A_595, %parallel_loop3A_600] : memref<1000000x64xf32, #tpu.memory_space<hbm>> -> memref<1x64xf32, #tpu.memory_space<hbm>>
      %parallel_loop3A_602 = arith.constant 0 : i32
      %parallel_loop3A_603 = tpu.memref_slice %arg26[%parallel_loop3A_597, %parallel_loop3A_602] : memref<512x64xf32, #tpu.memory_space<vmem>> -> memref<1x64xf32, #tpu.memory_space<vmem>>
      %parallel_loop3A_604 = arith.constant 0 : i32
      %parallel_loop3A_605 = tpu.memref_slice %arg11[%parallel_loop3A_595, %parallel_loop3A_604] : memref<1000000x64xf32, #tpu.memory_space<hbm>> -> memref<1x64xf32, #tpu.memory_space<hbm>>
      tpu.enqueue_dma source(%parallel_loop3A_605 : memref<1x64xf32, #tpu.memory_space<hbm>>) target(%parallel_loop3A_603 : memref<1x64xf32, #tpu.memory_space<vmem>>) target_semaphore(%arg30 : memref<!tpu.dma_semaphore, #tpu.memory_space<semaphore_mem>>)
      %parallel_loop3A_606 = vector.extract_strided_slice %parallel_loop3A_521 {offsets = [7], sizes = [1], strides = [1]} : vector<16xi32> to vector<1xi32>
      %parallel_loop3A_607 = vector.extract %parallel_loop3A_606[0] : i32 from vector<1xi32>
      %parallel_loop3A_608 = arith.constant 7 : i32
      %parallel_loop3A_609 = arith.addi %parallel_loop3A_516, %parallel_loop3A_608 : i32
      %parallel_loop3A_610 = arith.constant 0 : i32
      %parallel_loop3A_611 = tpu.memref_slice %arg26[%parallel_loop3A_609, %parallel_loop3A_610] : memref<512x64xf32, #tpu.memory_space<vmem>> -> memref<1x64xf32, #tpu.memory_space<vmem>>
      %parallel_loop3A_612 = arith.constant 0 : i32
      %parallel_loop3A_613 = tpu.memref_slice %arg11[%parallel_loop3A_607, %parallel_loop3A_612] : memref<1000000x64xf32, #tpu.memory_space<hbm>> -> memref<1x64xf32, #tpu.memory_space<hbm>>
      %parallel_loop3A_614 = arith.constant 0 : i32
      %parallel_loop3A_615 = tpu.memref_slice %arg26[%parallel_loop3A_609, %parallel_loop3A_614] : memref<512x64xf32, #tpu.memory_space<vmem>> -> memref<1x64xf32, #tpu.memory_space<vmem>>
      %parallel_loop3A_616 = arith.constant 0 : i32
      %parallel_loop3A_617 = tpu.memref_slice %arg11[%parallel_loop3A_607, %parallel_loop3A_616] : memref<1000000x64xf32, #tpu.memory_space<hbm>> -> memref<1x64xf32, #tpu.memory_space<hbm>>
      tpu.enqueue_dma source(%parallel_loop3A_617 : memref<1x64xf32, #tpu.memory_space<hbm>>) target(%parallel_loop3A_615 : memref<1x64xf32, #tpu.memory_space<vmem>>) target_semaphore(%arg30 : memref<!tpu.dma_semaphore, #tpu.memory_space<semaphore_mem>>)
      %parallel_loop3A_618 = vector.extract_strided_slice %parallel_loop3A_521 {offsets = [8], sizes = [1], strides = [1]} : vector<16xi32> to vector<1xi32>
      %parallel_loop3A_619 = vector.extract %parallel_loop3A_618[0] : i32 from vector<1xi32>
      %parallel_loop3A_620 = arith.constant 8 : i32
      %parallel_loop3A_621 = arith.addi %parallel_loop3A_516, %parallel_loop3A_620 : i32
      %parallel_loop3A_622 = arith.constant 0 : i32
      %parallel_loop3A_623 = tpu.memref_slice %arg26[%parallel_loop3A_621, %parallel_loop3A_622] : memref<512x64xf32, #tpu.memory_space<vmem>> -> memref<1x64xf32, #tpu.memory_space<vmem>>
      %parallel_loop3A_624 = arith.constant 0 : i32
      %parallel_loop3A_625 = tpu.memref_slice %arg11[%parallel_loop3A_619, %parallel_loop3A_624] : memref<1000000x64xf32, #tpu.memory_space<hbm>> -> memref<1x64xf32, #tpu.memory_space<hbm>>
      %parallel_loop3A_626 = arith.constant 0 : i32
      %parallel_loop3A_627 = tpu.memref_slice %arg26[%parallel_loop3A_621, %parallel_loop3A_626] : memref<512x64xf32, #tpu.memory_space<vmem>> -> memref<1x64xf32, #tpu.memory_space<vmem>>
      %parallel_loop3A_628 = arith.constant 0 : i32
      %parallel_loop3A_629 = tpu.memref_slice %arg11[%parallel_loop3A_619, %parallel_loop3A_628] : memref<1000000x64xf32, #tpu.memory_space<hbm>> -> memref<1x64xf32, #tpu.memory_space<hbm>>
      tpu.enqueue_dma source(%parallel_loop3A_629 : memref<1x64xf32, #tpu.memory_space<hbm>>) target(%parallel_loop3A_627 : memref<1x64xf32, #tpu.memory_space<vmem>>) target_semaphore(%arg30 : memref<!tpu.dma_semaphore, #tpu.memory_space<semaphore_mem>>)
      %parallel_loop3A_630 = vector.extract_strided_slice %parallel_loop3A_521 {offsets = [9], sizes = [1], strides = [1]} : vector<16xi32> to vector<1xi32>
      %parallel_loop3A_631 = vector.extract %parallel_loop3A_630[0] : i32 from vector<1xi32>
      %parallel_loop3A_632 = arith.constant 9 : i32
      %parallel_loop3A_633 = arith.addi %parallel_loop3A_516, %parallel_loop3A_632 : i32
      %parallel_loop3A_634 = arith.constant 0 : i32
      %parallel_loop3A_635 = tpu.memref_slice %arg26[%parallel_loop3A_633, %parallel_loop3A_634] : memref<512x64xf32, #tpu.memory_space<vmem>> -> memref<1x64xf32, #tpu.memory_space<vmem>>
      %parallel_loop3A_636 = arith.constant 0 : i32
      %parallel_loop3A_637 = tpu.memref_slice %arg11[%parallel_loop3A_631, %parallel_loop3A_636] : memref<1000000x64xf32, #tpu.memory_space<hbm>> -> memref<1x64xf32, #tpu.memory_space<hbm>>
      %parallel_loop3A_638 = arith.constant 0 : i32
      %parallel_loop3A_639 = tpu.memref_slice %arg26[%parallel_loop3A_633, %parallel_loop3A_638] : memref<512x64xf32, #tpu.memory_space<vmem>> -> memref<1x64xf32, #tpu.memory_space<vmem>>
      %parallel_loop3A_640 = arith.constant 0 : i32
      %parallel_loop3A_641 = tpu.memref_slice %arg11[%parallel_loop3A_631, %parallel_loop3A_640] : memref<1000000x64xf32, #tpu.memory_space<hbm>> -> memref<1x64xf32, #tpu.memory_space<hbm>>
      tpu.enqueue_dma source(%parallel_loop3A_641 : memref<1x64xf32, #tpu.memory_space<hbm>>) target(%parallel_loop3A_639 : memref<1x64xf32, #tpu.memory_space<vmem>>) target_semaphore(%arg30 : memref<!tpu.dma_semaphore, #tpu.memory_space<semaphore_mem>>)
      %parallel_loop3A_642 = vector.extract_strided_slice %parallel_loop3A_521 {offsets = [10], sizes = [1], strides = [1]} : vector<16xi32> to vector<1xi32>
      %parallel_loop3A_643 = vector.extract %parallel_loop3A_642[0] : i32 from vector<1xi32>
      %parallel_loop3A_644 = arith.constant 10 : i32
      %parallel_loop3A_645 = arith.addi %parallel_loop3A_516, %parallel_loop3A_644 : i32
      %parallel_loop3A_646 = arith.constant 0 : i32
      %parallel_loop3A_647 = tpu.memref_slice %arg26[%parallel_loop3A_645, %parallel_loop3A_646] : memref<512x64xf32, #tpu.memory_space<vmem>> -> memref<1x64xf32, #tpu.memory_space<vmem>>
      %parallel_loop3A_648 = arith.constant 0 : i32
      %parallel_loop3A_649 = tpu.memref_slice %arg11[%parallel_loop3A_643, %parallel_loop3A_648] : memref<1000000x64xf32, #tpu.memory_space<hbm>> -> memref<1x64xf32, #tpu.memory_space<hbm>>
      %parallel_loop3A_650 = arith.constant 0 : i32
      %parallel_loop3A_651 = tpu.memref_slice %arg26[%parallel_loop3A_645, %parallel_loop3A_650] : memref<512x64xf32, #tpu.memory_space<vmem>> -> memref<1x64xf32, #tpu.memory_space<vmem>>
      %parallel_loop3A_652 = arith.constant 0 : i32
      %parallel_loop3A_653 = tpu.memref_slice %arg11[%parallel_loop3A_643, %parallel_loop3A_652] : memref<1000000x64xf32, #tpu.memory_space<hbm>> -> memref<1x64xf32, #tpu.memory_space<hbm>>
      tpu.enqueue_dma source(%parallel_loop3A_653 : memref<1x64xf32, #tpu.memory_space<hbm>>) target(%parallel_loop3A_651 : memref<1x64xf32, #tpu.memory_space<vmem>>) target_semaphore(%arg30 : memref<!tpu.dma_semaphore, #tpu.memory_space<semaphore_mem>>)
      %parallel_loop3A_654 = vector.extract_strided_slice %parallel_loop3A_521 {offsets = [11], sizes = [1], strides = [1]} : vector<16xi32> to vector<1xi32>
      %parallel_loop3A_655 = vector.extract %parallel_loop3A_654[0] : i32 from vector<1xi32>
      %parallel_loop3A_656 = arith.constant 11 : i32
      %parallel_loop3A_657 = arith.addi %parallel_loop3A_516, %parallel_loop3A_656 : i32
      %parallel_loop3A_658 = arith.constant 0 : i32
      %parallel_loop3A_659 = tpu.memref_slice %arg26[%parallel_loop3A_657, %parallel_loop3A_658] : memref<512x64xf32, #tpu.memory_space<vmem>> -> memref<1x64xf32, #tpu.memory_space<vmem>>
      %parallel_loop3A_660 = arith.constant 0 : i32
      %parallel_loop3A_661 = tpu.memref_slice %arg11[%parallel_loop3A_655, %parallel_loop3A_660] : memref<1000000x64xf32, #tpu.memory_space<hbm>> -> memref<1x64xf32, #tpu.memory_space<hbm>>
      %parallel_loop3A_662 = arith.constant 0 : i32
      %parallel_loop3A_663 = tpu.memref_slice %arg26[%parallel_loop3A_657, %parallel_loop3A_662] : memref<512x64xf32, #tpu.memory_space<vmem>> -> memref<1x64xf32, #tpu.memory_space<vmem>>
      %parallel_loop3A_664 = arith.constant 0 : i32
      %parallel_loop3A_665 = tpu.memref_slice %arg11[%parallel_loop3A_655, %parallel_loop3A_664] : memref<1000000x64xf32, #tpu.memory_space<hbm>> -> memref<1x64xf32, #tpu.memory_space<hbm>>
      tpu.enqueue_dma source(%parallel_loop3A_665 : memref<1x64xf32, #tpu.memory_space<hbm>>) target(%parallel_loop3A_663 : memref<1x64xf32, #tpu.memory_space<vmem>>) target_semaphore(%arg30 : memref<!tpu.dma_semaphore, #tpu.memory_space<semaphore_mem>>)
      %parallel_loop3A_666 = vector.extract_strided_slice %parallel_loop3A_521 {offsets = [12], sizes = [1], strides = [1]} : vector<16xi32> to vector<1xi32>
      %parallel_loop3A_667 = vector.extract %parallel_loop3A_666[0] : i32 from vector<1xi32>
      %parallel_loop3A_668 = arith.constant 12 : i32
      %parallel_loop3A_669 = arith.addi %parallel_loop3A_516, %parallel_loop3A_668 : i32
      %parallel_loop3A_670 = arith.constant 0 : i32
      %parallel_loop3A_671 = tpu.memref_slice %arg26[%parallel_loop3A_669, %parallel_loop3A_670] : memref<512x64xf32, #tpu.memory_space<vmem>> -> memref<1x64xf32, #tpu.memory_space<vmem>>
      %parallel_loop3A_672 = arith.constant 0 : i32
      %parallel_loop3A_673 = tpu.memref_slice %arg11[%parallel_loop3A_667, %parallel_loop3A_672] : memref<1000000x64xf32, #tpu.memory_space<hbm>> -> memref<1x64xf32, #tpu.memory_space<hbm>>
      %parallel_loop3A_674 = arith.constant 0 : i32
      %parallel_loop3A_675 = tpu.memref_slice %arg26[%parallel_loop3A_669, %parallel_loop3A_674] : memref<512x64xf32, #tpu.memory_space<vmem>> -> memref<1x64xf32, #tpu.memory_space<vmem>>
      %parallel_loop3A_676 = arith.constant 0 : i32
      %parallel_loop3A_677 = tpu.memref_slice %arg11[%parallel_loop3A_667, %parallel_loop3A_676] : memref<1000000x64xf32, #tpu.memory_space<hbm>> -> memref<1x64xf32, #tpu.memory_space<hbm>>
      tpu.enqueue_dma source(%parallel_loop3A_677 : memref<1x64xf32, #tpu.memory_space<hbm>>) target(%parallel_loop3A_675 : memref<1x64xf32, #tpu.memory_space<vmem>>) target_semaphore(%arg30 : memref<!tpu.dma_semaphore, #tpu.memory_space<semaphore_mem>>)
      %parallel_loop3A_678 = vector.extract_strided_slice %parallel_loop3A_521 {offsets = [13], sizes = [1], strides = [1]} : vector<16xi32> to vector<1xi32>
      %parallel_loop3A_679 = vector.extract %parallel_loop3A_678[0] : i32 from vector<1xi32>
      %parallel_loop3A_680 = arith.constant 13 : i32
      %parallel_loop3A_681 = arith.addi %parallel_loop3A_516, %parallel_loop3A_680 : i32
      %parallel_loop3A_682 = arith.constant 0 : i32
      %parallel_loop3A_683 = tpu.memref_slice %arg26[%parallel_loop3A_681, %parallel_loop3A_682] : memref<512x64xf32, #tpu.memory_space<vmem>> -> memref<1x64xf32, #tpu.memory_space<vmem>>
      %parallel_loop3A_684 = arith.constant 0 : i32
      %parallel_loop3A_685 = tpu.memref_slice %arg11[%parallel_loop3A_679, %parallel_loop3A_684] : memref<1000000x64xf32, #tpu.memory_space<hbm>> -> memref<1x64xf32, #tpu.memory_space<hbm>>
      %parallel_loop3A_686 = arith.constant 0 : i32
      %parallel_loop3A_687 = tpu.memref_slice %arg26[%parallel_loop3A_681, %parallel_loop3A_686] : memref<512x64xf32, #tpu.memory_space<vmem>> -> memref<1x64xf32, #tpu.memory_space<vmem>>
      %parallel_loop3A_688 = arith.constant 0 : i32
      %parallel_loop3A_689 = tpu.memref_slice %arg11[%parallel_loop3A_679, %parallel_loop3A_688] : memref<1000000x64xf32, #tpu.memory_space<hbm>> -> memref<1x64xf32, #tpu.memory_space<hbm>>
      tpu.enqueue_dma source(%parallel_loop3A_689 : memref<1x64xf32, #tpu.memory_space<hbm>>) target(%parallel_loop3A_687 : memref<1x64xf32, #tpu.memory_space<vmem>>) target_semaphore(%arg30 : memref<!tpu.dma_semaphore, #tpu.memory_space<semaphore_mem>>)
      %parallel_loop3A_690 = vector.extract_strided_slice %parallel_loop3A_521 {offsets = [14], sizes = [1], strides = [1]} : vector<16xi32> to vector<1xi32>
      %parallel_loop3A_691 = vector.extract %parallel_loop3A_690[0] : i32 from vector<1xi32>
      %parallel_loop3A_692 = arith.constant 14 : i32
      %parallel_loop3A_693 = arith.addi %parallel_loop3A_516, %parallel_loop3A_692 : i32
      %parallel_loop3A_694 = arith.constant 0 : i32
      %parallel_loop3A_695 = tpu.memref_slice %arg26[%parallel_loop3A_693, %parallel_loop3A_694] : memref<512x64xf32, #tpu.memory_space<vmem>> -> memref<1x64xf32, #tpu.memory_space<vmem>>
      %parallel_loop3A_696 = arith.constant 0 : i32
      %parallel_loop3A_697 = tpu.memref_slice %arg11[%parallel_loop3A_691, %parallel_loop3A_696] : memref<1000000x64xf32, #tpu.memory_space<hbm>> -> memref<1x64xf32, #tpu.memory_space<hbm>>
      %parallel_loop3A_698 = arith.constant 0 : i32
      %parallel_loop3A_699 = tpu.memref_slice %arg26[%parallel_loop3A_693, %parallel_loop3A_698] : memref<512x64xf32, #tpu.memory_space<vmem>> -> memref<1x64xf32, #tpu.memory_space<vmem>>
      %parallel_loop3A_700 = arith.constant 0 : i32
      %parallel_loop3A_701 = tpu.memref_slice %arg11[%parallel_loop3A_691, %parallel_loop3A_700] : memref<1000000x64xf32, #tpu.memory_space<hbm>> -> memref<1x64xf32, #tpu.memory_space<hbm>>
      tpu.enqueue_dma source(%parallel_loop3A_701 : memref<1x64xf32, #tpu.memory_space<hbm>>) target(%parallel_loop3A_699 : memref<1x64xf32, #tpu.memory_space<vmem>>) target_semaphore(%arg30 : memref<!tpu.dma_semaphore, #tpu.memory_space<semaphore_mem>>)
      %parallel_loop3A_702 = vector.extract_strided_slice %parallel_loop3A_521 {offsets = [15], sizes = [1], strides = [1]} : vector<16xi32> to vector<1xi32>
      %parallel_loop3A_703 = vector.extract %parallel_loop3A_702[0] : i32 from vector<1xi32>
      %parallel_loop3A_704 = arith.constant 15 : i32
      %parallel_loop3A_705 = arith.addi %parallel_loop3A_516, %parallel_loop3A_704 : i32
      %parallel_loop3A_706 = arith.constant 0 : i32
      %parallel_loop3A_707 = tpu.memref_slice %arg26[%parallel_loop3A_705, %parallel_loop3A_706] : memref<512x64xf32, #tpu.memory_space<vmem>> -> memref<1x64xf32, #tpu.memory_space<vmem>>
      %parallel_loop3A_708 = arith.constant 0 : i32
      %parallel_loop3A_709 = tpu.memref_slice %arg11[%parallel_loop3A_703, %parallel_loop3A_708] : memref<1000000x64xf32, #tpu.memory_space<hbm>> -> memref<1x64xf32, #tpu.memory_space<hbm>>
      %parallel_loop3A_710 = arith.constant 0 : i32
      %parallel_loop3A_711 = tpu.memref_slice %arg26[%parallel_loop3A_705, %parallel_loop3A_710] : memref<512x64xf32, #tpu.memory_space<vmem>> -> memref<1x64xf32, #tpu.memory_space<vmem>>
      %parallel_loop3A_712 = arith.constant 0 : i32
      %parallel_loop3A_713 = tpu.memref_slice %arg11[%parallel_loop3A_703, %parallel_loop3A_712] : memref<1000000x64xf32, #tpu.memory_space<hbm>> -> memref<1x64xf32, #tpu.memory_space<hbm>>
      tpu.enqueue_dma source(%parallel_loop3A_713 : memref<1x64xf32, #tpu.memory_space<hbm>>) target(%parallel_loop3A_711 : memref<1x64xf32, #tpu.memory_space<vmem>>) target_semaphore(%arg30 : memref<!tpu.dma_semaphore, #tpu.memory_space<semaphore_mem>>)
    } {sc.loop_unroll_factor = 1 : i64, sc.parallel_access}
    %parallel_loop3A_170 = arith.constant 0 : i32
    %parallel_loop3A_171 = arith.constant 512 : i32
    %parallel_loop3A_172 = arith.constant 1 : i32
    scf.for %parallel_loop3A_516 = %parallel_loop3A_170 to %parallel_loop3A_171 step %parallel_loop3A_172  : i32 {
      %parallel_loop3A_517 = arith.constant 0 : i32
      %parallel_loop3A_518 = arith.constant 0 : i32
      %parallel_loop3A_519 = tpu.memref_slice %arg26[%parallel_loop3A_517, %parallel_loop3A_518] : memref<512x64xf32, #tpu.memory_space<vmem>> -> memref<1x64xf32, #tpu.memory_space<vmem>>
      %parallel_loop3A_520 = arith.constant 0 : i32
      %parallel_loop3A_521 = arith.constant 0 : i32
      %parallel_loop3A_522 = tpu.memref_slice %arg11[%parallel_loop3A_520, %parallel_loop3A_521] : memref<1000000x64xf32, #tpu.memory_space<hbm>> -> memref<1x64xf32, #tpu.memory_space<hbm>>
      %parallel_loop3A_523 = arith.constant 0 : i32
      %parallel_loop3A_524 = arith.constant 0 : i32
      %parallel_loop3A_525 = tpu.memref_slice %arg26[%parallel_loop3A_523, %parallel_loop3A_524] : memref<512x64xf32, #tpu.memory_space<vmem>> -> memref<1x64xf32, #tpu.memory_space<vmem>>
      %parallel_loop3A_526 = arith.constant 0 : i32
      %parallel_loop3A_527 = arith.constant 0 : i32
      %parallel_loop3A_528 = tpu.memref_slice %arg11[%parallel_loop3A_526, %parallel_loop3A_527] : memref<1000000x64xf32, #tpu.memory_space<hbm>> -> memref<1x64xf32, #tpu.memory_space<hbm>>
      tpu.wait_dma2 semaphore(%arg30 : memref<!tpu.dma_semaphore, #tpu.memory_space<semaphore_mem>>) src(%parallel_loop3A_528 : memref<1x64xf32, #tpu.memory_space<hbm>>) dst(%parallel_loop3A_525 : memref<1x64xf32, #tpu.memory_space<vmem>>)
    } {sc.loop_unroll_factor = 8 : i64, sc.parallel_access}
    %get3A_173 = arith.constant 0 : i32
    %get3A_174 = arith.index_cast %get3A_173 : i32 to index
    %get3A_175 = arith.constant 0 : index
    %get3A_176 = tpu.vector_load %arg28[%get3A_174, %get3A_175] {strides = array<i32>} : memref<5x64xf32, #tpu.memory_space<vmem>>, vector<1x16xf32>,
    %get3A_177 = vector.shape_cast %get3A_176 : vector<1x16xf32> to vector<16xf32>
    %get3A_178 = arith.constant 0 : i32
    %get3A_179 = arith.index_cast %get3A_178 : i32 to index
    %get3A_180 = arith.constant 16 : index
    %get3A_181 = tpu.vector_load %arg28[%get3A_179, %get3A_180] {strides = array<i32>} : memref<5x64xf32, #tpu.memory_space<vmem>>, vector<1x16xf32>,
    %get3A_182 = vector.shape_cast %get3A_181 : vector<1x16xf32> to vector<16xf32>
    %get3A_183 = arith.constant 0 : i32
    %get3A_184 = arith.index_cast %get3A_183 : i32 to index
    %get3A_185 = arith.constant 32 : index
    %get3A_186 = tpu.vector_load %arg28[%get3A_184, %get3A_185] {strides = array<i32>} : memref<5x64xf32, #tpu.memory_space<vmem>>, vector<1x16xf32>,
    %get3A_187 = vector.shape_cast %get3A_186 : vector<1x16xf32> to vector<16xf32>
    %get3A_188 = arith.constant 0 : i32
    %get3A_189 = arith.index_cast %get3A_188 : i32 to index
    %get3A_190 = arith.constant 48 : index
    %get3A_191 = tpu.vector_load %arg28[%get3A_189, %get3A_190] {strides = array<i32>} : memref<5x64xf32, #tpu.memory_space<vmem>>, vector<1x16xf32>,
    %get3A_192 = vector.shape_cast %get3A_191 : vector<1x16xf32> to vector<16xf32>
    %mul3A_193 = arith.mulf %get3A_177, %get3A_177 : vector<16xf32>
    %mul3A_194 = arith.mulf %get3A_182, %get3A_182 : vector<16xf32>
    %add3A_195 = arith.addf %mul3A_193, %mul3A_194 : vector<16xf32>
    %mul3A_196 = arith.mulf %get3A_187, %get3A_187 : vector<16xf32>
    %add3A_197 = arith.addf %add3A_195, %mul3A_196 : vector<16xf32>
    %mul3A_198 = arith.mulf %get3A_192, %get3A_192 : vector<16xf32>
    %add3A_199 = arith.addf %add3A_197, %mul3A_198 : vector<16xf32>
    %iota3A = tpu.iota {dimensions = array<i32: 0>} : vector<16xi32>
    %xor3A = arith.constant 8 : i32
    %xor3A_200 = vector.broadcast %xor3A : i32 to vector<16xi32>
    %xor3A_201 = arith.xori %iota3A, %xor3A_200 : vector<16xi32>
    %reshape3A = vector.shape_cast %xor3A_201 : vector<16xi32> to vector<16x1xi32>
    %gather3A = vector.shape_cast %reshape3A : vector<16x1xi32> to vector<16xi32>
    %gather3A_202 = tpu.dynamic_gather %add3A_199[%gather3A] in [0] : vector<16xf32>, vector<16xi32> -> vector<16xf32>
    %add3A_203 = arith.addf %add3A_199, %gather3A_202 : vector<16xf32>
    %xor3A_204 = arith.constant 4 : i32
    %xor3A_205 = vector.broadcast %xor3A_204 : i32 to vector<16xi32>
    %xor3A_206 = arith.xori %iota3A, %xor3A_205 : vector<16xi32>
    %reshape3A_207 = vector.shape_cast %xor3A_206 : vector<16xi32> to vector<16x1xi32>
    %gather3A_208 = vector.shape_cast %reshape3A_207 : vector<16x1xi32> to vector<16xi32>
    %gather3A_209 = tpu.dynamic_gather %add3A_203[%gather3A_208] in [0] : vector<16xf32>, vector<16xi32> -> vector<16xf32>
    %add3A_210 = arith.addf %add3A_203, %gather3A_209 : vector<16xf32>
    %xor3A_211 = arith.constant 2 : i32
    %xor3A_212 = vector.broadcast %xor3A_211 : i32 to vector<16xi32>
    %xor3A_213 = arith.xori %iota3A, %xor3A_212 : vector<16xi32>
    %reshape3A_214 = vector.shape_cast %xor3A_213 : vector<16xi32> to vector<16x1xi32>
    %gather3A_215 = vector.shape_cast %reshape3A_214 : vector<16x1xi32> to vector<16xi32>
    %gather3A_216 = tpu.dynamic_gather %add3A_210[%gather3A_215] in [0] : vector<16xf32>, vector<16xi32> -> vector<16xf32>
    %add3A_217 = arith.addf %add3A_210, %gather3A_216 : vector<16xf32>
    %xor3A_218 = arith.constant 1 : i32
    %xor3A_219 = vector.broadcast %xor3A_218 : i32 to vector<16xi32>
    %xor3A_220 = arith.xori %iota3A, %xor3A_219 : vector<16xi32>
    %reshape3A_221 = vector.shape_cast %xor3A_220 : vector<16xi32> to vector<16x1xi32>
    %gather3A_222 = vector.shape_cast %reshape3A_221 : vector<16x1xi32> to vector<16xi32>
    %gather3A_223 = tpu.dynamic_gather %add3A_217[%gather3A_222] in [0] : vector<16xf32>, vector<16xi32> -> vector<16xf32>
    %add3A_224 = arith.addf %add3A_217, %gather3A_223 : vector<16xf32>
    %max3A = arith.constant 1.000000e-24 : f32
    %max3A_225 = vector.broadcast %max3A : f32 to vector<16xf32>
    %max3A_226 = arith.maximumf %add3A_224, %max3A_225 : vector<16xf32>
    %div3A = arith.constant 1.000000e+00 : f32
    %div3A_227 = vector.broadcast %div3A : f32 to vector<16xf32>
    %div3A_228 = arith.divf %div3A_227, %max3A_226 : vector<16xf32>
    %parallel_loop3A_229 = arith.constant 0 : i32
    %parallel_loop3A_230 = arith.constant 512 : i32
    %parallel_loop3A_231 = arith.constant 1 : i32
    scf.for %parallel_loop3A_516 = %parallel_loop3A_229 to %parallel_loop3A_230 step %parallel_loop3A_231  : i32 {
      %parallel_loop3A_517 = arith.index_cast %parallel_loop3A_516 : i32 to index
      %parallel_loop3A_518 = arith.constant 0 : index
      %parallel_loop3A_519 = tpu.vector_load %arg26[%parallel_loop3A_517, %parallel_loop3A_518] {strides = array<i32>} : memref<512x64xf32, #tpu.memory_space<vmem>>, vector<1x16xf32>,
      %parallel_loop3A_520 = vector.shape_cast %parallel_loop3A_519 : vector<1x16xf32> to vector<16xf32>
      %parallel_loop3A_521 = arith.index_cast %parallel_loop3A_516 : i32 to index
      %parallel_loop3A_522 = arith.constant 16 : index
      %parallel_loop3A_523 = tpu.vector_load %arg26[%parallel_loop3A_521, %parallel_loop3A_522] {strides = array<i32>} : memref<512x64xf32, #tpu.memory_space<vmem>>, vector<1x16xf32>,
      %parallel_loop3A_524 = vector.shape_cast %parallel_loop3A_523 : vector<1x16xf32> to vector<16xf32>
      %parallel_loop3A_525 = arith.index_cast %parallel_loop3A_516 : i32 to index
      %parallel_loop3A_526 = arith.constant 32 : index
      %parallel_loop3A_527 = tpu.vector_load %arg26[%parallel_loop3A_525, %parallel_loop3A_526] {strides = array<i32>} : memref<512x64xf32, #tpu.memory_space<vmem>>, vector<1x16xf32>,
      %parallel_loop3A_528 = vector.shape_cast %parallel_loop3A_527 : vector<1x16xf32> to vector<16xf32>
      %parallel_loop3A_529 = arith.index_cast %parallel_loop3A_516 : i32 to index
      %parallel_loop3A_530 = arith.constant 48 : index
      %parallel_loop3A_531 = tpu.vector_load %arg26[%parallel_loop3A_529, %parallel_loop3A_530] {strides = array<i32>} : memref<512x64xf32, #tpu.memory_space<vmem>>, vector<1x16xf32>,
      %parallel_loop3A_532 = vector.shape_cast %parallel_loop3A_531 : vector<1x16xf32> to vector<16xf32>
      %parallel_loop3A_533 = arith.mulf %parallel_loop3A_520, %get3A_177 : vector<16xf32>
      %parallel_loop3A_534 = arith.mulf %parallel_loop3A_524, %get3A_182 : vector<16xf32>
      %parallel_loop3A_535 = arith.addf %parallel_loop3A_533, %parallel_loop3A_534 : vector<16xf32>
      %parallel_loop3A_536 = arith.mulf %parallel_loop3A_528, %get3A_187 : vector<16xf32>
      %parallel_loop3A_537 = arith.addf %parallel_loop3A_535, %parallel_loop3A_536 : vector<16xf32>
      %parallel_loop3A_538 = arith.mulf %parallel_loop3A_532, %get3A_192 : vector<16xf32>
      %parallel_loop3A_539 = arith.addf %parallel_loop3A_537, %parallel_loop3A_538 : vector<16xf32>
      %parallel_loop3A_540 = tpu.iota {dimensions = array<i32: 0>} : vector<16xi32>
      %parallel_loop3A_541 = arith.constant 8 : i32
      %parallel_loop3A_542 = vector.broadcast %parallel_loop3A_541 : i32 to vector<16xi32>
      %parallel_loop3A_543 = arith.xori %parallel_loop3A_540, %parallel_loop3A_542 : vector<16xi32>
      %parallel_loop3A_544 = vector.shape_cast %parallel_loop3A_543 : vector<16xi32> to vector<16x1xi32>
      %parallel_loop3A_545 = vector.shape_cast %parallel_loop3A_544 : vector<16x1xi32> to vector<16xi32>
      %parallel_loop3A_546 = tpu.dynamic_gather %parallel_loop3A_539[%parallel_loop3A_545] in [0] : vector<16xf32>, vector<16xi32> -> vector<16xf32>
      %parallel_loop3A_547 = arith.addf %parallel_loop3A_539, %parallel_loop3A_546 : vector<16xf32>
      %parallel_loop3A_548 = arith.constant 4 : i32
      %parallel_loop3A_549 = vector.broadcast %parallel_loop3A_548 : i32 to vector<16xi32>
      %parallel_loop3A_550 = arith.xori %parallel_loop3A_540, %parallel_loop3A_549 : vector<16xi32>
      %parallel_loop3A_551 = vector.shape_cast %parallel_loop3A_550 : vector<16xi32> to vector<16x1xi32>
      %parallel_loop3A_552 = vector.shape_cast %parallel_loop3A_551 : vector<16x1xi32> to vector<16xi32>
      %parallel_loop3A_553 = tpu.dynamic_gather %parallel_loop3A_547[%parallel_loop3A_552] in [0] : vector<16xf32>, vector<16xi32> -> vector<16xf32>
      %parallel_loop3A_554 = arith.addf %parallel_loop3A_547, %parallel_loop3A_553 : vector<16xf32>
      %parallel_loop3A_555 = arith.constant 2 : i32
      %parallel_loop3A_556 = vector.broadcast %parallel_loop3A_555 : i32 to vector<16xi32>
      %parallel_loop3A_557 = arith.xori %parallel_loop3A_540, %parallel_loop3A_556 : vector<16xi32>
      %parallel_loop3A_558 = vector.shape_cast %parallel_loop3A_557 : vector<16xi32> to vector<16x1xi32>
      %parallel_loop3A_559 = vector.shape_cast %parallel_loop3A_558 : vector<16x1xi32> to vector<16xi32>
      %parallel_loop3A_560 = tpu.dynamic_gather %parallel_loop3A_554[%parallel_loop3A_559] in [0] : vector<16xf32>, vector<16xi32> -> vector<16xf32>
      %parallel_loop3A_561 = arith.addf %parallel_loop3A_554, %parallel_loop3A_560 : vector<16xf32>
      %parallel_loop3A_562 = arith.constant 1 : i32
      %parallel_loop3A_563 = vector.broadcast %parallel_loop3A_562 : i32 to vector<16xi32>
      %parallel_loop3A_564 = arith.xori %parallel_loop3A_540, %parallel_loop3A_563 : vector<16xi32>
      %parallel_loop3A_565 = vector.shape_cast %parallel_loop3A_564 : vector<16xi32> to vector<16x1xi32>
      %parallel_loop3A_566 = vector.shape_cast %parallel_loop3A_565 : vector<16x1xi32> to vector<16xi32>
      %parallel_loop3A_567 = tpu.dynamic_gather %parallel_loop3A_561[%parallel_loop3A_566] in [0] : vector<16xf32>, vector<16xi32> -> vector<16xf32>
      %parallel_loop3A_568 = arith.addf %parallel_loop3A_561, %parallel_loop3A_567 : vector<16xf32>
      %parallel_loop3A_569 = arith.mulf %parallel_loop3A_568, %div3A_228 : vector<16xf32>
      %parallel_loop3A_570 = arith.mulf %parallel_loop3A_569, %get3A_177 : vector<16xf32>
      %parallel_loop3A_571 = arith.subf %parallel_loop3A_520, %parallel_loop3A_570 : vector<16xf32>
      %parallel_loop3A_572 = arith.index_cast %parallel_loop3A_516 : i32 to index
      %parallel_loop3A_573 = arith.constant 0 : index
      %parallel_loop3A_574 = tpu.vector_load %arg26[%parallel_loop3A_572, %parallel_loop3A_573] {strides = array<i32>} : memref<512x64xf32, #tpu.memory_space<vmem>>, vector<1x16xf32>,
      %parallel_loop3A_575 = vector.shape_cast %parallel_loop3A_574 : vector<1x16xf32> to vector<16xf32>
      %parallel_loop3A_576 = vector.shape_cast %parallel_loop3A_571 : vector<16xf32> to vector<1x16xf32>
      tpu.vector_store %arg26[%parallel_loop3A_572, %parallel_loop3A_573], %parallel_loop3A_576 {strides = array<i32>} : memref<512x64xf32, #tpu.memory_space<vmem>>, vector<1x16xf32>,
      %parallel_loop3A_577 = arith.mulf %parallel_loop3A_569, %get3A_182 : vector<16xf32>
      %parallel_loop3A_578 = arith.subf %parallel_loop3A_524, %parallel_loop3A_577 : vector<16xf32>
      %parallel_loop3A_579 = arith.index_cast %parallel_loop3A_516 : i32 to index
      %parallel_loop3A_580 = arith.constant 16 : index
      %parallel_loop3A_581 = tpu.vector_load %arg26[%parallel_loop3A_579, %parallel_loop3A_580] {strides = array<i32>} : memref<512x64xf32, #tpu.memory_space<vmem>>, vector<1x16xf32>,
      %parallel_loop3A_582 = vector.shape_cast %parallel_loop3A_581 : vector<1x16xf32> to vector<16xf32>
      %parallel_loop3A_583 = vector.shape_cast %parallel_loop3A_578 : vector<16xf32> to vector<1x16xf32>
      tpu.vector_store %arg26[%parallel_loop3A_579, %parallel_loop3A_580], %parallel_loop3A_583 {strides = array<i32>} : memref<512x64xf32, #tpu.memory_space<vmem>>, vector<1x16xf32>,
      %parallel_loop3A_584 = arith.mulf %parallel_loop3A_569, %get3A_187 : vector<16xf32>
      %parallel_loop3A_585 = arith.subf %parallel_loop3A_528, %parallel_loop3A_584 : vector<16xf32>
      %parallel_loop3A_586 = arith.index_cast %parallel_loop3A_516 : i32 to index
      %parallel_loop3A_587 = arith.constant 32 : index
      %parallel_loop3A_588 = tpu.vector_load %arg26[%parallel_loop3A_586, %parallel_loop3A_587] {strides = array<i32>} : memref<512x64xf32, #tpu.memory_space<vmem>>, vector<1x16xf32>,
      %parallel_loop3A_589 = vector.shape_cast %parallel_loop3A_588 : vector<1x16xf32> to vector<16xf32>
      %parallel_loop3A_590 = vector.shape_cast %parallel_loop3A_585 : vector<16xf32> to vector<1x16xf32>
      tpu.vector_store %arg26[%parallel_loop3A_586, %parallel_loop3A_587], %parallel_loop3A_590 {strides = array<i32>} : memref<512x64xf32, #tpu.memory_space<vmem>>, vector<1x16xf32>,
      %parallel_loop3A_591 = arith.mulf %parallel_loop3A_569, %get3A_192 : vector<16xf32>
      %parallel_loop3A_592 = arith.subf %parallel_loop3A_532, %parallel_loop3A_591 : vector<16xf32>
      %parallel_loop3A_593 = arith.index_cast %parallel_loop3A_516 : i32 to index
      %parallel_loop3A_594 = arith.constant 48 : index
      %parallel_loop3A_595 = tpu.vector_load %arg26[%parallel_loop3A_593, %parallel_loop3A_594] {strides = array<i32>} : memref<512x64xf32, #tpu.memory_space<vmem>>, vector<1x16xf32>,
      %parallel_loop3A_596 = vector.shape_cast %parallel_loop3A_595 : vector<1x16xf32> to vector<16xf32>
      %parallel_loop3A_597 = vector.shape_cast %parallel_loop3A_592 : vector<16xf32> to vector<1x16xf32>
      tpu.vector_store %arg26[%parallel_loop3A_593, %parallel_loop3A_594], %parallel_loop3A_597 {strides = array<i32>} : memref<512x64xf32, #tpu.memory_space<vmem>>, vector<1x16xf32>,
    } {sc.loop_unroll_factor = 4 : i64, sc.parallel_access}
    "tpu.region"() ({
      %run_scoped3A_516 = tpu.sem_alloc : memref<!tpu.dma_semaphore, #tpu.memory_space<semaphore_mem>>
      %dma_start3A = arith.constant 0 : i32
      %dma_start3A_517 = tpu.memref_slice %arg15[%mul3A_2, %dma_start3A] : memref<16384x64xf32, #tpu.memory_space<hbm>> -> memref<512x64xf32, #tpu.memory_space<hbm>>
      %dma_start3A_518 = arith.constant 0 : i32
      %dma_start3A_519 = tpu.memref_slice %arg15[%mul3A_2, %dma_start3A_518] : memref<16384x64xf32, #tpu.memory_space<hbm>> -> memref<512x64xf32, #tpu.memory_space<hbm>>
      tpu.enqueue_dma source(%arg26 : memref<512x64xf32, #tpu.memory_space<vmem>>) target(%dma_start3A_519 : memref<512x64xf32, #tpu.memory_space<hbm>>) target_semaphore(%run_scoped3A_516 : memref<!tpu.dma_semaphore, #tpu.memory_space<semaphore_mem>>)
      %dma_wait3A = arith.constant 0 : i32
      %dma_wait3A_520 = tpu.memref_slice %arg15[%mul3A_2, %dma_wait3A] : memref<16384x64xf32, #tpu.memory_space<hbm>> -> memref<512x64xf32, #tpu.memory_space<hbm>>
      %dma_wait3A_521 = arith.constant 0 : i32
      %dma_wait3A_522 = tpu.memref_slice %arg15[%mul3A_2, %dma_wait3A_521] : memref<16384x64xf32, #tpu.memory_space<hbm>> -> memref<512x64xf32, #tpu.memory_space<hbm>>
      tpu.wait_dma2 semaphore(%run_scoped3A_516 : memref<!tpu.dma_semaphore, #tpu.memory_space<semaphore_mem>>) src(%arg26 : memref<512x64xf32, #tpu.memory_space<vmem>>) dst(%dma_wait3A_522 : memref<512x64xf32, #tpu.memory_space<hbm>>)
      tpu.yield
    }) : () -> ()
    %parallel_loop3A_232 = arith.constant 0 : i32
    %parallel_loop3A_233 = arith.constant 512 : i32
    %parallel_loop3A_234 = arith.constant 16 : i32
    scf.for %parallel_loop3A_516 = %parallel_loop3A_232 to %parallel_loop3A_233 step %parallel_loop3A_234  : i32 {
      %parallel_loop3A_517 = arith.constant 2 : i32
      %parallel_loop3A_518 = arith.index_cast %parallel_loop3A_517 : i32 to index
      %parallel_loop3A_519 = arith.index_cast %parallel_loop3A_516 : i32 to index
      %parallel_loop3A_520 = tpu.vector_load %arg25[%parallel_loop3A_518, %parallel_loop3A_519] {strides = array<i32>} : memref<6x512xi32, #tpu.memory_space<vmem>>, vector<1x16xi32>,
      %parallel_loop3A_521 = vector.shape_cast %parallel_loop3A_520 : vector<1x16xi32> to vector<16xi32>
      %parallel_loop3A_522 = vector.extract_strided_slice %parallel_loop3A_521 {offsets = [0], sizes = [1], strides = [1]} : vector<16xi32> to vector<1xi32>
      %parallel_loop3A_523 = vector.extract %parallel_loop3A_522[0] : i32 from vector<1xi32>
      %parallel_loop3A_524 = arith.constant 0 : i32
      %parallel_loop3A_525 = arith.addi %parallel_loop3A_516, %parallel_loop3A_524 : i32
      %parallel_loop3A_526 = arith.constant 0 : i32
      %parallel_loop3A_527 = tpu.memref_slice %arg26[%parallel_loop3A_525, %parallel_loop3A_526] : memref<512x64xf32, #tpu.memory_space<vmem>> -> memref<1x64xf32, #tpu.memory_space<vmem>>
      %parallel_loop3A_528 = arith.constant 0 : i32
      %parallel_loop3A_529 = tpu.memref_slice %arg11[%parallel_loop3A_523, %parallel_loop3A_528] : memref<1000000x64xf32, #tpu.memory_space<hbm>> -> memref<1x64xf32, #tpu.memory_space<hbm>>
      %parallel_loop3A_530 = arith.constant 0 : i32
      %parallel_loop3A_531 = tpu.memref_slice %arg26[%parallel_loop3A_525, %parallel_loop3A_530] : memref<512x64xf32, #tpu.memory_space<vmem>> -> memref<1x64xf32, #tpu.memory_space<vmem>>
      %parallel_loop3A_532 = arith.constant 0 : i32
      %parallel_loop3A_533 = tpu.memref_slice %arg11[%parallel_loop3A_523, %parallel_loop3A_532] : memref<1000000x64xf32, #tpu.memory_space<hbm>> -> memref<1x64xf32, #tpu.memory_space<hbm>>
      tpu.enqueue_dma source(%parallel_loop3A_533 : memref<1x64xf32, #tpu.memory_space<hbm>>) target(%parallel_loop3A_531 : memref<1x64xf32, #tpu.memory_space<vmem>>) target_semaphore(%arg30 : memref<!tpu.dma_semaphore, #tpu.memory_space<semaphore_mem>>)
      %parallel_loop3A_534 = vector.extract_strided_slice %parallel_loop3A_521 {offsets = [1], sizes = [1], strides = [1]} : vector<16xi32> to vector<1xi32>
      %parallel_loop3A_535 = vector.extract %parallel_loop3A_534[0] : i32 from vector<1xi32>
      %parallel_loop3A_536 = arith.constant 1 : i32
      %parallel_loop3A_537 = arith.addi %parallel_loop3A_516, %parallel_loop3A_536 : i32
      %parallel_loop3A_538 = arith.constant 0 : i32
      %parallel_loop3A_539 = tpu.memref_slice %arg26[%parallel_loop3A_537, %parallel_loop3A_538] : memref<512x64xf32, #tpu.memory_space<vmem>> -> memref<1x64xf32, #tpu.memory_space<vmem>>
      %parallel_loop3A_540 = arith.constant 0 : i32
      %parallel_loop3A_541 = tpu.memref_slice %arg11[%parallel_loop3A_535, %parallel_loop3A_540] : memref<1000000x64xf32, #tpu.memory_space<hbm>> -> memref<1x64xf32, #tpu.memory_space<hbm>>
      %parallel_loop3A_542 = arith.constant 0 : i32
      %parallel_loop3A_543 = tpu.memref_slice %arg26[%parallel_loop3A_537, %parallel_loop3A_542] : memref<512x64xf32, #tpu.memory_space<vmem>> -> memref<1x64xf32, #tpu.memory_space<vmem>>
      %parallel_loop3A_544 = arith.constant 0 : i32
      %parallel_loop3A_545 = tpu.memref_slice %arg11[%parallel_loop3A_535, %parallel_loop3A_544] : memref<1000000x64xf32, #tpu.memory_space<hbm>> -> memref<1x64xf32, #tpu.memory_space<hbm>>
      tpu.enqueue_dma source(%parallel_loop3A_545 : memref<1x64xf32, #tpu.memory_space<hbm>>) target(%parallel_loop3A_543 : memref<1x64xf32, #tpu.memory_space<vmem>>) target_semaphore(%arg30 : memref<!tpu.dma_semaphore, #tpu.memory_space<semaphore_mem>>)
      %parallel_loop3A_546 = vector.extract_strided_slice %parallel_loop3A_521 {offsets = [2], sizes = [1], strides = [1]} : vector<16xi32> to vector<1xi32>
      %parallel_loop3A_547 = vector.extract %parallel_loop3A_546[0] : i32 from vector<1xi32>
      %parallel_loop3A_548 = arith.constant 2 : i32
      %parallel_loop3A_549 = arith.addi %parallel_loop3A_516, %parallel_loop3A_548 : i32
      %parallel_loop3A_550 = arith.constant 0 : i32
      %parallel_loop3A_551 = tpu.memref_slice %arg26[%parallel_loop3A_549, %parallel_loop3A_550] : memref<512x64xf32, #tpu.memory_space<vmem>> -> memref<1x64xf32, #tpu.memory_space<vmem>>
      %parallel_loop3A_552 = arith.constant 0 : i32
      %parallel_loop3A_553 = tpu.memref_slice %arg11[%parallel_loop3A_547, %parallel_loop3A_552] : memref<1000000x64xf32, #tpu.memory_space<hbm>> -> memref<1x64xf32, #tpu.memory_space<hbm>>
      %parallel_loop3A_554 = arith.constant 0 : i32
      %parallel_loop3A_555 = tpu.memref_slice %arg26[%parallel_loop3A_549, %parallel_loop3A_554] : memref<512x64xf32, #tpu.memory_space<vmem>> -> memref<1x64xf32, #tpu.memory_space<vmem>>
      %parallel_loop3A_556 = arith.constant 0 : i32
      %parallel_loop3A_557 = tpu.memref_slice %arg11[%parallel_loop3A_547, %parallel_loop3A_556] : memref<1000000x64xf32, #tpu.memory_space<hbm>> -> memref<1x64xf32, #tpu.memory_space<hbm>>
      tpu.enqueue_dma source(%parallel_loop3A_557 : memref<1x64xf32, #tpu.memory_space<hbm>>) target(%parallel_loop3A_555 : memref<1x64xf32, #tpu.memory_space<vmem>>) target_semaphore(%arg30 : memref<!tpu.dma_semaphore, #tpu.memory_space<semaphore_mem>>)
      %parallel_loop3A_558 = vector.extract_strided_slice %parallel_loop3A_521 {offsets = [3], sizes = [1], strides = [1]} : vector<16xi32> to vector<1xi32>
      %parallel_loop3A_559 = vector.extract %parallel_loop3A_558[0] : i32 from vector<1xi32>
      %parallel_loop3A_560 = arith.constant 3 : i32
      %parallel_loop3A_561 = arith.addi %parallel_loop3A_516, %parallel_loop3A_560 : i32
      %parallel_loop3A_562 = arith.constant 0 : i32
      %parallel_loop3A_563 = tpu.memref_slice %arg26[%parallel_loop3A_561, %parallel_loop3A_562] : memref<512x64xf32, #tpu.memory_space<vmem>> -> memref<1x64xf32, #tpu.memory_space<vmem>>
      %parallel_loop3A_564 = arith.constant 0 : i32
      %parallel_loop3A_565 = tpu.memref_slice %arg11[%parallel_loop3A_559, %parallel_loop3A_564] : memref<1000000x64xf32, #tpu.memory_space<hbm>> -> memref<1x64xf32, #tpu.memory_space<hbm>>
      %parallel_loop3A_566 = arith.constant 0 : i32
      %parallel_loop3A_567 = tpu.memref_slice %arg26[%parallel_loop3A_561, %parallel_loop3A_566] : memref<512x64xf32, #tpu.memory_space<vmem>> -> memref<1x64xf32, #tpu.memory_space<vmem>>
      %parallel_loop3A_568 = arith.constant 0 : i32
      %parallel_loop3A_569 = tpu.memref_slice %arg11[%parallel_loop3A_559, %parallel_loop3A_568] : memref<1000000x64xf32, #tpu.memory_space<hbm>> -> memref<1x64xf32, #tpu.memory_space<hbm>>
      tpu.enqueue_dma source(%parallel_loop3A_569 : memref<1x64xf32, #tpu.memory_space<hbm>>) target(%parallel_loop3A_567 : memref<1x64xf32, #tpu.memory_space<vmem>>) target_semaphore(%arg30 : memref<!tpu.dma_semaphore, #tpu.memory_space<semaphore_mem>>)
      %parallel_loop3A_570 = vector.extract_strided_slice %parallel_loop3A_521 {offsets = [4], sizes = [1], strides = [1]} : vector<16xi32> to vector<1xi32>
      %parallel_loop3A_571 = vector.extract %parallel_loop3A_570[0] : i32 from vector<1xi32>
      %parallel_loop3A_572 = arith.constant 4 : i32
      %parallel_loop3A_573 = arith.addi %parallel_loop3A_516, %parallel_loop3A_572 : i32
      %parallel_loop3A_574 = arith.constant 0 : i32
      %parallel_loop3A_575 = tpu.memref_slice %arg26[%parallel_loop3A_573, %parallel_loop3A_574] : memref<512x64xf32, #tpu.memory_space<vmem>> -> memref<1x64xf32, #tpu.memory_space<vmem>>
      %parallel_loop3A_576 = arith.constant 0 : i32
      %parallel_loop3A_577 = tpu.memref_slice %arg11[%parallel_loop3A_571, %parallel_loop3A_576] : memref<1000000x64xf32, #tpu.memory_space<hbm>> -> memref<1x64xf32, #tpu.memory_space<hbm>>
      %parallel_loop3A_578 = arith.constant 0 : i32
      %parallel_loop3A_579 = tpu.memref_slice %arg26[%parallel_loop3A_573, %parallel_loop3A_578] : memref<512x64xf32, #tpu.memory_space<vmem>> -> memref<1x64xf32, #tpu.memory_space<vmem>>
      %parallel_loop3A_580 = arith.constant 0 : i32
      %parallel_loop3A_581 = tpu.memref_slice %arg11[%parallel_loop3A_571, %parallel_loop3A_580] : memref<1000000x64xf32, #tpu.memory_space<hbm>> -> memref<1x64xf32, #tpu.memory_space<hbm>>
      tpu.enqueue_dma source(%parallel_loop3A_581 : memref<1x64xf32, #tpu.memory_space<hbm>>) target(%parallel_loop3A_579 : memref<1x64xf32, #tpu.memory_space<vmem>>) target_semaphore(%arg30 : memref<!tpu.dma_semaphore, #tpu.memory_space<semaphore_mem>>)
      %parallel_loop3A_582 = vector.extract_strided_slice %parallel_loop3A_521 {offsets = [5], sizes = [1], strides = [1]} : vector<16xi32> to vector<1xi32>
      %parallel_loop3A_583 = vector.extract %parallel_loop3A_582[0] : i32 from vector<1xi32>
      %parallel_loop3A_584 = arith.constant 5 : i32
      %parallel_loop3A_585 = arith.addi %parallel_loop3A_516, %parallel_loop3A_584 : i32
      %parallel_loop3A_586 = arith.constant 0 : i32
      %parallel_loop3A_587 = tpu.memref_slice %arg26[%parallel_loop3A_585, %parallel_loop3A_586] : memref<512x64xf32, #tpu.memory_space<vmem>> -> memref<1x64xf32, #tpu.memory_space<vmem>>
      %parallel_loop3A_588 = arith.constant 0 : i32
      %parallel_loop3A_589 = tpu.memref_slice %arg11[%parallel_loop3A_583, %parallel_loop3A_588] : memref<1000000x64xf32, #tpu.memory_space<hbm>> -> memref<1x64xf32, #tpu.memory_space<hbm>>
      %parallel_loop3A_590 = arith.constant 0 : i32
      %parallel_loop3A_591 = tpu.memref_slice %arg26[%parallel_loop3A_585, %parallel_loop3A_590] : memref<512x64xf32, #tpu.memory_space<vmem>> -> memref<1x64xf32, #tpu.memory_space<vmem>>
      %parallel_loop3A_592 = arith.constant 0 : i32
      %parallel_loop3A_593 = tpu.memref_slice %arg11[%parallel_loop3A_583, %parallel_loop3A_592] : memref<1000000x64xf32, #tpu.memory_space<hbm>> -> memref<1x64xf32, #tpu.memory_space<hbm>>
      tpu.enqueue_dma source(%parallel_loop3A_593 : memref<1x64xf32, #tpu.memory_space<hbm>>) target(%parallel_loop3A_591 : memref<1x64xf32, #tpu.memory_space<vmem>>) target_semaphore(%arg30 : memref<!tpu.dma_semaphore, #tpu.memory_space<semaphore_mem>>)
      %parallel_loop3A_594 = vector.extract_strided_slice %parallel_loop3A_521 {offsets = [6], sizes = [1], strides = [1]} : vector<16xi32> to vector<1xi32>
      %parallel_loop3A_595 = vector.extract %parallel_loop3A_594[0] : i32 from vector<1xi32>
      %parallel_loop3A_596 = arith.constant 6 : i32
      %parallel_loop3A_597 = arith.addi %parallel_loop3A_516, %parallel_loop3A_596 : i32
      %parallel_loop3A_598 = arith.constant 0 : i32
      %parallel_loop3A_599 = tpu.memref_slice %arg26[%parallel_loop3A_597, %parallel_loop3A_598] : memref<512x64xf32, #tpu.memory_space<vmem>> -> memref<1x64xf32, #tpu.memory_space<vmem>>
      %parallel_loop3A_600 = arith.constant 0 : i32
      %parallel_loop3A_601 = tpu.memref_slice %arg11[%parallel_loop3A_595, %parallel_loop3A_600] : memref<1000000x64xf32, #tpu.memory_space<hbm>> -> memref<1x64xf32, #tpu.memory_space<hbm>>
      %parallel_loop3A_602 = arith.constant 0 : i32
      %parallel_loop3A_603 = tpu.memref_slice %arg26[%parallel_loop3A_597, %parallel_loop3A_602] : memref<512x64xf32, #tpu.memory_space<vmem>> -> memref<1x64xf32, #tpu.memory_space<vmem>>
      %parallel_loop3A_604 = arith.constant 0 : i32
      %parallel_loop3A_605 = tpu.memref_slice %arg11[%parallel_loop3A_595, %parallel_loop3A_604] : memref<1000000x64xf32, #tpu.memory_space<hbm>> -> memref<1x64xf32, #tpu.memory_space<hbm>>
      tpu.enqueue_dma source(%parallel_loop3A_605 : memref<1x64xf32, #tpu.memory_space<hbm>>) target(%parallel_loop3A_603 : memref<1x64xf32, #tpu.memory_space<vmem>>) target_semaphore(%arg30 : memref<!tpu.dma_semaphore, #tpu.memory_space<semaphore_mem>>)
      %parallel_loop3A_606 = vector.extract_strided_slice %parallel_loop3A_521 {offsets = [7], sizes = [1], strides = [1]} : vector<16xi32> to vector<1xi32>
      %parallel_loop3A_607 = vector.extract %parallel_loop3A_606[0] : i32 from vector<1xi32>
      %parallel_loop3A_608 = arith.constant 7 : i32
      %parallel_loop3A_609 = arith.addi %parallel_loop3A_516, %parallel_loop3A_608 : i32
      %parallel_loop3A_610 = arith.constant 0 : i32
      %parallel_loop3A_611 = tpu.memref_slice %arg26[%parallel_loop3A_609, %parallel_loop3A_610] : memref<512x64xf32, #tpu.memory_space<vmem>> -> memref<1x64xf32, #tpu.memory_space<vmem>>
      %parallel_loop3A_612 = arith.constant 0 : i32
      %parallel_loop3A_613 = tpu.memref_slice %arg11[%parallel_loop3A_607, %parallel_loop3A_612] : memref<1000000x64xf32, #tpu.memory_space<hbm>> -> memref<1x64xf32, #tpu.memory_space<hbm>>
      %parallel_loop3A_614 = arith.constant 0 : i32
      %parallel_loop3A_615 = tpu.memref_slice %arg26[%parallel_loop3A_609, %parallel_loop3A_614] : memref<512x64xf32, #tpu.memory_space<vmem>> -> memref<1x64xf32, #tpu.memory_space<vmem>>
      %parallel_loop3A_616 = arith.constant 0 : i32
      %parallel_loop3A_617 = tpu.memref_slice %arg11[%parallel_loop3A_607, %parallel_loop3A_616] : memref<1000000x64xf32, #tpu.memory_space<hbm>> -> memref<1x64xf32, #tpu.memory_space<hbm>>
      tpu.enqueue_dma source(%parallel_loop3A_617 : memref<1x64xf32, #tpu.memory_space<hbm>>) target(%parallel_loop3A_615 : memref<1x64xf32, #tpu.memory_space<vmem>>) target_semaphore(%arg30 : memref<!tpu.dma_semaphore, #tpu.memory_space<semaphore_mem>>)
      %parallel_loop3A_618 = vector.extract_strided_slice %parallel_loop3A_521 {offsets = [8], sizes = [1], strides = [1]} : vector<16xi32> to vector<1xi32>
      %parallel_loop3A_619 = vector.extract %parallel_loop3A_618[0] : i32 from vector<1xi32>
      %parallel_loop3A_620 = arith.constant 8 : i32
      %parallel_loop3A_621 = arith.addi %parallel_loop3A_516, %parallel_loop3A_620 : i32
      %parallel_loop3A_622 = arith.constant 0 : i32
      %parallel_loop3A_623 = tpu.memref_slice %arg26[%parallel_loop3A_621, %parallel_loop3A_622] : memref<512x64xf32, #tpu.memory_space<vmem>> -> memref<1x64xf32, #tpu.memory_space<vmem>>
      %parallel_loop3A_624 = arith.constant 0 : i32
      %parallel_loop3A_625 = tpu.memref_slice %arg11[%parallel_loop3A_619, %parallel_loop3A_624] : memref<1000000x64xf32, #tpu.memory_space<hbm>> -> memref<1x64xf32, #tpu.memory_space<hbm>>
      %parallel_loop3A_626 = arith.constant 0 : i32
      %parallel_loop3A_627 = tpu.memref_slice %arg26[%parallel_loop3A_621, %parallel_loop3A_626] : memref<512x64xf32, #tpu.memory_space<vmem>> -> memref<1x64xf32, #tpu.memory_space<vmem>>
      %parallel_loop3A_628 = arith.constant 0 : i32
      %parallel_loop3A_629 = tpu.memref_slice %arg11[%parallel_loop3A_619, %parallel_loop3A_628] : memref<1000000x64xf32, #tpu.memory_space<hbm>> -> memref<1x64xf32, #tpu.memory_space<hbm>>
      tpu.enqueue_dma source(%parallel_loop3A_629 : memref<1x64xf32, #tpu.memory_space<hbm>>) target(%parallel_loop3A_627 : memref<1x64xf32, #tpu.memory_space<vmem>>) target_semaphore(%arg30 : memref<!tpu.dma_semaphore, #tpu.memory_space<semaphore_mem>>)
      %parallel_loop3A_630 = vector.extract_strided_slice %parallel_loop3A_521 {offsets = [9], sizes = [1], strides = [1]} : vector<16xi32> to vector<1xi32>
      %parallel_loop3A_631 = vector.extract %parallel_loop3A_630[0] : i32 from vector<1xi32>
      %parallel_loop3A_632 = arith.constant 9 : i32
      %parallel_loop3A_633 = arith.addi %parallel_loop3A_516, %parallel_loop3A_632 : i32
      %parallel_loop3A_634 = arith.constant 0 : i32
      %parallel_loop3A_635 = tpu.memref_slice %arg26[%parallel_loop3A_633, %parallel_loop3A_634] : memref<512x64xf32, #tpu.memory_space<vmem>> -> memref<1x64xf32, #tpu.memory_space<vmem>>
      %parallel_loop3A_636 = arith.constant 0 : i32
      %parallel_loop3A_637 = tpu.memref_slice %arg11[%parallel_loop3A_631, %parallel_loop3A_636] : memref<1000000x64xf32, #tpu.memory_space<hbm>> -> memref<1x64xf32, #tpu.memory_space<hbm>>
      %parallel_loop3A_638 = arith.constant 0 : i32
      %parallel_loop3A_639 = tpu.memref_slice %arg26[%parallel_loop3A_633, %parallel_loop3A_638] : memref<512x64xf32, #tpu.memory_space<vmem>> -> memref<1x64xf32, #tpu.memory_space<vmem>>
      %parallel_loop3A_640 = arith.constant 0 : i32
      %parallel_loop3A_641 = tpu.memref_slice %arg11[%parallel_loop3A_631, %parallel_loop3A_640] : memref<1000000x64xf32, #tpu.memory_space<hbm>> -> memref<1x64xf32, #tpu.memory_space<hbm>>
      tpu.enqueue_dma source(%parallel_loop3A_641 : memref<1x64xf32, #tpu.memory_space<hbm>>) target(%parallel_loop3A_639 : memref<1x64xf32, #tpu.memory_space<vmem>>) target_semaphore(%arg30 : memref<!tpu.dma_semaphore, #tpu.memory_space<semaphore_mem>>)
      %parallel_loop3A_642 = vector.extract_strided_slice %parallel_loop3A_521 {offsets = [10], sizes = [1], strides = [1]} : vector<16xi32> to vector<1xi32>
      %parallel_loop3A_643 = vector.extract %parallel_loop3A_642[0] : i32 from vector<1xi32>
      %parallel_loop3A_644 = arith.constant 10 : i32
      %parallel_loop3A_645 = arith.addi %parallel_loop3A_516, %parallel_loop3A_644 : i32
      %parallel_loop3A_646 = arith.constant 0 : i32
      %parallel_loop3A_647 = tpu.memref_slice %arg26[%parallel_loop3A_645, %parallel_loop3A_646] : memref<512x64xf32, #tpu.memory_space<vmem>> -> memref<1x64xf32, #tpu.memory_space<vmem>>
      %parallel_loop3A_648 = arith.constant 0 : i32
      %parallel_loop3A_649 = tpu.memref_slice %arg11[%parallel_loop3A_643, %parallel_loop3A_648] : memref<1000000x64xf32, #tpu.memory_space<hbm>> -> memref<1x64xf32, #tpu.memory_space<hbm>>
      %parallel_loop3A_650 = arith.constant 0 : i32
      %parallel_loop3A_651 = tpu.memref_slice %arg26[%parallel_loop3A_645, %parallel_loop3A_650] : memref<512x64xf32, #tpu.memory_space<vmem>> -> memref<1x64xf32, #tpu.memory_space<vmem>>
      %parallel_loop3A_652 = arith.constant 0 : i32
      %parallel_loop3A_653 = tpu.memref_slice %arg11[%parallel_loop3A_643, %parallel_loop3A_652] : memref<1000000x64xf32, #tpu.memory_space<hbm>> -> memref<1x64xf32, #tpu.memory_space<hbm>>
      tpu.enqueue_dma source(%parallel_loop3A_653 : memref<1x64xf32, #tpu.memory_space<hbm>>) target(%parallel_loop3A_651 : memref<1x64xf32, #tpu.memory_space<vmem>>) target_semaphore(%arg30 : memref<!tpu.dma_semaphore, #tpu.memory_space<semaphore_mem>>)
      %parallel_loop3A_654 = vector.extract_strided_slice %parallel_loop3A_521 {offsets = [11], sizes = [1], strides = [1]} : vector<16xi32> to vector<1xi32>
      %parallel_loop3A_655 = vector.extract %parallel_loop3A_654[0] : i32 from vector<1xi32>
      %parallel_loop3A_656 = arith.constant 11 : i32
      %parallel_loop3A_657 = arith.addi %parallel_loop3A_516, %parallel_loop3A_656 : i32
      %parallel_loop3A_658 = arith.constant 0 : i32
      %parallel_loop3A_659 = tpu.memref_slice %arg26[%parallel_loop3A_657, %parallel_loop3A_658] : memref<512x64xf32, #tpu.memory_space<vmem>> -> memref<1x64xf32, #tpu.memory_space<vmem>>
      %parallel_loop3A_660 = arith.constant 0 : i32
      %parallel_loop3A_661 = tpu.memref_slice %arg11[%parallel_loop3A_655, %parallel_loop3A_660] : memref<1000000x64xf32, #tpu.memory_space<hbm>> -> memref<1x64xf32, #tpu.memory_space<hbm>>
      %parallel_loop3A_662 = arith.constant 0 : i32
      %parallel_loop3A_663 = tpu.memref_slice %arg26[%parallel_loop3A_657, %parallel_loop3A_662] : memref<512x64xf32, #tpu.memory_space<vmem>> -> memref<1x64xf32, #tpu.memory_space<vmem>>
      %parallel_loop3A_664 = arith.constant 0 : i32
      %parallel_loop3A_665 = tpu.memref_slice %arg11[%parallel_loop3A_655, %parallel_loop3A_664] : memref<1000000x64xf32, #tpu.memory_space<hbm>> -> memref<1x64xf32, #tpu.memory_space<hbm>>
      tpu.enqueue_dma source(%parallel_loop3A_665 : memref<1x64xf32, #tpu.memory_space<hbm>>) target(%parallel_loop3A_663 : memref<1x64xf32, #tpu.memory_space<vmem>>) target_semaphore(%arg30 : memref<!tpu.dma_semaphore, #tpu.memory_space<semaphore_mem>>)
      %parallel_loop3A_666 = vector.extract_strided_slice %parallel_loop3A_521 {offsets = [12], sizes = [1], strides = [1]} : vector<16xi32> to vector<1xi32>
      %parallel_loop3A_667 = vector.extract %parallel_loop3A_666[0] : i32 from vector<1xi32>
      %parallel_loop3A_668 = arith.constant 12 : i32
      %parallel_loop3A_669 = arith.addi %parallel_loop3A_516, %parallel_loop3A_668 : i32
      %parallel_loop3A_670 = arith.constant 0 : i32
      %parallel_loop3A_671 = tpu.memref_slice %arg26[%parallel_loop3A_669, %parallel_loop3A_670] : memref<512x64xf32, #tpu.memory_space<vmem>> -> memref<1x64xf32, #tpu.memory_space<vmem>>
      %parallel_loop3A_672 = arith.constant 0 : i32
      %parallel_loop3A_673 = tpu.memref_slice %arg11[%parallel_loop3A_667, %parallel_loop3A_672] : memref<1000000x64xf32, #tpu.memory_space<hbm>> -> memref<1x64xf32, #tpu.memory_space<hbm>>
      %parallel_loop3A_674 = arith.constant 0 : i32
      %parallel_loop3A_675 = tpu.memref_slice %arg26[%parallel_loop3A_669, %parallel_loop3A_674] : memref<512x64xf32, #tpu.memory_space<vmem>> -> memref<1x64xf32, #tpu.memory_space<vmem>>
      %parallel_loop3A_676 = arith.constant 0 : i32
      %parallel_loop3A_677 = tpu.memref_slice %arg11[%parallel_loop3A_667, %parallel_loop3A_676] : memref<1000000x64xf32, #tpu.memory_space<hbm>> -> memref<1x64xf32, #tpu.memory_space<hbm>>
      tpu.enqueue_dma source(%parallel_loop3A_677 : memref<1x64xf32, #tpu.memory_space<hbm>>) target(%parallel_loop3A_675 : memref<1x64xf32, #tpu.memory_space<vmem>>) target_semaphore(%arg30 : memref<!tpu.dma_semaphore, #tpu.memory_space<semaphore_mem>>)
      %parallel_loop3A_678 = vector.extract_strided_slice %parallel_loop3A_521 {offsets = [13], sizes = [1], strides = [1]} : vector<16xi32> to vector<1xi32>
      %parallel_loop3A_679 = vector.extract %parallel_loop3A_678[0] : i32 from vector<1xi32>
      %parallel_loop3A_680 = arith.constant 13 : i32
      %parallel_loop3A_681 = arith.addi %parallel_loop3A_516, %parallel_loop3A_680 : i32
      %parallel_loop3A_682 = arith.constant 0 : i32
      %parallel_loop3A_683 = tpu.memref_slice %arg26[%parallel_loop3A_681, %parallel_loop3A_682] : memref<512x64xf32, #tpu.memory_space<vmem>> -> memref<1x64xf32, #tpu.memory_space<vmem>>
      %parallel_loop3A_684 = arith.constant 0 : i32
      %parallel_loop3A_685 = tpu.memref_slice %arg11[%parallel_loop3A_679, %parallel_loop3A_684] : memref<1000000x64xf32, #tpu.memory_space<hbm>> -> memref<1x64xf32, #tpu.memory_space<hbm>>
      %parallel_loop3A_686 = arith.constant 0 : i32
      %parallel_loop3A_687 = tpu.memref_slice %arg26[%parallel_loop3A_681, %parallel_loop3A_686] : memref<512x64xf32, #tpu.memory_space<vmem>> -> memref<1x64xf32, #tpu.memory_space<vmem>>
      %parallel_loop3A_688 = arith.constant 0 : i32
      %parallel_loop3A_689 = tpu.memref_slice %arg11[%parallel_loop3A_679, %parallel_loop3A_688] : memref<1000000x64xf32, #tpu.memory_space<hbm>> -> memref<1x64xf32, #tpu.memory_space<hbm>>
      tpu.enqueue_dma source(%parallel_loop3A_689 : memref<1x64xf32, #tpu.memory_space<hbm>>) target(%parallel_loop3A_687 : memref<1x64xf32, #tpu.memory_space<vmem>>) target_semaphore(%arg30 : memref<!tpu.dma_semaphore, #tpu.memory_space<semaphore_mem>>)
      %parallel_loop3A_690 = vector.extract_strided_slice %parallel_loop3A_521 {offsets = [14], sizes = [1], strides = [1]} : vector<16xi32> to vector<1xi32>
      %parallel_loop3A_691 = vector.extract %parallel_loop3A_690[0] : i32 from vector<1xi32>
      %parallel_loop3A_692 = arith.constant 14 : i32
      %parallel_loop3A_693 = arith.addi %parallel_loop3A_516, %parallel_loop3A_692 : i32
      %parallel_loop3A_694 = arith.constant 0 : i32
      %parallel_loop3A_695 = tpu.memref_slice %arg26[%parallel_loop3A_693, %parallel_loop3A_694] : memref<512x64xf32, #tpu.memory_space<vmem>> -> memref<1x64xf32, #tpu.memory_space<vmem>>
      %parallel_loop3A_696 = arith.constant 0 : i32
      %parallel_loop3A_697 = tpu.memref_slice %arg11[%parallel_loop3A_691, %parallel_loop3A_696] : memref<1000000x64xf32, #tpu.memory_space<hbm>> -> memref<1x64xf32, #tpu.memory_space<hbm>>
      %parallel_loop3A_698 = arith.constant 0 : i32
      %parallel_loop3A_699 = tpu.memref_slice %arg26[%parallel_loop3A_693, %parallel_loop3A_698] : memref<512x64xf32, #tpu.memory_space<vmem>> -> memref<1x64xf32, #tpu.memory_space<vmem>>
      %parallel_loop3A_700 = arith.constant 0 : i32
      %parallel_loop3A_701 = tpu.memref_slice %arg11[%parallel_loop3A_691, %parallel_loop3A_700] : memref<1000000x64xf32, #tpu.memory_space<hbm>> -> memref<1x64xf32, #tpu.memory_space<hbm>>
      tpu.enqueue_dma source(%parallel_loop3A_701 : memref<1x64xf32, #tpu.memory_space<hbm>>) target(%parallel_loop3A_699 : memref<1x64xf32, #tpu.memory_space<vmem>>) target_semaphore(%arg30 : memref<!tpu.dma_semaphore, #tpu.memory_space<semaphore_mem>>)
      %parallel_loop3A_702 = vector.extract_strided_slice %parallel_loop3A_521 {offsets = [15], sizes = [1], strides = [1]} : vector<16xi32> to vector<1xi32>
      %parallel_loop3A_703 = vector.extract %parallel_loop3A_702[0] : i32 from vector<1xi32>
      %parallel_loop3A_704 = arith.constant 15 : i32
      %parallel_loop3A_705 = arith.addi %parallel_loop3A_516, %parallel_loop3A_704 : i32
      %parallel_loop3A_706 = arith.constant 0 : i32
      %parallel_loop3A_707 = tpu.memref_slice %arg26[%parallel_loop3A_705, %parallel_loop3A_706] : memref<512x64xf32, #tpu.memory_space<vmem>> -> memref<1x64xf32, #tpu.memory_space<vmem>>
      %parallel_loop3A_708 = arith.constant 0 : i32
      %parallel_loop3A_709 = tpu.memref_slice %arg11[%parallel_loop3A_703, %parallel_loop3A_708] : memref<1000000x64xf32, #tpu.memory_space<hbm>> -> memref<1x64xf32, #tpu.memory_space<hbm>>
      %parallel_loop3A_710 = arith.constant 0 : i32
      %parallel_loop3A_711 = tpu.memref_slice %arg26[%parallel_loop3A_705, %parallel_loop3A_710] : memref<512x64xf32, #tpu.memory_space<vmem>> -> memref<1x64xf32, #tpu.memory_space<vmem>>
      %parallel_loop3A_712 = arith.constant 0 : i32
      %parallel_loop3A_713 = tpu.memref_slice %arg11[%parallel_loop3A_703, %parallel_loop3A_712] : memref<1000000x64xf32, #tpu.memory_space<hbm>> -> memref<1x64xf32, #tpu.memory_space<hbm>>
      tpu.enqueue_dma source(%parallel_loop3A_713 : memref<1x64xf32, #tpu.memory_space<hbm>>) target(%parallel_loop3A_711 : memref<1x64xf32, #tpu.memory_space<vmem>>) target_semaphore(%arg30 : memref<!tpu.dma_semaphore, #tpu.memory_space<semaphore_mem>>)
    } {sc.loop_unroll_factor = 1 : i64, sc.parallel_access}
    %parallel_loop3A_235 = arith.constant 0 : i32
    %parallel_loop3A_236 = arith.constant 512 : i32
    %parallel_loop3A_237 = arith.constant 1 : i32
    scf.for %parallel_loop3A_516 = %parallel_loop3A_235 to %parallel_loop3A_236 step %parallel_loop3A_237  : i32 {
      %parallel_loop3A_517 = arith.constant 0 : i32
      %parallel_loop3A_518 = arith.constant 0 : i32
      %parallel_loop3A_519 = tpu.memref_slice %arg26[%parallel_loop3A_517, %parallel_loop3A_518] : memref<512x64xf32, #tpu.memory_space<vmem>> -> memref<1x64xf32, #tpu.memory_space<vmem>>
      %parallel_loop3A_520 = arith.constant 0 : i32
      %parallel_loop3A_521 = arith.constant 0 : i32
      %parallel_loop3A_522 = tpu.memref_slice %arg11[%parallel_loop3A_520, %parallel_loop3A_521] : memref<1000000x64xf32, #tpu.memory_space<hbm>> -> memref<1x64xf32, #tpu.memory_space<hbm>>
      %parallel_loop3A_523 = arith.constant 0 : i32
      %parallel_loop3A_524 = arith.constant 0 : i32
      %parallel_loop3A_525 = tpu.memref_slice %arg26[%parallel_loop3A_523, %parallel_loop3A_524] : memref<512x64xf32, #tpu.memory_space<vmem>> -> memref<1x64xf32, #tpu.memory_space<vmem>>
      %parallel_loop3A_526 = arith.constant 0 : i32
      %parallel_loop3A_527 = arith.constant 0 : i32
      %parallel_loop3A_528 = tpu.memref_slice %arg11[%parallel_loop3A_526, %parallel_loop3A_527] : memref<1000000x64xf32, #tpu.memory_space<hbm>> -> memref<1x64xf32, #tpu.memory_space<hbm>>
      tpu.wait_dma2 semaphore(%arg30 : memref<!tpu.dma_semaphore, #tpu.memory_space<semaphore_mem>>) src(%parallel_loop3A_528 : memref<1x64xf32, #tpu.memory_space<hbm>>) dst(%parallel_loop3A_525 : memref<1x64xf32, #tpu.memory_space<vmem>>)
    } {sc.loop_unroll_factor = 8 : i64, sc.parallel_access}
    %get3A_238 = arith.constant 1 : i32
    %get3A_239 = arith.index_cast %get3A_238 : i32 to index
    %get3A_240 = arith.constant 0 : index
    %get3A_241 = tpu.vector_load %arg28[%get3A_239, %get3A_240] {strides = array<i32>} : memref<5x64xf32, #tpu.memory_space<vmem>>, vector<1x16xf32>,
    %get3A_242 = vector.shape_cast %get3A_241 : vector<1x16xf32> to vector<16xf32>
    %get3A_243 = arith.constant 1 : i32
    %get3A_244 = arith.index_cast %get3A_243 : i32 to index
    %get3A_245 = arith.constant 16 : index
    %get3A_246 = tpu.vector_load %arg28[%get3A_244, %get3A_245] {strides = array<i32>} : memref<5x64xf32, #tpu.memory_space<vmem>>, vector<1x16xf32>,
    %get3A_247 = vector.shape_cast %get3A_246 : vector<1x16xf32> to vector<16xf32>
    %get3A_248 = arith.constant 1 : i32
    %get3A_249 = arith.index_cast %get3A_248 : i32 to index
    %get3A_250 = arith.constant 32 : index
    %get3A_251 = tpu.vector_load %arg28[%get3A_249, %get3A_250] {strides = array<i32>} : memref<5x64xf32, #tpu.memory_space<vmem>>, vector<1x16xf32>,
    %get3A_252 = vector.shape_cast %get3A_251 : vector<1x16xf32> to vector<16xf32>
    %get3A_253 = arith.constant 1 : i32
    %get3A_254 = arith.index_cast %get3A_253 : i32 to index
    %get3A_255 = arith.constant 48 : index
    %get3A_256 = tpu.vector_load %arg28[%get3A_254, %get3A_255] {strides = array<i32>} : memref<5x64xf32, #tpu.memory_space<vmem>>, vector<1x16xf32>,
    %get3A_257 = vector.shape_cast %get3A_256 : vector<1x16xf32> to vector<16xf32>
    %mul3A_258 = arith.mulf %get3A_242, %get3A_242 : vector<16xf32>
    %mul3A_259 = arith.mulf %get3A_247, %get3A_247 : vector<16xf32>
    %add3A_260 = arith.addf %mul3A_258, %mul3A_259 : vector<16xf32>
    %mul3A_261 = arith.mulf %get3A_252, %get3A_252 : vector<16xf32>
    %add3A_262 = arith.addf %add3A_260, %mul3A_261 : vector<16xf32>
    %mul3A_263 = arith.mulf %get3A_257, %get3A_257 : vector<16xf32>
    %add3A_264 = arith.addf %add3A_262, %mul3A_263 : vector<16xf32>
    %iota3A_265 = tpu.iota {dimensions = array<i32: 0>} : vector<16xi32>
    %xor3A_266 = arith.constant 8 : i32
    %xor3A_267 = vector.broadcast %xor3A_266 : i32 to vector<16xi32>
    %xor3A_268 = arith.xori %iota3A_265, %xor3A_267 : vector<16xi32>
    %reshape3A_269 = vector.shape_cast %xor3A_268 : vector<16xi32> to vector<16x1xi32>
    %gather3A_270 = vector.shape_cast %reshape3A_269 : vector<16x1xi32> to vector<16xi32>
    %gather3A_271 = tpu.dynamic_gather %add3A_264[%gather3A_270] in [0] : vector<16xf32>, vector<16xi32> -> vector<16xf32>
    %add3A_272 = arith.addf %add3A_264, %gather3A_271 : vector<16xf32>
    %xor3A_273 = arith.constant 4 : i32
    %xor3A_274 = vector.broadcast %xor3A_273 : i32 to vector<16xi32>
    %xor3A_275 = arith.xori %iota3A_265, %xor3A_274 : vector<16xi32>
    %reshape3A_276 = vector.shape_cast %xor3A_275 : vector<16xi32> to vector<16x1xi32>
    %gather3A_277 = vector.shape_cast %reshape3A_276 : vector<16x1xi32> to vector<16xi32>
    %gather3A_278 = tpu.dynamic_gather %add3A_272[%gather3A_277] in [0] : vector<16xf32>, vector<16xi32> -> vector<16xf32>
    %add3A_279 = arith.addf %add3A_272, %gather3A_278 : vector<16xf32>
    %xor3A_280 = arith.constant 2 : i32
    %xor3A_281 = vector.broadcast %xor3A_280 : i32 to vector<16xi32>
    %xor3A_282 = arith.xori %iota3A_265, %xor3A_281 : vector<16xi32>
    %reshape3A_283 = vector.shape_cast %xor3A_282 : vector<16xi32> to vector<16x1xi32>
    %gather3A_284 = vector.shape_cast %reshape3A_283 : vector<16x1xi32> to vector<16xi32>
    %gather3A_285 = tpu.dynamic_gather %add3A_279[%gather3A_284] in [0] : vector<16xf32>, vector<16xi32> -> vector<16xf32>
    %add3A_286 = arith.addf %add3A_279, %gather3A_285 : vector<16xf32>
    %xor3A_287 = arith.constant 1 : i32
    %xor3A_288 = vector.broadcast %xor3A_287 : i32 to vector<16xi32>
    %xor3A_289 = arith.xori %iota3A_265, %xor3A_288 : vector<16xi32>
    %reshape3A_290 = vector.shape_cast %xor3A_289 : vector<16xi32> to vector<16x1xi32>
    %gather3A_291 = vector.shape_cast %reshape3A_290 : vector<16x1xi32> to vector<16xi32>
    %gather3A_292 = tpu.dynamic_gather %add3A_286[%gather3A_291] in [0] : vector<16xf32>, vector<16xi32> -> vector<16xf32>
    %add3A_293 = arith.addf %add3A_286, %gather3A_292 : vector<16xf32>
    %max3A_294 = arith.constant 1.000000e-24 : f32
    %max3A_295 = vector.broadcast %max3A_294 : f32 to vector<16xf32>
    %max3A_296 = arith.maximumf %add3A_293, %max3A_295 : vector<16xf32>
    %div3A_297 = arith.constant 1.000000e+00 : f32
    %div3A_298 = vector.broadcast %div3A_297 : f32 to vector<16xf32>
    %div3A_299 = arith.divf %div3A_298, %max3A_296 : vector<16xf32>
    %parallel_loop3A_300 = arith.constant 0 : i32
    %parallel_loop3A_301 = arith.constant 512 : i32
    %parallel_loop3A_302 = arith.constant 1 : i32
    scf.for %parallel_loop3A_516 = %parallel_loop3A_300 to %parallel_loop3A_301 step %parallel_loop3A_302  : i32 {
      %parallel_loop3A_517 = arith.index_cast %parallel_loop3A_516 : i32 to index
      %parallel_loop3A_518 = arith.constant 0 : index
      %parallel_loop3A_519 = tpu.vector_load %arg26[%parallel_loop3A_517, %parallel_loop3A_518] {strides = array<i32>} : memref<512x64xf32, #tpu.memory_space<vmem>>, vector<1x16xf32>,
      %parallel_loop3A_520 = vector.shape_cast %parallel_loop3A_519 : vector<1x16xf32> to vector<16xf32>
      %parallel_loop3A_521 = arith.index_cast %parallel_loop3A_516 : i32 to index
      %parallel_loop3A_522 = arith.constant 16 : index
      %parallel_loop3A_523 = tpu.vector_load %arg26[%parallel_loop3A_521, %parallel_loop3A_522] {strides = array<i32>} : memref<512x64xf32, #tpu.memory_space<vmem>>, vector<1x16xf32>,
      %parallel_loop3A_524 = vector.shape_cast %parallel_loop3A_523 : vector<1x16xf32> to vector<16xf32>
      %parallel_loop3A_525 = arith.index_cast %parallel_loop3A_516 : i32 to index
      %parallel_loop3A_526 = arith.constant 32 : index
      %parallel_loop3A_527 = tpu.vector_load %arg26[%parallel_loop3A_525, %parallel_loop3A_526] {strides = array<i32>} : memref<512x64xf32, #tpu.memory_space<vmem>>, vector<1x16xf32>,
      %parallel_loop3A_528 = vector.shape_cast %parallel_loop3A_527 : vector<1x16xf32> to vector<16xf32>
      %parallel_loop3A_529 = arith.index_cast %parallel_loop3A_516 : i32 to index
      %parallel_loop3A_530 = arith.constant 48 : index
      %parallel_loop3A_531 = tpu.vector_load %arg26[%parallel_loop3A_529, %parallel_loop3A_530] {strides = array<i32>} : memref<512x64xf32, #tpu.memory_space<vmem>>, vector<1x16xf32>,
      %parallel_loop3A_532 = vector.shape_cast %parallel_loop3A_531 : vector<1x16xf32> to vector<16xf32>
      %parallel_loop3A_533 = arith.mulf %parallel_loop3A_520, %get3A_242 : vector<16xf32>
      %parallel_loop3A_534 = arith.mulf %parallel_loop3A_524, %get3A_247 : vector<16xf32>
      %parallel_loop3A_535 = arith.addf %parallel_loop3A_533, %parallel_loop3A_534 : vector<16xf32>
      %parallel_loop3A_536 = arith.mulf %parallel_loop3A_528, %get3A_252 : vector<16xf32>
      %parallel_loop3A_537 = arith.addf %parallel_loop3A_535, %parallel_loop3A_536 : vector<16xf32>
      %parallel_loop3A_538 = arith.mulf %parallel_loop3A_532, %get3A_257 : vector<16xf32>
      %parallel_loop3A_539 = arith.addf %parallel_loop3A_537, %parallel_loop3A_538 : vector<16xf32>
      %parallel_loop3A_540 = tpu.iota {dimensions = array<i32: 0>} : vector<16xi32>
      %parallel_loop3A_541 = arith.constant 8 : i32
      %parallel_loop3A_542 = vector.broadcast %parallel_loop3A_541 : i32 to vector<16xi32>
      %parallel_loop3A_543 = arith.xori %parallel_loop3A_540, %parallel_loop3A_542 : vector<16xi32>
      %parallel_loop3A_544 = vector.shape_cast %parallel_loop3A_543 : vector<16xi32> to vector<16x1xi32>
      %parallel_loop3A_545 = vector.shape_cast %parallel_loop3A_544 : vector<16x1xi32> to vector<16xi32>
      %parallel_loop3A_546 = tpu.dynamic_gather %parallel_loop3A_539[%parallel_loop3A_545] in [0] : vector<16xf32>, vector<16xi32> -> vector<16xf32>
      %parallel_loop3A_547 = arith.addf %parallel_loop3A_539, %parallel_loop3A_546 : vector<16xf32>
      %parallel_loop3A_548 = arith.constant 4 : i32
      %parallel_loop3A_549 = vector.broadcast %parallel_loop3A_548 : i32 to vector<16xi32>
      %parallel_loop3A_550 = arith.xori %parallel_loop3A_540, %parallel_loop3A_549 : vector<16xi32>
      %parallel_loop3A_551 = vector.shape_cast %parallel_loop3A_550 : vector<16xi32> to vector<16x1xi32>
      %parallel_loop3A_552 = vector.shape_cast %parallel_loop3A_551 : vector<16x1xi32> to vector<16xi32>
      %parallel_loop3A_553 = tpu.dynamic_gather %parallel_loop3A_547[%parallel_loop3A_552] in [0] : vector<16xf32>, vector<16xi32> -> vector<16xf32>
      %parallel_loop3A_554 = arith.addf %parallel_loop3A_547, %parallel_loop3A_553 : vector<16xf32>
      %parallel_loop3A_555 = arith.constant 2 : i32
      %parallel_loop3A_556 = vector.broadcast %parallel_loop3A_555 : i32 to vector<16xi32>
      %parallel_loop3A_557 = arith.xori %parallel_loop3A_540, %parallel_loop3A_556 : vector<16xi32>
      %parallel_loop3A_558 = vector.shape_cast %parallel_loop3A_557 : vector<16xi32> to vector<16x1xi32>
      %parallel_loop3A_559 = vector.shape_cast %parallel_loop3A_558 : vector<16x1xi32> to vector<16xi32>
      %parallel_loop3A_560 = tpu.dynamic_gather %parallel_loop3A_554[%parallel_loop3A_559] in [0] : vector<16xf32>, vector<16xi32> -> vector<16xf32>
      %parallel_loop3A_561 = arith.addf %parallel_loop3A_554, %parallel_loop3A_560 : vector<16xf32>
      %parallel_loop3A_562 = arith.constant 1 : i32
      %parallel_loop3A_563 = vector.broadcast %parallel_loop3A_562 : i32 to vector<16xi32>
      %parallel_loop3A_564 = arith.xori %parallel_loop3A_540, %parallel_loop3A_563 : vector<16xi32>
      %parallel_loop3A_565 = vector.shape_cast %parallel_loop3A_564 : vector<16xi32> to vector<16x1xi32>
      %parallel_loop3A_566 = vector.shape_cast %parallel_loop3A_565 : vector<16x1xi32> to vector<16xi32>
      %parallel_loop3A_567 = tpu.dynamic_gather %parallel_loop3A_561[%parallel_loop3A_566] in [0] : vector<16xf32>, vector<16xi32> -> vector<16xf32>
      %parallel_loop3A_568 = arith.addf %parallel_loop3A_561, %parallel_loop3A_567 : vector<16xf32>
      %parallel_loop3A_569 = arith.mulf %parallel_loop3A_568, %div3A_299 : vector<16xf32>
      %parallel_loop3A_570 = arith.mulf %parallel_loop3A_569, %get3A_242 : vector<16xf32>
      %parallel_loop3A_571 = arith.subf %parallel_loop3A_520, %parallel_loop3A_570 : vector<16xf32>
      %parallel_loop3A_572 = arith.index_cast %parallel_loop3A_516 : i32 to index
      %parallel_loop3A_573 = arith.constant 0 : index
      %parallel_loop3A_574 = tpu.vector_load %arg26[%parallel_loop3A_572, %parallel_loop3A_573] {strides = array<i32>} : memref<512x64xf32, #tpu.memory_space<vmem>>, vector<1x16xf32>,
      %parallel_loop3A_575 = vector.shape_cast %parallel_loop3A_574 : vector<1x16xf32> to vector<16xf32>
      %parallel_loop3A_576 = vector.shape_cast %parallel_loop3A_571 : vector<16xf32> to vector<1x16xf32>
      tpu.vector_store %arg26[%parallel_loop3A_572, %parallel_loop3A_573], %parallel_loop3A_576 {strides = array<i32>} : memref<512x64xf32, #tpu.memory_space<vmem>>, vector<1x16xf32>,
      %parallel_loop3A_577 = arith.mulf %parallel_loop3A_569, %get3A_247 : vector<16xf32>
      %parallel_loop3A_578 = arith.subf %parallel_loop3A_524, %parallel_loop3A_577 : vector<16xf32>
      %parallel_loop3A_579 = arith.index_cast %parallel_loop3A_516 : i32 to index
      %parallel_loop3A_580 = arith.constant 16 : index
      %parallel_loop3A_581 = tpu.vector_load %arg26[%parallel_loop3A_579, %parallel_loop3A_580] {strides = array<i32>} : memref<512x64xf32, #tpu.memory_space<vmem>>, vector<1x16xf32>,
      %parallel_loop3A_582 = vector.shape_cast %parallel_loop3A_581 : vector<1x16xf32> to vector<16xf32>
      %parallel_loop3A_583 = vector.shape_cast %parallel_loop3A_578 : vector<16xf32> to vector<1x16xf32>
      tpu.vector_store %arg26[%parallel_loop3A_579, %parallel_loop3A_580], %parallel_loop3A_583 {strides = array<i32>} : memref<512x64xf32, #tpu.memory_space<vmem>>, vector<1x16xf32>,
      %parallel_loop3A_584 = arith.mulf %parallel_loop3A_569, %get3A_252 : vector<16xf32>
      %parallel_loop3A_585 = arith.subf %parallel_loop3A_528, %parallel_loop3A_584 : vector<16xf32>
      %parallel_loop3A_586 = arith.index_cast %parallel_loop3A_516 : i32 to index
      %parallel_loop3A_587 = arith.constant 32 : index
      %parallel_loop3A_588 = tpu.vector_load %arg26[%parallel_loop3A_586, %parallel_loop3A_587] {strides = array<i32>} : memref<512x64xf32, #tpu.memory_space<vmem>>, vector<1x16xf32>,
      %parallel_loop3A_589 = vector.shape_cast %parallel_loop3A_588 : vector<1x16xf32> to vector<16xf32>
      %parallel_loop3A_590 = vector.shape_cast %parallel_loop3A_585 : vector<16xf32> to vector<1x16xf32>
      tpu.vector_store %arg26[%parallel_loop3A_586, %parallel_loop3A_587], %parallel_loop3A_590 {strides = array<i32>} : memref<512x64xf32, #tpu.memory_space<vmem>>, vector<1x16xf32>,
      %parallel_loop3A_591 = arith.mulf %parallel_loop3A_569, %get3A_257 : vector<16xf32>
      %parallel_loop3A_592 = arith.subf %parallel_loop3A_532, %parallel_loop3A_591 : vector<16xf32>
      %parallel_loop3A_593 = arith.index_cast %parallel_loop3A_516 : i32 to index
      %parallel_loop3A_594 = arith.constant 48 : index
      %parallel_loop3A_595 = tpu.vector_load %arg26[%parallel_loop3A_593, %parallel_loop3A_594] {strides = array<i32>} : memref<512x64xf32, #tpu.memory_space<vmem>>, vector<1x16xf32>,
      %parallel_loop3A_596 = vector.shape_cast %parallel_loop3A_595 : vector<1x16xf32> to vector<16xf32>
      %parallel_loop3A_597 = vector.shape_cast %parallel_loop3A_592 : vector<16xf32> to vector<1x16xf32>
      tpu.vector_store %arg26[%parallel_loop3A_593, %parallel_loop3A_594], %parallel_loop3A_597 {strides = array<i32>} : memref<512x64xf32, #tpu.memory_space<vmem>>, vector<1x16xf32>,
    } {sc.loop_unroll_factor = 4 : i64, sc.parallel_access}
    "tpu.region"() ({
      %run_scoped3A_516 = tpu.sem_alloc : memref<!tpu.dma_semaphore, #tpu.memory_space<semaphore_mem>>
      %dma_start3A = arith.constant 0 : i32
      %dma_start3A_517 = tpu.memref_slice %arg16[%mul3A_2, %dma_start3A] : memref<16384x64xf32, #tpu.memory_space<hbm>> -> memref<512x64xf32, #tpu.memory_space<hbm>>
      %dma_start3A_518 = arith.constant 0 : i32
      %dma_start3A_519 = tpu.memref_slice %arg16[%mul3A_2, %dma_start3A_518] : memref<16384x64xf32, #tpu.memory_space<hbm>> -> memref<512x64xf32, #tpu.memory_space<hbm>>
      tpu.enqueue_dma source(%arg26 : memref<512x64xf32, #tpu.memory_space<vmem>>) target(%dma_start3A_519 : memref<512x64xf32, #tpu.memory_space<hbm>>) target_semaphore(%run_scoped3A_516 : memref<!tpu.dma_semaphore, #tpu.memory_space<semaphore_mem>>)
      %dma_wait3A = arith.constant 0 : i32
      %dma_wait3A_520 = tpu.memref_slice %arg16[%mul3A_2, %dma_wait3A] : memref<16384x64xf32, #tpu.memory_space<hbm>> -> memref<512x64xf32, #tpu.memory_space<hbm>>
      %dma_wait3A_521 = arith.constant 0 : i32
      %dma_wait3A_522 = tpu.memref_slice %arg16[%mul3A_2, %dma_wait3A_521] : memref<16384x64xf32, #tpu.memory_space<hbm>> -> memref<512x64xf32, #tpu.memory_space<hbm>>
      tpu.wait_dma2 semaphore(%run_scoped3A_516 : memref<!tpu.dma_semaphore, #tpu.memory_space<semaphore_mem>>) src(%arg26 : memref<512x64xf32, #tpu.memory_space<vmem>>) dst(%dma_wait3A_522 : memref<512x64xf32, #tpu.memory_space<hbm>>)
      tpu.yield
    }) : () -> ()
    %parallel_loop3A_303 = arith.constant 0 : i32
    %parallel_loop3A_304 = arith.constant 512 : i32
    %parallel_loop3A_305 = arith.constant 16 : i32
    scf.for %parallel_loop3A_516 = %parallel_loop3A_303 to %parallel_loop3A_304 step %parallel_loop3A_305  : i32 {
      %parallel_loop3A_517 = arith.constant 3 : i32
      %parallel_loop3A_518 = arith.index_cast %parallel_loop3A_517 : i32 to index
      %parallel_loop3A_519 = arith.index_cast %parallel_loop3A_516 : i32 to index
      %parallel_loop3A_520 = tpu.vector_load %arg25[%parallel_loop3A_518, %parallel_loop3A_519] {strides = array<i32>} : memref<6x512xi32, #tpu.memory_space<vmem>>, vector<1x16xi32>,
      %parallel_loop3A_521 = vector.shape_cast %parallel_loop3A_520 : vector<1x16xi32> to vector<16xi32>
      %parallel_loop3A_522 = vector.extract_strided_slice %parallel_loop3A_521 {offsets = [0], sizes = [1], strides = [1]} : vector<16xi32> to vector<1xi32>
      %parallel_loop3A_523 = vector.extract %parallel_loop3A_522[0] : i32 from vector<1xi32>
      %parallel_loop3A_524 = arith.constant 0 : i32
      %parallel_loop3A_525 = arith.addi %parallel_loop3A_516, %parallel_loop3A_524 : i32
      %parallel_loop3A_526 = arith.constant 0 : i32
      %parallel_loop3A_527 = tpu.memref_slice %arg26[%parallel_loop3A_525, %parallel_loop3A_526] : memref<512x64xf32, #tpu.memory_space<vmem>> -> memref<1x64xf32, #tpu.memory_space<vmem>>
      %parallel_loop3A_528 = arith.constant 0 : i32
      %parallel_loop3A_529 = tpu.memref_slice %arg8[%parallel_loop3A_523, %parallel_loop3A_528] : memref<100000x64xf32, #tpu.memory_space<hbm>> -> memref<1x64xf32, #tpu.memory_space<hbm>>
      %parallel_loop3A_530 = arith.constant 0 : i32
      %parallel_loop3A_531 = tpu.memref_slice %arg26[%parallel_loop3A_525, %parallel_loop3A_530] : memref<512x64xf32, #tpu.memory_space<vmem>> -> memref<1x64xf32, #tpu.memory_space<vmem>>
      %parallel_loop3A_532 = arith.constant 0 : i32
      %parallel_loop3A_533 = tpu.memref_slice %arg8[%parallel_loop3A_523, %parallel_loop3A_532] : memref<100000x64xf32, #tpu.memory_space<hbm>> -> memref<1x64xf32, #tpu.memory_space<hbm>>
      tpu.enqueue_dma source(%parallel_loop3A_533 : memref<1x64xf32, #tpu.memory_space<hbm>>) target(%parallel_loop3A_531 : memref<1x64xf32, #tpu.memory_space<vmem>>) target_semaphore(%arg30 : memref<!tpu.dma_semaphore, #tpu.memory_space<semaphore_mem>>)
      %parallel_loop3A_534 = vector.extract_strided_slice %parallel_loop3A_521 {offsets = [1], sizes = [1], strides = [1]} : vector<16xi32> to vector<1xi32>
      %parallel_loop3A_535 = vector.extract %parallel_loop3A_534[0] : i32 from vector<1xi32>
      %parallel_loop3A_536 = arith.constant 1 : i32
      %parallel_loop3A_537 = arith.addi %parallel_loop3A_516, %parallel_loop3A_536 : i32
      %parallel_loop3A_538 = arith.constant 0 : i32
      %parallel_loop3A_539 = tpu.memref_slice %arg26[%parallel_loop3A_537, %parallel_loop3A_538] : memref<512x64xf32, #tpu.memory_space<vmem>> -> memref<1x64xf32, #tpu.memory_space<vmem>>
      %parallel_loop3A_540 = arith.constant 0 : i32
      %parallel_loop3A_541 = tpu.memref_slice %arg8[%parallel_loop3A_535, %parallel_loop3A_540] : memref<100000x64xf32, #tpu.memory_space<hbm>> -> memref<1x64xf32, #tpu.memory_space<hbm>>
      %parallel_loop3A_542 = arith.constant 0 : i32
      %parallel_loop3A_543 = tpu.memref_slice %arg26[%parallel_loop3A_537, %parallel_loop3A_542] : memref<512x64xf32, #tpu.memory_space<vmem>> -> memref<1x64xf32, #tpu.memory_space<vmem>>
      %parallel_loop3A_544 = arith.constant 0 : i32
      %parallel_loop3A_545 = tpu.memref_slice %arg8[%parallel_loop3A_535, %parallel_loop3A_544] : memref<100000x64xf32, #tpu.memory_space<hbm>> -> memref<1x64xf32, #tpu.memory_space<hbm>>
      tpu.enqueue_dma source(%parallel_loop3A_545 : memref<1x64xf32, #tpu.memory_space<hbm>>) target(%parallel_loop3A_543 : memref<1x64xf32, #tpu.memory_space<vmem>>) target_semaphore(%arg30 : memref<!tpu.dma_semaphore, #tpu.memory_space<semaphore_mem>>)
      %parallel_loop3A_546 = vector.extract_strided_slice %parallel_loop3A_521 {offsets = [2], sizes = [1], strides = [1]} : vector<16xi32> to vector<1xi32>
      %parallel_loop3A_547 = vector.extract %parallel_loop3A_546[0] : i32 from vector<1xi32>
      %parallel_loop3A_548 = arith.constant 2 : i32
      %parallel_loop3A_549 = arith.addi %parallel_loop3A_516, %parallel_loop3A_548 : i32
      %parallel_loop3A_550 = arith.constant 0 : i32
      %parallel_loop3A_551 = tpu.memref_slice %arg26[%parallel_loop3A_549, %parallel_loop3A_550] : memref<512x64xf32, #tpu.memory_space<vmem>> -> memref<1x64xf32, #tpu.memory_space<vmem>>
      %parallel_loop3A_552 = arith.constant 0 : i32
      %parallel_loop3A_553 = tpu.memref_slice %arg8[%parallel_loop3A_547, %parallel_loop3A_552] : memref<100000x64xf32, #tpu.memory_space<hbm>> -> memref<1x64xf32, #tpu.memory_space<hbm>>
      %parallel_loop3A_554 = arith.constant 0 : i32
      %parallel_loop3A_555 = tpu.memref_slice %arg26[%parallel_loop3A_549, %parallel_loop3A_554] : memref<512x64xf32, #tpu.memory_space<vmem>> -> memref<1x64xf32, #tpu.memory_space<vmem>>
      %parallel_loop3A_556 = arith.constant 0 : i32
      %parallel_loop3A_557 = tpu.memref_slice %arg8[%parallel_loop3A_547, %parallel_loop3A_556] : memref<100000x64xf32, #tpu.memory_space<hbm>> -> memref<1x64xf32, #tpu.memory_space<hbm>>
      tpu.enqueue_dma source(%parallel_loop3A_557 : memref<1x64xf32, #tpu.memory_space<hbm>>) target(%parallel_loop3A_555 : memref<1x64xf32, #tpu.memory_space<vmem>>) target_semaphore(%arg30 : memref<!tpu.dma_semaphore, #tpu.memory_space<semaphore_mem>>)
      %parallel_loop3A_558 = vector.extract_strided_slice %parallel_loop3A_521 {offsets = [3], sizes = [1], strides = [1]} : vector<16xi32> to vector<1xi32>
      %parallel_loop3A_559 = vector.extract %parallel_loop3A_558[0] : i32 from vector<1xi32>
      %parallel_loop3A_560 = arith.constant 3 : i32
      %parallel_loop3A_561 = arith.addi %parallel_loop3A_516, %parallel_loop3A_560 : i32
      %parallel_loop3A_562 = arith.constant 0 : i32
      %parallel_loop3A_563 = tpu.memref_slice %arg26[%parallel_loop3A_561, %parallel_loop3A_562] : memref<512x64xf32, #tpu.memory_space<vmem>> -> memref<1x64xf32, #tpu.memory_space<vmem>>
      %parallel_loop3A_564 = arith.constant 0 : i32
      %parallel_loop3A_565 = tpu.memref_slice %arg8[%parallel_loop3A_559, %parallel_loop3A_564] : memref<100000x64xf32, #tpu.memory_space<hbm>> -> memref<1x64xf32, #tpu.memory_space<hbm>>
      %parallel_loop3A_566 = arith.constant 0 : i32
      %parallel_loop3A_567 = tpu.memref_slice %arg26[%parallel_loop3A_561, %parallel_loop3A_566] : memref<512x64xf32, #tpu.memory_space<vmem>> -> memref<1x64xf32, #tpu.memory_space<vmem>>
      %parallel_loop3A_568 = arith.constant 0 : i32
      %parallel_loop3A_569 = tpu.memref_slice %arg8[%parallel_loop3A_559, %parallel_loop3A_568] : memref<100000x64xf32, #tpu.memory_space<hbm>> -> memref<1x64xf32, #tpu.memory_space<hbm>>
      tpu.enqueue_dma source(%parallel_loop3A_569 : memref<1x64xf32, #tpu.memory_space<hbm>>) target(%parallel_loop3A_567 : memref<1x64xf32, #tpu.memory_space<vmem>>) target_semaphore(%arg30 : memref<!tpu.dma_semaphore, #tpu.memory_space<semaphore_mem>>)
      %parallel_loop3A_570 = vector.extract_strided_slice %parallel_loop3A_521 {offsets = [4], sizes = [1], strides = [1]} : vector<16xi32> to vector<1xi32>
      %parallel_loop3A_571 = vector.extract %parallel_loop3A_570[0] : i32 from vector<1xi32>
      %parallel_loop3A_572 = arith.constant 4 : i32
      %parallel_loop3A_573 = arith.addi %parallel_loop3A_516, %parallel_loop3A_572 : i32
      %parallel_loop3A_574 = arith.constant 0 : i32
      %parallel_loop3A_575 = tpu.memref_slice %arg26[%parallel_loop3A_573, %parallel_loop3A_574] : memref<512x64xf32, #tpu.memory_space<vmem>> -> memref<1x64xf32, #tpu.memory_space<vmem>>
      %parallel_loop3A_576 = arith.constant 0 : i32
      %parallel_loop3A_577 = tpu.memref_slice %arg8[%parallel_loop3A_571, %parallel_loop3A_576] : memref<100000x64xf32, #tpu.memory_space<hbm>> -> memref<1x64xf32, #tpu.memory_space<hbm>>
      %parallel_loop3A_578 = arith.constant 0 : i32
      %parallel_loop3A_579 = tpu.memref_slice %arg26[%parallel_loop3A_573, %parallel_loop3A_578] : memref<512x64xf32, #tpu.memory_space<vmem>> -> memref<1x64xf32, #tpu.memory_space<vmem>>
      %parallel_loop3A_580 = arith.constant 0 : i32
      %parallel_loop3A_581 = tpu.memref_slice %arg8[%parallel_loop3A_571, %parallel_loop3A_580] : memref<100000x64xf32, #tpu.memory_space<hbm>> -> memref<1x64xf32, #tpu.memory_space<hbm>>
      tpu.enqueue_dma source(%parallel_loop3A_581 : memref<1x64xf32, #tpu.memory_space<hbm>>) target(%parallel_loop3A_579 : memref<1x64xf32, #tpu.memory_space<vmem>>) target_semaphore(%arg30 : memref<!tpu.dma_semaphore, #tpu.memory_space<semaphore_mem>>)
      %parallel_loop3A_582 = vector.extract_strided_slice %parallel_loop3A_521 {offsets = [5], sizes = [1], strides = [1]} : vector<16xi32> to vector<1xi32>
      %parallel_loop3A_583 = vector.extract %parallel_loop3A_582[0] : i32 from vector<1xi32>
      %parallel_loop3A_584 = arith.constant 5 : i32
      %parallel_loop3A_585 = arith.addi %parallel_loop3A_516, %parallel_loop3A_584 : i32
      %parallel_loop3A_586 = arith.constant 0 : i32
      %parallel_loop3A_587 = tpu.memref_slice %arg26[%parallel_loop3A_585, %parallel_loop3A_586] : memref<512x64xf32, #tpu.memory_space<vmem>> -> memref<1x64xf32, #tpu.memory_space<vmem>>
      %parallel_loop3A_588 = arith.constant 0 : i32
      %parallel_loop3A_589 = tpu.memref_slice %arg8[%parallel_loop3A_583, %parallel_loop3A_588] : memref<100000x64xf32, #tpu.memory_space<hbm>> -> memref<1x64xf32, #tpu.memory_space<hbm>>
      %parallel_loop3A_590 = arith.constant 0 : i32
      %parallel_loop3A_591 = tpu.memref_slice %arg26[%parallel_loop3A_585, %parallel_loop3A_590] : memref<512x64xf32, #tpu.memory_space<vmem>> -> memref<1x64xf32, #tpu.memory_space<vmem>>
      %parallel_loop3A_592 = arith.constant 0 : i32
      %parallel_loop3A_593 = tpu.memref_slice %arg8[%parallel_loop3A_583, %parallel_loop3A_592] : memref<100000x64xf32, #tpu.memory_space<hbm>> -> memref<1x64xf32, #tpu.memory_space<hbm>>
      tpu.enqueue_dma source(%parallel_loop3A_593 : memref<1x64xf32, #tpu.memory_space<hbm>>) target(%parallel_loop3A_591 : memref<1x64xf32, #tpu.memory_space<vmem>>) target_semaphore(%arg30 : memref<!tpu.dma_semaphore, #tpu.memory_space<semaphore_mem>>)
      %parallel_loop3A_594 = vector.extract_strided_slice %parallel_loop3A_521 {offsets = [6], sizes = [1], strides = [1]} : vector<16xi32> to vector<1xi32>
      %parallel_loop3A_595 = vector.extract %parallel_loop3A_594[0] : i32 from vector<1xi32>
      %parallel_loop3A_596 = arith.constant 6 : i32
      %parallel_loop3A_597 = arith.addi %parallel_loop3A_516, %parallel_loop3A_596 : i32
      %parallel_loop3A_598 = arith.constant 0 : i32
      %parallel_loop3A_599 = tpu.memref_slice %arg26[%parallel_loop3A_597, %parallel_loop3A_598] : memref<512x64xf32, #tpu.memory_space<vmem>> -> memref<1x64xf32, #tpu.memory_space<vmem>>
      %parallel_loop3A_600 = arith.constant 0 : i32
      %parallel_loop3A_601 = tpu.memref_slice %arg8[%parallel_loop3A_595, %parallel_loop3A_600] : memref<100000x64xf32, #tpu.memory_space<hbm>> -> memref<1x64xf32, #tpu.memory_space<hbm>>
      %parallel_loop3A_602 = arith.constant 0 : i32
      %parallel_loop3A_603 = tpu.memref_slice %arg26[%parallel_loop3A_597, %parallel_loop3A_602] : memref<512x64xf32, #tpu.memory_space<vmem>> -> memref<1x64xf32, #tpu.memory_space<vmem>>
      %parallel_loop3A_604 = arith.constant 0 : i32
      %parallel_loop3A_605 = tpu.memref_slice %arg8[%parallel_loop3A_595, %parallel_loop3A_604] : memref<100000x64xf32, #tpu.memory_space<hbm>> -> memref<1x64xf32, #tpu.memory_space<hbm>>
      tpu.enqueue_dma source(%parallel_loop3A_605 : memref<1x64xf32, #tpu.memory_space<hbm>>) target(%parallel_loop3A_603 : memref<1x64xf32, #tpu.memory_space<vmem>>) target_semaphore(%arg30 : memref<!tpu.dma_semaphore, #tpu.memory_space<semaphore_mem>>)
      %parallel_loop3A_606 = vector.extract_strided_slice %parallel_loop3A_521 {offsets = [7], sizes = [1], strides = [1]} : vector<16xi32> to vector<1xi32>
      %parallel_loop3A_607 = vector.extract %parallel_loop3A_606[0] : i32 from vector<1xi32>
      %parallel_loop3A_608 = arith.constant 7 : i32
      %parallel_loop3A_609 = arith.addi %parallel_loop3A_516, %parallel_loop3A_608 : i32
      %parallel_loop3A_610 = arith.constant 0 : i32
      %parallel_loop3A_611 = tpu.memref_slice %arg26[%parallel_loop3A_609, %parallel_loop3A_610] : memref<512x64xf32, #tpu.memory_space<vmem>> -> memref<1x64xf32, #tpu.memory_space<vmem>>
      %parallel_loop3A_612 = arith.constant 0 : i32
      %parallel_loop3A_613 = tpu.memref_slice %arg8[%parallel_loop3A_607, %parallel_loop3A_612] : memref<100000x64xf32, #tpu.memory_space<hbm>> -> memref<1x64xf32, #tpu.memory_space<hbm>>
      %parallel_loop3A_614 = arith.constant 0 : i32
      %parallel_loop3A_615 = tpu.memref_slice %arg26[%parallel_loop3A_609, %parallel_loop3A_614] : memref<512x64xf32, #tpu.memory_space<vmem>> -> memref<1x64xf32, #tpu.memory_space<vmem>>
      %parallel_loop3A_616 = arith.constant 0 : i32
      %parallel_loop3A_617 = tpu.memref_slice %arg8[%parallel_loop3A_607, %parallel_loop3A_616] : memref<100000x64xf32, #tpu.memory_space<hbm>> -> memref<1x64xf32, #tpu.memory_space<hbm>>
      tpu.enqueue_dma source(%parallel_loop3A_617 : memref<1x64xf32, #tpu.memory_space<hbm>>) target(%parallel_loop3A_615 : memref<1x64xf32, #tpu.memory_space<vmem>>) target_semaphore(%arg30 : memref<!tpu.dma_semaphore, #tpu.memory_space<semaphore_mem>>)
      %parallel_loop3A_618 = vector.extract_strided_slice %parallel_loop3A_521 {offsets = [8], sizes = [1], strides = [1]} : vector<16xi32> to vector<1xi32>
      %parallel_loop3A_619 = vector.extract %parallel_loop3A_618[0] : i32 from vector<1xi32>
      %parallel_loop3A_620 = arith.constant 8 : i32
      %parallel_loop3A_621 = arith.addi %parallel_loop3A_516, %parallel_loop3A_620 : i32
      %parallel_loop3A_622 = arith.constant 0 : i32
      %parallel_loop3A_623 = tpu.memref_slice %arg26[%parallel_loop3A_621, %parallel_loop3A_622] : memref<512x64xf32, #tpu.memory_space<vmem>> -> memref<1x64xf32, #tpu.memory_space<vmem>>
      %parallel_loop3A_624 = arith.constant 0 : i32
      %parallel_loop3A_625 = tpu.memref_slice %arg8[%parallel_loop3A_619, %parallel_loop3A_624] : memref<100000x64xf32, #tpu.memory_space<hbm>> -> memref<1x64xf32, #tpu.memory_space<hbm>>
      %parallel_loop3A_626 = arith.constant 0 : i32
      %parallel_loop3A_627 = tpu.memref_slice %arg26[%parallel_loop3A_621, %parallel_loop3A_626] : memref<512x64xf32, #tpu.memory_space<vmem>> -> memref<1x64xf32, #tpu.memory_space<vmem>>
      %parallel_loop3A_628 = arith.constant 0 : i32
      %parallel_loop3A_629 = tpu.memref_slice %arg8[%parallel_loop3A_619, %parallel_loop3A_628] : memref<100000x64xf32, #tpu.memory_space<hbm>> -> memref<1x64xf32, #tpu.memory_space<hbm>>
      tpu.enqueue_dma source(%parallel_loop3A_629 : memref<1x64xf32, #tpu.memory_space<hbm>>) target(%parallel_loop3A_627 : memref<1x64xf32, #tpu.memory_space<vmem>>) target_semaphore(%arg30 : memref<!tpu.dma_semaphore, #tpu.memory_space<semaphore_mem>>)
      %parallel_loop3A_630 = vector.extract_strided_slice %parallel_loop3A_521 {offsets = [9], sizes = [1], strides = [1]} : vector<16xi32> to vector<1xi32>
      %parallel_loop3A_631 = vector.extract %parallel_loop3A_630[0] : i32 from vector<1xi32>
      %parallel_loop3A_632 = arith.constant 9 : i32
      %parallel_loop3A_633 = arith.addi %parallel_loop3A_516, %parallel_loop3A_632 : i32
      %parallel_loop3A_634 = arith.constant 0 : i32
      %parallel_loop3A_635 = tpu.memref_slice %arg26[%parallel_loop3A_633, %parallel_loop3A_634] : memref<512x64xf32, #tpu.memory_space<vmem>> -> memref<1x64xf32, #tpu.memory_space<vmem>>
      %parallel_loop3A_636 = arith.constant 0 : i32
      %parallel_loop3A_637 = tpu.memref_slice %arg8[%parallel_loop3A_631, %parallel_loop3A_636] : memref<100000x64xf32, #tpu.memory_space<hbm>> -> memref<1x64xf32, #tpu.memory_space<hbm>>
      %parallel_loop3A_638 = arith.constant 0 : i32
      %parallel_loop3A_639 = tpu.memref_slice %arg26[%parallel_loop3A_633, %parallel_loop3A_638] : memref<512x64xf32, #tpu.memory_space<vmem>> -> memref<1x64xf32, #tpu.memory_space<vmem>>
      %parallel_loop3A_640 = arith.constant 0 : i32
      %parallel_loop3A_641 = tpu.memref_slice %arg8[%parallel_loop3A_631, %parallel_loop3A_640] : memref<100000x64xf32, #tpu.memory_space<hbm>> -> memref<1x64xf32, #tpu.memory_space<hbm>>
      tpu.enqueue_dma source(%parallel_loop3A_641 : memref<1x64xf32, #tpu.memory_space<hbm>>) target(%parallel_loop3A_639 : memref<1x64xf32, #tpu.memory_space<vmem>>) target_semaphore(%arg30 : memref<!tpu.dma_semaphore, #tpu.memory_space<semaphore_mem>>)
      %parallel_loop3A_642 = vector.extract_strided_slice %parallel_loop3A_521 {offsets = [10], sizes = [1], strides = [1]} : vector<16xi32> to vector<1xi32>
      %parallel_loop3A_643 = vector.extract %parallel_loop3A_642[0] : i32 from vector<1xi32>
      %parallel_loop3A_644 = arith.constant 10 : i32
      %parallel_loop3A_645 = arith.addi %parallel_loop3A_516, %parallel_loop3A_644 : i32
      %parallel_loop3A_646 = arith.constant 0 : i32
      %parallel_loop3A_647 = tpu.memref_slice %arg26[%parallel_loop3A_645, %parallel_loop3A_646] : memref<512x64xf32, #tpu.memory_space<vmem>> -> memref<1x64xf32, #tpu.memory_space<vmem>>
      %parallel_loop3A_648 = arith.constant 0 : i32
      %parallel_loop3A_649 = tpu.memref_slice %arg8[%parallel_loop3A_643, %parallel_loop3A_648] : memref<100000x64xf32, #tpu.memory_space<hbm>> -> memref<1x64xf32, #tpu.memory_space<hbm>>
      %parallel_loop3A_650 = arith.constant 0 : i32
      %parallel_loop3A_651 = tpu.memref_slice %arg26[%parallel_loop3A_645, %parallel_loop3A_650] : memref<512x64xf32, #tpu.memory_space<vmem>> -> memref<1x64xf32, #tpu.memory_space<vmem>>
      %parallel_loop3A_652 = arith.constant 0 : i32
      %parallel_loop3A_653 = tpu.memref_slice %arg8[%parallel_loop3A_643, %parallel_loop3A_652] : memref<100000x64xf32, #tpu.memory_space<hbm>> -> memref<1x64xf32, #tpu.memory_space<hbm>>
      tpu.enqueue_dma source(%parallel_loop3A_653 : memref<1x64xf32, #tpu.memory_space<hbm>>) target(%parallel_loop3A_651 : memref<1x64xf32, #tpu.memory_space<vmem>>) target_semaphore(%arg30 : memref<!tpu.dma_semaphore, #tpu.memory_space<semaphore_mem>>)
      %parallel_loop3A_654 = vector.extract_strided_slice %parallel_loop3A_521 {offsets = [11], sizes = [1], strides = [1]} : vector<16xi32> to vector<1xi32>
      %parallel_loop3A_655 = vector.extract %parallel_loop3A_654[0] : i32 from vector<1xi32>
      %parallel_loop3A_656 = arith.constant 11 : i32
      %parallel_loop3A_657 = arith.addi %parallel_loop3A_516, %parallel_loop3A_656 : i32
      %parallel_loop3A_658 = arith.constant 0 : i32
      %parallel_loop3A_659 = tpu.memref_slice %arg26[%parallel_loop3A_657, %parallel_loop3A_658] : memref<512x64xf32, #tpu.memory_space<vmem>> -> memref<1x64xf32, #tpu.memory_space<vmem>>
      %parallel_loop3A_660 = arith.constant 0 : i32
      %parallel_loop3A_661 = tpu.memref_slice %arg8[%parallel_loop3A_655, %parallel_loop3A_660] : memref<100000x64xf32, #tpu.memory_space<hbm>> -> memref<1x64xf32, #tpu.memory_space<hbm>>
      %parallel_loop3A_662 = arith.constant 0 : i32
      %parallel_loop3A_663 = tpu.memref_slice %arg26[%parallel_loop3A_657, %parallel_loop3A_662] : memref<512x64xf32, #tpu.memory_space<vmem>> -> memref<1x64xf32, #tpu.memory_space<vmem>>
      %parallel_loop3A_664 = arith.constant 0 : i32
      %parallel_loop3A_665 = tpu.memref_slice %arg8[%parallel_loop3A_655, %parallel_loop3A_664] : memref<100000x64xf32, #tpu.memory_space<hbm>> -> memref<1x64xf32, #tpu.memory_space<hbm>>
      tpu.enqueue_dma source(%parallel_loop3A_665 : memref<1x64xf32, #tpu.memory_space<hbm>>) target(%parallel_loop3A_663 : memref<1x64xf32, #tpu.memory_space<vmem>>) target_semaphore(%arg30 : memref<!tpu.dma_semaphore, #tpu.memory_space<semaphore_mem>>)
      %parallel_loop3A_666 = vector.extract_strided_slice %parallel_loop3A_521 {offsets = [12], sizes = [1], strides = [1]} : vector<16xi32> to vector<1xi32>
      %parallel_loop3A_667 = vector.extract %parallel_loop3A_666[0] : i32 from vector<1xi32>
      %parallel_loop3A_668 = arith.constant 12 : i32
      %parallel_loop3A_669 = arith.addi %parallel_loop3A_516, %parallel_loop3A_668 : i32
      %parallel_loop3A_670 = arith.constant 0 : i32
      %parallel_loop3A_671 = tpu.memref_slice %arg26[%parallel_loop3A_669, %parallel_loop3A_670] : memref<512x64xf32, #tpu.memory_space<vmem>> -> memref<1x64xf32, #tpu.memory_space<vmem>>
      %parallel_loop3A_672 = arith.constant 0 : i32
      %parallel_loop3A_673 = tpu.memref_slice %arg8[%parallel_loop3A_667, %parallel_loop3A_672] : memref<100000x64xf32, #tpu.memory_space<hbm>> -> memref<1x64xf32, #tpu.memory_space<hbm>>
      %parallel_loop3A_674 = arith.constant 0 : i32
      %parallel_loop3A_675 = tpu.memref_slice %arg26[%parallel_loop3A_669, %parallel_loop3A_674] : memref<512x64xf32, #tpu.memory_space<vmem>> -> memref<1x64xf32, #tpu.memory_space<vmem>>
      %parallel_loop3A_676 = arith.constant 0 : i32
      %parallel_loop3A_677 = tpu.memref_slice %arg8[%parallel_loop3A_667, %parallel_loop3A_676] : memref<100000x64xf32, #tpu.memory_space<hbm>> -> memref<1x64xf32, #tpu.memory_space<hbm>>
      tpu.enqueue_dma source(%parallel_loop3A_677 : memref<1x64xf32, #tpu.memory_space<hbm>>) target(%parallel_loop3A_675 : memref<1x64xf32, #tpu.memory_space<vmem>>) target_semaphore(%arg30 : memref<!tpu.dma_semaphore, #tpu.memory_space<semaphore_mem>>)
      %parallel_loop3A_678 = vector.extract_strided_slice %parallel_loop3A_521 {offsets = [13], sizes = [1], strides = [1]} : vector<16xi32> to vector<1xi32>
      %parallel_loop3A_679 = vector.extract %parallel_loop3A_678[0] : i32 from vector<1xi32>
      %parallel_loop3A_680 = arith.constant 13 : i32
      %parallel_loop3A_681 = arith.addi %parallel_loop3A_516, %parallel_loop3A_680 : i32
      %parallel_loop3A_682 = arith.constant 0 : i32
      %parallel_loop3A_683 = tpu.memref_slice %arg26[%parallel_loop3A_681, %parallel_loop3A_682] : memref<512x64xf32, #tpu.memory_space<vmem>> -> memref<1x64xf32, #tpu.memory_space<vmem>>
      %parallel_loop3A_684 = arith.constant 0 : i32
      %parallel_loop3A_685 = tpu.memref_slice %arg8[%parallel_loop3A_679, %parallel_loop3A_684] : memref<100000x64xf32, #tpu.memory_space<hbm>> -> memref<1x64xf32, #tpu.memory_space<hbm>>
      %parallel_loop3A_686 = arith.constant 0 : i32
      %parallel_loop3A_687 = tpu.memref_slice %arg26[%parallel_loop3A_681, %parallel_loop3A_686] : memref<512x64xf32, #tpu.memory_space<vmem>> -> memref<1x64xf32, #tpu.memory_space<vmem>>
      %parallel_loop3A_688 = arith.constant 0 : i32
      %parallel_loop3A_689 = tpu.memref_slice %arg8[%parallel_loop3A_679, %parallel_loop3A_688] : memref<100000x64xf32, #tpu.memory_space<hbm>> -> memref<1x64xf32, #tpu.memory_space<hbm>>
      tpu.enqueue_dma source(%parallel_loop3A_689 : memref<1x64xf32, #tpu.memory_space<hbm>>) target(%parallel_loop3A_687 : memref<1x64xf32, #tpu.memory_space<vmem>>) target_semaphore(%arg30 : memref<!tpu.dma_semaphore, #tpu.memory_space<semaphore_mem>>)
      %parallel_loop3A_690 = vector.extract_strided_slice %parallel_loop3A_521 {offsets = [14], sizes = [1], strides = [1]} : vector<16xi32> to vector<1xi32>
      %parallel_loop3A_691 = vector.extract %parallel_loop3A_690[0] : i32 from vector<1xi32>
      %parallel_loop3A_692 = arith.constant 14 : i32
      %parallel_loop3A_693 = arith.addi %parallel_loop3A_516, %parallel_loop3A_692 : i32
      %parallel_loop3A_694 = arith.constant 0 : i32
      %parallel_loop3A_695 = tpu.memref_slice %arg26[%parallel_loop3A_693, %parallel_loop3A_694] : memref<512x64xf32, #tpu.memory_space<vmem>> -> memref<1x64xf32, #tpu.memory_space<vmem>>
      %parallel_loop3A_696 = arith.constant 0 : i32
      %parallel_loop3A_697 = tpu.memref_slice %arg8[%parallel_loop3A_691, %parallel_loop3A_696] : memref<100000x64xf32, #tpu.memory_space<hbm>> -> memref<1x64xf32, #tpu.memory_space<hbm>>
      %parallel_loop3A_698 = arith.constant 0 : i32
      %parallel_loop3A_699 = tpu.memref_slice %arg26[%parallel_loop3A_693, %parallel_loop3A_698] : memref<512x64xf32, #tpu.memory_space<vmem>> -> memref<1x64xf32, #tpu.memory_space<vmem>>
      %parallel_loop3A_700 = arith.constant 0 : i32
      %parallel_loop3A_701 = tpu.memref_slice %arg8[%parallel_loop3A_691, %parallel_loop3A_700] : memref<100000x64xf32, #tpu.memory_space<hbm>> -> memref<1x64xf32, #tpu.memory_space<hbm>>
      tpu.enqueue_dma source(%parallel_loop3A_701 : memref<1x64xf32, #tpu.memory_space<hbm>>) target(%parallel_loop3A_699 : memref<1x64xf32, #tpu.memory_space<vmem>>) target_semaphore(%arg30 : memref<!tpu.dma_semaphore, #tpu.memory_space<semaphore_mem>>)
      %parallel_loop3A_702 = vector.extract_strided_slice %parallel_loop3A_521 {offsets = [15], sizes = [1], strides = [1]} : vector<16xi32> to vector<1xi32>
      %parallel_loop3A_703 = vector.extract %parallel_loop3A_702[0] : i32 from vector<1xi32>
      %parallel_loop3A_704 = arith.constant 15 : i32
      %parallel_loop3A_705 = arith.addi %parallel_loop3A_516, %parallel_loop3A_704 : i32
      %parallel_loop3A_706 = arith.constant 0 : i32
      %parallel_loop3A_707 = tpu.memref_slice %arg26[%parallel_loop3A_705, %parallel_loop3A_706] : memref<512x64xf32, #tpu.memory_space<vmem>> -> memref<1x64xf32, #tpu.memory_space<vmem>>
      %parallel_loop3A_708 = arith.constant 0 : i32
      %parallel_loop3A_709 = tpu.memref_slice %arg8[%parallel_loop3A_703, %parallel_loop3A_708] : memref<100000x64xf32, #tpu.memory_space<hbm>> -> memref<1x64xf32, #tpu.memory_space<hbm>>
      %parallel_loop3A_710 = arith.constant 0 : i32
      %parallel_loop3A_711 = tpu.memref_slice %arg26[%parallel_loop3A_705, %parallel_loop3A_710] : memref<512x64xf32, #tpu.memory_space<vmem>> -> memref<1x64xf32, #tpu.memory_space<vmem>>
      %parallel_loop3A_712 = arith.constant 0 : i32
      %parallel_loop3A_713 = tpu.memref_slice %arg8[%parallel_loop3A_703, %parallel_loop3A_712] : memref<100000x64xf32, #tpu.memory_space<hbm>> -> memref<1x64xf32, #tpu.memory_space<hbm>>
      tpu.enqueue_dma source(%parallel_loop3A_713 : memref<1x64xf32, #tpu.memory_space<hbm>>) target(%parallel_loop3A_711 : memref<1x64xf32, #tpu.memory_space<vmem>>) target_semaphore(%arg30 : memref<!tpu.dma_semaphore, #tpu.memory_space<semaphore_mem>>)
    } {sc.loop_unroll_factor = 1 : i64, sc.parallel_access}
    %parallel_loop3A_306 = arith.constant 0 : i32
    %parallel_loop3A_307 = arith.constant 512 : i32
    %parallel_loop3A_308 = arith.constant 1 : i32
    scf.for %parallel_loop3A_516 = %parallel_loop3A_306 to %parallel_loop3A_307 step %parallel_loop3A_308  : i32 {
      %parallel_loop3A_517 = arith.constant 0 : i32
      %parallel_loop3A_518 = arith.constant 0 : i32
      %parallel_loop3A_519 = tpu.memref_slice %arg26[%parallel_loop3A_517, %parallel_loop3A_518] : memref<512x64xf32, #tpu.memory_space<vmem>> -> memref<1x64xf32, #tpu.memory_space<vmem>>
      %parallel_loop3A_520 = arith.constant 0 : i32
      %parallel_loop3A_521 = arith.constant 0 : i32
      %parallel_loop3A_522 = tpu.memref_slice %arg8[%parallel_loop3A_520, %parallel_loop3A_521] : memref<100000x64xf32, #tpu.memory_space<hbm>> -> memref<1x64xf32, #tpu.memory_space<hbm>>
      %parallel_loop3A_523 = arith.constant 0 : i32
      %parallel_loop3A_524 = arith.constant 0 : i32
      %parallel_loop3A_525 = tpu.memref_slice %arg26[%parallel_loop3A_523, %parallel_loop3A_524] : memref<512x64xf32, #tpu.memory_space<vmem>> -> memref<1x64xf32, #tpu.memory_space<vmem>>
      %parallel_loop3A_526 = arith.constant 0 : i32
      %parallel_loop3A_527 = arith.constant 0 : i32
      %parallel_loop3A_528 = tpu.memref_slice %arg8[%parallel_loop3A_526, %parallel_loop3A_527] : memref<100000x64xf32, #tpu.memory_space<hbm>> -> memref<1x64xf32, #tpu.memory_space<hbm>>
      tpu.wait_dma2 semaphore(%arg30 : memref<!tpu.dma_semaphore, #tpu.memory_space<semaphore_mem>>) src(%parallel_loop3A_528 : memref<1x64xf32, #tpu.memory_space<hbm>>) dst(%parallel_loop3A_525 : memref<1x64xf32, #tpu.memory_space<vmem>>)
    } {sc.loop_unroll_factor = 8 : i64, sc.parallel_access}
    %get3A_309 = arith.constant 2 : i32
    %get3A_310 = arith.index_cast %get3A_309 : i32 to index
    %get3A_311 = arith.constant 0 : index
    %get3A_312 = tpu.vector_load %arg28[%get3A_310, %get3A_311] {strides = array<i32>} : memref<5x64xf32, #tpu.memory_space<vmem>>, vector<1x16xf32>,
    %get3A_313 = vector.shape_cast %get3A_312 : vector<1x16xf32> to vector<16xf32>
    %get3A_314 = arith.constant 2 : i32
    %get3A_315 = arith.index_cast %get3A_314 : i32 to index
    %get3A_316 = arith.constant 16 : index
    %get3A_317 = tpu.vector_load %arg28[%get3A_315, %get3A_316] {strides = array<i32>} : memref<5x64xf32, #tpu.memory_space<vmem>>, vector<1x16xf32>,
    %get3A_318 = vector.shape_cast %get3A_317 : vector<1x16xf32> to vector<16xf32>
    %get3A_319 = arith.constant 2 : i32
    %get3A_320 = arith.index_cast %get3A_319 : i32 to index
    %get3A_321 = arith.constant 32 : index
    %get3A_322 = tpu.vector_load %arg28[%get3A_320, %get3A_321] {strides = array<i32>} : memref<5x64xf32, #tpu.memory_space<vmem>>, vector<1x16xf32>,
    %get3A_323 = vector.shape_cast %get3A_322 : vector<1x16xf32> to vector<16xf32>
    %get3A_324 = arith.constant 2 : i32
    %get3A_325 = arith.index_cast %get3A_324 : i32 to index
    %get3A_326 = arith.constant 48 : index
    %get3A_327 = tpu.vector_load %arg28[%get3A_325, %get3A_326] {strides = array<i32>} : memref<5x64xf32, #tpu.memory_space<vmem>>, vector<1x16xf32>,
    %get3A_328 = vector.shape_cast %get3A_327 : vector<1x16xf32> to vector<16xf32>
    %mul3A_329 = arith.mulf %get3A_313, %get3A_313 : vector<16xf32>
    %mul3A_330 = arith.mulf %get3A_318, %get3A_318 : vector<16xf32>
    %add3A_331 = arith.addf %mul3A_329, %mul3A_330 : vector<16xf32>
    %mul3A_332 = arith.mulf %get3A_323, %get3A_323 : vector<16xf32>
    %add3A_333 = arith.addf %add3A_331, %mul3A_332 : vector<16xf32>
    %mul3A_334 = arith.mulf %get3A_328, %get3A_328 : vector<16xf32>
    %add3A_335 = arith.addf %add3A_333, %mul3A_334 : vector<16xf32>
    %iota3A_336 = tpu.iota {dimensions = array<i32: 0>} : vector<16xi32>
    %xor3A_337 = arith.constant 8 : i32
    %xor3A_338 = vector.broadcast %xor3A_337 : i32 to vector<16xi32>
    %xor3A_339 = arith.xori %iota3A_336, %xor3A_338 : vector<16xi32>
    %reshape3A_340 = vector.shape_cast %xor3A_339 : vector<16xi32> to vector<16x1xi32>
    %gather3A_341 = vector.shape_cast %reshape3A_340 : vector<16x1xi32> to vector<16xi32>
    %gather3A_342 = tpu.dynamic_gather %add3A_335[%gather3A_341] in [0] : vector<16xf32>, vector<16xi32> -> vector<16xf32>
    %add3A_343 = arith.addf %add3A_335, %gather3A_342 : vector<16xf32>
    %xor3A_344 = arith.constant 4 : i32
    %xor3A_345 = vector.broadcast %xor3A_344 : i32 to vector<16xi32>
    %xor3A_346 = arith.xori %iota3A_336, %xor3A_345 : vector<16xi32>
    %reshape3A_347 = vector.shape_cast %xor3A_346 : vector<16xi32> to vector<16x1xi32>
    %gather3A_348 = vector.shape_cast %reshape3A_347 : vector<16x1xi32> to vector<16xi32>
    %gather3A_349 = tpu.dynamic_gather %add3A_343[%gather3A_348] in [0] : vector<16xf32>, vector<16xi32> -> vector<16xf32>
    %add3A_350 = arith.addf %add3A_343, %gather3A_349 : vector<16xf32>
    %xor3A_351 = arith.constant 2 : i32
    %xor3A_352 = vector.broadcast %xor3A_351 : i32 to vector<16xi32>
    %xor3A_353 = arith.xori %iota3A_336, %xor3A_352 : vector<16xi32>
    %reshape3A_354 = vector.shape_cast %xor3A_353 : vector<16xi32> to vector<16x1xi32>
    %gather3A_355 = vector.shape_cast %reshape3A_354 : vector<16x1xi32> to vector<16xi32>
    %gather3A_356 = tpu.dynamic_gather %add3A_350[%gather3A_355] in [0] : vector<16xf32>, vector<16xi32> -> vector<16xf32>
    %add3A_357 = arith.addf %add3A_350, %gather3A_356 : vector<16xf32>
    %xor3A_358 = arith.constant 1 : i32
    %xor3A_359 = vector.broadcast %xor3A_358 : i32 to vector<16xi32>
    %xor3A_360 = arith.xori %iota3A_336, %xor3A_359 : vector<16xi32>
    %reshape3A_361 = vector.shape_cast %xor3A_360 : vector<16xi32> to vector<16x1xi32>
    %gather3A_362 = vector.shape_cast %reshape3A_361 : vector<16x1xi32> to vector<16xi32>
    %gather3A_363 = tpu.dynamic_gather %add3A_357[%gather3A_362] in [0] : vector<16xf32>, vector<16xi32> -> vector<16xf32>
    %add3A_364 = arith.addf %add3A_357, %gather3A_363 : vector<16xf32>
    %max3A_365 = arith.constant 1.000000e-24 : f32
    %max3A_366 = vector.broadcast %max3A_365 : f32 to vector<16xf32>
    %max3A_367 = arith.maximumf %add3A_364, %max3A_366 : vector<16xf32>
    %div3A_368 = arith.constant 1.000000e+00 : f32
    %div3A_369 = vector.broadcast %div3A_368 : f32 to vector<16xf32>
    %div3A_370 = arith.divf %div3A_369, %max3A_367 : vector<16xf32>
    %parallel_loop3A_371 = arith.constant 0 : i32
    %parallel_loop3A_372 = arith.constant 512 : i32
    %parallel_loop3A_373 = arith.constant 1 : i32
    scf.for %parallel_loop3A_516 = %parallel_loop3A_371 to %parallel_loop3A_372 step %parallel_loop3A_373  : i32 {
      %parallel_loop3A_517 = arith.index_cast %parallel_loop3A_516 : i32 to index
      %parallel_loop3A_518 = arith.constant 0 : index
      %parallel_loop3A_519 = tpu.vector_load %arg26[%parallel_loop3A_517, %parallel_loop3A_518] {strides = array<i32>} : memref<512x64xf32, #tpu.memory_space<vmem>>, vector<1x16xf32>,
      %parallel_loop3A_520 = vector.shape_cast %parallel_loop3A_519 : vector<1x16xf32> to vector<16xf32>
      %parallel_loop3A_521 = arith.index_cast %parallel_loop3A_516 : i32 to index
      %parallel_loop3A_522 = arith.constant 16 : index
      %parallel_loop3A_523 = tpu.vector_load %arg26[%parallel_loop3A_521, %parallel_loop3A_522] {strides = array<i32>} : memref<512x64xf32, #tpu.memory_space<vmem>>, vector<1x16xf32>,
      %parallel_loop3A_524 = vector.shape_cast %parallel_loop3A_523 : vector<1x16xf32> to vector<16xf32>
      %parallel_loop3A_525 = arith.index_cast %parallel_loop3A_516 : i32 to index
      %parallel_loop3A_526 = arith.constant 32 : index
      %parallel_loop3A_527 = tpu.vector_load %arg26[%parallel_loop3A_525, %parallel_loop3A_526] {strides = array<i32>} : memref<512x64xf32, #tpu.memory_space<vmem>>, vector<1x16xf32>,
      %parallel_loop3A_528 = vector.shape_cast %parallel_loop3A_527 : vector<1x16xf32> to vector<16xf32>
      %parallel_loop3A_529 = arith.index_cast %parallel_loop3A_516 : i32 to index
      %parallel_loop3A_530 = arith.constant 48 : index
      %parallel_loop3A_531 = tpu.vector_load %arg26[%parallel_loop3A_529, %parallel_loop3A_530] {strides = array<i32>} : memref<512x64xf32, #tpu.memory_space<vmem>>, vector<1x16xf32>,
      %parallel_loop3A_532 = vector.shape_cast %parallel_loop3A_531 : vector<1x16xf32> to vector<16xf32>
      %parallel_loop3A_533 = arith.mulf %parallel_loop3A_520, %get3A_313 : vector<16xf32>
      %parallel_loop3A_534 = arith.mulf %parallel_loop3A_524, %get3A_318 : vector<16xf32>
      %parallel_loop3A_535 = arith.addf %parallel_loop3A_533, %parallel_loop3A_534 : vector<16xf32>
      %parallel_loop3A_536 = arith.mulf %parallel_loop3A_528, %get3A_323 : vector<16xf32>
      %parallel_loop3A_537 = arith.addf %parallel_loop3A_535, %parallel_loop3A_536 : vector<16xf32>
      %parallel_loop3A_538 = arith.mulf %parallel_loop3A_532, %get3A_328 : vector<16xf32>
      %parallel_loop3A_539 = arith.addf %parallel_loop3A_537, %parallel_loop3A_538 : vector<16xf32>
      %parallel_loop3A_540 = tpu.iota {dimensions = array<i32: 0>} : vector<16xi32>
      %parallel_loop3A_541 = arith.constant 8 : i32
      %parallel_loop3A_542 = vector.broadcast %parallel_loop3A_541 : i32 to vector<16xi32>
      %parallel_loop3A_543 = arith.xori %parallel_loop3A_540, %parallel_loop3A_542 : vector<16xi32>
      %parallel_loop3A_544 = vector.shape_cast %parallel_loop3A_543 : vector<16xi32> to vector<16x1xi32>
      %parallel_loop3A_545 = vector.shape_cast %parallel_loop3A_544 : vector<16x1xi32> to vector<16xi32>
      %parallel_loop3A_546 = tpu.dynamic_gather %parallel_loop3A_539[%parallel_loop3A_545] in [0] : vector<16xf32>, vector<16xi32> -> vector<16xf32>
      %parallel_loop3A_547 = arith.addf %parallel_loop3A_539, %parallel_loop3A_546 : vector<16xf32>
      %parallel_loop3A_548 = arith.constant 4 : i32
      %parallel_loop3A_549 = vector.broadcast %parallel_loop3A_548 : i32 to vector<16xi32>
      %parallel_loop3A_550 = arith.xori %parallel_loop3A_540, %parallel_loop3A_549 : vector<16xi32>
      %parallel_loop3A_551 = vector.shape_cast %parallel_loop3A_550 : vector<16xi32> to vector<16x1xi32>
      %parallel_loop3A_552 = vector.shape_cast %parallel_loop3A_551 : vector<16x1xi32> to vector<16xi32>
      %parallel_loop3A_553 = tpu.dynamic_gather %parallel_loop3A_547[%parallel_loop3A_552] in [0] : vector<16xf32>, vector<16xi32> -> vector<16xf32>
      %parallel_loop3A_554 = arith.addf %parallel_loop3A_547, %parallel_loop3A_553 : vector<16xf32>
      %parallel_loop3A_555 = arith.constant 2 : i32
      %parallel_loop3A_556 = vector.broadcast %parallel_loop3A_555 : i32 to vector<16xi32>
      %parallel_loop3A_557 = arith.xori %parallel_loop3A_540, %parallel_loop3A_556 : vector<16xi32>
      %parallel_loop3A_558 = vector.shape_cast %parallel_loop3A_557 : vector<16xi32> to vector<16x1xi32>
      %parallel_loop3A_559 = vector.shape_cast %parallel_loop3A_558 : vector<16x1xi32> to vector<16xi32>
      %parallel_loop3A_560 = tpu.dynamic_gather %parallel_loop3A_554[%parallel_loop3A_559] in [0] : vector<16xf32>, vector<16xi32> -> vector<16xf32>
      %parallel_loop3A_561 = arith.addf %parallel_loop3A_554, %parallel_loop3A_560 : vector<16xf32>
      %parallel_loop3A_562 = arith.constant 1 : i32
      %parallel_loop3A_563 = vector.broadcast %parallel_loop3A_562 : i32 to vector<16xi32>
      %parallel_loop3A_564 = arith.xori %parallel_loop3A_540, %parallel_loop3A_563 : vector<16xi32>
      %parallel_loop3A_565 = vector.shape_cast %parallel_loop3A_564 : vector<16xi32> to vector<16x1xi32>
      %parallel_loop3A_566 = vector.shape_cast %parallel_loop3A_565 : vector<16x1xi32> to vector<16xi32>
      %parallel_loop3A_567 = tpu.dynamic_gather %parallel_loop3A_561[%parallel_loop3A_566] in [0] : vector<16xf32>, vector<16xi32> -> vector<16xf32>
      %parallel_loop3A_568 = arith.addf %parallel_loop3A_561, %parallel_loop3A_567 : vector<16xf32>
      %parallel_loop3A_569 = arith.mulf %parallel_loop3A_568, %div3A_370 : vector<16xf32>
      %parallel_loop3A_570 = arith.mulf %parallel_loop3A_569, %get3A_313 : vector<16xf32>
      %parallel_loop3A_571 = arith.subf %parallel_loop3A_520, %parallel_loop3A_570 : vector<16xf32>
      %parallel_loop3A_572 = arith.index_cast %parallel_loop3A_516 : i32 to index
      %parallel_loop3A_573 = arith.constant 0 : index
      %parallel_loop3A_574 = tpu.vector_load %arg26[%parallel_loop3A_572, %parallel_loop3A_573] {strides = array<i32>} : memref<512x64xf32, #tpu.memory_space<vmem>>, vector<1x16xf32>,
      %parallel_loop3A_575 = vector.shape_cast %parallel_loop3A_574 : vector<1x16xf32> to vector<16xf32>
      %parallel_loop3A_576 = vector.shape_cast %parallel_loop3A_571 : vector<16xf32> to vector<1x16xf32>
      tpu.vector_store %arg26[%parallel_loop3A_572, %parallel_loop3A_573], %parallel_loop3A_576 {strides = array<i32>} : memref<512x64xf32, #tpu.memory_space<vmem>>, vector<1x16xf32>,
      %parallel_loop3A_577 = arith.mulf %parallel_loop3A_569, %get3A_318 : vector<16xf32>
      %parallel_loop3A_578 = arith.subf %parallel_loop3A_524, %parallel_loop3A_577 : vector<16xf32>
      %parallel_loop3A_579 = arith.index_cast %parallel_loop3A_516 : i32 to index
      %parallel_loop3A_580 = arith.constant 16 : index
      %parallel_loop3A_581 = tpu.vector_load %arg26[%parallel_loop3A_579, %parallel_loop3A_580] {strides = array<i32>} : memref<512x64xf32, #tpu.memory_space<vmem>>, vector<1x16xf32>,
      %parallel_loop3A_582 = vector.shape_cast %parallel_loop3A_581 : vector<1x16xf32> to vector<16xf32>
      %parallel_loop3A_583 = vector.shape_cast %parallel_loop3A_578 : vector<16xf32> to vector<1x16xf32>
      tpu.vector_store %arg26[%parallel_loop3A_579, %parallel_loop3A_580], %parallel_loop3A_583 {strides = array<i32>} : memref<512x64xf32, #tpu.memory_space<vmem>>, vector<1x16xf32>,
      %parallel_loop3A_584 = arith.mulf %parallel_loop3A_569, %get3A_323 : vector<16xf32>
      %parallel_loop3A_585 = arith.subf %parallel_loop3A_528, %parallel_loop3A_584 : vector<16xf32>
      %parallel_loop3A_586 = arith.index_cast %parallel_loop3A_516 : i32 to index
      %parallel_loop3A_587 = arith.constant 32 : index
      %parallel_loop3A_588 = tpu.vector_load %arg26[%parallel_loop3A_586, %parallel_loop3A_587] {strides = array<i32>} : memref<512x64xf32, #tpu.memory_space<vmem>>, vector<1x16xf32>,
      %parallel_loop3A_589 = vector.shape_cast %parallel_loop3A_588 : vector<1x16xf32> to vector<16xf32>
      %parallel_loop3A_590 = vector.shape_cast %parallel_loop3A_585 : vector<16xf32> to vector<1x16xf32>
      tpu.vector_store %arg26[%parallel_loop3A_586, %parallel_loop3A_587], %parallel_loop3A_590 {strides = array<i32>} : memref<512x64xf32, #tpu.memory_space<vmem>>, vector<1x16xf32>,
      %parallel_loop3A_591 = arith.mulf %parallel_loop3A_569, %get3A_328 : vector<16xf32>
      %parallel_loop3A_592 = arith.subf %parallel_loop3A_532, %parallel_loop3A_591 : vector<16xf32>
      %parallel_loop3A_593 = arith.index_cast %parallel_loop3A_516 : i32 to index
      %parallel_loop3A_594 = arith.constant 48 : index
      %parallel_loop3A_595 = tpu.vector_load %arg26[%parallel_loop3A_593, %parallel_loop3A_594] {strides = array<i32>} : memref<512x64xf32, #tpu.memory_space<vmem>>, vector<1x16xf32>,
      %parallel_loop3A_596 = vector.shape_cast %parallel_loop3A_595 : vector<1x16xf32> to vector<16xf32>
      %parallel_loop3A_597 = vector.shape_cast %parallel_loop3A_592 : vector<16xf32> to vector<1x16xf32>
      tpu.vector_store %arg26[%parallel_loop3A_593, %parallel_loop3A_594], %parallel_loop3A_597 {strides = array<i32>} : memref<512x64xf32, #tpu.memory_space<vmem>>, vector<1x16xf32>,
    } {sc.loop_unroll_factor = 4 : i64, sc.parallel_access}
    "tpu.region"() ({
      %run_scoped3A_516 = tpu.sem_alloc : memref<!tpu.dma_semaphore, #tpu.memory_space<semaphore_mem>>
      %dma_start3A = arith.constant 0 : i32
      %dma_start3A_517 = tpu.memref_slice %arg17[%mul3A_2, %dma_start3A] : memref<16384x64xf32, #tpu.memory_space<hbm>> -> memref<512x64xf32, #tpu.memory_space<hbm>>
      %dma_start3A_518 = arith.constant 0 : i32
      %dma_start3A_519 = tpu.memref_slice %arg17[%mul3A_2, %dma_start3A_518] : memref<16384x64xf32, #tpu.memory_space<hbm>> -> memref<512x64xf32, #tpu.memory_space<hbm>>
      tpu.enqueue_dma source(%arg26 : memref<512x64xf32, #tpu.memory_space<vmem>>) target(%dma_start3A_519 : memref<512x64xf32, #tpu.memory_space<hbm>>) target_semaphore(%run_scoped3A_516 : memref<!tpu.dma_semaphore, #tpu.memory_space<semaphore_mem>>)
      %dma_wait3A = arith.constant 0 : i32
      %dma_wait3A_520 = tpu.memref_slice %arg17[%mul3A_2, %dma_wait3A] : memref<16384x64xf32, #tpu.memory_space<hbm>> -> memref<512x64xf32, #tpu.memory_space<hbm>>
      %dma_wait3A_521 = arith.constant 0 : i32
      %dma_wait3A_522 = tpu.memref_slice %arg17[%mul3A_2, %dma_wait3A_521] : memref<16384x64xf32, #tpu.memory_space<hbm>> -> memref<512x64xf32, #tpu.memory_space<hbm>>
      tpu.wait_dma2 semaphore(%run_scoped3A_516 : memref<!tpu.dma_semaphore, #tpu.memory_space<semaphore_mem>>) src(%arg26 : memref<512x64xf32, #tpu.memory_space<vmem>>) dst(%dma_wait3A_522 : memref<512x64xf32, #tpu.memory_space<hbm>>)
      tpu.yield
    }) : () -> ()
    %parallel_loop3A_374 = arith.constant 0 : i32
    %parallel_loop3A_375 = arith.constant 512 : i32
    %parallel_loop3A_376 = arith.constant 16 : i32
    scf.for %parallel_loop3A_516 = %parallel_loop3A_374 to %parallel_loop3A_375 step %parallel_loop3A_376  : i32 {
      %parallel_loop3A_517 = arith.constant 4 : i32
      %parallel_loop3A_518 = arith.index_cast %parallel_loop3A_517 : i32 to index
      %parallel_loop3A_519 = arith.index_cast %parallel_loop3A_516 : i32 to index
      %parallel_loop3A_520 = tpu.vector_load %arg25[%parallel_loop3A_518, %parallel_loop3A_519] {strides = array<i32>} : memref<6x512xi32, #tpu.memory_space<vmem>>, vector<1x16xi32>,
      %parallel_loop3A_521 = vector.shape_cast %parallel_loop3A_520 : vector<1x16xi32> to vector<16xi32>
      %parallel_loop3A_522 = vector.extract_strided_slice %parallel_loop3A_521 {offsets = [0], sizes = [1], strides = [1]} : vector<16xi32> to vector<1xi32>
      %parallel_loop3A_523 = vector.extract %parallel_loop3A_522[0] : i32 from vector<1xi32>
      %parallel_loop3A_524 = arith.constant 0 : i32
      %parallel_loop3A_525 = arith.addi %parallel_loop3A_516, %parallel_loop3A_524 : i32
      %parallel_loop3A_526 = arith.constant 0 : i32
      %parallel_loop3A_527 = tpu.memref_slice %arg26[%parallel_loop3A_525, %parallel_loop3A_526] : memref<512x64xf32, #tpu.memory_space<vmem>> -> memref<1x64xf32, #tpu.memory_space<vmem>>
      %parallel_loop3A_528 = arith.constant 0 : i32
      %parallel_loop3A_529 = tpu.memref_slice %arg9[%parallel_loop3A_523, %parallel_loop3A_528] : memref<100000x64xf32, #tpu.memory_space<hbm>> -> memref<1x64xf32, #tpu.memory_space<hbm>>
      %parallel_loop3A_530 = arith.constant 0 : i32
      %parallel_loop3A_531 = tpu.memref_slice %arg26[%parallel_loop3A_525, %parallel_loop3A_530] : memref<512x64xf32, #tpu.memory_space<vmem>> -> memref<1x64xf32, #tpu.memory_space<vmem>>
      %parallel_loop3A_532 = arith.constant 0 : i32
      %parallel_loop3A_533 = tpu.memref_slice %arg9[%parallel_loop3A_523, %parallel_loop3A_532] : memref<100000x64xf32, #tpu.memory_space<hbm>> -> memref<1x64xf32, #tpu.memory_space<hbm>>
      tpu.enqueue_dma source(%parallel_loop3A_533 : memref<1x64xf32, #tpu.memory_space<hbm>>) target(%parallel_loop3A_531 : memref<1x64xf32, #tpu.memory_space<vmem>>) target_semaphore(%arg30 : memref<!tpu.dma_semaphore, #tpu.memory_space<semaphore_mem>>)
      %parallel_loop3A_534 = vector.extract_strided_slice %parallel_loop3A_521 {offsets = [1], sizes = [1], strides = [1]} : vector<16xi32> to vector<1xi32>
      %parallel_loop3A_535 = vector.extract %parallel_loop3A_534[0] : i32 from vector<1xi32>
      %parallel_loop3A_536 = arith.constant 1 : i32
      %parallel_loop3A_537 = arith.addi %parallel_loop3A_516, %parallel_loop3A_536 : i32
      %parallel_loop3A_538 = arith.constant 0 : i32
      %parallel_loop3A_539 = tpu.memref_slice %arg26[%parallel_loop3A_537, %parallel_loop3A_538] : memref<512x64xf32, #tpu.memory_space<vmem>> -> memref<1x64xf32, #tpu.memory_space<vmem>>
      %parallel_loop3A_540 = arith.constant 0 : i32
      %parallel_loop3A_541 = tpu.memref_slice %arg9[%parallel_loop3A_535, %parallel_loop3A_540] : memref<100000x64xf32, #tpu.memory_space<hbm>> -> memref<1x64xf32, #tpu.memory_space<hbm>>
      %parallel_loop3A_542 = arith.constant 0 : i32
      %parallel_loop3A_543 = tpu.memref_slice %arg26[%parallel_loop3A_537, %parallel_loop3A_542] : memref<512x64xf32, #tpu.memory_space<vmem>> -> memref<1x64xf32, #tpu.memory_space<vmem>>
      %parallel_loop3A_544 = arith.constant 0 : i32
      %parallel_loop3A_545 = tpu.memref_slice %arg9[%parallel_loop3A_535, %parallel_loop3A_544] : memref<100000x64xf32, #tpu.memory_space<hbm>> -> memref<1x64xf32, #tpu.memory_space<hbm>>
      tpu.enqueue_dma source(%parallel_loop3A_545 : memref<1x64xf32, #tpu.memory_space<hbm>>) target(%parallel_loop3A_543 : memref<1x64xf32, #tpu.memory_space<vmem>>) target_semaphore(%arg30 : memref<!tpu.dma_semaphore, #tpu.memory_space<semaphore_mem>>)
      %parallel_loop3A_546 = vector.extract_strided_slice %parallel_loop3A_521 {offsets = [2], sizes = [1], strides = [1]} : vector<16xi32> to vector<1xi32>
      %parallel_loop3A_547 = vector.extract %parallel_loop3A_546[0] : i32 from vector<1xi32>
      %parallel_loop3A_548 = arith.constant 2 : i32
      %parallel_loop3A_549 = arith.addi %parallel_loop3A_516, %parallel_loop3A_548 : i32
      %parallel_loop3A_550 = arith.constant 0 : i32
      %parallel_loop3A_551 = tpu.memref_slice %arg26[%parallel_loop3A_549, %parallel_loop3A_550] : memref<512x64xf32, #tpu.memory_space<vmem>> -> memref<1x64xf32, #tpu.memory_space<vmem>>
      %parallel_loop3A_552 = arith.constant 0 : i32
      %parallel_loop3A_553 = tpu.memref_slice %arg9[%parallel_loop3A_547, %parallel_loop3A_552] : memref<100000x64xf32, #tpu.memory_space<hbm>> -> memref<1x64xf32, #tpu.memory_space<hbm>>
      %parallel_loop3A_554 = arith.constant 0 : i32
      %parallel_loop3A_555 = tpu.memref_slice %arg26[%parallel_loop3A_549, %parallel_loop3A_554] : memref<512x64xf32, #tpu.memory_space<vmem>> -> memref<1x64xf32, #tpu.memory_space<vmem>>
      %parallel_loop3A_556 = arith.constant 0 : i32
      %parallel_loop3A_557 = tpu.memref_slice %arg9[%parallel_loop3A_547, %parallel_loop3A_556] : memref<100000x64xf32, #tpu.memory_space<hbm>> -> memref<1x64xf32, #tpu.memory_space<hbm>>
      tpu.enqueue_dma source(%parallel_loop3A_557 : memref<1x64xf32, #tpu.memory_space<hbm>>) target(%parallel_loop3A_555 : memref<1x64xf32, #tpu.memory_space<vmem>>) target_semaphore(%arg30 : memref<!tpu.dma_semaphore, #tpu.memory_space<semaphore_mem>>)
      %parallel_loop3A_558 = vector.extract_strided_slice %parallel_loop3A_521 {offsets = [3], sizes = [1], strides = [1]} : vector<16xi32> to vector<1xi32>
      %parallel_loop3A_559 = vector.extract %parallel_loop3A_558[0] : i32 from vector<1xi32>
      %parallel_loop3A_560 = arith.constant 3 : i32
      %parallel_loop3A_561 = arith.addi %parallel_loop3A_516, %parallel_loop3A_560 : i32
      %parallel_loop3A_562 = arith.constant 0 : i32
      %parallel_loop3A_563 = tpu.memref_slice %arg26[%parallel_loop3A_561, %parallel_loop3A_562] : memref<512x64xf32, #tpu.memory_space<vmem>> -> memref<1x64xf32, #tpu.memory_space<vmem>>
      %parallel_loop3A_564 = arith.constant 0 : i32
      %parallel_loop3A_565 = tpu.memref_slice %arg9[%parallel_loop3A_559, %parallel_loop3A_564] : memref<100000x64xf32, #tpu.memory_space<hbm>> -> memref<1x64xf32, #tpu.memory_space<hbm>>
      %parallel_loop3A_566 = arith.constant 0 : i32
      %parallel_loop3A_567 = tpu.memref_slice %arg26[%parallel_loop3A_561, %parallel_loop3A_566] : memref<512x64xf32, #tpu.memory_space<vmem>> -> memref<1x64xf32, #tpu.memory_space<vmem>>
      %parallel_loop3A_568 = arith.constant 0 : i32
      %parallel_loop3A_569 = tpu.memref_slice %arg9[%parallel_loop3A_559, %parallel_loop3A_568] : memref<100000x64xf32, #tpu.memory_space<hbm>> -> memref<1x64xf32, #tpu.memory_space<hbm>>
      tpu.enqueue_dma source(%parallel_loop3A_569 : memref<1x64xf32, #tpu.memory_space<hbm>>) target(%parallel_loop3A_567 : memref<1x64xf32, #tpu.memory_space<vmem>>) target_semaphore(%arg30 : memref<!tpu.dma_semaphore, #tpu.memory_space<semaphore_mem>>)
      %parallel_loop3A_570 = vector.extract_strided_slice %parallel_loop3A_521 {offsets = [4], sizes = [1], strides = [1]} : vector<16xi32> to vector<1xi32>
      %parallel_loop3A_571 = vector.extract %parallel_loop3A_570[0] : i32 from vector<1xi32>
      %parallel_loop3A_572 = arith.constant 4 : i32
      %parallel_loop3A_573 = arith.addi %parallel_loop3A_516, %parallel_loop3A_572 : i32
      %parallel_loop3A_574 = arith.constant 0 : i32
      %parallel_loop3A_575 = tpu.memref_slice %arg26[%parallel_loop3A_573, %parallel_loop3A_574] : memref<512x64xf32, #tpu.memory_space<vmem>> -> memref<1x64xf32, #tpu.memory_space<vmem>>
      %parallel_loop3A_576 = arith.constant 0 : i32
      %parallel_loop3A_577 = tpu.memref_slice %arg9[%parallel_loop3A_571, %parallel_loop3A_576] : memref<100000x64xf32, #tpu.memory_space<hbm>> -> memref<1x64xf32, #tpu.memory_space<hbm>>
      %parallel_loop3A_578 = arith.constant 0 : i32
      %parallel_loop3A_579 = tpu.memref_slice %arg26[%parallel_loop3A_573, %parallel_loop3A_578] : memref<512x64xf32, #tpu.memory_space<vmem>> -> memref<1x64xf32, #tpu.memory_space<vmem>>
      %parallel_loop3A_580 = arith.constant 0 : i32
      %parallel_loop3A_581 = tpu.memref_slice %arg9[%parallel_loop3A_571, %parallel_loop3A_580] : memref<100000x64xf32, #tpu.memory_space<hbm>> -> memref<1x64xf32, #tpu.memory_space<hbm>>
      tpu.enqueue_dma source(%parallel_loop3A_581 : memref<1x64xf32, #tpu.memory_space<hbm>>) target(%parallel_loop3A_579 : memref<1x64xf32, #tpu.memory_space<vmem>>) target_semaphore(%arg30 : memref<!tpu.dma_semaphore, #tpu.memory_space<semaphore_mem>>)
      %parallel_loop3A_582 = vector.extract_strided_slice %parallel_loop3A_521 {offsets = [5], sizes = [1], strides = [1]} : vector<16xi32> to vector<1xi32>
      %parallel_loop3A_583 = vector.extract %parallel_loop3A_582[0] : i32 from vector<1xi32>
      %parallel_loop3A_584 = arith.constant 5 : i32
      %parallel_loop3A_585 = arith.addi %parallel_loop3A_516, %parallel_loop3A_584 : i32
      %parallel_loop3A_586 = arith.constant 0 : i32
      %parallel_loop3A_587 = tpu.memref_slice %arg26[%parallel_loop3A_585, %parallel_loop3A_586] : memref<512x64xf32, #tpu.memory_space<vmem>> -> memref<1x64xf32, #tpu.memory_space<vmem>>
      %parallel_loop3A_588 = arith.constant 0 : i32
      %parallel_loop3A_589 = tpu.memref_slice %arg9[%parallel_loop3A_583, %parallel_loop3A_588] : memref<100000x64xf32, #tpu.memory_space<hbm>> -> memref<1x64xf32, #tpu.memory_space<hbm>>
      %parallel_loop3A_590 = arith.constant 0 : i32
      %parallel_loop3A_591 = tpu.memref_slice %arg26[%parallel_loop3A_585, %parallel_loop3A_590] : memref<512x64xf32, #tpu.memory_space<vmem>> -> memref<1x64xf32, #tpu.memory_space<vmem>>
      %parallel_loop3A_592 = arith.constant 0 : i32
      %parallel_loop3A_593 = tpu.memref_slice %arg9[%parallel_loop3A_583, %parallel_loop3A_592] : memref<100000x64xf32, #tpu.memory_space<hbm>> -> memref<1x64xf32, #tpu.memory_space<hbm>>
      tpu.enqueue_dma source(%parallel_loop3A_593 : memref<1x64xf32, #tpu.memory_space<hbm>>) target(%parallel_loop3A_591 : memref<1x64xf32, #tpu.memory_space<vmem>>) target_semaphore(%arg30 : memref<!tpu.dma_semaphore, #tpu.memory_space<semaphore_mem>>)
      %parallel_loop3A_594 = vector.extract_strided_slice %parallel_loop3A_521 {offsets = [6], sizes = [1], strides = [1]} : vector<16xi32> to vector<1xi32>
      %parallel_loop3A_595 = vector.extract %parallel_loop3A_594[0] : i32 from vector<1xi32>
      %parallel_loop3A_596 = arith.constant 6 : i32
      %parallel_loop3A_597 = arith.addi %parallel_loop3A_516, %parallel_loop3A_596 : i32
      %parallel_loop3A_598 = arith.constant 0 : i32
      %parallel_loop3A_599 = tpu.memref_slice %arg26[%parallel_loop3A_597, %parallel_loop3A_598] : memref<512x64xf32, #tpu.memory_space<vmem>> -> memref<1x64xf32, #tpu.memory_space<vmem>>
      %parallel_loop3A_600 = arith.constant 0 : i32
      %parallel_loop3A_601 = tpu.memref_slice %arg9[%parallel_loop3A_595, %parallel_loop3A_600] : memref<100000x64xf32, #tpu.memory_space<hbm>> -> memref<1x64xf32, #tpu.memory_space<hbm>>
      %parallel_loop3A_602 = arith.constant 0 : i32
      %parallel_loop3A_603 = tpu.memref_slice %arg26[%parallel_loop3A_597, %parallel_loop3A_602] : memref<512x64xf32, #tpu.memory_space<vmem>> -> memref<1x64xf32, #tpu.memory_space<vmem>>
      %parallel_loop3A_604 = arith.constant 0 : i32
      %parallel_loop3A_605 = tpu.memref_slice %arg9[%parallel_loop3A_595, %parallel_loop3A_604] : memref<100000x64xf32, #tpu.memory_space<hbm>> -> memref<1x64xf32, #tpu.memory_space<hbm>>
      tpu.enqueue_dma source(%parallel_loop3A_605 : memref<1x64xf32, #tpu.memory_space<hbm>>) target(%parallel_loop3A_603 : memref<1x64xf32, #tpu.memory_space<vmem>>) target_semaphore(%arg30 : memref<!tpu.dma_semaphore, #tpu.memory_space<semaphore_mem>>)
      %parallel_loop3A_606 = vector.extract_strided_slice %parallel_loop3A_521 {offsets = [7], sizes = [1], strides = [1]} : vector<16xi32> to vector<1xi32>
      %parallel_loop3A_607 = vector.extract %parallel_loop3A_606[0] : i32 from vector<1xi32>
      %parallel_loop3A_608 = arith.constant 7 : i32
      %parallel_loop3A_609 = arith.addi %parallel_loop3A_516, %parallel_loop3A_608 : i32
      %parallel_loop3A_610 = arith.constant 0 : i32
      %parallel_loop3A_611 = tpu.memref_slice %arg26[%parallel_loop3A_609, %parallel_loop3A_610] : memref<512x64xf32, #tpu.memory_space<vmem>> -> memref<1x64xf32, #tpu.memory_space<vmem>>
      %parallel_loop3A_612 = arith.constant 0 : i32
      %parallel_loop3A_613 = tpu.memref_slice %arg9[%parallel_loop3A_607, %parallel_loop3A_612] : memref<100000x64xf32, #tpu.memory_space<hbm>> -> memref<1x64xf32, #tpu.memory_space<hbm>>
      %parallel_loop3A_614 = arith.constant 0 : i32
      %parallel_loop3A_615 = tpu.memref_slice %arg26[%parallel_loop3A_609, %parallel_loop3A_614] : memref<512x64xf32, #tpu.memory_space<vmem>> -> memref<1x64xf32, #tpu.memory_space<vmem>>
      %parallel_loop3A_616 = arith.constant 0 : i32
      %parallel_loop3A_617 = tpu.memref_slice %arg9[%parallel_loop3A_607, %parallel_loop3A_616] : memref<100000x64xf32, #tpu.memory_space<hbm>> -> memref<1x64xf32, #tpu.memory_space<hbm>>
      tpu.enqueue_dma source(%parallel_loop3A_617 : memref<1x64xf32, #tpu.memory_space<hbm>>) target(%parallel_loop3A_615 : memref<1x64xf32, #tpu.memory_space<vmem>>) target_semaphore(%arg30 : memref<!tpu.dma_semaphore, #tpu.memory_space<semaphore_mem>>)
      %parallel_loop3A_618 = vector.extract_strided_slice %parallel_loop3A_521 {offsets = [8], sizes = [1], strides = [1]} : vector<16xi32> to vector<1xi32>
      %parallel_loop3A_619 = vector.extract %parallel_loop3A_618[0] : i32 from vector<1xi32>
      %parallel_loop3A_620 = arith.constant 8 : i32
      %parallel_loop3A_621 = arith.addi %parallel_loop3A_516, %parallel_loop3A_620 : i32
      %parallel_loop3A_622 = arith.constant 0 : i32
      %parallel_loop3A_623 = tpu.memref_slice %arg26[%parallel_loop3A_621, %parallel_loop3A_622] : memref<512x64xf32, #tpu.memory_space<vmem>> -> memref<1x64xf32, #tpu.memory_space<vmem>>
      %parallel_loop3A_624 = arith.constant 0 : i32
      %parallel_loop3A_625 = tpu.memref_slice %arg9[%parallel_loop3A_619, %parallel_loop3A_624] : memref<100000x64xf32, #tpu.memory_space<hbm>> -> memref<1x64xf32, #tpu.memory_space<hbm>>
      %parallel_loop3A_626 = arith.constant 0 : i32
      %parallel_loop3A_627 = tpu.memref_slice %arg26[%parallel_loop3A_621, %parallel_loop3A_626] : memref<512x64xf32, #tpu.memory_space<vmem>> -> memref<1x64xf32, #tpu.memory_space<vmem>>
      %parallel_loop3A_628 = arith.constant 0 : i32
      %parallel_loop3A_629 = tpu.memref_slice %arg9[%parallel_loop3A_619, %parallel_loop3A_628] : memref<100000x64xf32, #tpu.memory_space<hbm>> -> memref<1x64xf32, #tpu.memory_space<hbm>>
      tpu.enqueue_dma source(%parallel_loop3A_629 : memref<1x64xf32, #tpu.memory_space<hbm>>) target(%parallel_loop3A_627 : memref<1x64xf32, #tpu.memory_space<vmem>>) target_semaphore(%arg30 : memref<!tpu.dma_semaphore, #tpu.memory_space<semaphore_mem>>)
      %parallel_loop3A_630 = vector.extract_strided_slice %parallel_loop3A_521 {offsets = [9], sizes = [1], strides = [1]} : vector<16xi32> to vector<1xi32>
      %parallel_loop3A_631 = vector.extract %parallel_loop3A_630[0] : i32 from vector<1xi32>
      %parallel_loop3A_632 = arith.constant 9 : i32
      %parallel_loop3A_633 = arith.addi %parallel_loop3A_516, %parallel_loop3A_632 : i32
      %parallel_loop3A_634 = arith.constant 0 : i32
      %parallel_loop3A_635 = tpu.memref_slice %arg26[%parallel_loop3A_633, %parallel_loop3A_634] : memref<512x64xf32, #tpu.memory_space<vmem>> -> memref<1x64xf32, #tpu.memory_space<vmem>>
      %parallel_loop3A_636 = arith.constant 0 : i32
      %parallel_loop3A_637 = tpu.memref_slice %arg9[%parallel_loop3A_631, %parallel_loop3A_636] : memref<100000x64xf32, #tpu.memory_space<hbm>> -> memref<1x64xf32, #tpu.memory_space<hbm>>
      %parallel_loop3A_638 = arith.constant 0 : i32
      %parallel_loop3A_639 = tpu.memref_slice %arg26[%parallel_loop3A_633, %parallel_loop3A_638] : memref<512x64xf32, #tpu.memory_space<vmem>> -> memref<1x64xf32, #tpu.memory_space<vmem>>
      %parallel_loop3A_640 = arith.constant 0 : i32
      %parallel_loop3A_641 = tpu.memref_slice %arg9[%parallel_loop3A_631, %parallel_loop3A_640] : memref<100000x64xf32, #tpu.memory_space<hbm>> -> memref<1x64xf32, #tpu.memory_space<hbm>>
      tpu.enqueue_dma source(%parallel_loop3A_641 : memref<1x64xf32, #tpu.memory_space<hbm>>) target(%parallel_loop3A_639 : memref<1x64xf32, #tpu.memory_space<vmem>>) target_semaphore(%arg30 : memref<!tpu.dma_semaphore, #tpu.memory_space<semaphore_mem>>)
      %parallel_loop3A_642 = vector.extract_strided_slice %parallel_loop3A_521 {offsets = [10], sizes = [1], strides = [1]} : vector<16xi32> to vector<1xi32>
      %parallel_loop3A_643 = vector.extract %parallel_loop3A_642[0] : i32 from vector<1xi32>
      %parallel_loop3A_644 = arith.constant 10 : i32
      %parallel_loop3A_645 = arith.addi %parallel_loop3A_516, %parallel_loop3A_644 : i32
      %parallel_loop3A_646 = arith.constant 0 : i32
      %parallel_loop3A_647 = tpu.memref_slice %arg26[%parallel_loop3A_645, %parallel_loop3A_646] : memref<512x64xf32, #tpu.memory_space<vmem>> -> memref<1x64xf32, #tpu.memory_space<vmem>>
      %parallel_loop3A_648 = arith.constant 0 : i32
      %parallel_loop3A_649 = tpu.memref_slice %arg9[%parallel_loop3A_643, %parallel_loop3A_648] : memref<100000x64xf32, #tpu.memory_space<hbm>> -> memref<1x64xf32, #tpu.memory_space<hbm>>
      %parallel_loop3A_650 = arith.constant 0 : i32
      %parallel_loop3A_651 = tpu.memref_slice %arg26[%parallel_loop3A_645, %parallel_loop3A_650] : memref<512x64xf32, #tpu.memory_space<vmem>> -> memref<1x64xf32, #tpu.memory_space<vmem>>
      %parallel_loop3A_652 = arith.constant 0 : i32
      %parallel_loop3A_653 = tpu.memref_slice %arg9[%parallel_loop3A_643, %parallel_loop3A_652] : memref<100000x64xf32, #tpu.memory_space<hbm>> -> memref<1x64xf32, #tpu.memory_space<hbm>>
      tpu.enqueue_dma source(%parallel_loop3A_653 : memref<1x64xf32, #tpu.memory_space<hbm>>) target(%parallel_loop3A_651 : memref<1x64xf32, #tpu.memory_space<vmem>>) target_semaphore(%arg30 : memref<!tpu.dma_semaphore, #tpu.memory_space<semaphore_mem>>)
      %parallel_loop3A_654 = vector.extract_strided_slice %parallel_loop3A_521 {offsets = [11], sizes = [1], strides = [1]} : vector<16xi32> to vector<1xi32>
      %parallel_loop3A_655 = vector.extract %parallel_loop3A_654[0] : i32 from vector<1xi32>
      %parallel_loop3A_656 = arith.constant 11 : i32
      %parallel_loop3A_657 = arith.addi %parallel_loop3A_516, %parallel_loop3A_656 : i32
      %parallel_loop3A_658 = arith.constant 0 : i32
      %parallel_loop3A_659 = tpu.memref_slice %arg26[%parallel_loop3A_657, %parallel_loop3A_658] : memref<512x64xf32, #tpu.memory_space<vmem>> -> memref<1x64xf32, #tpu.memory_space<vmem>>
      %parallel_loop3A_660 = arith.constant 0 : i32
      %parallel_loop3A_661 = tpu.memref_slice %arg9[%parallel_loop3A_655, %parallel_loop3A_660] : memref<100000x64xf32, #tpu.memory_space<hbm>> -> memref<1x64xf32, #tpu.memory_space<hbm>>
      %parallel_loop3A_662 = arith.constant 0 : i32
      %parallel_loop3A_663 = tpu.memref_slice %arg26[%parallel_loop3A_657, %parallel_loop3A_662] : memref<512x64xf32, #tpu.memory_space<vmem>> -> memref<1x64xf32, #tpu.memory_space<vmem>>
      %parallel_loop3A_664 = arith.constant 0 : i32
      %parallel_loop3A_665 = tpu.memref_slice %arg9[%parallel_loop3A_655, %parallel_loop3A_664] : memref<100000x64xf32, #tpu.memory_space<hbm>> -> memref<1x64xf32, #tpu.memory_space<hbm>>
      tpu.enqueue_dma source(%parallel_loop3A_665 : memref<1x64xf32, #tpu.memory_space<hbm>>) target(%parallel_loop3A_663 : memref<1x64xf32, #tpu.memory_space<vmem>>) target_semaphore(%arg30 : memref<!tpu.dma_semaphore, #tpu.memory_space<semaphore_mem>>)
      %parallel_loop3A_666 = vector.extract_strided_slice %parallel_loop3A_521 {offsets = [12], sizes = [1], strides = [1]} : vector<16xi32> to vector<1xi32>
      %parallel_loop3A_667 = vector.extract %parallel_loop3A_666[0] : i32 from vector<1xi32>
      %parallel_loop3A_668 = arith.constant 12 : i32
      %parallel_loop3A_669 = arith.addi %parallel_loop3A_516, %parallel_loop3A_668 : i32
      %parallel_loop3A_670 = arith.constant 0 : i32
      %parallel_loop3A_671 = tpu.memref_slice %arg26[%parallel_loop3A_669, %parallel_loop3A_670] : memref<512x64xf32, #tpu.memory_space<vmem>> -> memref<1x64xf32, #tpu.memory_space<vmem>>
      %parallel_loop3A_672 = arith.constant 0 : i32
      %parallel_loop3A_673 = tpu.memref_slice %arg9[%parallel_loop3A_667, %parallel_loop3A_672] : memref<100000x64xf32, #tpu.memory_space<hbm>> -> memref<1x64xf32, #tpu.memory_space<hbm>>
      %parallel_loop3A_674 = arith.constant 0 : i32
      %parallel_loop3A_675 = tpu.memref_slice %arg26[%parallel_loop3A_669, %parallel_loop3A_674] : memref<512x64xf32, #tpu.memory_space<vmem>> -> memref<1x64xf32, #tpu.memory_space<vmem>>
      %parallel_loop3A_676 = arith.constant 0 : i32
      %parallel_loop3A_677 = tpu.memref_slice %arg9[%parallel_loop3A_667, %parallel_loop3A_676] : memref<100000x64xf32, #tpu.memory_space<hbm>> -> memref<1x64xf32, #tpu.memory_space<hbm>>
      tpu.enqueue_dma source(%parallel_loop3A_677 : memref<1x64xf32, #tpu.memory_space<hbm>>) target(%parallel_loop3A_675 : memref<1x64xf32, #tpu.memory_space<vmem>>) target_semaphore(%arg30 : memref<!tpu.dma_semaphore, #tpu.memory_space<semaphore_mem>>)
      %parallel_loop3A_678 = vector.extract_strided_slice %parallel_loop3A_521 {offsets = [13], sizes = [1], strides = [1]} : vector<16xi32> to vector<1xi32>
      %parallel_loop3A_679 = vector.extract %parallel_loop3A_678[0] : i32 from vector<1xi32>
      %parallel_loop3A_680 = arith.constant 13 : i32
      %parallel_loop3A_681 = arith.addi %parallel_loop3A_516, %parallel_loop3A_680 : i32
      %parallel_loop3A_682 = arith.constant 0 : i32
      %parallel_loop3A_683 = tpu.memref_slice %arg26[%parallel_loop3A_681, %parallel_loop3A_682] : memref<512x64xf32, #tpu.memory_space<vmem>> -> memref<1x64xf32, #tpu.memory_space<vmem>>
      %parallel_loop3A_684 = arith.constant 0 : i32
      %parallel_loop3A_685 = tpu.memref_slice %arg9[%parallel_loop3A_679, %parallel_loop3A_684] : memref<100000x64xf32, #tpu.memory_space<hbm>> -> memref<1x64xf32, #tpu.memory_space<hbm>>
      %parallel_loop3A_686 = arith.constant 0 : i32
      %parallel_loop3A_687 = tpu.memref_slice %arg26[%parallel_loop3A_681, %parallel_loop3A_686] : memref<512x64xf32, #tpu.memory_space<vmem>> -> memref<1x64xf32, #tpu.memory_space<vmem>>
      %parallel_loop3A_688 = arith.constant 0 : i32
      %parallel_loop3A_689 = tpu.memref_slice %arg9[%parallel_loop3A_679, %parallel_loop3A_688] : memref<100000x64xf32, #tpu.memory_space<hbm>> -> memref<1x64xf32, #tpu.memory_space<hbm>>
      tpu.enqueue_dma source(%parallel_loop3A_689 : memref<1x64xf32, #tpu.memory_space<hbm>>) target(%parallel_loop3A_687 : memref<1x64xf32, #tpu.memory_space<vmem>>) target_semaphore(%arg30 : memref<!tpu.dma_semaphore, #tpu.memory_space<semaphore_mem>>)
      %parallel_loop3A_690 = vector.extract_strided_slice %parallel_loop3A_521 {offsets = [14], sizes = [1], strides = [1]} : vector<16xi32> to vector<1xi32>
      %parallel_loop3A_691 = vector.extract %parallel_loop3A_690[0] : i32 from vector<1xi32>
      %parallel_loop3A_692 = arith.constant 14 : i32
      %parallel_loop3A_693 = arith.addi %parallel_loop3A_516, %parallel_loop3A_692 : i32
      %parallel_loop3A_694 = arith.constant 0 : i32
      %parallel_loop3A_695 = tpu.memref_slice %arg26[%parallel_loop3A_693, %parallel_loop3A_694] : memref<512x64xf32, #tpu.memory_space<vmem>> -> memref<1x64xf32, #tpu.memory_space<vmem>>
      %parallel_loop3A_696 = arith.constant 0 : i32
      %parallel_loop3A_697 = tpu.memref_slice %arg9[%parallel_loop3A_691, %parallel_loop3A_696] : memref<100000x64xf32, #tpu.memory_space<hbm>> -> memref<1x64xf32, #tpu.memory_space<hbm>>
      %parallel_loop3A_698 = arith.constant 0 : i32
      %parallel_loop3A_699 = tpu.memref_slice %arg26[%parallel_loop3A_693, %parallel_loop3A_698] : memref<512x64xf32, #tpu.memory_space<vmem>> -> memref<1x64xf32, #tpu.memory_space<vmem>>
      %parallel_loop3A_700 = arith.constant 0 : i32
      %parallel_loop3A_701 = tpu.memref_slice %arg9[%parallel_loop3A_691, %parallel_loop3A_700] : memref<100000x64xf32, #tpu.memory_space<hbm>> -> memref<1x64xf32, #tpu.memory_space<hbm>>
      tpu.enqueue_dma source(%parallel_loop3A_701 : memref<1x64xf32, #tpu.memory_space<hbm>>) target(%parallel_loop3A_699 : memref<1x64xf32, #tpu.memory_space<vmem>>) target_semaphore(%arg30 : memref<!tpu.dma_semaphore, #tpu.memory_space<semaphore_mem>>)
      %parallel_loop3A_702 = vector.extract_strided_slice %parallel_loop3A_521 {offsets = [15], sizes = [1], strides = [1]} : vector<16xi32> to vector<1xi32>
      %parallel_loop3A_703 = vector.extract %parallel_loop3A_702[0] : i32 from vector<1xi32>
      %parallel_loop3A_704 = arith.constant 15 : i32
      %parallel_loop3A_705 = arith.addi %parallel_loop3A_516, %parallel_loop3A_704 : i32
      %parallel_loop3A_706 = arith.constant 0 : i32
      %parallel_loop3A_707 = tpu.memref_slice %arg26[%parallel_loop3A_705, %parallel_loop3A_706] : memref<512x64xf32, #tpu.memory_space<vmem>> -> memref<1x64xf32, #tpu.memory_space<vmem>>
      %parallel_loop3A_708 = arith.constant 0 : i32
      %parallel_loop3A_709 = tpu.memref_slice %arg9[%parallel_loop3A_703, %parallel_loop3A_708] : memref<100000x64xf32, #tpu.memory_space<hbm>> -> memref<1x64xf32, #tpu.memory_space<hbm>>
      %parallel_loop3A_710 = arith.constant 0 : i32
      %parallel_loop3A_711 = tpu.memref_slice %arg26[%parallel_loop3A_705, %parallel_loop3A_710] : memref<512x64xf32, #tpu.memory_space<vmem>> -> memref<1x64xf32, #tpu.memory_space<vmem>>
      %parallel_loop3A_712 = arith.constant 0 : i32
      %parallel_loop3A_713 = tpu.memref_slice %arg9[%parallel_loop3A_703, %parallel_loop3A_712] : memref<100000x64xf32, #tpu.memory_space<hbm>> -> memref<1x64xf32, #tpu.memory_space<hbm>>
      tpu.enqueue_dma source(%parallel_loop3A_713 : memref<1x64xf32, #tpu.memory_space<hbm>>) target(%parallel_loop3A_711 : memref<1x64xf32, #tpu.memory_space<vmem>>) target_semaphore(%arg30 : memref<!tpu.dma_semaphore, #tpu.memory_space<semaphore_mem>>)
    } {sc.loop_unroll_factor = 1 : i64, sc.parallel_access}
    %parallel_loop3A_377 = arith.constant 0 : i32
    %parallel_loop3A_378 = arith.constant 512 : i32
    %parallel_loop3A_379 = arith.constant 1 : i32
    scf.for %parallel_loop3A_516 = %parallel_loop3A_377 to %parallel_loop3A_378 step %parallel_loop3A_379  : i32 {
      %parallel_loop3A_517 = arith.constant 0 : i32
      %parallel_loop3A_518 = arith.constant 0 : i32
      %parallel_loop3A_519 = tpu.memref_slice %arg26[%parallel_loop3A_517, %parallel_loop3A_518] : memref<512x64xf32, #tpu.memory_space<vmem>> -> memref<1x64xf32, #tpu.memory_space<vmem>>
      %parallel_loop3A_520 = arith.constant 0 : i32
      %parallel_loop3A_521 = arith.constant 0 : i32
      %parallel_loop3A_522 = tpu.memref_slice %arg9[%parallel_loop3A_520, %parallel_loop3A_521] : memref<100000x64xf32, #tpu.memory_space<hbm>> -> memref<1x64xf32, #tpu.memory_space<hbm>>
      %parallel_loop3A_523 = arith.constant 0 : i32
      %parallel_loop3A_524 = arith.constant 0 : i32
      %parallel_loop3A_525 = tpu.memref_slice %arg26[%parallel_loop3A_523, %parallel_loop3A_524] : memref<512x64xf32, #tpu.memory_space<vmem>> -> memref<1x64xf32, #tpu.memory_space<vmem>>
      %parallel_loop3A_526 = arith.constant 0 : i32
      %parallel_loop3A_527 = arith.constant 0 : i32
      %parallel_loop3A_528 = tpu.memref_slice %arg9[%parallel_loop3A_526, %parallel_loop3A_527] : memref<100000x64xf32, #tpu.memory_space<hbm>> -> memref<1x64xf32, #tpu.memory_space<hbm>>
      tpu.wait_dma2 semaphore(%arg30 : memref<!tpu.dma_semaphore, #tpu.memory_space<semaphore_mem>>) src(%parallel_loop3A_528 : memref<1x64xf32, #tpu.memory_space<hbm>>) dst(%parallel_loop3A_525 : memref<1x64xf32, #tpu.memory_space<vmem>>)
    } {sc.loop_unroll_factor = 8 : i64, sc.parallel_access}
    %get3A_380 = arith.constant 3 : i32
    %get3A_381 = arith.index_cast %get3A_380 : i32 to index
    %get3A_382 = arith.constant 0 : index
    %get3A_383 = tpu.vector_load %arg28[%get3A_381, %get3A_382] {strides = array<i32>} : memref<5x64xf32, #tpu.memory_space<vmem>>, vector<1x16xf32>,
    %get3A_384 = vector.shape_cast %get3A_383 : vector<1x16xf32> to vector<16xf32>
    %get3A_385 = arith.constant 3 : i32
    %get3A_386 = arith.index_cast %get3A_385 : i32 to index
    %get3A_387 = arith.constant 16 : index
    %get3A_388 = tpu.vector_load %arg28[%get3A_386, %get3A_387] {strides = array<i32>} : memref<5x64xf32, #tpu.memory_space<vmem>>, vector<1x16xf32>,
    %get3A_389 = vector.shape_cast %get3A_388 : vector<1x16xf32> to vector<16xf32>
    %get3A_390 = arith.constant 3 : i32
    %get3A_391 = arith.index_cast %get3A_390 : i32 to index
    %get3A_392 = arith.constant 32 : index
    %get3A_393 = tpu.vector_load %arg28[%get3A_391, %get3A_392] {strides = array<i32>} : memref<5x64xf32, #tpu.memory_space<vmem>>, vector<1x16xf32>,
    %get3A_394 = vector.shape_cast %get3A_393 : vector<1x16xf32> to vector<16xf32>
    %get3A_395 = arith.constant 3 : i32
    %get3A_396 = arith.index_cast %get3A_395 : i32 to index
    %get3A_397 = arith.constant 48 : index
    %get3A_398 = tpu.vector_load %arg28[%get3A_396, %get3A_397] {strides = array<i32>} : memref<5x64xf32, #tpu.memory_space<vmem>>, vector<1x16xf32>,
    %get3A_399 = vector.shape_cast %get3A_398 : vector<1x16xf32> to vector<16xf32>
    %mul3A_400 = arith.mulf %get3A_384, %get3A_384 : vector<16xf32>
    %mul3A_401 = arith.mulf %get3A_389, %get3A_389 : vector<16xf32>
    %add3A_402 = arith.addf %mul3A_400, %mul3A_401 : vector<16xf32>
    %mul3A_403 = arith.mulf %get3A_394, %get3A_394 : vector<16xf32>
    %add3A_404 = arith.addf %add3A_402, %mul3A_403 : vector<16xf32>
    %mul3A_405 = arith.mulf %get3A_399, %get3A_399 : vector<16xf32>
    %add3A_406 = arith.addf %add3A_404, %mul3A_405 : vector<16xf32>
    %iota3A_407 = tpu.iota {dimensions = array<i32: 0>} : vector<16xi32>
    %xor3A_408 = arith.constant 8 : i32
    %xor3A_409 = vector.broadcast %xor3A_408 : i32 to vector<16xi32>
    %xor3A_410 = arith.xori %iota3A_407, %xor3A_409 : vector<16xi32>
    %reshape3A_411 = vector.shape_cast %xor3A_410 : vector<16xi32> to vector<16x1xi32>
    %gather3A_412 = vector.shape_cast %reshape3A_411 : vector<16x1xi32> to vector<16xi32>
    %gather3A_413 = tpu.dynamic_gather %add3A_406[%gather3A_412] in [0] : vector<16xf32>, vector<16xi32> -> vector<16xf32>
    %add3A_414 = arith.addf %add3A_406, %gather3A_413 : vector<16xf32>
    %xor3A_415 = arith.constant 4 : i32
    %xor3A_416 = vector.broadcast %xor3A_415 : i32 to vector<16xi32>
    %xor3A_417 = arith.xori %iota3A_407, %xor3A_416 : vector<16xi32>
    %reshape3A_418 = vector.shape_cast %xor3A_417 : vector<16xi32> to vector<16x1xi32>
    %gather3A_419 = vector.shape_cast %reshape3A_418 : vector<16x1xi32> to vector<16xi32>
    %gather3A_420 = tpu.dynamic_gather %add3A_414[%gather3A_419] in [0] : vector<16xf32>, vector<16xi32> -> vector<16xf32>
    %add3A_421 = arith.addf %add3A_414, %gather3A_420 : vector<16xf32>
    %xor3A_422 = arith.constant 2 : i32
    %xor3A_423 = vector.broadcast %xor3A_422 : i32 to vector<16xi32>
    %xor3A_424 = arith.xori %iota3A_407, %xor3A_423 : vector<16xi32>
    %reshape3A_425 = vector.shape_cast %xor3A_424 : vector<16xi32> to vector<16x1xi32>
    %gather3A_426 = vector.shape_cast %reshape3A_425 : vector<16x1xi32> to vector<16xi32>
    %gather3A_427 = tpu.dynamic_gather %add3A_421[%gather3A_426] in [0] : vector<16xf32>, vector<16xi32> -> vector<16xf32>
    %add3A_428 = arith.addf %add3A_421, %gather3A_427 : vector<16xf32>
    %xor3A_429 = arith.constant 1 : i32
    %xor3A_430 = vector.broadcast %xor3A_429 : i32 to vector<16xi32>
    %xor3A_431 = arith.xori %iota3A_407, %xor3A_430 : vector<16xi32>
    %reshape3A_432 = vector.shape_cast %xor3A_431 : vector<16xi32> to vector<16x1xi32>
    %gather3A_433 = vector.shape_cast %reshape3A_432 : vector<16x1xi32> to vector<16xi32>
    %gather3A_434 = tpu.dynamic_gather %add3A_428[%gather3A_433] in [0] : vector<16xf32>, vector<16xi32> -> vector<16xf32>
    %add3A_435 = arith.addf %add3A_428, %gather3A_434 : vector<16xf32>
    %max3A_436 = arith.constant 1.000000e-24 : f32
    %max3A_437 = vector.broadcast %max3A_436 : f32 to vector<16xf32>
    %max3A_438 = arith.maximumf %add3A_435, %max3A_437 : vector<16xf32>
    %div3A_439 = arith.constant 1.000000e+00 : f32
    %div3A_440 = vector.broadcast %div3A_439 : f32 to vector<16xf32>
    %div3A_441 = arith.divf %div3A_440, %max3A_438 : vector<16xf32>
    %parallel_loop3A_442 = arith.constant 0 : i32
    %parallel_loop3A_443 = arith.constant 512 : i32
    %parallel_loop3A_444 = arith.constant 1 : i32
    scf.for %parallel_loop3A_516 = %parallel_loop3A_442 to %parallel_loop3A_443 step %parallel_loop3A_444  : i32 {
      %parallel_loop3A_517 = arith.index_cast %parallel_loop3A_516 : i32 to index
      %parallel_loop3A_518 = arith.constant 0 : index
      %parallel_loop3A_519 = tpu.vector_load %arg26[%parallel_loop3A_517, %parallel_loop3A_518] {strides = array<i32>} : memref<512x64xf32, #tpu.memory_space<vmem>>, vector<1x16xf32>,
      %parallel_loop3A_520 = vector.shape_cast %parallel_loop3A_519 : vector<1x16xf32> to vector<16xf32>
      %parallel_loop3A_521 = arith.index_cast %parallel_loop3A_516 : i32 to index
      %parallel_loop3A_522 = arith.constant 16 : index
      %parallel_loop3A_523 = tpu.vector_load %arg26[%parallel_loop3A_521, %parallel_loop3A_522] {strides = array<i32>} : memref<512x64xf32, #tpu.memory_space<vmem>>, vector<1x16xf32>,
      %parallel_loop3A_524 = vector.shape_cast %parallel_loop3A_523 : vector<1x16xf32> to vector<16xf32>
      %parallel_loop3A_525 = arith.index_cast %parallel_loop3A_516 : i32 to index
      %parallel_loop3A_526 = arith.constant 32 : index
      %parallel_loop3A_527 = tpu.vector_load %arg26[%parallel_loop3A_525, %parallel_loop3A_526] {strides = array<i32>} : memref<512x64xf32, #tpu.memory_space<vmem>>, vector<1x16xf32>,
      %parallel_loop3A_528 = vector.shape_cast %parallel_loop3A_527 : vector<1x16xf32> to vector<16xf32>
      %parallel_loop3A_529 = arith.index_cast %parallel_loop3A_516 : i32 to index
      %parallel_loop3A_530 = arith.constant 48 : index
      %parallel_loop3A_531 = tpu.vector_load %arg26[%parallel_loop3A_529, %parallel_loop3A_530] {strides = array<i32>} : memref<512x64xf32, #tpu.memory_space<vmem>>, vector<1x16xf32>,
      %parallel_loop3A_532 = vector.shape_cast %parallel_loop3A_531 : vector<1x16xf32> to vector<16xf32>
      %parallel_loop3A_533 = arith.mulf %parallel_loop3A_520, %get3A_384 : vector<16xf32>
      %parallel_loop3A_534 = arith.mulf %parallel_loop3A_524, %get3A_389 : vector<16xf32>
      %parallel_loop3A_535 = arith.addf %parallel_loop3A_533, %parallel_loop3A_534 : vector<16xf32>
      %parallel_loop3A_536 = arith.mulf %parallel_loop3A_528, %get3A_394 : vector<16xf32>
      %parallel_loop3A_537 = arith.addf %parallel_loop3A_535, %parallel_loop3A_536 : vector<16xf32>
      %parallel_loop3A_538 = arith.mulf %parallel_loop3A_532, %get3A_399 : vector<16xf32>
      %parallel_loop3A_539 = arith.addf %parallel_loop3A_537, %parallel_loop3A_538 : vector<16xf32>
      %parallel_loop3A_540 = tpu.iota {dimensions = array<i32: 0>} : vector<16xi32>
      %parallel_loop3A_541 = arith.constant 8 : i32
      %parallel_loop3A_542 = vector.broadcast %parallel_loop3A_541 : i32 to vector<16xi32>
      %parallel_loop3A_543 = arith.xori %parallel_loop3A_540, %parallel_loop3A_542 : vector<16xi32>
      %parallel_loop3A_544 = vector.shape_cast %parallel_loop3A_543 : vector<16xi32> to vector<16x1xi32>
      %parallel_loop3A_545 = vector.shape_cast %parallel_loop3A_544 : vector<16x1xi32> to vector<16xi32>
      %parallel_loop3A_546 = tpu.dynamic_gather %parallel_loop3A_539[%parallel_loop3A_545] in [0] : vector<16xf32>, vector<16xi32> -> vector<16xf32>
      %parallel_loop3A_547 = arith.addf %parallel_loop3A_539, %parallel_loop3A_546 : vector<16xf32>
      %parallel_loop3A_548 = arith.constant 4 : i32
      %parallel_loop3A_549 = vector.broadcast %parallel_loop3A_548 : i32 to vector<16xi32>
      %parallel_loop3A_550 = arith.xori %parallel_loop3A_540, %parallel_loop3A_549 : vector<16xi32>
      %parallel_loop3A_551 = vector.shape_cast %parallel_loop3A_550 : vector<16xi32> to vector<16x1xi32>
      %parallel_loop3A_552 = vector.shape_cast %parallel_loop3A_551 : vector<16x1xi32> to vector<16xi32>
      %parallel_loop3A_553 = tpu.dynamic_gather %parallel_loop3A_547[%parallel_loop3A_552] in [0] : vector<16xf32>, vector<16xi32> -> vector<16xf32>
      %parallel_loop3A_554 = arith.addf %parallel_loop3A_547, %parallel_loop3A_553 : vector<16xf32>
      %parallel_loop3A_555 = arith.constant 2 : i32
      %parallel_loop3A_556 = vector.broadcast %parallel_loop3A_555 : i32 to vector<16xi32>
      %parallel_loop3A_557 = arith.xori %parallel_loop3A_540, %parallel_loop3A_556 : vector<16xi32>
      %parallel_loop3A_558 = vector.shape_cast %parallel_loop3A_557 : vector<16xi32> to vector<16x1xi32>
      %parallel_loop3A_559 = vector.shape_cast %parallel_loop3A_558 : vector<16x1xi32> to vector<16xi32>
      %parallel_loop3A_560 = tpu.dynamic_gather %parallel_loop3A_554[%parallel_loop3A_559] in [0] : vector<16xf32>, vector<16xi32> -> vector<16xf32>
      %parallel_loop3A_561 = arith.addf %parallel_loop3A_554, %parallel_loop3A_560 : vector<16xf32>
      %parallel_loop3A_562 = arith.constant 1 : i32
      %parallel_loop3A_563 = vector.broadcast %parallel_loop3A_562 : i32 to vector<16xi32>
      %parallel_loop3A_564 = arith.xori %parallel_loop3A_540, %parallel_loop3A_563 : vector<16xi32>
      %parallel_loop3A_565 = vector.shape_cast %parallel_loop3A_564 : vector<16xi32> to vector<16x1xi32>
      %parallel_loop3A_566 = vector.shape_cast %parallel_loop3A_565 : vector<16x1xi32> to vector<16xi32>
      %parallel_loop3A_567 = tpu.dynamic_gather %parallel_loop3A_561[%parallel_loop3A_566] in [0] : vector<16xf32>, vector<16xi32> -> vector<16xf32>
      %parallel_loop3A_568 = arith.addf %parallel_loop3A_561, %parallel_loop3A_567 : vector<16xf32>
      %parallel_loop3A_569 = arith.mulf %parallel_loop3A_568, %div3A_441 : vector<16xf32>
      %parallel_loop3A_570 = arith.mulf %parallel_loop3A_569, %get3A_384 : vector<16xf32>
      %parallel_loop3A_571 = arith.subf %parallel_loop3A_520, %parallel_loop3A_570 : vector<16xf32>
      %parallel_loop3A_572 = arith.index_cast %parallel_loop3A_516 : i32 to index
      %parallel_loop3A_573 = arith.constant 0 : index
      %parallel_loop3A_574 = tpu.vector_load %arg26[%parallel_loop3A_572, %parallel_loop3A_573] {strides = array<i32>} : memref<512x64xf32, #tpu.memory_space<vmem>>, vector<1x16xf32>,
      %parallel_loop3A_575 = vector.shape_cast %parallel_loop3A_574 : vector<1x16xf32> to vector<16xf32>
      %parallel_loop3A_576 = vector.shape_cast %parallel_loop3A_571 : vector<16xf32> to vector<1x16xf32>
      tpu.vector_store %arg26[%parallel_loop3A_572, %parallel_loop3A_573], %parallel_loop3A_576 {strides = array<i32>} : memref<512x64xf32, #tpu.memory_space<vmem>>, vector<1x16xf32>,
      %parallel_loop3A_577 = arith.mulf %parallel_loop3A_569, %get3A_389 : vector<16xf32>
      %parallel_loop3A_578 = arith.subf %parallel_loop3A_524, %parallel_loop3A_577 : vector<16xf32>
      %parallel_loop3A_579 = arith.index_cast %parallel_loop3A_516 : i32 to index
      %parallel_loop3A_580 = arith.constant 16 : index
      %parallel_loop3A_581 = tpu.vector_load %arg26[%parallel_loop3A_579, %parallel_loop3A_580] {strides = array<i32>} : memref<512x64xf32, #tpu.memory_space<vmem>>, vector<1x16xf32>,
      %parallel_loop3A_582 = vector.shape_cast %parallel_loop3A_581 : vector<1x16xf32> to vector<16xf32>
      %parallel_loop3A_583 = vector.shape_cast %parallel_loop3A_578 : vector<16xf32> to vector<1x16xf32>
      tpu.vector_store %arg26[%parallel_loop3A_579, %parallel_loop3A_580], %parallel_loop3A_583 {strides = array<i32>} : memref<512x64xf32, #tpu.memory_space<vmem>>, vector<1x16xf32>,
      %parallel_loop3A_584 = arith.mulf %parallel_loop3A_569, %get3A_394 : vector<16xf32>
      %parallel_loop3A_585 = arith.subf %parallel_loop3A_528, %parallel_loop3A_584 : vector<16xf32>
      %parallel_loop3A_586 = arith.index_cast %parallel_loop3A_516 : i32 to index
      %parallel_loop3A_587 = arith.constant 32 : index
      %parallel_loop3A_588 = tpu.vector_load %arg26[%parallel_loop3A_586, %parallel_loop3A_587] {strides = array<i32>} : memref<512x64xf32, #tpu.memory_space<vmem>>, vector<1x16xf32>,
      %parallel_loop3A_589 = vector.shape_cast %parallel_loop3A_588 : vector<1x16xf32> to vector<16xf32>
      %parallel_loop3A_590 = vector.shape_cast %parallel_loop3A_585 : vector<16xf32> to vector<1x16xf32>
      tpu.vector_store %arg26[%parallel_loop3A_586, %parallel_loop3A_587], %parallel_loop3A_590 {strides = array<i32>} : memref<512x64xf32, #tpu.memory_space<vmem>>, vector<1x16xf32>,
      %parallel_loop3A_591 = arith.mulf %parallel_loop3A_569, %get3A_399 : vector<16xf32>
      %parallel_loop3A_592 = arith.subf %parallel_loop3A_532, %parallel_loop3A_591 : vector<16xf32>
      %parallel_loop3A_593 = arith.index_cast %parallel_loop3A_516 : i32 to index
      %parallel_loop3A_594 = arith.constant 48 : index
      %parallel_loop3A_595 = tpu.vector_load %arg26[%parallel_loop3A_593, %parallel_loop3A_594] {strides = array<i32>} : memref<512x64xf32, #tpu.memory_space<vmem>>, vector<1x16xf32>,
      %parallel_loop3A_596 = vector.shape_cast %parallel_loop3A_595 : vector<1x16xf32> to vector<16xf32>
      %parallel_loop3A_597 = vector.shape_cast %parallel_loop3A_592 : vector<16xf32> to vector<1x16xf32>
      tpu.vector_store %arg26[%parallel_loop3A_593, %parallel_loop3A_594], %parallel_loop3A_597 {strides = array<i32>} : memref<512x64xf32, #tpu.memory_space<vmem>>, vector<1x16xf32>,
    } {sc.loop_unroll_factor = 4 : i64, sc.parallel_access}
    "tpu.region"() ({
      %run_scoped3A_516 = tpu.sem_alloc : memref<!tpu.dma_semaphore, #tpu.memory_space<semaphore_mem>>
      %dma_start3A = arith.constant 0 : i32
      %dma_start3A_517 = tpu.memref_slice %arg18[%mul3A_2, %dma_start3A] : memref<16384x64xf32, #tpu.memory_space<hbm>> -> memref<512x64xf32, #tpu.memory_space<hbm>>
      %dma_start3A_518 = arith.constant 0 : i32
      %dma_start3A_519 = tpu.memref_slice %arg18[%mul3A_2, %dma_start3A_518] : memref<16384x64xf32, #tpu.memory_space<hbm>> -> memref<512x64xf32, #tpu.memory_space<hbm>>
      tpu.enqueue_dma source(%arg26 : memref<512x64xf32, #tpu.memory_space<vmem>>) target(%dma_start3A_519 : memref<512x64xf32, #tpu.memory_space<hbm>>) target_semaphore(%run_scoped3A_516 : memref<!tpu.dma_semaphore, #tpu.memory_space<semaphore_mem>>)
      %dma_wait3A = arith.constant 0 : i32
      %dma_wait3A_520 = tpu.memref_slice %arg18[%mul3A_2, %dma_wait3A] : memref<16384x64xf32, #tpu.memory_space<hbm>> -> memref<512x64xf32, #tpu.memory_space<hbm>>
      %dma_wait3A_521 = arith.constant 0 : i32
      %dma_wait3A_522 = tpu.memref_slice %arg18[%mul3A_2, %dma_wait3A_521] : memref<16384x64xf32, #tpu.memory_space<hbm>> -> memref<512x64xf32, #tpu.memory_space<hbm>>
      tpu.wait_dma2 semaphore(%run_scoped3A_516 : memref<!tpu.dma_semaphore, #tpu.memory_space<semaphore_mem>>) src(%arg26 : memref<512x64xf32, #tpu.memory_space<vmem>>) dst(%dma_wait3A_522 : memref<512x64xf32, #tpu.memory_space<hbm>>)
      tpu.yield
    }) : () -> ()
    %parallel_loop3A_445 = arith.constant 0 : i32
    %parallel_loop3A_446 = arith.constant 512 : i32
    %parallel_loop3A_447 = arith.constant 16 : i32
    scf.for %parallel_loop3A_516 = %parallel_loop3A_445 to %parallel_loop3A_446 step %parallel_loop3A_447  : i32 {
      %parallel_loop3A_517 = arith.constant 5 : i32
      %parallel_loop3A_518 = arith.index_cast %parallel_loop3A_517 : i32 to index
      %parallel_loop3A_519 = arith.index_cast %parallel_loop3A_516 : i32 to index
      %parallel_loop3A_520 = tpu.vector_load %arg25[%parallel_loop3A_518, %parallel_loop3A_519] {strides = array<i32>} : memref<6x512xi32, #tpu.memory_space<vmem>>, vector<1x16xi32>,
      %parallel_loop3A_521 = vector.shape_cast %parallel_loop3A_520 : vector<1x16xi32> to vector<16xi32>
      %parallel_loop3A_522 = vector.extract_strided_slice %parallel_loop3A_521 {offsets = [0], sizes = [1], strides = [1]} : vector<16xi32> to vector<1xi32>
      %parallel_loop3A_523 = vector.extract %parallel_loop3A_522[0] : i32 from vector<1xi32>
      %parallel_loop3A_524 = arith.constant 0 : i32
      %parallel_loop3A_525 = arith.addi %parallel_loop3A_516, %parallel_loop3A_524 : i32
      %parallel_loop3A_526 = arith.constant 0 : i32
      %parallel_loop3A_527 = tpu.memref_slice %arg26[%parallel_loop3A_525, %parallel_loop3A_526] : memref<512x64xf32, #tpu.memory_space<vmem>> -> memref<1x64xf32, #tpu.memory_space<vmem>>
      %parallel_loop3A_528 = arith.constant 0 : i32
      %parallel_loop3A_529 = tpu.memref_slice %arg10[%parallel_loop3A_523, %parallel_loop3A_528] : memref<100000x64xf32, #tpu.memory_space<hbm>> -> memref<1x64xf32, #tpu.memory_space<hbm>>
      %parallel_loop3A_530 = arith.constant 0 : i32
      %parallel_loop3A_531 = tpu.memref_slice %arg26[%parallel_loop3A_525, %parallel_loop3A_530] : memref<512x64xf32, #tpu.memory_space<vmem>> -> memref<1x64xf32, #tpu.memory_space<vmem>>
      %parallel_loop3A_532 = arith.constant 0 : i32
      %parallel_loop3A_533 = tpu.memref_slice %arg10[%parallel_loop3A_523, %parallel_loop3A_532] : memref<100000x64xf32, #tpu.memory_space<hbm>> -> memref<1x64xf32, #tpu.memory_space<hbm>>
      tpu.enqueue_dma source(%parallel_loop3A_533 : memref<1x64xf32, #tpu.memory_space<hbm>>) target(%parallel_loop3A_531 : memref<1x64xf32, #tpu.memory_space<vmem>>) target_semaphore(%arg30 : memref<!tpu.dma_semaphore, #tpu.memory_space<semaphore_mem>>)
      %parallel_loop3A_534 = vector.extract_strided_slice %parallel_loop3A_521 {offsets = [1], sizes = [1], strides = [1]} : vector<16xi32> to vector<1xi32>
      %parallel_loop3A_535 = vector.extract %parallel_loop3A_534[0] : i32 from vector<1xi32>
      %parallel_loop3A_536 = arith.constant 1 : i32
      %parallel_loop3A_537 = arith.addi %parallel_loop3A_516, %parallel_loop3A_536 : i32
      %parallel_loop3A_538 = arith.constant 0 : i32
      %parallel_loop3A_539 = tpu.memref_slice %arg26[%parallel_loop3A_537, %parallel_loop3A_538] : memref<512x64xf32, #tpu.memory_space<vmem>> -> memref<1x64xf32, #tpu.memory_space<vmem>>
      %parallel_loop3A_540 = arith.constant 0 : i32
      %parallel_loop3A_541 = tpu.memref_slice %arg10[%parallel_loop3A_535, %parallel_loop3A_540] : memref<100000x64xf32, #tpu.memory_space<hbm>> -> memref<1x64xf32, #tpu.memory_space<hbm>>
      %parallel_loop3A_542 = arith.constant 0 : i32
      %parallel_loop3A_543 = tpu.memref_slice %arg26[%parallel_loop3A_537, %parallel_loop3A_542] : memref<512x64xf32, #tpu.memory_space<vmem>> -> memref<1x64xf32, #tpu.memory_space<vmem>>
      %parallel_loop3A_544 = arith.constant 0 : i32
      %parallel_loop3A_545 = tpu.memref_slice %arg10[%parallel_loop3A_535, %parallel_loop3A_544] : memref<100000x64xf32, #tpu.memory_space<hbm>> -> memref<1x64xf32, #tpu.memory_space<hbm>>
      tpu.enqueue_dma source(%parallel_loop3A_545 : memref<1x64xf32, #tpu.memory_space<hbm>>) target(%parallel_loop3A_543 : memref<1x64xf32, #tpu.memory_space<vmem>>) target_semaphore(%arg30 : memref<!tpu.dma_semaphore, #tpu.memory_space<semaphore_mem>>)
      %parallel_loop3A_546 = vector.extract_strided_slice %parallel_loop3A_521 {offsets = [2], sizes = [1], strides = [1]} : vector<16xi32> to vector<1xi32>
      %parallel_loop3A_547 = vector.extract %parallel_loop3A_546[0] : i32 from vector<1xi32>
      %parallel_loop3A_548 = arith.constant 2 : i32
      %parallel_loop3A_549 = arith.addi %parallel_loop3A_516, %parallel_loop3A_548 : i32
      %parallel_loop3A_550 = arith.constant 0 : i32
      %parallel_loop3A_551 = tpu.memref_slice %arg26[%parallel_loop3A_549, %parallel_loop3A_550] : memref<512x64xf32, #tpu.memory_space<vmem>> -> memref<1x64xf32, #tpu.memory_space<vmem>>
      %parallel_loop3A_552 = arith.constant 0 : i32
      %parallel_loop3A_553 = tpu.memref_slice %arg10[%parallel_loop3A_547, %parallel_loop3A_552] : memref<100000x64xf32, #tpu.memory_space<hbm>> -> memref<1x64xf32, #tpu.memory_space<hbm>>
      %parallel_loop3A_554 = arith.constant 0 : i32
      %parallel_loop3A_555 = tpu.memref_slice %arg26[%parallel_loop3A_549, %parallel_loop3A_554] : memref<512x64xf32, #tpu.memory_space<vmem>> -> memref<1x64xf32, #tpu.memory_space<vmem>>
      %parallel_loop3A_556 = arith.constant 0 : i32
      %parallel_loop3A_557 = tpu.memref_slice %arg10[%parallel_loop3A_547, %parallel_loop3A_556] : memref<100000x64xf32, #tpu.memory_space<hbm>> -> memref<1x64xf32, #tpu.memory_space<hbm>>
      tpu.enqueue_dma source(%parallel_loop3A_557 : memref<1x64xf32, #tpu.memory_space<hbm>>) target(%parallel_loop3A_555 : memref<1x64xf32, #tpu.memory_space<vmem>>) target_semaphore(%arg30 : memref<!tpu.dma_semaphore, #tpu.memory_space<semaphore_mem>>)
      %parallel_loop3A_558 = vector.extract_strided_slice %parallel_loop3A_521 {offsets = [3], sizes = [1], strides = [1]} : vector<16xi32> to vector<1xi32>
      %parallel_loop3A_559 = vector.extract %parallel_loop3A_558[0] : i32 from vector<1xi32>
      %parallel_loop3A_560 = arith.constant 3 : i32
      %parallel_loop3A_561 = arith.addi %parallel_loop3A_516, %parallel_loop3A_560 : i32
      %parallel_loop3A_562 = arith.constant 0 : i32
      %parallel_loop3A_563 = tpu.memref_slice %arg26[%parallel_loop3A_561, %parallel_loop3A_562] : memref<512x64xf32, #tpu.memory_space<vmem>> -> memref<1x64xf32, #tpu.memory_space<vmem>>
      %parallel_loop3A_564 = arith.constant 0 : i32
      %parallel_loop3A_565 = tpu.memref_slice %arg10[%parallel_loop3A_559, %parallel_loop3A_564] : memref<100000x64xf32, #tpu.memory_space<hbm>> -> memref<1x64xf32, #tpu.memory_space<hbm>>
      %parallel_loop3A_566 = arith.constant 0 : i32
      %parallel_loop3A_567 = tpu.memref_slice %arg26[%parallel_loop3A_561, %parallel_loop3A_566] : memref<512x64xf32, #tpu.memory_space<vmem>> -> memref<1x64xf32, #tpu.memory_space<vmem>>
      %parallel_loop3A_568 = arith.constant 0 : i32
      %parallel_loop3A_569 = tpu.memref_slice %arg10[%parallel_loop3A_559, %parallel_loop3A_568] : memref<100000x64xf32, #tpu.memory_space<hbm>> -> memref<1x64xf32, #tpu.memory_space<hbm>>
      tpu.enqueue_dma source(%parallel_loop3A_569 : memref<1x64xf32, #tpu.memory_space<hbm>>) target(%parallel_loop3A_567 : memref<1x64xf32, #tpu.memory_space<vmem>>) target_semaphore(%arg30 : memref<!tpu.dma_semaphore, #tpu.memory_space<semaphore_mem>>)
      %parallel_loop3A_570 = vector.extract_strided_slice %parallel_loop3A_521 {offsets = [4], sizes = [1], strides = [1]} : vector<16xi32> to vector<1xi32>
      %parallel_loop3A_571 = vector.extract %parallel_loop3A_570[0] : i32 from vector<1xi32>
      %parallel_loop3A_572 = arith.constant 4 : i32
      %parallel_loop3A_573 = arith.addi %parallel_loop3A_516, %parallel_loop3A_572 : i32
      %parallel_loop3A_574 = arith.constant 0 : i32
      %parallel_loop3A_575 = tpu.memref_slice %arg26[%parallel_loop3A_573, %parallel_loop3A_574] : memref<512x64xf32, #tpu.memory_space<vmem>> -> memref<1x64xf32, #tpu.memory_space<vmem>>
      %parallel_loop3A_576 = arith.constant 0 : i32
      %parallel_loop3A_577 = tpu.memref_slice %arg10[%parallel_loop3A_571, %parallel_loop3A_576] : memref<100000x64xf32, #tpu.memory_space<hbm>> -> memref<1x64xf32, #tpu.memory_space<hbm>>
      %parallel_loop3A_578 = arith.constant 0 : i32
      %parallel_loop3A_579 = tpu.memref_slice %arg26[%parallel_loop3A_573, %parallel_loop3A_578] : memref<512x64xf32, #tpu.memory_space<vmem>> -> memref<1x64xf32, #tpu.memory_space<vmem>>
      %parallel_loop3A_580 = arith.constant 0 : i32
      %parallel_loop3A_581 = tpu.memref_slice %arg10[%parallel_loop3A_571, %parallel_loop3A_580] : memref<100000x64xf32, #tpu.memory_space<hbm>> -> memref<1x64xf32, #tpu.memory_space<hbm>>
      tpu.enqueue_dma source(%parallel_loop3A_581 : memref<1x64xf32, #tpu.memory_space<hbm>>) target(%parallel_loop3A_579 : memref<1x64xf32, #tpu.memory_space<vmem>>) target_semaphore(%arg30 : memref<!tpu.dma_semaphore, #tpu.memory_space<semaphore_mem>>)
      %parallel_loop3A_582 = vector.extract_strided_slice %parallel_loop3A_521 {offsets = [5], sizes = [1], strides = [1]} : vector<16xi32> to vector<1xi32>
      %parallel_loop3A_583 = vector.extract %parallel_loop3A_582[0] : i32 from vector<1xi32>
      %parallel_loop3A_584 = arith.constant 5 : i32
      %parallel_loop3A_585 = arith.addi %parallel_loop3A_516, %parallel_loop3A_584 : i32
      %parallel_loop3A_586 = arith.constant 0 : i32
      %parallel_loop3A_587 = tpu.memref_slice %arg26[%parallel_loop3A_585, %parallel_loop3A_586] : memref<512x64xf32, #tpu.memory_space<vmem>> -> memref<1x64xf32, #tpu.memory_space<vmem>>
      %parallel_loop3A_588 = arith.constant 0 : i32
      %parallel_loop3A_589 = tpu.memref_slice %arg10[%parallel_loop3A_583, %parallel_loop3A_588] : memref<100000x64xf32, #tpu.memory_space<hbm>> -> memref<1x64xf32, #tpu.memory_space<hbm>>
      %parallel_loop3A_590 = arith.constant 0 : i32
      %parallel_loop3A_591 = tpu.memref_slice %arg26[%parallel_loop3A_585, %parallel_loop3A_590] : memref<512x64xf32, #tpu.memory_space<vmem>> -> memref<1x64xf32, #tpu.memory_space<vmem>>
      %parallel_loop3A_592 = arith.constant 0 : i32
      %parallel_loop3A_593 = tpu.memref_slice %arg10[%parallel_loop3A_583, %parallel_loop3A_592] : memref<100000x64xf32, #tpu.memory_space<hbm>> -> memref<1x64xf32, #tpu.memory_space<hbm>>
      tpu.enqueue_dma source(%parallel_loop3A_593 : memref<1x64xf32, #tpu.memory_space<hbm>>) target(%parallel_loop3A_591 : memref<1x64xf32, #tpu.memory_space<vmem>>) target_semaphore(%arg30 : memref<!tpu.dma_semaphore, #tpu.memory_space<semaphore_mem>>)
      %parallel_loop3A_594 = vector.extract_strided_slice %parallel_loop3A_521 {offsets = [6], sizes = [1], strides = [1]} : vector<16xi32> to vector<1xi32>
      %parallel_loop3A_595 = vector.extract %parallel_loop3A_594[0] : i32 from vector<1xi32>
      %parallel_loop3A_596 = arith.constant 6 : i32
      %parallel_loop3A_597 = arith.addi %parallel_loop3A_516, %parallel_loop3A_596 : i32
      %parallel_loop3A_598 = arith.constant 0 : i32
      %parallel_loop3A_599 = tpu.memref_slice %arg26[%parallel_loop3A_597, %parallel_loop3A_598] : memref<512x64xf32, #tpu.memory_space<vmem>> -> memref<1x64xf32, #tpu.memory_space<vmem>>
      %parallel_loop3A_600 = arith.constant 0 : i32
      %parallel_loop3A_601 = tpu.memref_slice %arg10[%parallel_loop3A_595, %parallel_loop3A_600] : memref<100000x64xf32, #tpu.memory_space<hbm>> -> memref<1x64xf32, #tpu.memory_space<hbm>>
      %parallel_loop3A_602 = arith.constant 0 : i32
      %parallel_loop3A_603 = tpu.memref_slice %arg26[%parallel_loop3A_597, %parallel_loop3A_602] : memref<512x64xf32, #tpu.memory_space<vmem>> -> memref<1x64xf32, #tpu.memory_space<vmem>>
      %parallel_loop3A_604 = arith.constant 0 : i32
      %parallel_loop3A_605 = tpu.memref_slice %arg10[%parallel_loop3A_595, %parallel_loop3A_604] : memref<100000x64xf32, #tpu.memory_space<hbm>> -> memref<1x64xf32, #tpu.memory_space<hbm>>
      tpu.enqueue_dma source(%parallel_loop3A_605 : memref<1x64xf32, #tpu.memory_space<hbm>>) target(%parallel_loop3A_603 : memref<1x64xf32, #tpu.memory_space<vmem>>) target_semaphore(%arg30 : memref<!tpu.dma_semaphore, #tpu.memory_space<semaphore_mem>>)
      %parallel_loop3A_606 = vector.extract_strided_slice %parallel_loop3A_521 {offsets = [7], sizes = [1], strides = [1]} : vector<16xi32> to vector<1xi32>
      %parallel_loop3A_607 = vector.extract %parallel_loop3A_606[0] : i32 from vector<1xi32>
      %parallel_loop3A_608 = arith.constant 7 : i32
      %parallel_loop3A_609 = arith.addi %parallel_loop3A_516, %parallel_loop3A_608 : i32
      %parallel_loop3A_610 = arith.constant 0 : i32
      %parallel_loop3A_611 = tpu.memref_slice %arg26[%parallel_loop3A_609, %parallel_loop3A_610] : memref<512x64xf32, #tpu.memory_space<vmem>> -> memref<1x64xf32, #tpu.memory_space<vmem>>
      %parallel_loop3A_612 = arith.constant 0 : i32
      %parallel_loop3A_613 = tpu.memref_slice %arg10[%parallel_loop3A_607, %parallel_loop3A_612] : memref<100000x64xf32, #tpu.memory_space<hbm>> -> memref<1x64xf32, #tpu.memory_space<hbm>>
      %parallel_loop3A_614 = arith.constant 0 : i32
      %parallel_loop3A_615 = tpu.memref_slice %arg26[%parallel_loop3A_609, %parallel_loop3A_614] : memref<512x64xf32, #tpu.memory_space<vmem>> -> memref<1x64xf32, #tpu.memory_space<vmem>>
      %parallel_loop3A_616 = arith.constant 0 : i32
      %parallel_loop3A_617 = tpu.memref_slice %arg10[%parallel_loop3A_607, %parallel_loop3A_616] : memref<100000x64xf32, #tpu.memory_space<hbm>> -> memref<1x64xf32, #tpu.memory_space<hbm>>
      tpu.enqueue_dma source(%parallel_loop3A_617 : memref<1x64xf32, #tpu.memory_space<hbm>>) target(%parallel_loop3A_615 : memref<1x64xf32, #tpu.memory_space<vmem>>) target_semaphore(%arg30 : memref<!tpu.dma_semaphore, #tpu.memory_space<semaphore_mem>>)
      %parallel_loop3A_618 = vector.extract_strided_slice %parallel_loop3A_521 {offsets = [8], sizes = [1], strides = [1]} : vector<16xi32> to vector<1xi32>
      %parallel_loop3A_619 = vector.extract %parallel_loop3A_618[0] : i32 from vector<1xi32>
      %parallel_loop3A_620 = arith.constant 8 : i32
      %parallel_loop3A_621 = arith.addi %parallel_loop3A_516, %parallel_loop3A_620 : i32
      %parallel_loop3A_622 = arith.constant 0 : i32
      %parallel_loop3A_623 = tpu.memref_slice %arg26[%parallel_loop3A_621, %parallel_loop3A_622] : memref<512x64xf32, #tpu.memory_space<vmem>> -> memref<1x64xf32, #tpu.memory_space<vmem>>
      %parallel_loop3A_624 = arith.constant 0 : i32
      %parallel_loop3A_625 = tpu.memref_slice %arg10[%parallel_loop3A_619, %parallel_loop3A_624] : memref<100000x64xf32, #tpu.memory_space<hbm>> -> memref<1x64xf32, #tpu.memory_space<hbm>>
      %parallel_loop3A_626 = arith.constant 0 : i32
      %parallel_loop3A_627 = tpu.memref_slice %arg26[%parallel_loop3A_621, %parallel_loop3A_626] : memref<512x64xf32, #tpu.memory_space<vmem>> -> memref<1x64xf32, #tpu.memory_space<vmem>>
      %parallel_loop3A_628 = arith.constant 0 : i32
      %parallel_loop3A_629 = tpu.memref_slice %arg10[%parallel_loop3A_619, %parallel_loop3A_628] : memref<100000x64xf32, #tpu.memory_space<hbm>> -> memref<1x64xf32, #tpu.memory_space<hbm>>
      tpu.enqueue_dma source(%parallel_loop3A_629 : memref<1x64xf32, #tpu.memory_space<hbm>>) target(%parallel_loop3A_627 : memref<1x64xf32, #tpu.memory_space<vmem>>) target_semaphore(%arg30 : memref<!tpu.dma_semaphore, #tpu.memory_space<semaphore_mem>>)
      %parallel_loop3A_630 = vector.extract_strided_slice %parallel_loop3A_521 {offsets = [9], sizes = [1], strides = [1]} : vector<16xi32> to vector<1xi32>
      %parallel_loop3A_631 = vector.extract %parallel_loop3A_630[0] : i32 from vector<1xi32>
      %parallel_loop3A_632 = arith.constant 9 : i32
      %parallel_loop3A_633 = arith.addi %parallel_loop3A_516, %parallel_loop3A_632 : i32
      %parallel_loop3A_634 = arith.constant 0 : i32
      %parallel_loop3A_635 = tpu.memref_slice %arg26[%parallel_loop3A_633, %parallel_loop3A_634] : memref<512x64xf32, #tpu.memory_space<vmem>> -> memref<1x64xf32, #tpu.memory_space<vmem>>
      %parallel_loop3A_636 = arith.constant 0 : i32
      %parallel_loop3A_637 = tpu.memref_slice %arg10[%parallel_loop3A_631, %parallel_loop3A_636] : memref<100000x64xf32, #tpu.memory_space<hbm>> -> memref<1x64xf32, #tpu.memory_space<hbm>>
      %parallel_loop3A_638 = arith.constant 0 : i32
      %parallel_loop3A_639 = tpu.memref_slice %arg26[%parallel_loop3A_633, %parallel_loop3A_638] : memref<512x64xf32, #tpu.memory_space<vmem>> -> memref<1x64xf32, #tpu.memory_space<vmem>>
      %parallel_loop3A_640 = arith.constant 0 : i32
      %parallel_loop3A_641 = tpu.memref_slice %arg10[%parallel_loop3A_631, %parallel_loop3A_640] : memref<100000x64xf32, #tpu.memory_space<hbm>> -> memref<1x64xf32, #tpu.memory_space<hbm>>
      tpu.enqueue_dma source(%parallel_loop3A_641 : memref<1x64xf32, #tpu.memory_space<hbm>>) target(%parallel_loop3A_639 : memref<1x64xf32, #tpu.memory_space<vmem>>) target_semaphore(%arg30 : memref<!tpu.dma_semaphore, #tpu.memory_space<semaphore_mem>>)
      %parallel_loop3A_642 = vector.extract_strided_slice %parallel_loop3A_521 {offsets = [10], sizes = [1], strides = [1]} : vector<16xi32> to vector<1xi32>
      %parallel_loop3A_643 = vector.extract %parallel_loop3A_642[0] : i32 from vector<1xi32>
      %parallel_loop3A_644 = arith.constant 10 : i32
      %parallel_loop3A_645 = arith.addi %parallel_loop3A_516, %parallel_loop3A_644 : i32
      %parallel_loop3A_646 = arith.constant 0 : i32
      %parallel_loop3A_647 = tpu.memref_slice %arg26[%parallel_loop3A_645, %parallel_loop3A_646] : memref<512x64xf32, #tpu.memory_space<vmem>> -> memref<1x64xf32, #tpu.memory_space<vmem>>
      %parallel_loop3A_648 = arith.constant 0 : i32
      %parallel_loop3A_649 = tpu.memref_slice %arg10[%parallel_loop3A_643, %parallel_loop3A_648] : memref<100000x64xf32, #tpu.memory_space<hbm>> -> memref<1x64xf32, #tpu.memory_space<hbm>>
      %parallel_loop3A_650 = arith.constant 0 : i32
      %parallel_loop3A_651 = tpu.memref_slice %arg26[%parallel_loop3A_645, %parallel_loop3A_650] : memref<512x64xf32, #tpu.memory_space<vmem>> -> memref<1x64xf32, #tpu.memory_space<vmem>>
      %parallel_loop3A_652 = arith.constant 0 : i32
      %parallel_loop3A_653 = tpu.memref_slice %arg10[%parallel_loop3A_643, %parallel_loop3A_652] : memref<100000x64xf32, #tpu.memory_space<hbm>> -> memref<1x64xf32, #tpu.memory_space<hbm>>
      tpu.enqueue_dma source(%parallel_loop3A_653 : memref<1x64xf32, #tpu.memory_space<hbm>>) target(%parallel_loop3A_651 : memref<1x64xf32, #tpu.memory_space<vmem>>) target_semaphore(%arg30 : memref<!tpu.dma_semaphore, #tpu.memory_space<semaphore_mem>>)
      %parallel_loop3A_654 = vector.extract_strided_slice %parallel_loop3A_521 {offsets = [11], sizes = [1], strides = [1]} : vector<16xi32> to vector<1xi32>
      %parallel_loop3A_655 = vector.extract %parallel_loop3A_654[0] : i32 from vector<1xi32>
      %parallel_loop3A_656 = arith.constant 11 : i32
      %parallel_loop3A_657 = arith.addi %parallel_loop3A_516, %parallel_loop3A_656 : i32
      %parallel_loop3A_658 = arith.constant 0 : i32
      %parallel_loop3A_659 = tpu.memref_slice %arg26[%parallel_loop3A_657, %parallel_loop3A_658] : memref<512x64xf32, #tpu.memory_space<vmem>> -> memref<1x64xf32, #tpu.memory_space<vmem>>
      %parallel_loop3A_660 = arith.constant 0 : i32
      %parallel_loop3A_661 = tpu.memref_slice %arg10[%parallel_loop3A_655, %parallel_loop3A_660] : memref<100000x64xf32, #tpu.memory_space<hbm>> -> memref<1x64xf32, #tpu.memory_space<hbm>>
      %parallel_loop3A_662 = arith.constant 0 : i32
      %parallel_loop3A_663 = tpu.memref_slice %arg26[%parallel_loop3A_657, %parallel_loop3A_662] : memref<512x64xf32, #tpu.memory_space<vmem>> -> memref<1x64xf32, #tpu.memory_space<vmem>>
      %parallel_loop3A_664 = arith.constant 0 : i32
      %parallel_loop3A_665 = tpu.memref_slice %arg10[%parallel_loop3A_655, %parallel_loop3A_664] : memref<100000x64xf32, #tpu.memory_space<hbm>> -> memref<1x64xf32, #tpu.memory_space<hbm>>
      tpu.enqueue_dma source(%parallel_loop3A_665 : memref<1x64xf32, #tpu.memory_space<hbm>>) target(%parallel_loop3A_663 : memref<1x64xf32, #tpu.memory_space<vmem>>) target_semaphore(%arg30 : memref<!tpu.dma_semaphore, #tpu.memory_space<semaphore_mem>>)
      %parallel_loop3A_666 = vector.extract_strided_slice %parallel_loop3A_521 {offsets = [12], sizes = [1], strides = [1]} : vector<16xi32> to vector<1xi32>
      %parallel_loop3A_667 = vector.extract %parallel_loop3A_666[0] : i32 from vector<1xi32>
      %parallel_loop3A_668 = arith.constant 12 : i32
      %parallel_loop3A_669 = arith.addi %parallel_loop3A_516, %parallel_loop3A_668 : i32
      %parallel_loop3A_670 = arith.constant 0 : i32
      %parallel_loop3A_671 = tpu.memref_slice %arg26[%parallel_loop3A_669, %parallel_loop3A_670] : memref<512x64xf32, #tpu.memory_space<vmem>> -> memref<1x64xf32, #tpu.memory_space<vmem>>
      %parallel_loop3A_672 = arith.constant 0 : i32
      %parallel_loop3A_673 = tpu.memref_slice %arg10[%parallel_loop3A_667, %parallel_loop3A_672] : memref<100000x64xf32, #tpu.memory_space<hbm>> -> memref<1x64xf32, #tpu.memory_space<hbm>>
      %parallel_loop3A_674 = arith.constant 0 : i32
      %parallel_loop3A_675 = tpu.memref_slice %arg26[%parallel_loop3A_669, %parallel_loop3A_674] : memref<512x64xf32, #tpu.memory_space<vmem>> -> memref<1x64xf32, #tpu.memory_space<vmem>>
      %parallel_loop3A_676 = arith.constant 0 : i32
      %parallel_loop3A_677 = tpu.memref_slice %arg10[%parallel_loop3A_667, %parallel_loop3A_676] : memref<100000x64xf32, #tpu.memory_space<hbm>> -> memref<1x64xf32, #tpu.memory_space<hbm>>
      tpu.enqueue_dma source(%parallel_loop3A_677 : memref<1x64xf32, #tpu.memory_space<hbm>>) target(%parallel_loop3A_675 : memref<1x64xf32, #tpu.memory_space<vmem>>) target_semaphore(%arg30 : memref<!tpu.dma_semaphore, #tpu.memory_space<semaphore_mem>>)
      %parallel_loop3A_678 = vector.extract_strided_slice %parallel_loop3A_521 {offsets = [13], sizes = [1], strides = [1]} : vector<16xi32> to vector<1xi32>
      %parallel_loop3A_679 = vector.extract %parallel_loop3A_678[0] : i32 from vector<1xi32>
      %parallel_loop3A_680 = arith.constant 13 : i32
      %parallel_loop3A_681 = arith.addi %parallel_loop3A_516, %parallel_loop3A_680 : i32
      %parallel_loop3A_682 = arith.constant 0 : i32
      %parallel_loop3A_683 = tpu.memref_slice %arg26[%parallel_loop3A_681, %parallel_loop3A_682] : memref<512x64xf32, #tpu.memory_space<vmem>> -> memref<1x64xf32, #tpu.memory_space<vmem>>
      %parallel_loop3A_684 = arith.constant 0 : i32
      %parallel_loop3A_685 = tpu.memref_slice %arg10[%parallel_loop3A_679, %parallel_loop3A_684] : memref<100000x64xf32, #tpu.memory_space<hbm>> -> memref<1x64xf32, #tpu.memory_space<hbm>>
      %parallel_loop3A_686 = arith.constant 0 : i32
      %parallel_loop3A_687 = tpu.memref_slice %arg26[%parallel_loop3A_681, %parallel_loop3A_686] : memref<512x64xf32, #tpu.memory_space<vmem>> -> memref<1x64xf32, #tpu.memory_space<vmem>>
      %parallel_loop3A_688 = arith.constant 0 : i32
      %parallel_loop3A_689 = tpu.memref_slice %arg10[%parallel_loop3A_679, %parallel_loop3A_688] : memref<100000x64xf32, #tpu.memory_space<hbm>> -> memref<1x64xf32, #tpu.memory_space<hbm>>
      tpu.enqueue_dma source(%parallel_loop3A_689 : memref<1x64xf32, #tpu.memory_space<hbm>>) target(%parallel_loop3A_687 : memref<1x64xf32, #tpu.memory_space<vmem>>) target_semaphore(%arg30 : memref<!tpu.dma_semaphore, #tpu.memory_space<semaphore_mem>>)
      %parallel_loop3A_690 = vector.extract_strided_slice %parallel_loop3A_521 {offsets = [14], sizes = [1], strides = [1]} : vector<16xi32> to vector<1xi32>
      %parallel_loop3A_691 = vector.extract %parallel_loop3A_690[0] : i32 from vector<1xi32>
      %parallel_loop3A_692 = arith.constant 14 : i32
      %parallel_loop3A_693 = arith.addi %parallel_loop3A_516, %parallel_loop3A_692 : i32
      %parallel_loop3A_694 = arith.constant 0 : i32
      %parallel_loop3A_695 = tpu.memref_slice %arg26[%parallel_loop3A_693, %parallel_loop3A_694] : memref<512x64xf32, #tpu.memory_space<vmem>> -> memref<1x64xf32, #tpu.memory_space<vmem>>
      %parallel_loop3A_696 = arith.constant 0 : i32
      %parallel_loop3A_697 = tpu.memref_slice %arg10[%parallel_loop3A_691, %parallel_loop3A_696] : memref<100000x64xf32, #tpu.memory_space<hbm>> -> memref<1x64xf32, #tpu.memory_space<hbm>>
      %parallel_loop3A_698 = arith.constant 0 : i32
      %parallel_loop3A_699 = tpu.memref_slice %arg26[%parallel_loop3A_693, %parallel_loop3A_698] : memref<512x64xf32, #tpu.memory_space<vmem>> -> memref<1x64xf32, #tpu.memory_space<vmem>>
      %parallel_loop3A_700 = arith.constant 0 : i32
      %parallel_loop3A_701 = tpu.memref_slice %arg10[%parallel_loop3A_691, %parallel_loop3A_700] : memref<100000x64xf32, #tpu.memory_space<hbm>> -> memref<1x64xf32, #tpu.memory_space<hbm>>
      tpu.enqueue_dma source(%parallel_loop3A_701 : memref<1x64xf32, #tpu.memory_space<hbm>>) target(%parallel_loop3A_699 : memref<1x64xf32, #tpu.memory_space<vmem>>) target_semaphore(%arg30 : memref<!tpu.dma_semaphore, #tpu.memory_space<semaphore_mem>>)
      %parallel_loop3A_702 = vector.extract_strided_slice %parallel_loop3A_521 {offsets = [15], sizes = [1], strides = [1]} : vector<16xi32> to vector<1xi32>
      %parallel_loop3A_703 = vector.extract %parallel_loop3A_702[0] : i32 from vector<1xi32>
      %parallel_loop3A_704 = arith.constant 15 : i32
      %parallel_loop3A_705 = arith.addi %parallel_loop3A_516, %parallel_loop3A_704 : i32
      %parallel_loop3A_706 = arith.constant 0 : i32
      %parallel_loop3A_707 = tpu.memref_slice %arg26[%parallel_loop3A_705, %parallel_loop3A_706] : memref<512x64xf32, #tpu.memory_space<vmem>> -> memref<1x64xf32, #tpu.memory_space<vmem>>
      %parallel_loop3A_708 = arith.constant 0 : i32
      %parallel_loop3A_709 = tpu.memref_slice %arg10[%parallel_loop3A_703, %parallel_loop3A_708] : memref<100000x64xf32, #tpu.memory_space<hbm>> -> memref<1x64xf32, #tpu.memory_space<hbm>>
      %parallel_loop3A_710 = arith.constant 0 : i32
      %parallel_loop3A_711 = tpu.memref_slice %arg26[%parallel_loop3A_705, %parallel_loop3A_710] : memref<512x64xf32, #tpu.memory_space<vmem>> -> memref<1x64xf32, #tpu.memory_space<vmem>>
      %parallel_loop3A_712 = arith.constant 0 : i32
      %parallel_loop3A_713 = tpu.memref_slice %arg10[%parallel_loop3A_703, %parallel_loop3A_712] : memref<100000x64xf32, #tpu.memory_space<hbm>> -> memref<1x64xf32, #tpu.memory_space<hbm>>
      tpu.enqueue_dma source(%parallel_loop3A_713 : memref<1x64xf32, #tpu.memory_space<hbm>>) target(%parallel_loop3A_711 : memref<1x64xf32, #tpu.memory_space<vmem>>) target_semaphore(%arg30 : memref<!tpu.dma_semaphore, #tpu.memory_space<semaphore_mem>>)
    } {sc.loop_unroll_factor = 1 : i64, sc.parallel_access}
    %parallel_loop3A_448 = arith.constant 0 : i32
    %parallel_loop3A_449 = arith.constant 512 : i32
    %parallel_loop3A_450 = arith.constant 1 : i32
    scf.for %parallel_loop3A_516 = %parallel_loop3A_448 to %parallel_loop3A_449 step %parallel_loop3A_450  : i32 {
      %parallel_loop3A_517 = arith.constant 0 : i32
      %parallel_loop3A_518 = arith.constant 0 : i32
      %parallel_loop3A_519 = tpu.memref_slice %arg26[%parallel_loop3A_517, %parallel_loop3A_518] : memref<512x64xf32, #tpu.memory_space<vmem>> -> memref<1x64xf32, #tpu.memory_space<vmem>>
      %parallel_loop3A_520 = arith.constant 0 : i32
      %parallel_loop3A_521 = arith.constant 0 : i32
      %parallel_loop3A_522 = tpu.memref_slice %arg10[%parallel_loop3A_520, %parallel_loop3A_521] : memref<100000x64xf32, #tpu.memory_space<hbm>> -> memref<1x64xf32, #tpu.memory_space<hbm>>
      %parallel_loop3A_523 = arith.constant 0 : i32
      %parallel_loop3A_524 = arith.constant 0 : i32
      %parallel_loop3A_525 = tpu.memref_slice %arg26[%parallel_loop3A_523, %parallel_loop3A_524] : memref<512x64xf32, #tpu.memory_space<vmem>> -> memref<1x64xf32, #tpu.memory_space<vmem>>
      %parallel_loop3A_526 = arith.constant 0 : i32
      %parallel_loop3A_527 = arith.constant 0 : i32
      %parallel_loop3A_528 = tpu.memref_slice %arg10[%parallel_loop3A_526, %parallel_loop3A_527] : memref<100000x64xf32, #tpu.memory_space<hbm>> -> memref<1x64xf32, #tpu.memory_space<hbm>>
      tpu.wait_dma2 semaphore(%arg30 : memref<!tpu.dma_semaphore, #tpu.memory_space<semaphore_mem>>) src(%parallel_loop3A_528 : memref<1x64xf32, #tpu.memory_space<hbm>>) dst(%parallel_loop3A_525 : memref<1x64xf32, #tpu.memory_space<vmem>>)
    } {sc.loop_unroll_factor = 8 : i64, sc.parallel_access}
    %get3A_451 = arith.constant 4 : i32
    %get3A_452 = arith.index_cast %get3A_451 : i32 to index
    %get3A_453 = arith.constant 0 : index
    %get3A_454 = tpu.vector_load %arg28[%get3A_452, %get3A_453] {strides = array<i32>} : memref<5x64xf32, #tpu.memory_space<vmem>>, vector<1x16xf32>,
    %get3A_455 = vector.shape_cast %get3A_454 : vector<1x16xf32> to vector<16xf32>
    %get3A_456 = arith.constant 4 : i32
    %get3A_457 = arith.index_cast %get3A_456 : i32 to index
    %get3A_458 = arith.constant 16 : index
    %get3A_459 = tpu.vector_load %arg28[%get3A_457, %get3A_458] {strides = array<i32>} : memref<5x64xf32, #tpu.memory_space<vmem>>, vector<1x16xf32>,
    %get3A_460 = vector.shape_cast %get3A_459 : vector<1x16xf32> to vector<16xf32>
    %get3A_461 = arith.constant 4 : i32
    %get3A_462 = arith.index_cast %get3A_461 : i32 to index
    %get3A_463 = arith.constant 32 : index
    %get3A_464 = tpu.vector_load %arg28[%get3A_462, %get3A_463] {strides = array<i32>} : memref<5x64xf32, #tpu.memory_space<vmem>>, vector<1x16xf32>,
    %get3A_465 = vector.shape_cast %get3A_464 : vector<1x16xf32> to vector<16xf32>
    %get3A_466 = arith.constant 4 : i32
    %get3A_467 = arith.index_cast %get3A_466 : i32 to index
    %get3A_468 = arith.constant 48 : index
    %get3A_469 = tpu.vector_load %arg28[%get3A_467, %get3A_468] {strides = array<i32>} : memref<5x64xf32, #tpu.memory_space<vmem>>, vector<1x16xf32>,
    %get3A_470 = vector.shape_cast %get3A_469 : vector<1x16xf32> to vector<16xf32>
    %mul3A_471 = arith.mulf %get3A_455, %get3A_455 : vector<16xf32>
    %mul3A_472 = arith.mulf %get3A_460, %get3A_460 : vector<16xf32>
    %add3A_473 = arith.addf %mul3A_471, %mul3A_472 : vector<16xf32>
    %mul3A_474 = arith.mulf %get3A_465, %get3A_465 : vector<16xf32>
    %add3A_475 = arith.addf %add3A_473, %mul3A_474 : vector<16xf32>
    %mul3A_476 = arith.mulf %get3A_470, %get3A_470 : vector<16xf32>
    %add3A_477 = arith.addf %add3A_475, %mul3A_476 : vector<16xf32>
    %iota3A_478 = tpu.iota {dimensions = array<i32: 0>} : vector<16xi32>
    %xor3A_479 = arith.constant 8 : i32
    %xor3A_480 = vector.broadcast %xor3A_479 : i32 to vector<16xi32>
    %xor3A_481 = arith.xori %iota3A_478, %xor3A_480 : vector<16xi32>
    %reshape3A_482 = vector.shape_cast %xor3A_481 : vector<16xi32> to vector<16x1xi32>
    %gather3A_483 = vector.shape_cast %reshape3A_482 : vector<16x1xi32> to vector<16xi32>
    %gather3A_484 = tpu.dynamic_gather %add3A_477[%gather3A_483] in [0] : vector<16xf32>, vector<16xi32> -> vector<16xf32>
    %add3A_485 = arith.addf %add3A_477, %gather3A_484 : vector<16xf32>
    %xor3A_486 = arith.constant 4 : i32
    %xor3A_487 = vector.broadcast %xor3A_486 : i32 to vector<16xi32>
    %xor3A_488 = arith.xori %iota3A_478, %xor3A_487 : vector<16xi32>
    %reshape3A_489 = vector.shape_cast %xor3A_488 : vector<16xi32> to vector<16x1xi32>
    %gather3A_490 = vector.shape_cast %reshape3A_489 : vector<16x1xi32> to vector<16xi32>
    %gather3A_491 = tpu.dynamic_gather %add3A_485[%gather3A_490] in [0] : vector<16xf32>, vector<16xi32> -> vector<16xf32>
    %add3A_492 = arith.addf %add3A_485, %gather3A_491 : vector<16xf32>
    %xor3A_493 = arith.constant 2 : i32
    %xor3A_494 = vector.broadcast %xor3A_493 : i32 to vector<16xi32>
    %xor3A_495 = arith.xori %iota3A_478, %xor3A_494 : vector<16xi32>
    %reshape3A_496 = vector.shape_cast %xor3A_495 : vector<16xi32> to vector<16x1xi32>
    %gather3A_497 = vector.shape_cast %reshape3A_496 : vector<16x1xi32> to vector<16xi32>
    %gather3A_498 = tpu.dynamic_gather %add3A_492[%gather3A_497] in [0] : vector<16xf32>, vector<16xi32> -> vector<16xf32>
    %add3A_499 = arith.addf %add3A_492, %gather3A_498 : vector<16xf32>
    %xor3A_500 = arith.constant 1 : i32
    %xor3A_501 = vector.broadcast %xor3A_500 : i32 to vector<16xi32>
    %xor3A_502 = arith.xori %iota3A_478, %xor3A_501 : vector<16xi32>
    %reshape3A_503 = vector.shape_cast %xor3A_502 : vector<16xi32> to vector<16x1xi32>
    %gather3A_504 = vector.shape_cast %reshape3A_503 : vector<16x1xi32> to vector<16xi32>
    %gather3A_505 = tpu.dynamic_gather %add3A_499[%gather3A_504] in [0] : vector<16xf32>, vector<16xi32> -> vector<16xf32>
    %add3A_506 = arith.addf %add3A_499, %gather3A_505 : vector<16xf32>
    %max3A_507 = arith.constant 1.000000e-24 : f32
    %max3A_508 = vector.broadcast %max3A_507 : f32 to vector<16xf32>
    %max3A_509 = arith.maximumf %add3A_506, %max3A_508 : vector<16xf32>
    %div3A_510 = arith.constant 1.000000e+00 : f32
    %div3A_511 = vector.broadcast %div3A_510 : f32 to vector<16xf32>
    %div3A_512 = arith.divf %div3A_511, %max3A_509 : vector<16xf32>
    %parallel_loop3A_513 = arith.constant 0 : i32
    %parallel_loop3A_514 = arith.constant 512 : i32
    %parallel_loop3A_515 = arith.constant 1 : i32
    scf.for %parallel_loop3A_516 = %parallel_loop3A_513 to %parallel_loop3A_514 step %parallel_loop3A_515  : i32 {
      %parallel_loop3A_517 = arith.index_cast %parallel_loop3A_516 : i32 to index
      %parallel_loop3A_518 = arith.constant 0 : index
      %parallel_loop3A_519 = tpu.vector_load %arg26[%parallel_loop3A_517, %parallel_loop3A_518] {strides = array<i32>} : memref<512x64xf32, #tpu.memory_space<vmem>>, vector<1x16xf32>,
      %parallel_loop3A_520 = vector.shape_cast %parallel_loop3A_519 : vector<1x16xf32> to vector<16xf32>
      %parallel_loop3A_521 = arith.index_cast %parallel_loop3A_516 : i32 to index
      %parallel_loop3A_522 = arith.constant 16 : index
      %parallel_loop3A_523 = tpu.vector_load %arg26[%parallel_loop3A_521, %parallel_loop3A_522] {strides = array<i32>} : memref<512x64xf32, #tpu.memory_space<vmem>>, vector<1x16xf32>,
      %parallel_loop3A_524 = vector.shape_cast %parallel_loop3A_523 : vector<1x16xf32> to vector<16xf32>
      %parallel_loop3A_525 = arith.index_cast %parallel_loop3A_516 : i32 to index
      %parallel_loop3A_526 = arith.constant 32 : index
      %parallel_loop3A_527 = tpu.vector_load %arg26[%parallel_loop3A_525, %parallel_loop3A_526] {strides = array<i32>} : memref<512x64xf32, #tpu.memory_space<vmem>>, vector<1x16xf32>,
      %parallel_loop3A_528 = vector.shape_cast %parallel_loop3A_527 : vector<1x16xf32> to vector<16xf32>
      %parallel_loop3A_529 = arith.index_cast %parallel_loop3A_516 : i32 to index
      %parallel_loop3A_530 = arith.constant 48 : index
      %parallel_loop3A_531 = tpu.vector_load %arg26[%parallel_loop3A_529, %parallel_loop3A_530] {strides = array<i32>} : memref<512x64xf32, #tpu.memory_space<vmem>>, vector<1x16xf32>,
      %parallel_loop3A_532 = vector.shape_cast %parallel_loop3A_531 : vector<1x16xf32> to vector<16xf32>
      %parallel_loop3A_533 = arith.mulf %parallel_loop3A_520, %get3A_455 : vector<16xf32>
      %parallel_loop3A_534 = arith.mulf %parallel_loop3A_524, %get3A_460 : vector<16xf32>
      %parallel_loop3A_535 = arith.addf %parallel_loop3A_533, %parallel_loop3A_534 : vector<16xf32>
      %parallel_loop3A_536 = arith.mulf %parallel_loop3A_528, %get3A_465 : vector<16xf32>
      %parallel_loop3A_537 = arith.addf %parallel_loop3A_535, %parallel_loop3A_536 : vector<16xf32>
      %parallel_loop3A_538 = arith.mulf %parallel_loop3A_532, %get3A_470 : vector<16xf32>
      %parallel_loop3A_539 = arith.addf %parallel_loop3A_537, %parallel_loop3A_538 : vector<16xf32>
      %parallel_loop3A_540 = tpu.iota {dimensions = array<i32: 0>} : vector<16xi32>
      %parallel_loop3A_541 = arith.constant 8 : i32
      %parallel_loop3A_542 = vector.broadcast %parallel_loop3A_541 : i32 to vector<16xi32>
      %parallel_loop3A_543 = arith.xori %parallel_loop3A_540, %parallel_loop3A_542 : vector<16xi32>
      %parallel_loop3A_544 = vector.shape_cast %parallel_loop3A_543 : vector<16xi32> to vector<16x1xi32>
      %parallel_loop3A_545 = vector.shape_cast %parallel_loop3A_544 : vector<16x1xi32> to vector<16xi32>
      %parallel_loop3A_546 = tpu.dynamic_gather %parallel_loop3A_539[%parallel_loop3A_545] in [0] : vector<16xf32>, vector<16xi32> -> vector<16xf32>
      %parallel_loop3A_547 = arith.addf %parallel_loop3A_539, %parallel_loop3A_546 : vector<16xf32>
      %parallel_loop3A_548 = arith.constant 4 : i32
      %parallel_loop3A_549 = vector.broadcast %parallel_loop3A_548 : i32 to vector<16xi32>
      %parallel_loop3A_550 = arith.xori %parallel_loop3A_540, %parallel_loop3A_549 : vector<16xi32>
      %parallel_loop3A_551 = vector.shape_cast %parallel_loop3A_550 : vector<16xi32> to vector<16x1xi32>
      %parallel_loop3A_552 = vector.shape_cast %parallel_loop3A_551 : vector<16x1xi32> to vector<16xi32>
      %parallel_loop3A_553 = tpu.dynamic_gather %parallel_loop3A_547[%parallel_loop3A_552] in [0] : vector<16xf32>, vector<16xi32> -> vector<16xf32>
      %parallel_loop3A_554 = arith.addf %parallel_loop3A_547, %parallel_loop3A_553 : vector<16xf32>
      %parallel_loop3A_555 = arith.constant 2 : i32
      %parallel_loop3A_556 = vector.broadcast %parallel_loop3A_555 : i32 to vector<16xi32>
      %parallel_loop3A_557 = arith.xori %parallel_loop3A_540, %parallel_loop3A_556 : vector<16xi32>
      %parallel_loop3A_558 = vector.shape_cast %parallel_loop3A_557 : vector<16xi32> to vector<16x1xi32>
      %parallel_loop3A_559 = vector.shape_cast %parallel_loop3A_558 : vector<16x1xi32> to vector<16xi32>
      %parallel_loop3A_560 = tpu.dynamic_gather %parallel_loop3A_554[%parallel_loop3A_559] in [0] : vector<16xf32>, vector<16xi32> -> vector<16xf32>
      %parallel_loop3A_561 = arith.addf %parallel_loop3A_554, %parallel_loop3A_560 : vector<16xf32>
      %parallel_loop3A_562 = arith.constant 1 : i32
      %parallel_loop3A_563 = vector.broadcast %parallel_loop3A_562 : i32 to vector<16xi32>
      %parallel_loop3A_564 = arith.xori %parallel_loop3A_540, %parallel_loop3A_563 : vector<16xi32>
      %parallel_loop3A_565 = vector.shape_cast %parallel_loop3A_564 : vector<16xi32> to vector<16x1xi32>
      %parallel_loop3A_566 = vector.shape_cast %parallel_loop3A_565 : vector<16x1xi32> to vector<16xi32>
      %parallel_loop3A_567 = tpu.dynamic_gather %parallel_loop3A_561[%parallel_loop3A_566] in [0] : vector<16xf32>, vector<16xi32> -> vector<16xf32>
      %parallel_loop3A_568 = arith.addf %parallel_loop3A_561, %parallel_loop3A_567 : vector<16xf32>
      %parallel_loop3A_569 = arith.mulf %parallel_loop3A_568, %div3A_512 : vector<16xf32>
      %parallel_loop3A_570 = arith.mulf %parallel_loop3A_569, %get3A_455 : vector<16xf32>
      %parallel_loop3A_571 = arith.subf %parallel_loop3A_520, %parallel_loop3A_570 : vector<16xf32>
      %parallel_loop3A_572 = arith.index_cast %parallel_loop3A_516 : i32 to index
      %parallel_loop3A_573 = arith.constant 0 : index
      %parallel_loop3A_574 = tpu.vector_load %arg26[%parallel_loop3A_572, %parallel_loop3A_573] {strides = array<i32>} : memref<512x64xf32, #tpu.memory_space<vmem>>, vector<1x16xf32>,
      %parallel_loop3A_575 = vector.shape_cast %parallel_loop3A_574 : vector<1x16xf32> to vector<16xf32>
      %parallel_loop3A_576 = vector.shape_cast %parallel_loop3A_571 : vector<16xf32> to vector<1x16xf32>
      tpu.vector_store %arg26[%parallel_loop3A_572, %parallel_loop3A_573], %parallel_loop3A_576 {strides = array<i32>} : memref<512x64xf32, #tpu.memory_space<vmem>>, vector<1x16xf32>,
      %parallel_loop3A_577 = arith.mulf %parallel_loop3A_569, %get3A_460 : vector<16xf32>
      %parallel_loop3A_578 = arith.subf %parallel_loop3A_524, %parallel_loop3A_577 : vector<16xf32>
      %parallel_loop3A_579 = arith.index_cast %parallel_loop3A_516 : i32 to index
      %parallel_loop3A_580 = arith.constant 16 : index
      %parallel_loop3A_581 = tpu.vector_load %arg26[%parallel_loop3A_579, %parallel_loop3A_580] {strides = array<i32>} : memref<512x64xf32, #tpu.memory_space<vmem>>, vector<1x16xf32>,
      %parallel_loop3A_582 = vector.shape_cast %parallel_loop3A_581 : vector<1x16xf32> to vector<16xf32>
      %parallel_loop3A_583 = vector.shape_cast %parallel_loop3A_578 : vector<16xf32> to vector<1x16xf32>
      tpu.vector_store %arg26[%parallel_loop3A_579, %parallel_loop3A_580], %parallel_loop3A_583 {strides = array<i32>} : memref<512x64xf32, #tpu.memory_space<vmem>>, vector<1x16xf32>,
      %parallel_loop3A_584 = arith.mulf %parallel_loop3A_569, %get3A_465 : vector<16xf32>
      %parallel_loop3A_585 = arith.subf %parallel_loop3A_528, %parallel_loop3A_584 : vector<16xf32>
      %parallel_loop3A_586 = arith.index_cast %parallel_loop3A_516 : i32 to index
      %parallel_loop3A_587 = arith.constant 32 : index
      %parallel_loop3A_588 = tpu.vector_load %arg26[%parallel_loop3A_586, %parallel_loop3A_587] {strides = array<i32>} : memref<512x64xf32, #tpu.memory_space<vmem>>, vector<1x16xf32>,
      %parallel_loop3A_589 = vector.shape_cast %parallel_loop3A_588 : vector<1x16xf32> to vector<16xf32>
      %parallel_loop3A_590 = vector.shape_cast %parallel_loop3A_585 : vector<16xf32> to vector<1x16xf32>
      tpu.vector_store %arg26[%parallel_loop3A_586, %parallel_loop3A_587], %parallel_loop3A_590 {strides = array<i32>} : memref<512x64xf32, #tpu.memory_space<vmem>>, vector<1x16xf32>,
      %parallel_loop3A_591 = arith.mulf %parallel_loop3A_569, %get3A_470 : vector<16xf32>
      %parallel_loop3A_592 = arith.subf %parallel_loop3A_532, %parallel_loop3A_591 : vector<16xf32>
      %parallel_loop3A_593 = arith.index_cast %parallel_loop3A_516 : i32 to index
      %parallel_loop3A_594 = arith.constant 48 : index
      %parallel_loop3A_595 = tpu.vector_load %arg26[%parallel_loop3A_593, %parallel_loop3A_594] {strides = array<i32>} : memref<512x64xf32, #tpu.memory_space<vmem>>, vector<1x16xf32>,
      %parallel_loop3A_596 = vector.shape_cast %parallel_loop3A_595 : vector<1x16xf32> to vector<16xf32>
      %parallel_loop3A_597 = vector.shape_cast %parallel_loop3A_592 : vector<16xf32> to vector<1x16xf32>
      tpu.vector_store %arg26[%parallel_loop3A_593, %parallel_loop3A_594], %parallel_loop3A_597 {strides = array<i32>} : memref<512x64xf32, #tpu.memory_space<vmem>>, vector<1x16xf32>,
    } {sc.loop_unroll_factor = 4 : i64, sc.parallel_access}
    "tpu.region"() ({
      %run_scoped3A_516 = tpu.sem_alloc : memref<!tpu.dma_semaphore, #tpu.memory_space<semaphore_mem>>
      %dma_start3A = arith.constant 0 : i32
      %dma_start3A_517 = tpu.memref_slice %arg19[%mul3A_2, %dma_start3A] : memref<16384x64xf32, #tpu.memory_space<hbm>> -> memref<512x64xf32, #tpu.memory_space<hbm>>
      %dma_start3A_518 = arith.constant 0 : i32
      %dma_start3A_519 = tpu.memref_slice %arg19[%mul3A_2, %dma_start3A_518] : memref<16384x64xf32, #tpu.memory_space<hbm>> -> memref<512x64xf32, #tpu.memory_space<hbm>>
      tpu.enqueue_dma source(%arg26 : memref<512x64xf32, #tpu.memory_space<vmem>>) target(%dma_start3A_519 : memref<512x64xf32, #tpu.memory_space<hbm>>) target_semaphore(%run_scoped3A_516 : memref<!tpu.dma_semaphore, #tpu.memory_space<semaphore_mem>>)
      %dma_wait3A = arith.constant 0 : i32
      %dma_wait3A_520 = tpu.memref_slice %arg19[%mul3A_2, %dma_wait3A] : memref<16384x64xf32, #tpu.memory_space<hbm>> -> memref<512x64xf32, #tpu.memory_space<hbm>>
      %dma_wait3A_521 = arith.constant 0 : i32
      %dma_wait3A_522 = tpu.memref_slice %arg19[%mul3A_2, %dma_wait3A_521] : memref<16384x64xf32, #tpu.memory_space<hbm>> -> memref<512x64xf32, #tpu.memory_space<hbm>>
      tpu.wait_dma2 semaphore(%run_scoped3A_516 : memref<!tpu.dma_semaphore, #tpu.memory_space<semaphore_mem>>) src(%arg26 : memref<512x64xf32, #tpu.memory_space<vmem>>) dst(%dma_wait3A_522 : memref<512x64xf32, #tpu.memory_space<hbm>>)
      tpu.yield
    }) : () -> ()
    return
  }
}

</mosaic_0001>

<sc_bundles>
// kernel: _run.3.cloned.1.call-start
scs
__scs_entry_jumppad:
0x0: {  	(pc) =	sbr.rel $0x88, $3  }
0x1: {  	(tag) =	ssettag $0x0;
	lr =	simm.s32 $0x1  }
0x2: {  	[smem:$0x3F95] =	sst lr;
	_ =	strace $0xD0000000  }
0x3: {  	_ = 	snop  }
0x4: {  	_ = 	snop  }
0x5: {  	_ = 	snop  }
0x6: {  	_ = 	snop  }
0x7: {  	_ = 	snop  }
__scs_overlays_trampoline_lowered:
0x8: {  	[smem:$0x3FA4] =	sst s0  }
0x9: {  	[smem:$0x3FA5] =	sst s1  }
0xa: {  	[smem:$0x3FA6] =	sst s2  }
0xb: {  	[smem:$0x3FA7] =	sst s3  }
0xc: {  	[smem:$0x3FA8] =	sst s4  }
0xd: {  	[smem:$0x3FA9] =	sst s5  }
0xe: {  	[smem:$0x3FAA] =	sst s6  }
0xf: {  	[smem:$0x3FAB] =	sst s7  }
0x10: {  	[smem:$0x3FAC] =	sst s8  }
0x11: {  	[smem:$0x3FAD] =	sst s9;
	s0 =	simm.s32 @!p0 $0x0  }
0x12: {  	s1 =	sld [smem:$0x3F93];
	s0 =	simm.s32 @p0 $0x1  }
0x13: {  	[smem:$0x3FAE] =	sst s0;
	s0 =	simm.s32 @!p1 $0x0  }
0x14: {  	s2 =	sld [smem:$0x3F92];
	s0 =	simm.s32 @p1 $0x1  }
0x15: {  	[smem:$0x3FAF] =	sst s0;
	s0 =	simm.s32 @!p2 $0x0  }
0x16: {  	s3 =	sld [smem:$0x3FDB];
	s0 =	simm.s32 @p2 $0x1  }
0x17: {  	s4 =	simm.s32 $0x1BF5;
	[smem:$0x3FB1] =	sst s0  }
0x18: {  	s0 =	sld [smem:$0x3F94];
	_ =	swait.ge [sflag:s4], $0x0  }
0x19: {  	s7 =	sld [smem:$0x3F95]  }
0x1a: {  	s8 =	sadd.s32 $0xFFFFE003, lr  }
0x1b: {  	s9 =	sadd.s32 $0xFFFFFEF7, lr;
	s5 =	simm.s32 $0xFFFFFFFF;
	p2 =	slt.u32 s8, $0xFFFFF086  }
0x1c: {  	p1 =	slt.u32 s9, $0xF7A;
	s5 =	simm.s32 @!p2 $0x0  }
0x1d: {  	s5 =	simm.s32 @p1 $0x1;
	p0 =	seq.s32 s7, s2  }
0x1e: {  	s7 =	smul.u32 @!p0 $0xF7A, s2;
	p2 =	seq.s32 @!p0 s5, $0x0  }
0x1f: {  	s9 =	smul.u32 $0xF7A, s1;
	s8 =	simm.s32 @!p0 $0x1BF5;
	p2 =	por !p2, p0  }
0x20: {  	[sflag:s8] =	ssyncset.s32 @!p0 $0xFFFFF086;
	s6 =	sadd.s32 @!p0 s3, s7;
	s7 =	simm.s32 @!p0 $0x108  }
0x21: {  	s3 =	sadd.s32 s3, s9;
	s6 =	sadd.s32 @!p0 $0x88, s6;
	s7 =	simm.s32 @p2 $0x1082  }
0x22: {  	[simem:s7], [sflag:s8] =	dma.local @!p0 [hbm:s6], $0xF7A  }
0x23: {  	s9 =	sor.u32 $0xD0000000, s2;
	s6 =	simm.s32 $0x108;
	_ =	swait.ge @!p0 [sflag:s8], $0x0  }
0x24: {  	s3 =	sadd.s32 $0x88, s3;
	s6 =	simm.s32 @!p1 $0x1082;
	[sflag:s4] =	ssyncset.s32 $0xFFFFF086  }
0x25: {  	[simem:s6], [sflag:s4] =	dma.local [hbm:s3], $0xF7A  }
0x26: {  	[smem:$0x3F95] =	sst s1;
	(tag) =	ssettag s2;
	_ =	strace s9  }
0x27: {  	s1 =	sld [smem:$0x3FA5]  }
0x28: {  	s2 =	sld [smem:$0x3FA6]  }
0x29: {  	s4 =	sld [smem:$0x3FA8]  }
0x2a: {  	p0 =	seq.s32 s5, $0x0;
	s5 =	sld [smem:$0x3FA9]  }
0x2b: {  	s6 =	sld [smem:$0x3FAA]  }
0x2c: {  	s7 =	sld [smem:$0x3FAB]  }
0x2d: {  	s3 =	simm.s32 $0x108;
	s8 =	sld [smem:$0x3FAC]  }
0x2e: {  	s3 =	simm.s32 @!p0 $0x1082;
	s9 =	sld [smem:$0x3FAD]  }
0x2f: {  	lr =	sadd.s32 s0, s3;
	s0 =	sld [smem:$0x3FA4]  }
0x30: {  	s3 =	sld [smem:$0x3FA7]  }
0x31: {  	[smem:$0x3FB0] =	sst s10  }
0x32: {  	s10 =	sld [smem:$0x3FAE];
	_ =	sdelay $0x3  }
0x33: {  	p0 =	seq.s32 s10, $0x1;
	s10 =	sld [smem:$0x3FB0];
	_ =	sdelay $0x3  }
0x34: {  	[smem:$0x3FB0] =	sst s10  }
0x35: {  	s10 =	sld [smem:$0x3FAF];
	_ =	sdelay $0x3  }
0x36: {  	p1 =	seq.s32 s10, $0x1;
	s10 =	sld [smem:$0x3FB0];
	_ =	sdelay $0x3  }
0x37: {  	[smem:$0x3FB0] =	sst s10  }
0x38: {  	s10 =	sld [smem:$0x3FB1]  }
0x39: {  	_ = 	snop;
	(pc) =	sbr.ind lr, $3  }
0x3a: {  	_ = 	snop  }
0x3b: {  	_ = 	snop  }
0x3c: {  	p2 =	seq.s32 s10, $0x1;
	s10 =	sld [smem:$0x3FB0]  }
0x3d: {  	_ =	shalt  }
0x3e: {  	_ =	shalt  }
0x3f: {  	_ =	shalt  }
0x40: {  	_ =	shalt  }
0x41: {  	_ =	shalt  }
0x42: {  	_ =	shalt  }
0x43: {  	_ =	shalt  }
0x44: {  	_ =	shalt  }
0x45: {  	_ =	shalt  }
0x46: {  	_ =	shalt  }
0x47: {  	_ =	shalt  }
0x48: {  	_ =	shalt  }
0x49: {  	_ =	shalt  }
0x4a: {  	_ =	shalt  }
0x4b: {  	_ =	shalt  }
0x4c: {  	_ =	shalt  }
0x4d: {  	_ =	shalt  }
0x4e: {  	_ =	shalt  }
0x4f: {  	_ =	shalt  }
0x50: {  	_ =	shalt  }
0x51: {  	_ =	shalt  }
0x52: {  	_ =	shalt  }
0x53: {  	_ =	shalt  }
0x54: {  	_ =	shalt  }
0x55: {  	_ =	shalt  }
0x56: {  	_ =	shalt  }
0x57: {  	_ =	shalt  }
0x58: {  	_ =	shalt  }
0x59: {  	_ =	shalt  }
0x5a: {  	_ =	shalt  }
0x5b: {  	_ =	shalt  }
0x5c: {  	_ =	shalt  }
0x5d: {  	_ =	shalt  }
0x5e: {  	_ =	shalt  }
0x5f: {  	_ =	shalt  }
0x60: {  	_ =	shalt  }
0x61: {  	_ =	shalt  }
0x62: {  	_ =	shalt  }
0x63: {  	_ =	shalt  }
0x64: {  	_ =	shalt  }
0x65: {  	_ =	shalt  }
0x66: {  	_ =	shalt  }
0x67: {  	_ =	shalt  }
0x68: {  	_ =	shalt  }
0x69: {  	_ =	shalt  }
0x6a: {  	_ =	shalt  }
0x6b: {  	_ =	shalt  }
0x6c: {  	_ =	shalt  }
0x6d: {  	_ =	shalt  }
0x6e: {  	_ =	shalt  }
0x6f: {  	_ =	shalt  }
0x70: {  	_ =	shalt  }
0x71: {  	_ =	shalt  }
0x72: {  	_ =	shalt  }
0x73: {  	_ =	shalt  }
0x74: {  	_ =	shalt  }
0x75: {  	_ =	shalt  }
0x76: {  	_ =	shalt  }
0x77: {  	_ =	shalt  }
0x78: {  	_ =	shalt  }
0x79: {  	_ =	shalt  }
0x7a: {  	_ =	shalt  }
0x7b: {  	_ =	shalt  }
0x7c: {  	_ =	shalt  }
0x7d: {  	_ =	shalt  }
0x7e: {  	_ =	shalt  }
0x7f: {  	_ =	shalt  }
0x80: {  	_ =	shalt  }
0x81: {  	_ =	shalt  }
0x82: {  	_ =	shalt  }
0x83: {  	_ =	shalt  }
0x84: {  	_ =	shalt  }
0x85: {  	_ =	shalt  }
0x86: {  	_ =	shalt  }
0x87: {  	_ =	shalt  }
.Lfunc_end0:
.L_simem_size_0:
called_computation_lowered:
.L_overlay_start_0:
0x88: {  	s2 =	sld [smem:$0x3FD9]  }
0x89: {  	s3 =	sld [smem:$0x3FFE];
	_ =	sdelay $0x1  }
0x8a: {  	s1 =	srdreg.scid  }
0x8b: {  	s0 =	sand.u32 $0x1, s1  }
0x8c: {  	s17 =	sshll.u32 s0, $0xA;
	s2 =	sadd.s32 s3, s2  }
0x8d: {  	s2 =	sadd.s32 s2, s17  }
0x8e: {  	[smem:$0x3FBC] =	sst s2  }
0x8f: {  	_ = 	snop  }
0x90: {  	s2 =	sld [smem:$0x3FC9]  }
0x91: {  	s18 =	sld [smem:$0x3FC8]  }
0x92: {  	s4 =	sld [smem:$0x3FC7]  }
0x93: {  	s5 =	sld [smem:$0x3FC6]  }
0x94: {  	s6 =	sld [smem:$0x3FC5]  }
0x95: {  	s7 =	sld [smem:$0x3FC4]  }
0x96: {  	s8 =	sld [smem:$0x3FBF]  }
0x97: {  	s9 =	sld [smem:$0x3FBE];
	(tm) =	ssettm $0x1  }
0x98: {  	s10 =	sld [smem:$0x3FFB];
	_ =	sdelay $0x3  }
0x99: {  	_ =	strace s10  }
0x9a: {  	s10 =	sld [smem:$0x3FFC];
	_ =	sdelay $0x3  }
0x9b: {  	_ =	strace s10  }
0x9c: {  	s10 =	sld [smem:$0x3FFD];
	_ =	sdelay $0x3  }
0x9d: {  	_ =	strace s10  }
0x9e: {  	_ =	strace $0x8FFFFFFF  }
0x9f: {  	s19 =	sld [smem:$0x3FDB];
	_ =	sdelay $0x1  }
0xa0: {  	s11 =	simm.s32 $_scs_section_size  }
0xa1: {  	s12 =	simm.s32 $_size__tile_overlayer_lowered;
	s13 =	simm.s32 $_tile_overlayer_lowered  }
0xa2: {  	s22 =	simm.s32 $0x1BFF;
	s21 =	sshll.u32 s13, $0x1;
	s10 =	sadd.s32 s11, s19  }
0xa3: {  	s14 =	simm.s32 $0x0;
	s20 =	sshll.u32 s12, $0x1;
	s12 =	sadd.s32 s21, s10  }
0xa4: {  	[timem:s14], [sflag:s22] =	dma.local [hbm:s12], s20  }
0xa5: {  	_ =	swait.ge [sflag:s22], s20  }
0xa6: {  	s11 =	ssub.s32 $0x0, s20;
	[sflag:s22] =	ssyncset.done $0x0  }
0xa7: {  	[sflag:s22] =	ssyncadd.s32 s11;
	_ =	sdelay $0x1  }
0xa8: {  	s23 =	simm.s32 $0x1B8B  }
0xa9: {  	_ =	swait.ge [sflag:s23], $0x1  }
0xaa: {  	[sflag:s23] =	ssyncset.done $0x0  }
0xab: {  	s25 =	simm.s32 $0x1B8E;
	s24 =	sld [smem:$0x3FFE];
	[sflag:s23] =	ssyncadd.s32 $0xFFFFFFFF  }
0xac: {  	s26 =	simm.s32 $execute0_lowered;
	[smem:$0x3FD2] =	sst s25  }
0xad: {  	s12 =	sshll.u32 s26, $0x1;
	_ =	strace $0x80000046;
	[dreg:$0x1] =	wrdreg $0xFFFFFFFF  }
0xae: {  	s28 =	simm.s32 $_size_execute0_lowered;
	s10 =	sadd.s32 s10, s12;
	[dreg:$0x0] =	wrdreg $0x0  }
0xaf: {  	s12 =	sshll.u32 s28, $0x1;
	[dreg:$0x2] =	wrdreg s10  }
0xb0: {  	[dreg:$0x3] =	wrdreg s12  }
0xb1: {  	[dreg:$0x4] =	wrdreg $0xC0  }
0xb2: {  	_ =	task [dreg:s14], $0x5FFFF  }
0xb3: {  	[dreg:$0x1] =	wrdreg $0xFFFFFFFF  }
0xb4: {  	[dreg:$0x0] =	wrdreg $0x60  }
0xb5: {  	[dreg:$0x2] =	wrdreg s2  }
0xb6: {  	[dreg:$0x3] =	wrdreg s18  }
0xb7: {  	[dreg:$0x4] =	wrdreg s4  }
0xb8: {  	[dreg:$0x5] =	wrdreg s5  }
0xb9: {  	[dreg:$0x6] =	wrdreg s6  }
0xba: {  	[dreg:$0x7] =	wrdreg s7  }
0xbb: {  	[dreg:$0x8] =	wrdreg s24  }
0xbc: {  	[dreg:$0x9] =	wrdreg s8  }
0xbd: {  	[dreg:$0xa] =	wrdreg s9  }
0xbe: {  	[dreg:$0xb] =	wrdreg $0x9  }
0xbf: {  	_ =	task.clear_ibuf [dreg:s14], $0xCFFFF;
	_ =	strace $0x90000046  }
0xc0: {  	s29 =	simm.s32 $0x9;
	_ =	strace $0x80000048  }
0xc1: {  	_ =	swait.ge [sflag:s29], $0x1  }
0xc2: {  	[sflag:s29] =	ssyncadd.s32 $0xFFFFFFFF  }
0xc3: {  	_ =	strace $0x90000048  }
0xc4: {  	_ =	sfence  }
0xc5: {  	s30 =	sld [smem:$0x0];
	_ =	sdelay $0x2  }
0xc6: {  	s31 =	sshll.u32 s1, $0xD;
	s1 =	sshrl.u32 s1, $0x2  }
0xc7: {  	s3 =	sand.u32 $0x4000, s31;
	s1 =	sadd.s32 s1, s30  }
0xc8: {  	s0 =	sor.u32 s3, s0;
	s1 =	sshll.u32 s1, $0x11  }
0xc9: {  	s0 =	sor.u32 s1, s0  }
0xca: {  	s0 =	sadd.s32 $0x8F2B, s0  }
0xcb: {  	[sflag:s0] =	ssyncadd.remote.s32 $0x1  }
0xcc: {  	_ =	sfence.sel $0xFFFF  }
0xcd: {  	[dreg:$0x0] =	wrdreg $0xFFFFFFFF;
	(pc) =	sbr.abs _section_cstart, $3  }
0xce: {  	[dreg:$0x1] =	wrdreg $0xFFFFFFFF  }
0xcf: {  	_ =	task.clear_ibuf [dreg:s14], $0x2FFFF;
	_ =	strace $0x9FFFFFFF  }
0xd0: {  	(tm) =	ssettm $0x7FFFFFFF  }
0xd1: {  	_ =	shalt  }
tec
execute0_lowered:
.L_overlay_start_1:
0x0: {  	(tag) =	ssettag $0x1  }
0x1: {  	s0 =	rddreg [dreg:$0x0]  }
0x2: {  	s1 =	rddreg [dreg:$0x1]  }
0x3: {  	s2 =	rddreg [dreg:$0x2]  }
0x4: {  	s3 =	rddreg [dreg:$0x3]  }
0x5: {  	s13 =	rddreg [dreg:$0x4]  }
0x6: {  	s14 =	rddreg [dreg:$0x5]  }
0x7: {  	s9 =	rddreg [dreg:$0x6];
	s4 =	simm.s32 $0x0;
	s6 =	stileid.u32  }
0x8: {  	[smem:$0x7FF] =	sst s4;
	s7 =	sshll.u32 s6, $0xA;
	s6 =	sadd.s32 $0x18BE00, s9  }
0x9: {  	s5 =	srdreg.scid;
	s17 =	sadd.s32 $0x155B600, s9;
	s18 =	sadd.s32 $0x159B600, s9  }
0xa: {  	s10 =	sand.u32 $0x1, s5;
	s19 =	sadd.s32 $0x15DB600, s9;
	s20 =	sadd.s32 $0x161B600, s9  }
0xb: {  	s5 =	sadd.s32 $0x5400, s9;
	s21 =	sadd.s32 $0x165B600, s9;
	s8 =	sshll.u32 s10, $0x9  }
0xc: {  	_ =	strace $0x80000047;
	s10 =	ssub.s32 $0x2, s10;
	s11 =	sor.u32 s8, s7  }
0xd: {  	s7 =	sadd.s32 $0x312800, s9;
	s8 =	sadd.s32 $0x499200, s9;
	s23 =	sshrl.u32 s11, $0x3  }
0xe: {  	s12 =	sshrl.u32 s10, $0x1;
	s15 =	sshll.u32 s11, $0x4;
	s0 =	sadd.s32 s0, s23  }
0xf: {  	s16 =	sadd.s32 s15, s9;
	s9 =	sadd.s32 s1, s23;
	[dreg:$0xa] =	wrdreg s0  }
0x10: {  	s22 =	ssub.s32 s10, s12;
	s10 =	sadd.s32 s2, s23;
	[dreg:$0xb] =	wrdreg s9  }
0x11: {  	s11 =	sadd.s32 s3, s23;
	[dreg:$0xc] =	wrdreg s10  }
0x12: {  	s12 =	sadd.s32 s13, s23;
	[dreg:$0xd] =	wrdreg s11  }
0x13: {  	s13 =	sadd.s32 s17, s15;
	[dreg:$0xe] =	wrdreg s12  }
0x14: {  	s26 =	sadd.s32 s18, s15;
	[dreg:$0xf] =	wrdreg s13  }
0x15: {  	s1 =	sor.u32 $0x1000, s15;
	s31 =	sadd.s32 s19, s15;
	[dreg:$0x13] =	wrdreg s26  }
0x16: {  	s2 =	sor.u32 $0x1800, s15;
	s24 =	sadd.s32 s17, s1;
	[dreg:$0x17] =	wrdreg s31  }
0x17: {  	s25 =	sadd.s32 s17, s2;
	[dreg:$0x11] =	wrdreg s24  }
0x18: {  	s29 =	sadd.s32 s18, s1;
	[dreg:$0x12] =	wrdreg s25  }
0x19: {  	s30 =	sadd.s32 s18, s2;
	[dreg:$0x15] =	wrdreg s29  }
0x1a: {  	s10 =	sadd.s32 s19, s1;
	[dreg:$0x16] =	wrdreg s30  }
0x1b: {  	s11 =	sadd.s32 s19, s2;
	[dreg:$0x19] =	wrdreg s10  }
0x1c: {  	s12 =	sadd.s32 s20, s15;
	[dreg:$0x1a] =	wrdreg s11  }
0x1d: {  	s26 =	sadd.s32 $0x145B600, s16;
	[dreg:$0x1b] =	wrdreg s12  }
0x1e: {  	s0 =	sor.u32 $0x800, s15;
	s31 =	smax.u32 s22, $0x1;
	[smem:$0x7F9] =	sst s26  }
0x1f: {  	s14 =	sadd.s32 s14, s23;
	s23 =	sadd.s32 s17, s0;
	[smem:$0x7FD] =	sst s31  }
0x20: {  	s28 =	sadd.s32 s18, s0;
	[dreg:$0x10] =	wrdreg s23  }
0x21: {  	s9 =	sadd.s32 s19, s0;
	[dreg:$0x14] =	wrdreg s28  }
0x22: {  	s13 =	sadd.s32 s20, s0;
	[dreg:$0x18] =	wrdreg s9  }
0x23: {  	v0 =	vimm.s32 $0xFEDCBA98;
	v1 =	vimm.s32 $0x76543210;
	s17 =	sadd.s32 s20, s1;
	[dreg:$0x1c] =	wrdreg s13  }
0x24: {  	v2 =	vimm.s32 $0xBA98FEDC;
	v4 =	vimm.s32 $0xDCFE98BA;
	v5 =	vimm.s32 $0x54761032;
	s18 =	sadd.s32 s20, s2;
	[dreg:$0x1d] =	wrdreg s17  }
0x25: {  	v6 =	vimm.s32 $0xEFCDAB89;
	v7 =	vimm.s32 $0x67452301;
	v0 =	vunpack.c.l.s4.s8 v0;
	s19 =	sadd.s32 s21, s15;
	[dreg:$0x1e] =	wrdreg s18  }
0x26: {  	v1 =	vunpack.c.l.s4.s8 v1;
	v2 =	vunpack.c.l.s4.s8 v2;
	v4 =	vunpack.c.l.s4.s8 v4;
	s0 =	sadd.s32 s21, s0;
	[dreg:$0x1f] =	wrdreg s19  }
0x27: {  	v5 =	vunpack.c.l.s4.s8 v5;
	v3 =	vunpack.c.0.s8.s32 v0;
	v0 =	vimm.s32 $0x32107654;
	s20 =	sadd.s32 s21, s1;
	[smem:$0x7F4] =	sst s0  }
0x28: {  	v6 =	vunpack.c.l.s4.s8 v6;
	v7 =	vunpack.c.l.s4.s8 v7;
	v0 =	vunpack.c.l.s4.s8 v0;
	s24 =	sadd.s32 $0x141B600, s16;
	[smem:$0x7F5] =	sst s20  }
0x29: {  	v2 =	vunpack.c.0.s8.s32 v2;
	v4 =	vunpack.c.0.s8.s32 v4;
	v5 =	vunpack.c.0.s8.s32 v5;
	s25 =	sadd.s32 s21, s2;
	[smem:$0x7F7] =	sst s24  }
0x2a: {  	v6 =	vunpack.c.0.s8.s32 v6;
	v7 =	vunpack.c.0.s8.s32 v7;
	v0 =	vunpack.c.0.s8.s32 v0;
	s29 =	sadd.s32 $0x14DB600, s16;
	[smem:$0x7F8] =	sst s25  }
0x2b: {  	v8 =	vunpack.c.0.s8.s32 v1;
	v1 =	vcombine.low v5, v4;
	s30 =	sadd.s32 $0x151B600, s16;
	[smem:$0x7FB] =	sst s29  }
0x2c: {  	v3 =	vand.u32 $0xF, v3;
	s22 =	simm.s32 $0x2;
	s23 =	sadd.s32 $0x13DB600, s16;
	[smem:$0x7FC] =	sst s30;
	v0 =	vcombine.low v0, v2;
	v2 =	vcombine.low v7, v6  }
0x2d: {  	v3 =	vcombine.low v3, v8;
	s26 =	simm.s32 $0x0;
	s28 =	sadd.s32 $0x149B600, s16;
	[smem:$0x7F6] =	sst s23  }
0x2e: {  	v5 =	vand.u32 $0xF, v1;
	s24 =	simm.s32 $0x1;
	[smem:$0x7FA] =	sst s28;
	s23 =	simm.s32 $0x11000;
	v4 =	vand.u32 $0xF, v0;
	v6 =	vand.u32 $0xF, v2  }
.LBB2_1:
0x2f: {  	s0 =	rddreg [dreg:$0x8];
	s1 =	simm.s32 $0x15000  }
0x30: {  	[tilespmem:s1], [sflag:$0x2] =	stream.linear.gather [hbm4b:s0+s4], $0x280, $0x38;
	[tilespmem:$0x15800] =	vst v63  }
0x31: {  	_ =	swait.ge [sflag:s22], $0x280  }
0x32: {  	[sflag:s22] =	ssyncset.done $0x0  }
0x33: {  	[sflag:s22] =	ssyncadd.s32 $0xFFFFFD80  }
0x34: {  	s2 =	simm.s32 $0x15400;
	s1 =	rddreg [dreg:$0x7]  }
0x35: {  	[tilespmem:s2], [sflag:$0x2] =	stream.linear.gather [hbm4b:s1+s4], $0x280, $0x38;
	[tilespmem:$0x15800] =	vst v63  }
0x36: {  	_ =	swait.ge [sflag:s22], $0x280  }
0x37: {  	[sflag:s22] =	ssyncset.done $0x0  }
0x38: {  	s3 =	rddreg [dreg:$0xa];
	[sflag:s22] =	ssyncadd.s32 $0xFFFFFD80  }
0x39: {  	[tilespmem:s4], [sflag:$0x2] =	stream.linear.gather [hbm4b:s3+s4], $0x80, $0x38;
	[tilespmem:$0x15800] =	vst v63  }
0x3a: {  	s2 =	simm.s32 $0x400;
	s9 =	sadd.s32 $0x10, s3  }
0x3b: {  	[tilespmem:s2], [sflag:$0x2] =	stream.linear.gather [hbm4b:s9+s4], $0x80, $0x38;
	[tilespmem:$0x15800] =	vst v63  }
0x3c: {  	s11 =	simm.s32 $0x800;
	s10 =	sadd.s32 $0x20, s3  }
0x3d: {  	[tilespmem:s11], [sflag:$0x2] =	stream.linear.gather [hbm4b:s10+s4], $0x80, $0x38;
	[tilespmem:$0x15800] =	vst v63  }
0x3e: {  	s13 =	simm.s32 $0xC00;
	s12 =	sadd.s32 $0x30, s3  }
0x3f: {  	[tilespmem:s13], [sflag:$0x2] =	stream.linear.gather [hbm4b:s12+s4], $0x80, $0x38;
	[tilespmem:$0x15800] =	vst v63  }
0x40: {  	_ =	swait.ge [sflag:s22], $0x200  }
0x41: {  	[sflag:s22] =	ssyncset.done $0x0  }
0x42: {  	s16 =	simm.s32 $0x80;
	s15 =	rddreg [dreg:$0xb];
	[sflag:s22] =	ssyncadd.s32 $0xFFFFFE00  }
0x43: {  	[tilespmem:s16], [sflag:$0x2] =	stream.linear.gather [hbm4b:s15+s4], $0x80, $0x38;
	[tilespmem:$0x15800] =	vst v63  }
0x44: {  	s18 =	simm.s32 $0x480;
	s17 =	sadd.s32 $0x10, s15  }
0x45: {  	[tilespmem:s18], [sflag:$0x2] =	stream.linear.gather [hbm4b:s17+s4], $0x80, $0x38;
	[tilespmem:$0x15800] =	vst v63  }
0x46: {  	s20 =	simm.s32 $0x880;
	s19 =	sadd.s32 $0x20, s15  }
0x47: {  	[tilespmem:s20], [sflag:$0x2] =	stream.linear.gather [hbm4b:s19+s4], $0x80, $0x38;
	[tilespmem:$0x15800] =	vst v63  }
0x48: {  	s25 =	simm.s32 $0xC80;
	s21 =	sadd.s32 $0x30, s15  }
0x49: {  	[tilespmem:s25], [sflag:$0x2] =	stream.linear.gather [hbm4b:s21+s4], $0x80, $0x38;
	[tilespmem:$0x15800] =	vst v63  }
0x4a: {  	_ =	swait.ge [sflag:s22], $0x200  }
0x4b: {  	[sflag:s22] =	ssyncset.done $0x0  }
0x4c: {  	s2 =	simm.s32 $0x100;
	s31 =	rddreg [dreg:$0xc];
	[sflag:s22] =	ssyncadd.s32 $0xFFFFFE00  }
0x4d: {  	[tilespmem:s2], [sflag:$0x2] =	stream.linear.gather [hbm4b:s31+s4], $0x80, $0x38;
	[tilespmem:$0x15800] =	vst v63  }
0x4e: {  	s9 =	simm.s32 $0x500;
	s3 =	sadd.s32 $0x10, s31  }
0x4f: {  	[tilespmem:s9], [sflag:$0x2] =	stream.linear.gather [hbm4b:s3+s4], $0x80, $0x38;
	[tilespmem:$0x15800] =	vst v63  }
0x50: {  	s11 =	simm.s32 $0x900;
	s10 =	sadd.s32 $0x20, s31  }
0x51: {  	[tilespmem:s11], [sflag:$0x2] =	stream.linear.gather [hbm4b:s10+s4], $0x80, $0x38;
	[tilespmem:$0x15800] =	vst v63  }
0x52: {  	s13 =	simm.s32 $0xD00;
	s12 =	sadd.s32 $0x30, s31  }
0x53: {  	[tilespmem:s13], [sflag:$0x2] =	stream.linear.gather [hbm4b:s12+s4], $0x80, $0x38;
	[tilespmem:$0x15800] =	vst v63  }
0x54: {  	_ =	swait.ge [sflag:s22], $0x200  }
0x55: {  	[sflag:s22] =	ssyncset.done $0x0  }
0x56: {  	s16 =	simm.s32 $0x180;
	s15 =	rddreg [dreg:$0xd];
	[sflag:s22] =	ssyncadd.s32 $0xFFFFFE00  }
0x57: {  	[tilespmem:s16], [sflag:$0x2] =	stream.linear.gather [hbm4b:s15+s4], $0x80, $0x38;
	[tilespmem:$0x15800] =	vst v63  }
0x58: {  	s18 =	simm.s32 $0x580;
	s17 =	sadd.s32 $0x10, s15  }
0x59: {  	[tilespmem:s18], [sflag:$0x2] =	stream.linear.gather [hbm4b:s17+s4], $0x80, $0x38;
	[tilespmem:$0x15800] =	vst v63  }
0x5a: {  	s20 =	simm.s32 $0x980;
	s19 =	sadd.s32 $0x20, s15  }
0x5b: {  	[tilespmem:s20], [sflag:$0x2] =	stream.linear.gather [hbm4b:s19+s4], $0x80, $0x38;
	[tilespmem:$0x15800] =	vst v63  }
0x5c: {  	s25 =	simm.s32 $0xD80;
	s21 =	sadd.s32 $0x30, s15  }
0x5d: {  	[tilespmem:s25], [sflag:$0x2] =	stream.linear.gather [hbm4b:s21+s4], $0x80, $0x38;
	[tilespmem:$0x15800] =	vst v63  }
0x5e: {  	_ =	swait.ge [sflag:s22], $0x200  }
0x5f: {  	[sflag:s22] =	ssyncset.done $0x0  }
0x60: {  	s2 =	simm.s32 $0x200;
	s31 =	rddreg [dreg:$0xe];
	[sflag:s22] =	ssyncadd.s32 $0xFFFFFE00  }
0x61: {  	[tilespmem:s2], [sflag:$0x2] =	stream.linear.gather [hbm4b:s31+s4], $0x80, $0x38;
	[tilespmem:$0x15800] =	vst v63  }
0x62: {  	s9 =	simm.s32 $0x600;
	s3 =	sadd.s32 $0x10, s31  }
0x63: {  	[tilespmem:s9], [sflag:$0x2] =	stream.linear.gather [hbm4b:s3+s4], $0x80, $0x38;
	[tilespmem:$0x15800] =	vst v63  }
0x64: {  	s11 =	simm.s32 $0xA00;
	s10 =	sadd.s32 $0x20, s31  }
0x65: {  	[tilespmem:s11], [sflag:$0x2] =	stream.linear.gather [hbm4b:s10+s4], $0x80, $0x38;
	[tilespmem:$0x15800] =	vst v63  }
0x66: {  	s13 =	simm.s32 $0xE00;
	s12 =	sadd.s32 $0x30, s31  }
0x67: {  	[tilespmem:s13], [sflag:$0x2] =	stream.linear.gather [hbm4b:s12+s4], $0x80, $0x38;
	[tilespmem:$0x15800] =	vst v63  }
0x68: {  	_ =	swait.ge [sflag:s22], $0x200  }
0x69: {  	[sflag:s22] =	ssyncset.done $0x0  }
0x6a: {  	s15 =	simm.s32 $0x280;
	[sflag:s22] =	ssyncadd.s32 $0xFFFFFE00  }
0x6b: {  	[tilespmem:s15], [sflag:$0x2] =	stream.linear.gather [hbm4b:s14+s4], $0x80, $0x38;
	[tilespmem:$0x15800] =	vst v63  }
0x6c: {  	s16 =	sadd.s32 $0x10, s14;
	s17 =	simm.s32 $0x680  }
0x6d: {  	[tilespmem:s17], [sflag:$0x2] =	stream.linear.gather [hbm4b:s16+s4], $0x80, $0x38;
	[tilespmem:$0x15800] =	vst v63  }
0x6e: {  	s18 =	sadd.s32 $0x20, s14;
	s19 =	simm.s32 $0xA80  }
0x6f: {  	[tilespmem:s19], [sflag:$0x2] =	stream.linear.gather [hbm4b:s18+s4], $0x80, $0x38;
	[tilespmem:$0x15800] =	vst v63  }
0x70: {  	s20 =	sadd.s32 $0x30, s14;
	s21 =	simm.s32 $0xE80  }
0x71: {  	[tilespmem:s21], [sflag:$0x2] =	stream.linear.gather [hbm4b:s20+s4], $0x80, $0x38;
	[tilespmem:$0x15800] =	vst v63  }
0x72: {  	s29 =	simm.s32 $0x0;
	_ =	swait.ge [sflag:s22], $0x200  }
0x73: {  	s25 =	sand.u32 $0x70, s29;
	s31 =	sand.u32 $0xC00, s4;
	[sflag:s22] =	ssyncset.done $0x0  }
0x74: {  	s0 =	sor.u32 s25, s31;
	[sflag:s22] =	ssyncadd.s32 $0xFFFFFE00  }
0x75: {  	v7 =	vld [tilespmem:s0+$0x0];
	_ =	sdelay $0x4  }
0x76: {  	v7 =	vshll.u32 v7, $0x4  }
0x77: {  	(v2sf) =	vpush v7, $0x0  }
0x78: {  	(v2sf) =	vpush v7, $0x1  }
0x79: {  	(v2sf) =	vpush v7, $0x2;
	_ =	sdelay $0x1  }
0x7a: {  	(v2sf) =	vpush v7, $0x3;
	_ =	sdelay $0x1  }
0x7b: {  	(v2sf) =	vpush v7, $0x4;
	_ =	sdelay $0x1  }
0x7c: {  	(v2sf) =	vpush v7, $0x5  }
0x7d: {  	s28 =	simm.s32 $0x1780;
	s30 =	simm.s32 $0x80  }
.LBB2_2:
0x7e: {  	s29 =	sadd.s32 $0x10, s29;
	s0 =	sadd.s32 $0xFFFFFE80, s28;
	s31 =	sadd.s32 $0xFFFFFF00, s28;
	(v2sf) =	vpush v7, $0x6  }
0x7f: {  	s3 =	sadd.s32 $0xFFFFFD00, s28;
	s1 =	sadd.s32 $0xFFFFFD80, s28;
	s2 =	sadd.s32 $0xFFFFFE00, s28  }
0x80: {  	s17 =	sadd.s32 $0xFFFFFB80, s28;
	s16 =	sadd.s32 $0xFFFFFC00, s28;
	s15 =	sadd.s32 $0xFFFFFC80, s28;
	(v2sf) =	vpush v7, $0x7  }
0x81: {  	s19 =	sadd.s32 $0xFFFFFA00, s28;
	s20 =	sadd.s32 $0xFFFFFA80, s28;
	s21 =	sadd.s32 $0xFFFFFB00, s28  }
0x82: {  	s25 =	sadd.s32 $0xFFFFF880, s28;
	s9 =	sadd.s32 $0xFFFFF900, s28;
	s10 =	sadd.s32 $0xFFFFF980, s28;
	(v2sf) =	vpush v7, $0x8  }
0x83: {  	s11 =	sand.u32 $0xC00, s30;
	s18 =	sand.u32 $0x70, s29;
	s12 =	spop (v2sf)  }
0x84: {  	s18 =	sor.u32 s18, s11;
	s11 =	sand.u32 $0x1FFFFFF0, s12;
	s12 =	spop (v2sf);
	(v2sf) =	vpush v7, $0x9  }
0x85: {  	s11 =	sadd.s32 s5, s11;
	s12 =	sand.u32 $0x1FFFFFF0, s12;
	s13 =	spop (v2sf)  }
0x86: {  	[tilespmem:s25], [sflag:$0x1] =	stream.linear.gather [hbm4b:s11+s4], $0x80, $0x38;
	(v2sf) =	vpush v7, $0xA;
	[tilespmem:$0x15800] =	vst v63  }
0x87: {  	s11 =	sadd.s32 s5, s12;
	s12 =	sand.u32 $0x1FFFFFF0, s13;
	s13 =	spop (v2sf)  }
0x88: {  	[tilespmem:s9], [sflag:$0x1] =	stream.linear.gather [hbm4b:s11+s4], $0x80, $0x38;
	(v2sf) =	vpush v7, $0xB;
	[tilespmem:$0x15800] =	vst v63  }
0x89: {  	s9 =	sadd.s32 s5, s12;
	s11 =	sand.u32 $0x1FFFFFF0, s13;
	s12 =	spop (v2sf)  }
0x8a: {  	[tilespmem:s10], [sflag:$0x1] =	stream.linear.gather [hbm4b:s9+s4], $0x80, $0x38;
	(v2sf) =	vpush v7, $0xC;
	[tilespmem:$0x15800] =	vst v63  }
0x8b: {  	s9 =	sadd.s32 s5, s11;
	s10 =	sand.u32 $0x1FFFFFF0, s12;
	s11 =	spop (v2sf)  }
0x8c: {  	[tilespmem:s19], [sflag:$0x1] =	stream.linear.gather [hbm4b:s9+s4], $0x80, $0x38;
	(v2sf) =	vpush v7, $0xD;
	[tilespmem:$0x15800] =	vst v63  }
0x8d: {  	s9 =	sadd.s32 s5, s10;
	s10 =	sand.u32 $0x1FFFFFF0, s11;
	s11 =	spop (v2sf)  }
0x8e: {  	[tilespmem:s20], [sflag:$0x1] =	stream.linear.gather [hbm4b:s9+s4], $0x80, $0x38;
	(v2sf) =	vpush v7, $0xE;
	[tilespmem:$0x15800] =	vst v63  }
0x8f: {  	s9 =	sadd.s32 s5, s10;
	s10 =	sand.u32 $0x1FFFFFF0, s11;
	s11 =	spop (v2sf)  }
0x90: {  	[tilespmem:s21], [sflag:$0x1] =	stream.linear.gather [hbm4b:s9+s4], $0x80, $0x38;
	(v2sf) =	vpush v7, $0xF;
	[tilespmem:$0x15800] =	vst v63  }
0x91: {  	s9 =	sadd.s32 s5, s10;
	s10 =	sand.u32 $0x1FFFFFF0, s11;
	s11 =	spop (v2sf)  }
0x92: {  	[tilespmem:s17], [sflag:$0x1] =	stream.linear.gather [hbm4b:s9+s4], $0x80, $0x38;
	[tilespmem:$0x15800] =	vst v63  }
0x93: {  	s9 =	sadd.s32 s5, s10;
	s10 =	sand.u32 $0x1FFFFFF0, s11;
	s11 =	spop (v2sf)  }
0x94: {  	[tilespmem:s16], [sflag:$0x1] =	stream.linear.gather [hbm4b:s9+s4], $0x80, $0x38;
	[tilespmem:$0x15800] =	vst v63  }
0x95: {  	s9 =	sadd.s32 s5, s10;
	s10 =	sand.u32 $0x1FFFFFF0, s11;
	s11 =	spop (v2sf)  }
0x96: {  	v7 =	vld [tilespmem:s18+$0x0];
	[tilespmem:s15], [sflag:$0x1] =	stream.linear.gather [hbm4b:s9+s4], $0x80, $0x38  }
0x97: {  	s9 =	sadd.s32 s5, s10;
	s10 =	sand.u32 $0x1FFFFFF0, s11;
	s11 =	spop (v2sf)  }
0x98: {  	[tilespmem:s3], [sflag:$0x1] =	stream.linear.gather [hbm4b:s9+s4], $0x80, $0x38;
	[tilespmem:$0x15800] =	vst v63  }
0x99: {  	s3 =	sadd.s32 s5, s10;
	s9 =	sand.u32 $0x1FFFFFF0, s11;
	s10 =	spop (v2sf)  }
0x9a: {  	[tilespmem:s1], [sflag:$0x1] =	stream.linear.gather [hbm4b:s3+s4], $0x80, $0x38;
	[tilespmem:$0x15800] =	vst v63  }
0x9b: {  	s1 =	sadd.s32 s5, s9;
	s3 =	sand.u32 $0x1FFFFFF0, s10;
	v7 =	vshll.u32 v7, $0x4;
	s9 =	spop (v2sf)  }
0x9c: {  	(v2sf) =	vpush v7, $0x0;
	[tilespmem:s2], [sflag:$0x1] =	stream.linear.gather [hbm4b:s1+s4], $0x80, $0x38;
	[tilespmem:$0x15800] =	vst v63  }
0x9d: {  	s1 =	sadd.s32 s5, s3;
	s2 =	sand.u32 $0x1FFFFFF0, s9;
	(v2sf) =	vpush v7, $0x1;
	s3 =	spop (v2sf)  }
0x9e: {  	[tilespmem:s0], [sflag:$0x1] =	stream.linear.gather [hbm4b:s1+s4], $0x80, $0x38;
	[tilespmem:$0x15800] =	vst v63  }
0x9f: {  	p0 =	slt.u32 s29, $0x1F0;
	(v2sf) =	vpush v7, $0x2;
	s1 =	sand.u32 $0x1FFFFFF0, s3  }
0xa0: {  	s0 =	sadd.s32 s5, s2;
	s2 =	spop (v2sf);
	s1 =	sadd.s32 s5, s1  }
0xa1: {  	(v2sf) =	vpush v7, $0x3;
	[tilespmem:s31], [sflag:$0x1] =	stream.linear.gather [hbm4b:s0+s4], $0x80, $0x38;
	[tilespmem:$0x15800] =	vst v63  }
.Ltmp0:
0xa2: {  	s0 =	sadd.s32 $0xFFFFFF80, s28;
	s2 =	sand.u32 $0x1FFFFFF0, s2;
	(pc) =	sbr.rel @p0 .LBB2_2-.Ltmp0, $4  }
0xa3: {  	(v2sf) =	vpush v7, $0x4;
	[tilespmem:s0], [sflag:$0x1] =	stream.linear.gather [hbm4b:s1+s4], $0x80, $0x38;
	[tilespmem:$0x15800] =	vst v63  }
0xa4: {  	s0 =	sadd.s32 s5, s2  }
0xa5: {  	(v2sf) =	vpush v7, $0x5;
	[tilespmem:s28], [sflag:$0x1] =	stream.linear.gather [hbm4b:s0+s4], $0x80, $0x38;
	[tilespmem:$0x15800] =	vst v63  }
0xa6: {  	s30 =	sadd.s32 $0x80, s30;
	s28 =	sadd.s32 $0x800, s28  }
0xa7: {  	(v2sf) =	vpush v7, $0x6  }
0xa8: {  	s1 =	sadd.s32 $0xFFFFFE80, s28;
	s0 =	sadd.s32 $0xFFFFFF00, s28  }
0xa9: {  	s15 =	sadd.s32 $0xFFFFFD00, s28;
	s3 =	sadd.s32 $0xFFFFFD80, s28;
	s2 =	sadd.s32 $0xFFFFFE00, s28;
	(v2sf) =	vpush v7, $0x7  }
0xaa: {  	s9 =	sadd.s32 $0xFFFFFB80, s28;
	s10 =	sadd.s32 $0xFFFFFC00, s28;
	s11 =	sadd.s32 $0xFFFFFC80, s28  }
0xab: {  	s12 =	sadd.s32 $0xFFFFFA00, s28;
	s13 =	sadd.s32 $0xFFFFFA80, s28;
	s16 =	sadd.s32 $0xFFFFFB00, s28;
	(v2sf) =	vpush v7, $0x8  }
0xac: {  	s17 =	sadd.s32 $0xFFFFF880, s28;
	s18 =	sadd.s32 $0xFFFFF900, s28;
	s19 =	spop (v2sf)  }
0xad: {  	s20 =	sadd.s32 $0xFFFFF980, s28;
	s19 =	sand.u32 $0x1FFFFFF0, s19;
	s21 =	spop (v2sf);
	(v2sf) =	vpush v7, $0x9  }
0xae: {  	s19 =	sadd.s32 s5, s19;
	s21 =	sand.u32 $0x1FFFFFF0, s21;
	s25 =	spop (v2sf)  }
0xaf: {  	[tilespmem:s17], [sflag:$0x1] =	stream.linear.gather [hbm4b:s19+s4], $0x80, $0x38;
	(v2sf) =	vpush v7, $0xA;
	[tilespmem:$0x15800] =	vst v63  }
0xb0: {  	s29 =	sadd.s32 s5, s21;
	s30 =	sand.u32 $0x1FFFFFF0, s25;
	s31 =	spop (v2sf)  }
0xb1: {  	[tilespmem:s18], [sflag:$0x1] =	stream.linear.gather [hbm4b:s29+s4], $0x80, $0x38;
	(v2sf) =	vpush v7, $0xB;
	[tilespmem:$0x15800] =	vst v63  }
0xb2: {  	s19 =	sadd.s32 s5, s30;
	s21 =	sand.u32 $0x1FFFFFF0, s31;
	s25 =	spop (v2sf)  }
0xb3: {  	[tilespmem:s20], [sflag:$0x1] =	stream.linear.gather [hbm4b:s19+s4], $0x80, $0x38;
	(v2sf) =	vpush v7, $0xC;
	[tilespmem:$0x15800] =	vst v63  }
0xb4: {  	s29 =	sadd.s32 s5, s21;
	s30 =	sand.u32 $0x1FFFFFF0, s25;
	s31 =	spop (v2sf)  }
0xb5: {  	[tilespmem:s12], [sflag:$0x1] =	stream.linear.gather [hbm4b:s29+s4], $0x80, $0x38;
	(v2sf) =	vpush v7, $0xD;
	[tilespmem:$0x15800] =	vst v63  }
0xb6: {  	s17 =	sadd.s32 s5, s30;
	s18 =	sand.u32 $0x1FFFFFF0, s31;
	s19 =	spop (v2sf)  }
0xb7: {  	(v2sf) =	vpush v7, $0xE;
	[tilespmem:s13], [sflag:$0x1] =	stream.linear.gather [hbm4b:s17+s4], $0x80, $0x38;
	[tilespmem:$0x15800] =	vst v63  }
0xb8: {  	s20 =	sadd.s32 s5, s18;
	s21 =	sand.u32 $0x1FFFFFF0, s19;
	s25 =	spop (v2sf)  }
0xb9: {  	(v2sf) =	vpush v7, $0xF;
	[tilespmem:s16], [sflag:$0x1] =	stream.linear.gather [hbm4b:s20+s4], $0x80, $0x38;
	[tilespmem:$0x15800] =	vst v63  }
0xba: {  	s29 =	sadd.s32 s5, s21;
	s30 =	sand.u32 $0x1FFFFFF0, s25;
	s31 =	spop (v2sf)  }
0xbb: {  	[tilespmem:s9], [sflag:$0x1] =	stream.linear.gather [hbm4b:s29+s4], $0x80, $0x38;
	[tilespmem:$0x15800] =	vst v63  }
0xbc: {  	s12 =	sadd.s32 s5, s30;
	s13 =	sand.u32 $0x1FFFFFF0, s31;
	s16 =	spop (v2sf)  }
0xbd: {  	[tilespmem:s10], [sflag:$0x1] =	stream.linear.gather [hbm4b:s12+s4], $0x80, $0x38;
	[tilespmem:$0x15800] =	vst v63  }
0xbe: {  	s17 =	sadd.s32 s5, s13;
	s18 =	sand.u32 $0x1FFFFFF0, s16;
	s19 =	spop (v2sf)  }
0xbf: {  	[tilespmem:s11], [sflag:$0x1] =	stream.linear.gather [hbm4b:s17+s4], $0x80, $0x38;
	[tilespmem:$0x15800] =	vst v63  }
0xc0: {  	s20 =	sadd.s32 s5, s18;
	s21 =	sand.u32 $0x1FFFFFF0, s19;
	s25 =	spop (v2sf)  }
0xc1: {  	[tilespmem:s15], [sflag:$0x1] =	stream.linear.gather [hbm4b:s20+s4], $0x80, $0x38;
	[tilespmem:$0x15800] =	vst v63  }
0xc2: {  	s29 =	sadd.s32 s5, s21;
	s30 =	sand.u32 $0x1FFFFFF0, s25;
	s31 =	spop (v2sf)  }
0xc3: {  	[tilespmem:s3], [sflag:$0x1] =	stream.linear.gather [hbm4b:s29+s4], $0x80, $0x38;
	[tilespmem:$0x15800] =	vst v63  }
0xc4: {  	s12 =	sadd.s32 s5, s30;
	s13 =	sand.u32 $0x1FFFFFF0, s31;
	s15 =	spop (v2sf)  }
0xc5: {  	[tilespmem:s2], [sflag:$0x1] =	stream.linear.gather [hbm4b:s12+s4], $0x80, $0x38;
	[tilespmem:$0x15800] =	vst v63  }
0xc6: {  	s16 =	sadd.s32 s5, s13;
	s17 =	sand.u32 $0x1FFFFFF0, s15;
	s18 =	spop (v2sf)  }
0xc7: {  	[tilespmem:s1], [sflag:$0x1] =	stream.linear.gather [hbm4b:s16+s4], $0x80, $0x38;
	[tilespmem:$0x15800] =	vst v63  }
0xc8: {  	s19 =	sadd.s32 s5, s17;
	s20 =	sand.u32 $0x1FFFFFF0, s18;
	s21 =	spop (v2sf)  }
0xc9: {  	[tilespmem:s0], [sflag:$0x1] =	stream.linear.gather [hbm4b:s19+s4], $0x80, $0x38;
	[tilespmem:$0x15800] =	vst v63  }
0xca: {  	s25 =	sadd.s32 $0xFFFFFF80, s28;
	s29 =	sadd.s32 s5, s20;
	s30 =	sand.u32 $0x1FFFFFF0, s21  }
0xcb: {  	[tilespmem:s25], [sflag:$0x1] =	stream.linear.gather [hbm4b:s29+s4], $0x80, $0x38;
	[tilespmem:$0x15800] =	vst v63  }
0xcc: {  	s31 =	sadd.s32 s5, s30  }
0xcd: {  	[tilespmem:s28], [sflag:$0x1] =	stream.linear.gather [hbm4b:s31+s4], $0x80, $0x38;
	[tilespmem:$0x15800] =	vst v63  }
0xce: {  	v7 =	vld [tilespmem:$0x15400]  }
0xcf: {  	v8 =	vld [tilespmem:$0x15430]  }
0xd0: {  	v10 =	vld [tilespmem:$0x15420]  }
0xd1: {  	v9 =	vld [tilespmem:$0x15410]  }
0xd2: {  	s0 =	simm.s32 $0x11100  }
0xd3: {  	[tilespmem:s0+$0xFFFFFF00] =	vst v7  }
0xd4: {  	[tilespmem:s0+$0xB0] =	vst v8  }
0xd5: {  	[tilespmem:s0+$0xA0] =	vst v10  }
0xd6: {  	[tilespmem:s0+$0x90] =	vst v9  }
0xd7: {  	[tilespmem:s0+$0x80] =	vst v7  }
0xd8: {  	[tilespmem:s0+$0x30] =	vst v8  }
0xd9: {  	[tilespmem:s0+$0x20] =	vst v10  }
0xda: {  	[tilespmem:s0+$0x10] =	vst v9  }
0xdb: {  	[tilespmem:s0+$0x0] =	vst v7  }
0xdc: {  	[tilespmem:s0+$0xFFFFFFB0] =	vst v8  }
0xdd: {  	[tilespmem:s0+$0xFFFFFFA0] =	vst v10  }
0xde: {  	[tilespmem:s0+$0xFFFFFF90] =	vst v9  }
0xdf: {  	[tilespmem:s0+$0xFFFFFF80] =	vst v7  }
0xe0: {  	[tilespmem:s0+$0xFFFFFF30] =	vst v8  }
0xe1: {  	s1 =	simm.s32 $0x0;
	[tilespmem:s0+$0xFFFFFF20] =	vst v10  }
.LBB2_4:
0xe2: {  	s1 =	sadd.s32 $0x4, s1;
	[tilespmem:s0+$0xFFFFFF10] =	vst v9;
	s0 =	sadd.s32 $0x200, s0  }
0xe3: {  	[tilespmem:s0+$0xFFFFFF00] =	vst v7;
	p0 =	slt.u32 s1, $0x7C  }
0xe4: {  	[tilespmem:s0+$0xB0] =	vst v8  }
0xe5: {  	[tilespmem:s0+$0xA0] =	vst v10  }
0xe6: {  	[tilespmem:s0+$0x90] =	vst v9  }
0xe7: {  	[tilespmem:s0+$0x80] =	vst v7  }
0xe8: {  	[tilespmem:s0+$0x30] =	vst v8  }
0xe9: {  	[tilespmem:s0+$0x20] =	vst v10  }
0xea: {  	[tilespmem:s0+$0x10] =	vst v9  }
0xeb: {  	[tilespmem:s0+$0x0] =	vst v7  }
0xec: {  	[tilespmem:s0+$0xFFFFFFB0] =	vst v8  }
.Ltmp1:
0xed: {  	[tilespmem:s0+$0xFFFFFFA0] =	vst v10;
	(pc) =	sbr.rel @p0 .LBB2_4-.Ltmp1, $4  }
0xee: {  	[tilespmem:s0+$0xFFFFFF90] =	vst v9  }
0xef: {  	[tilespmem:s0+$0xFFFFFF80] =	vst v7  }
0xf0: {  	[tilespmem:s0+$0xFFFFFF30] =	vst v8  }
0xf1: {  	[tilespmem:s0+$0xFFFFFF20] =	vst v10  }
0xf2: {  	[tilespmem:s0+$0xFFFFFF10] =	vst v9  }
0xf3: {  	s0 =	rddreg [dreg:$0xf]  }
0xf4: {  	[hbm4b:s0+s4] =	stream.linear.scatter [tilespmem:s23], [sflag:$0x2], $0x4000, $0x38;
	[tilespmem:$0x15800] =	vst v63  }
0xf5: {  	_ =	swait.ge [sflag:s22], $0x4000  }
0xf6: {  	[sflag:s22] =	ssyncset.done $0x0  }
0xf7: {  	s29 =	rddreg [dreg:$0x10];
	[sflag:s22] =	ssyncadd.s32 $0xFFFFC000  }
0xf8: {  	[hbm4b:s29+s4] =	stream.linear.scatter [tilespmem:s23], [sflag:$0x2], $0x4000, $0x38;
	[tilespmem:$0x15800] =	vst v63  }
0xf9: {  	_ =	swait.ge [sflag:s22], $0x4000  }
0xfa: {  	[sflag:s22] =	ssyncset.done $0x0  }
0xfb: {  	s30 =	rddreg [dreg:$0x11];
	[sflag:s22] =	ssyncadd.s32 $0xFFFFC000  }
0xfc: {  	[hbm4b:s30+s4] =	stream.linear.scatter [tilespmem:s23], [sflag:$0x2], $0x4000, $0x38;
	[tilespmem:$0x15800] =	vst v63  }
0xfd: {  	_ =	swait.ge [sflag:s22], $0x4000  }
0xfe: {  	[sflag:s22] =	ssyncset.done $0x0  }
0xff: {  	s31 =	rddreg [dreg:$0x12];
	[sflag:s22] =	ssyncadd.s32 $0xFFFFC000  }
0x100: {  	[hbm4b:s31+s4] =	stream.linear.scatter [tilespmem:s23], [sflag:$0x2], $0x4000, $0x38;
	[tilespmem:$0x15800] =	vst v63  }
0x101: {  	_ =	swait.ge [sflag:s22], $0x4000  }
0x102: {  	[sflag:s22] =	ssyncset.done $0x0  }
0x103: {  	[sflag:s22] =	ssyncadd.s32 $0xFFFFC000  }
0x104: {  	v7 =	vld [tilespmem:$0x15480]  }
0x105: {  	v8 =	vld [tilespmem:$0x154B0]  }
0x106: {  	v10 =	vld [tilespmem:$0x154A0]  }
0x107: {  	v9 =	vld [tilespmem:$0x15490]  }
0x108: {  	s0 =	simm.s32 $0x11100  }
0x109: {  	[tilespmem:s0+$0xFFFFFF00] =	vst v7  }
0x10a: {  	[tilespmem:s0+$0xB0] =	vst v8  }
0x10b: {  	[tilespmem:s0+$0xA0] =	vst v10  }
0x10c: {  	[tilespmem:s0+$0x90] =	vst v9  }
0x10d: {  	[tilespmem:s0+$0x80] =	vst v7  }
0x10e: {  	[tilespmem:s0+$0x30] =	vst v8  }
0x10f: {  	[tilespmem:s0+$0x20] =	vst v10  }
0x110: {  	[tilespmem:s0+$0x10] =	vst v9  }
0x111: {  	[tilespmem:s0+$0x0] =	vst v7  }
0x112: {  	[tilespmem:s0+$0xFFFFFFB0] =	vst v8  }
0x113: {  	[tilespmem:s0+$0xFFFFFFA0] =	vst v10  }
0x114: {  	[tilespmem:s0+$0xFFFFFF90] =	vst v9  }
0x115: {  	[tilespmem:s0+$0xFFFFFF80] =	vst v7  }
0x116: {  	[tilespmem:s0+$0xFFFFFF30] =	vst v8  }
0x117: {  	s1 =	simm.s32 $0x0;
	[tilespmem:s0+$0xFFFFFF20] =	vst v10  }
.LBB2_6:
0x118: {  	s1 =	sadd.s32 $0x4, s1;
	[tilespmem:s0+$0xFFFFFF10] =	vst v9;
	s0 =	sadd.s32 $0x200, s0  }
0x119: {  	[tilespmem:s0+$0xFFFFFF00] =	vst v7;
	p0 =	slt.u32 s1, $0x7C  }
0x11a: {  	[tilespmem:s0+$0xB0] =	vst v8  }
0x11b: {  	[tilespmem:s0+$0xA0] =	vst v10  }
0x11c: {  	[tilespmem:s0+$0x90] =	vst v9  }
0x11d: {  	[tilespmem:s0+$0x80] =	vst v7  }
0x11e: {  	[tilespmem:s0+$0x30] =	vst v8  }
0x11f: {  	[tilespmem:s0+$0x20] =	vst v10  }
0x120: {  	[tilespmem:s0+$0x10] =	vst v9  }
0x121: {  	[tilespmem:s0+$0x0] =	vst v7  }
0x122: {  	[tilespmem:s0+$0xFFFFFFB0] =	vst v8  }
.Ltmp2:
0x123: {  	[tilespmem:s0+$0xFFFFFFA0] =	vst v10;
	(pc) =	sbr.rel @p0 .LBB2_6-.Ltmp2, $4  }
0x124: {  	[tilespmem:s0+$0xFFFFFF90] =	vst v9  }
0x125: {  	[tilespmem:s0+$0xFFFFFF80] =	vst v7  }
0x126: {  	[tilespmem:s0+$0xFFFFFF30] =	vst v8  }
0x127: {  	[tilespmem:s0+$0xFFFFFF20] =	vst v10  }
0x128: {  	[tilespmem:s0+$0xFFFFFF10] =	vst v9  }
0x129: {  	s0 =	rddreg [dreg:$0x13]  }
0x12a: {  	[hbm4b:s0+s4] =	stream.linear.scatter [tilespmem:s23], [sflag:$0x2], $0x4000, $0x38;
	[tilespmem:$0x15800] =	vst v63  }
0x12b: {  	_ =	swait.ge [sflag:s22], $0x4000  }
0x12c: {  	[sflag:s22] =	ssyncset.done $0x0  }
0x12d: {  	s29 =	rddreg [dreg:$0x14];
	[sflag:s22] =	ssyncadd.s32 $0xFFFFC000  }
0x12e: {  	[hbm4b:s29+s4] =	stream.linear.scatter [tilespmem:s23], [sflag:$0x2], $0x4000, $0x38;
	[tilespmem:$0x15800] =	vst v63  }
0x12f: {  	_ =	swait.ge [sflag:s22], $0x4000  }
0x130: {  	[sflag:s22] =	ssyncset.done $0x0  }
0x131: {  	s30 =	rddreg [dreg:$0x15];
	[sflag:s22] =	ssyncadd.s32 $0xFFFFC000  }
0x132: {  	[hbm4b:s30+s4] =	stream.linear.scatter [tilespmem:s23], [sflag:$0x2], $0x4000, $0x38;
	[tilespmem:$0x15800] =	vst v63  }
0x133: {  	_ =	swait.ge [sflag:s22], $0x4000  }
0x134: {  	[sflag:s22] =	ssyncset.done $0x0  }
0x135: {  	s31 =	rddreg [dreg:$0x16];
	[sflag:s22] =	ssyncadd.s32 $0xFFFFC000  }
0x136: {  	[hbm4b:s31+s4] =	stream.linear.scatter [tilespmem:s23], [sflag:$0x2], $0x4000, $0x38;
	[tilespmem:$0x15800] =	vst v63  }
0x137: {  	_ =	swait.ge [sflag:s22], $0x4000  }
0x138: {  	[sflag:s22] =	ssyncset.done $0x0  }
0x139: {  	[sflag:s22] =	ssyncadd.s32 $0xFFFFC000  }
0x13a: {  	v7 =	vld [tilespmem:$0x15500]  }
0x13b: {  	v8 =	vld [tilespmem:$0x15530]  }
0x13c: {  	v10 =	vld [tilespmem:$0x15520]  }
0x13d: {  	v9 =	vld [tilespmem:$0x15510]  }
0x13e: {  	s0 =	simm.s32 $0x11100  }
0x13f: {  	[tilespmem:s0+$0xFFFFFF00] =	vst v7  }
0x140: {  	[tilespmem:s0+$0xB0] =	vst v8  }
0x141: {  	[tilespmem:s0+$0xA0] =	vst v10  }
0x142: {  	[tilespmem:s0+$0x90] =	vst v9  }
0x143: {  	[tilespmem:s0+$0x80] =	vst v7  }
0x144: {  	[tilespmem:s0+$0x30] =	vst v8  }
0x145: {  	[tilespmem:s0+$0x20] =	vst v10  }
0x146: {  	[tilespmem:s0+$0x10] =	vst v9  }
0x147: {  	[tilespmem:s0+$0x0] =	vst v7  }
0x148: {  	[tilespmem:s0+$0xFFFFFFB0] =	vst v8  }
0x149: {  	[tilespmem:s0+$0xFFFFFFA0] =	vst v10  }
0x14a: {  	[tilespmem:s0+$0xFFFFFF90] =	vst v9  }
0x14b: {  	[tilespmem:s0+$0xFFFFFF80] =	vst v7  }
0x14c: {  	[tilespmem:s0+$0xFFFFFF30] =	vst v8  }
0x14d: {  	s1 =	simm.s32 $0x0;
	[tilespmem:s0+$0xFFFFFF20] =	vst v10  }
.LBB2_8:
0x14e: {  	s1 =	sadd.s32 $0x4, s1;
	[tilespmem:s0+$0xFFFFFF10] =	vst v9;
	s0 =	sadd.s32 $0x200, s0  }
0x14f: {  	[tilespmem:s0+$0xFFFFFF00] =	vst v7;
	p0 =	slt.u32 s1, $0x7C  }
0x150: {  	[tilespmem:s0+$0xB0] =	vst v8  }
0x151: {  	[tilespmem:s0+$0xA0] =	vst v10  }
0x152: {  	[tilespmem:s0+$0x90] =	vst v9  }
0x153: {  	[tilespmem:s0+$0x80] =	vst v7  }
0x154: {  	[tilespmem:s0+$0x30] =	vst v8  }
0x155: {  	[tilespmem:s0+$0x20] =	vst v10  }
0x156: {  	[tilespmem:s0+$0x10] =	vst v9  }
0x157: {  	[tilespmem:s0+$0x0] =	vst v7  }
0x158: {  	[tilespmem:s0+$0xFFFFFFB0] =	vst v8  }
.Ltmp3:
0x159: {  	[tilespmem:s0+$0xFFFFFFA0] =	vst v10;
	(pc) =	sbr.rel @p0 .LBB2_8-.Ltmp3, $4  }
0x15a: {  	[tilespmem:s0+$0xFFFFFF90] =	vst v9  }
0x15b: {  	[tilespmem:s0+$0xFFFFFF80] =	vst v7  }
0x15c: {  	[tilespmem:s0+$0xFFFFFF30] =	vst v8  }
0x15d: {  	[tilespmem:s0+$0xFFFFFF20] =	vst v10  }
0x15e: {  	[tilespmem:s0+$0xFFFFFF10] =	vst v9  }
0x15f: {  	s0 =	rddreg [dreg:$0x17]  }
0x160: {  	[hbm4b:s0+s4] =	stream.linear.scatter [tilespmem:s23], [sflag:$0x2], $0x4000, $0x38;
	[tilespmem:$0x15800] =	vst v63  }
0x161: {  	_ =	swait.ge [sflag:s22], $0x4000  }
0x162: {  	[sflag:s22] =	ssyncset.done $0x0  }
0x163: {  	s29 =	rddreg [dreg:$0x18];
	[sflag:s22] =	ssyncadd.s32 $0xFFFFC000  }
0x164: {  	[hbm4b:s29+s4] =	stream.linear.scatter [tilespmem:s23], [sflag:$0x2], $0x4000, $0x38;
	[tilespmem:$0x15800] =	vst v63  }
0x165: {  	_ =	swait.ge [sflag:s22], $0x4000  }
0x166: {  	[sflag:s22] =	ssyncset.done $0x0  }
0x167: {  	s30 =	rddreg [dreg:$0x19];
	[sflag:s22] =	ssyncadd.s32 $0xFFFFC000  }
0x168: {  	[hbm4b:s30+s4] =	stream.linear.scatter [tilespmem:s23], [sflag:$0x2], $0x4000, $0x38;
	[tilespmem:$0x15800] =	vst v63  }
0x169: {  	_ =	swait.ge [sflag:s22], $0x4000  }
0x16a: {  	[sflag:s22] =	ssyncset.done $0x0  }
0x16b: {  	s31 =	rddreg [dreg:$0x1a];
	[sflag:s22] =	ssyncadd.s32 $0xFFFFC000  }
0x16c: {  	[hbm4b:s31+s4] =	stream.linear.scatter [tilespmem:s23], [sflag:$0x2], $0x4000, $0x38;
	[tilespmem:$0x15800] =	vst v63  }
0x16d: {  	_ =	swait.ge [sflag:s22], $0x4000  }
0x16e: {  	[sflag:s22] =	ssyncset.done $0x0  }
0x16f: {  	[sflag:s22] =	ssyncadd.s32 $0xFFFFC000  }
0x170: {  	v7 =	vld [tilespmem:$0x15580]  }
0x171: {  	v8 =	vld [tilespmem:$0x155B0]  }
0x172: {  	v10 =	vld [tilespmem:$0x155A0]  }
0x173: {  	v9 =	vld [tilespmem:$0x15590]  }
0x174: {  	s0 =	simm.s32 $0x11100  }
0x175: {  	[tilespmem:s0+$0xFFFFFF00] =	vst v7  }
0x176: {  	[tilespmem:s0+$0xB0] =	vst v8  }
0x177: {  	[tilespmem:s0+$0xA0] =	vst v10  }
0x178: {  	[tilespmem:s0+$0x90] =	vst v9  }
0x179: {  	[tilespmem:s0+$0x80] =	vst v7  }
0x17a: {  	[tilespmem:s0+$0x30] =	vst v8  }
0x17b: {  	[tilespmem:s0+$0x20] =	vst v10  }
0x17c: {  	[tilespmem:s0+$0x10] =	vst v9  }
0x17d: {  	[tilespmem:s0+$0x0] =	vst v7  }
0x17e: {  	[tilespmem:s0+$0xFFFFFFB0] =	vst v8  }
0x17f: {  	[tilespmem:s0+$0xFFFFFFA0] =	vst v10  }
0x180: {  	[tilespmem:s0+$0xFFFFFF90] =	vst v9  }
0x181: {  	[tilespmem:s0+$0xFFFFFF80] =	vst v7  }
0x182: {  	[tilespmem:s0+$0xFFFFFF30] =	vst v8  }
0x183: {  	s1 =	simm.s32 $0x0;
	[tilespmem:s0+$0xFFFFFF20] =	vst v10  }
.LBB2_10:
0x184: {  	s1 =	sadd.s32 $0x4, s1;
	[tilespmem:s0+$0xFFFFFF10] =	vst v9;
	s0 =	sadd.s32 $0x200, s0  }
0x185: {  	[tilespmem:s0+$0xFFFFFF00] =	vst v7;
	p0 =	slt.u32 s1, $0x7C  }
0x186: {  	[tilespmem:s0+$0xB0] =	vst v8  }
0x187: {  	[tilespmem:s0+$0xA0] =	vst v10  }
0x188: {  	[tilespmem:s0+$0x90] =	vst v9  }
0x189: {  	[tilespmem:s0+$0x80] =	vst v7  }
0x18a: {  	[tilespmem:s0+$0x30] =	vst v8  }
0x18b: {  	[tilespmem:s0+$0x20] =	vst v10  }
0x18c: {  	[tilespmem:s0+$0x10] =	vst v9  }
0x18d: {  	[tilespmem:s0+$0x0] =	vst v7  }
0x18e: {  	[tilespmem:s0+$0xFFFFFFB0] =	vst v8  }
.Ltmp4:
0x18f: {  	[tilespmem:s0+$0xFFFFFFA0] =	vst v10;
	(pc) =	sbr.rel @p0 .LBB2_10-.Ltmp4, $4  }
0x190: {  	[tilespmem:s0+$0xFFFFFF90] =	vst v9  }
0x191: {  	[tilespmem:s0+$0xFFFFFF80] =	vst v7  }
0x192: {  	[tilespmem:s0+$0xFFFFFF30] =	vst v8  }
0x193: {  	[tilespmem:s0+$0xFFFFFF20] =	vst v10  }
0x194: {  	[tilespmem:s0+$0xFFFFFF10] =	vst v9  }
0x195: {  	s0 =	rddreg [dreg:$0x1b]  }
0x196: {  	[hbm4b:s0+s4] =	stream.linear.scatter [tilespmem:s23], [sflag:$0x2], $0x4000, $0x38;
	[tilespmem:$0x15800] =	vst v63  }
0x197: {  	_ =	swait.ge [sflag:s22], $0x4000  }
0x198: {  	[sflag:s22] =	ssyncset.done $0x0  }
0x199: {  	s29 =	rddreg [dreg:$0x1c];
	[sflag:s22] =	ssyncadd.s32 $0xFFFFC000  }
0x19a: {  	[hbm4b:s29+s4] =	stream.linear.scatter [tilespmem:s23], [sflag:$0x2], $0x4000, $0x38;
	[tilespmem:$0x15800] =	vst v63  }
0x19b: {  	_ =	swait.ge [sflag:s22], $0x4000  }
0x19c: {  	[sflag:s22] =	ssyncset.done $0x0  }
0x19d: {  	s30 =	rddreg [dreg:$0x1d];
	[sflag:s22] =	ssyncadd.s32 $0xFFFFC000  }
0x19e: {  	[hbm4b:s30+s4] =	stream.linear.scatter [tilespmem:s23], [sflag:$0x2], $0x4000, $0x38;
	[tilespmem:$0x15800] =	vst v63  }
0x19f: {  	_ =	swait.ge [sflag:s22], $0x4000  }
0x1a0: {  	[sflag:s22] =	ssyncset.done $0x0  }
0x1a1: {  	s31 =	rddreg [dreg:$0x1e];
	[sflag:s22] =	ssyncadd.s32 $0xFFFFC000  }
0x1a2: {  	[hbm4b:s31+s4] =	stream.linear.scatter [tilespmem:s23], [sflag:$0x2], $0x4000, $0x38;
	[tilespmem:$0x15800] =	vst v63  }
0x1a3: {  	_ =	swait.ge [sflag:s22], $0x4000  }
0x1a4: {  	[sflag:s22] =	ssyncset.done $0x0  }
0x1a5: {  	[sflag:s22] =	ssyncadd.s32 $0xFFFFC000  }
0x1a6: {  	v7 =	vld [tilespmem:$0x15600]  }
0x1a7: {  	v8 =	vld [tilespmem:$0x15630]  }
0x1a8: {  	v10 =	vld [tilespmem:$0x15620]  }
0x1a9: {  	v9 =	vld [tilespmem:$0x15610]  }
0x1aa: {  	s0 =	simm.s32 $0x11100  }
0x1ab: {  	[tilespmem:s0+$0xFFFFFF00] =	vst v7  }
0x1ac: {  	[tilespmem:s0+$0xB0] =	vst v8  }
0x1ad: {  	[tilespmem:s0+$0xA0] =	vst v10  }
0x1ae: {  	[tilespmem:s0+$0x90] =	vst v9  }
0x1af: {  	[tilespmem:s0+$0x80] =	vst v7  }
0x1b0: {  	[tilespmem:s0+$0x30] =	vst v8  }
0x1b1: {  	[tilespmem:s0+$0x20] =	vst v10  }
0x1b2: {  	[tilespmem:s0+$0x10] =	vst v9  }
0x1b3: {  	[tilespmem:s0+$0x0] =	vst v7  }
0x1b4: {  	[tilespmem:s0+$0xFFFFFFB0] =	vst v8  }
0x1b5: {  	[tilespmem:s0+$0xFFFFFFA0] =	vst v10  }
0x1b6: {  	[tilespmem:s0+$0xFFFFFF90] =	vst v9  }
0x1b7: {  	[tilespmem:s0+$0xFFFFFF80] =	vst v7  }
0x1b8: {  	[tilespmem:s0+$0xFFFFFF30] =	vst v8  }
0x1b9: {  	s1 =	simm.s32 $0x0;
	[tilespmem:s0+$0xFFFFFF20] =	vst v10  }
.LBB2_12:
0x1ba: {  	s1 =	sadd.s32 $0x4, s1;
	[tilespmem:s0+$0xFFFFFF10] =	vst v9;
	s0 =	sadd.s32 $0x200, s0  }
0x1bb: {  	[tilespmem:s0+$0xFFFFFF00] =	vst v7;
	p0 =	slt.u32 s1, $0x7C  }
0x1bc: {  	[tilespmem:s0+$0xB0] =	vst v8  }
0x1bd: {  	[tilespmem:s0+$0xA0] =	vst v10  }
0x1be: {  	[tilespmem:s0+$0x90] =	vst v9  }
0x1bf: {  	[tilespmem:s0+$0x80] =	vst v7  }
0x1c0: {  	[tilespmem:s0+$0x30] =	vst v8  }
0x1c1: {  	[tilespmem:s0+$0x20] =	vst v10  }
0x1c2: {  	[tilespmem:s0+$0x10] =	vst v9  }
0x1c3: {  	[tilespmem:s0+$0x0] =	vst v7  }
0x1c4: {  	[tilespmem:s0+$0xFFFFFFB0] =	vst v8  }
.Ltmp5:
0x1c5: {  	[tilespmem:s0+$0xFFFFFFA0] =	vst v10;
	(pc) =	sbr.rel @p0 .LBB2_12-.Ltmp5, $4  }
0x1c6: {  	[tilespmem:s0+$0xFFFFFF90] =	vst v9  }
0x1c7: {  	[tilespmem:s0+$0xFFFFFF80] =	vst v7  }
0x1c8: {  	[tilespmem:s0+$0xFFFFFF30] =	vst v8  }
0x1c9: {  	[tilespmem:s0+$0xFFFFFF20] =	vst v10  }
0x1ca: {  	[tilespmem:s0+$0xFFFFFF10] =	vst v9  }
0x1cb: {  	s0 =	rddreg [dreg:$0x1f]  }
0x1cc: {  	[hbm4b:s0+s4] =	stream.linear.scatter [tilespmem:s23], [sflag:$0x2], $0x4000, $0x38;
	[tilespmem:$0x15800] =	vst v63  }
0x1cd: {  	_ =	swait.ge [sflag:s22], $0x4000  }
0x1ce: {  	s29 =	sld [smem:$0x7F4]  }
0x1cf: {  	[sflag:s22] =	ssyncset.done $0x0  }
0x1d0: {  	[sflag:s22] =	ssyncadd.s32 $0xFFFFC000  }
0x1d1: {  	[hbm4b:s29+s4] =	stream.linear.scatter [tilespmem:s23], [sflag:$0x2], $0x4000, $0x38;
	[tilespmem:$0x15800] =	vst v63  }
0x1d2: {  	_ =	swait.ge [sflag:s22], $0x4000  }
0x1d3: {  	s30 =	sld [smem:$0x7F5]  }
0x1d4: {  	[sflag:s22] =	ssyncset.done $0x0  }
0x1d5: {  	[sflag:s22] =	ssyncadd.s32 $0xFFFFC000  }
0x1d6: {  	[hbm4b:s30+s4] =	stream.linear.scatter [tilespmem:s23], [sflag:$0x2], $0x4000, $0x38;
	[tilespmem:$0x15800] =	vst v63  }
0x1d7: {  	_ =	swait.ge [sflag:s22], $0x4000  }
0x1d8: {  	s31 =	sld [smem:$0x7F8]  }
0x1d9: {  	[sflag:s22] =	ssyncset.done $0x0  }
0x1da: {  	[sflag:s22] =	ssyncadd.s32 $0xFFFFC000  }
0x1db: {  	[hbm4b:s31+s4] =	stream.linear.scatter [tilespmem:s23], [sflag:$0x2], $0x4000, $0x38;
	[tilespmem:$0x15800] =	vst v63  }
0x1dc: {  	_ =	swait.ge [sflag:s22], $0x4000  }
0x1dd: {  	[sflag:s22] =	ssyncset.done $0x0  }
0x1de: {  	[sflag:s22] =	ssyncadd.s32 $0xFFFFC000  }
0x1df: {  	_ =	swait.ge [sflag:s24], $0x80  }
0x1e0: {  	[sflag:s24] =	ssyncset.done $0x0  }
0x1e1: {  	[sflag:s24] =	ssyncadd.s32 $0xFFFFFF80  }
0x1e2: {  	_ =	swait.ge [sflag:s24], $0x80  }
0x1e3: {  	[sflag:s24] =	ssyncset.done $0x0  }
0x1e4: {  	[sflag:s24] =	ssyncadd.s32 $0xFFFFFF80  }
0x1e5: {  	_ =	swait.ge [sflag:s24], $0x80  }
0x1e6: {  	[sflag:s24] =	ssyncset.done $0x0  }
0x1e7: {  	[sflag:s24] =	ssyncadd.s32 $0xFFFFFF80  }
0x1e8: {  	_ =	swait.ge [sflag:s24], $0x80  }
0x1e9: {  	[sflag:s24] =	ssyncset.done $0x0  }
0x1ea: {  	[sflag:s24] =	ssyncadd.s32 $0xFFFFFF80  }
0x1eb: {  	_ =	swait.ge [sflag:s24], $0x80  }
0x1ec: {  	[sflag:s24] =	ssyncset.done $0x0  }
0x1ed: {  	[sflag:s24] =	ssyncadd.s32 $0xFFFFFF80  }
0x1ee: {  	_ =	swait.ge [sflag:s24], $0x80  }
0x1ef: {  	[sflag:s24] =	ssyncset.done $0x0  }
0x1f0: {  	[sflag:s24] =	ssyncadd.s32 $0xFFFFFF80  }
0x1f1: {  	_ =	swait.ge [sflag:s24], $0x80  }
0x1f2: {  	[sflag:s24] =	ssyncset.done $0x0  }
0x1f3: {  	[sflag:s24] =	ssyncadd.s32 $0xFFFFFF80  }
0x1f4: {  	_ =	swait.ge [sflag:s24], $0x80  }
0x1f5: {  	s0 =	simm.s32 $0x0;
	[sflag:s24] =	ssyncset.done $0x0  }
.LBB2_14:
0x1f6: {  	s0 =	sadd.s32 $0x8, s0;
	[sflag:s24] =	ssyncadd.s32 $0xFFFFFF80  }
0x1f7: {  	_ =	swait.ge [sflag:s24], $0x80;
	p0 =	slt.u32 s0, $0x1F8  }
0x1f8: {  	[sflag:s24] =	ssyncset.done $0x0  }
0x1f9: {  	[sflag:s24] =	ssyncadd.s32 $0xFFFFFF80  }
0x1fa: {  	_ =	swait.ge [sflag:s24], $0x80  }
0x1fb: {  	[sflag:s24] =	ssyncset.done $0x0  }
0x1fc: {  	[sflag:s24] =	ssyncadd.s32 $0xFFFFFF80  }
0x1fd: {  	_ =	swait.ge [sflag:s24], $0x80  }
0x1fe: {  	[sflag:s24] =	ssyncset.done $0x0  }
0x1ff: {  	[sflag:s24] =	ssyncadd.s32 $0xFFFFFF80  }
0x200: {  	_ =	swait.ge [sflag:s24], $0x80  }
0x201: {  	[sflag:s24] =	ssyncset.done $0x0  }
0x202: {  	[sflag:s24] =	ssyncadd.s32 $0xFFFFFF80  }
0x203: {  	_ =	swait.ge [sflag:s24], $0x80  }
0x204: {  	[sflag:s24] =	ssyncset.done $0x0  }
0x205: {  	[sflag:s24] =	ssyncadd.s32 $0xFFFFFF80  }
0x206: {  	_ =	swait.ge [sflag:s24], $0x80  }
0x207: {  	[sflag:s24] =	ssyncset.done $0x0  }
0x208: {  	[sflag:s24] =	ssyncadd.s32 $0xFFFFFF80  }
.Ltmp6:
0x209: {  	_ =	swait.ge [sflag:s24], $0x80;
	(pc) =	sbr.rel @p0 .LBB2_14-.Ltmp6, $4  }
0x20a: {  	[sflag:s24] =	ssyncset.done $0x0  }
0x20b: {  	[sflag:s24] =	ssyncadd.s32 $0xFFFFFF80  }
0x20c: {  	_ =	swait.ge [sflag:s24], $0x80  }
0x20d: {  	[sflag:s24] =	ssyncset.done $0x0  }
0x20e: {  	[sflag:s24] =	ssyncadd.s32 $0xFFFFFF80  }
0x20f: {  	s1 =	sld [smem:$0x7F6];
	_ =	sdelay $0x1  }
0x210: {  	s0 =	simm.s32 $0x0;
	s2 =	simm.s32 $0x1000  }
0x211: {  	[hbm4b:s1+s0] =	stream.linear.scatter [tilespmem:s2], [sflag:$0x2], $0x10000, $0x38;
	[tilespmem:$0x15800] =	vst v63  }
0x212: {  	s29 =	simm.s32 $0x0;
	_ =	swait.ge [sflag:s22], $0x10000  }
0x213: {  	s31 =	sand.u32 $0x70, s29;
	s0 =	sand.u32 $0xC00, s0;
	[sflag:s22] =	ssyncset.done $0x0  }
0x214: {  	s0 =	sor.u32 s31, s0;
	[sflag:s22] =	ssyncadd.s32 $0xFFFF0000  }
0x215: {  	v7 =	vld [tilespmem:s0+$0x80];
	_ =	sdelay $0x4  }
0x216: {  	v7 =	vshll.u32 v7, $0x4  }
0x217: {  	(v2sf) =	vpush v7, $0x0  }
0x218: {  	(v2sf) =	vpush v7, $0x1  }
0x219: {  	(v2sf) =	vpush v7, $0x2;
	_ =	sdelay $0x1  }
0x21a: {  	(v2sf) =	vpush v7, $0x3;
	_ =	sdelay $0x1  }
0x21b: {  	(v2sf) =	vpush v7, $0x4;
	_ =	sdelay $0x1  }
0x21c: {  	(v2sf) =	vpush v7, $0x5  }
0x21d: {  	s28 =	simm.s32 $0x1780;
	s30 =	simm.s32 $0x80  }
.LBB2_16:
0x21e: {  	s29 =	sadd.s32 $0x10, s29;
	s0 =	sadd.s32 $0xFFFFFE80, s28;
	s31 =	sadd.s32 $0xFFFFFF00, s28;
	(v2sf) =	vpush v7, $0x6  }
0x21f: {  	s3 =	sadd.s32 $0xFFFFFD00, s28;
	s1 =	sadd.s32 $0xFFFFFD80, s28;
	s2 =	sadd.s32 $0xFFFFFE00, s28  }
0x220: {  	s17 =	sadd.s32 $0xFFFFFB80, s28;
	s16 =	sadd.s32 $0xFFFFFC00, s28;
	s15 =	sadd.s32 $0xFFFFFC80, s28;
	(v2sf) =	vpush v7, $0x7  }
0x221: {  	s9 =	sadd.s32 $0xFFFFFA00, s28;
	s10 =	sadd.s32 $0xFFFFFA80, s28;
	s11 =	sadd.s32 $0xFFFFFB00, s28  }
0x222: {  	s12 =	sadd.s32 $0xFFFFF880, s28;
	s13 =	sadd.s32 $0xFFFFF900, s28;
	s19 =	sadd.s32 $0xFFFFF980, s28;
	(v2sf) =	vpush v7, $0x8  }
0x223: {  	s20 =	sand.u32 $0xC00, s30;
	s18 =	sand.u32 $0x70, s29;
	s21 =	spop (v2sf)  }
0x224: {  	s18 =	sor.u32 s18, s20;
	s20 =	sand.u32 $0x1FFFFFF0, s21;
	s21 =	spop (v2sf);
	(v2sf) =	vpush v7, $0x9  }
0x225: {  	s20 =	sadd.s32 s8, s20;
	s21 =	sand.u32 $0x1FFFFFF0, s21;
	s25 =	spop (v2sf)  }
0x226: {  	[tilespmem:s12], [sflag:$0x1] =	stream.linear.gather [hbm4b:s20+s4], $0x80, $0x38;
	(v2sf) =	vpush v7, $0xA;
	[tilespmem:$0x15800] =	vst v63  }
0x227: {  	s12 =	sadd.s32 s8, s21;
	s20 =	sand.u32 $0x1FFFFFF0, s25;
	s21 =	spop (v2sf)  }
0x228: {  	[tilespmem:s13], [sflag:$0x1] =	stream.linear.gather [hbm4b:s12+s4], $0x80, $0x38;
	(v2sf) =	vpush v7, $0xB;
	[tilespmem:$0x15800] =	vst v63  }
0x229: {  	s12 =	sadd.s32 s8, s20;
	s13 =	sand.u32 $0x1FFFFFF0, s21;
	s20 =	spop (v2sf)  }
0x22a: {  	[tilespmem:s19], [sflag:$0x1] =	stream.linear.gather [hbm4b:s12+s4], $0x80, $0x38;
	(v2sf) =	vpush v7, $0xC;
	[tilespmem:$0x15800] =	vst v63  }
0x22b: {  	s12 =	sadd.s32 s8, s13;
	s13 =	sand.u32 $0x1FFFFFF0, s20;
	s19 =	spop (v2sf)  }
0x22c: {  	[tilespmem:s9], [sflag:$0x1] =	stream.linear.gather [hbm4b:s12+s4], $0x80, $0x38;
	(v2sf) =	vpush v7, $0xD;
	[tilespmem:$0x15800] =	vst v63  }
0x22d: {  	s9 =	sadd.s32 s8, s13;
	s12 =	sand.u32 $0x1FFFFFF0, s19;
	s13 =	spop (v2sf)  }
0x22e: {  	[tilespmem:s10], [sflag:$0x1] =	stream.linear.gather [hbm4b:s9+s4], $0x80, $0x38;
	(v2sf) =	vpush v7, $0xE;
	[tilespmem:$0x15800] =	vst v63  }
0x22f: {  	s9 =	sadd.s32 s8, s12;
	s10 =	sand.u32 $0x1FFFFFF0, s13;
	s12 =	spop (v2sf)  }
0x230: {  	[tilespmem:s11], [sflag:$0x1] =	stream.linear.gather [hbm4b:s9+s4], $0x80, $0x38;
	(v2sf) =	vpush v7, $0xF;
	[tilespmem:$0x15800] =	vst v63  }
0x231: {  	s9 =	sadd.s32 s8, s10;
	s10 =	sand.u32 $0x1FFFFFF0, s12;
	s11 =	spop (v2sf)  }
0x232: {  	[tilespmem:s17], [sflag:$0x1] =	stream.linear.gather [hbm4b:s9+s4], $0x80, $0x38;
	[tilespmem:$0x15800] =	vst v63  }
0x233: {  	s9 =	sadd.s32 s8, s10;
	s10 =	sand.u32 $0x1FFFFFF0, s11;
	s11 =	spop (v2sf)  }
0x234: {  	[tilespmem:s16], [sflag:$0x1] =	stream.linear.gather [hbm4b:s9+s4], $0x80, $0x38;
	[tilespmem:$0x15800] =	vst v63  }
0x235: {  	s9 =	sadd.s32 s8, s10;
	s10 =	sand.u32 $0x1FFFFFF0, s11;
	s11 =	spop (v2sf)  }
0x236: {  	v7 =	vld [tilespmem:s18+$0x80];
	[tilespmem:s15], [sflag:$0x1] =	stream.linear.gather [hbm4b:s9+s4], $0x80, $0x38  }
0x237: {  	s9 =	sadd.s32 s8, s10;
	s10 =	sand.u32 $0x1FFFFFF0, s11;
	s11 =	spop (v2sf)  }
0x238: {  	[tilespmem:s3], [sflag:$0x1] =	stream.linear.gather [hbm4b:s9+s4], $0x80, $0x38;
	[tilespmem:$0x15800] =	vst v63  }
0x239: {  	s3 =	sadd.s32 s8, s10;
	s9 =	sand.u32 $0x1FFFFFF0, s11;
	s10 =	spop (v2sf)  }
0x23a: {  	[tilespmem:s1], [sflag:$0x1] =	stream.linear.gather [hbm4b:s3+s4], $0x80, $0x38;
	[tilespmem:$0x15800] =	vst v63  }
0x23b: {  	s1 =	sadd.s32 s8, s9;
	s3 =	sand.u32 $0x1FFFFFF0, s10;
	v7 =	vshll.u32 v7, $0x4;
	s9 =	spop (v2sf)  }
0x23c: {  	(v2sf) =	vpush v7, $0x0;
	[tilespmem:s2], [sflag:$0x1] =	stream.linear.gather [hbm4b:s1+s4], $0x80, $0x38;
	[tilespmem:$0x15800] =	vst v63  }
0x23d: {  	s1 =	sadd.s32 s8, s3;
	s2 =	sand.u32 $0x1FFFFFF0, s9;
	(v2sf) =	vpush v7, $0x1;
	s3 =	spop (v2sf)  }
0x23e: {  	[tilespmem:s0], [sflag:$0x1] =	stream.linear.gather [hbm4b:s1+s4], $0x80, $0x38;
	[tilespmem:$0x15800] =	vst v63  }
0x23f: {  	p0 =	slt.u32 s29, $0x1F0;
	(v2sf) =	vpush v7, $0x2;
	s1 =	sand.u32 $0x1FFFFFF0, s3  }
0x240: {  	s0 =	sadd.s32 s8, s2;
	s2 =	spop (v2sf);
	s1 =	sadd.s32 s8, s1  }
0x241: {  	(v2sf) =	vpush v7, $0x3;
	[tilespmem:s31], [sflag:$0x1] =	stream.linear.gather [hbm4b:s0+s4], $0x80, $0x38;
	[tilespmem:$0x15800] =	vst v63  }
.Ltmp7:
0x242: {  	s0 =	sadd.s32 $0xFFFFFF80, s28;
	s2 =	sand.u32 $0x1FFFFFF0, s2;
	(pc) =	sbr.rel @p0 .LBB2_16-.Ltmp7, $4  }
0x243: {  	(v2sf) =	vpush v7, $0x4;
	[tilespmem:s0], [sflag:$0x1] =	stream.linear.gather [hbm4b:s1+s4], $0x80, $0x38;
	[tilespmem:$0x15800] =	vst v63  }
0x244: {  	s0 =	sadd.s32 s8, s2  }
0x245: {  	(v2sf) =	vpush v7, $0x5;
	[tilespmem:s28], [sflag:$0x1] =	stream.linear.gather [hbm4b:s0+s4], $0x80, $0x38;
	[tilespmem:$0x15800] =	vst v63  }
0x246: {  	s30 =	sadd.s32 $0x80, s30;
	s28 =	sadd.s32 $0x800, s28  }
0x247: {  	(v2sf) =	vpush v7, $0x6  }
0x248: {  	s1 =	sadd.s32 $0xFFFFFE80, s28;
	s0 =	sadd.s32 $0xFFFFFF00, s28  }
0x249: {  	s15 =	sadd.s32 $0xFFFFFD00, s28;
	s3 =	sadd.s32 $0xFFFFFD80, s28;
	s2 =	sadd.s32 $0xFFFFFE00, s28;
	(v2sf) =	vpush v7, $0x7  }
0x24a: {  	s9 =	sadd.s32 $0xFFFFFB80, s28;
	s10 =	sadd.s32 $0xFFFFFC00, s28;
	s11 =	sadd.s32 $0xFFFFFC80, s28  }
0x24b: {  	s12 =	sadd.s32 $0xFFFFFA00, s28;
	s13 =	sadd.s32 $0xFFFFFA80, s28;
	s16 =	sadd.s32 $0xFFFFFB00, s28;
	(v2sf) =	vpush v7, $0x8  }
0x24c: {  	s17 =	sadd.s32 $0xFFFFF880, s28;
	s18 =	sadd.s32 $0xFFFFF900, s28;
	s19 =	spop (v2sf)  }
0x24d: {  	s20 =	sadd.s32 $0xFFFFF980, s28;
	s19 =	sand.u32 $0x1FFFFFF0, s19;
	s21 =	spop (v2sf);
	(v2sf) =	vpush v7, $0x9  }
0x24e: {  	s19 =	sadd.s32 s8, s19;
	s21 =	sand.u32 $0x1FFFFFF0, s21;
	s25 =	spop (v2sf)  }
0x24f: {  	[tilespmem:s17], [sflag:$0x1] =	stream.linear.gather [hbm4b:s19+s4], $0x80, $0x38;
	(v2sf) =	vpush v7, $0xA;
	[tilespmem:$0x15800] =	vst v63  }
0x250: {  	s29 =	sadd.s32 s8, s21;
	s30 =	sand.u32 $0x1FFFFFF0, s25;
	s31 =	spop (v2sf)  }
0x251: {  	[tilespmem:s18], [sflag:$0x1] =	stream.linear.gather [hbm4b:s29+s4], $0x80, $0x38;
	(v2sf) =	vpush v7, $0xB;
	[tilespmem:$0x15800] =	vst v63  }
0x252: {  	s19 =	sadd.s32 s8, s30;
	s21 =	sand.u32 $0x1FFFFFF0, s31;
	s25 =	spop (v2sf)  }
0x253: {  	[tilespmem:s20], [sflag:$0x1] =	stream.linear.gather [hbm4b:s19+s4], $0x80, $0x38;
	(v2sf) =	vpush v7, $0xC;
	[tilespmem:$0x15800] =	vst v63  }
0x254: {  	s29 =	sadd.s32 s8, s21;
	s30 =	sand.u32 $0x1FFFFFF0, s25;
	s31 =	spop (v2sf)  }
0x255: {  	[tilespmem:s12], [sflag:$0x1] =	stream.linear.gather [hbm4b:s29+s4], $0x80, $0x38;
	(v2sf) =	vpush v7, $0xD;
	[tilespmem:$0x15800] =	vst v63  }
0x256: {  	s17 =	sadd.s32 s8, s30;
	s18 =	sand.u32 $0x1FFFFFF0, s31;
	s19 =	spop (v2sf)  }
0x257: {  	(v2sf) =	vpush v7, $0xE;
	[tilespmem:s13], [sflag:$0x1] =	stream.linear.gather [hbm4b:s17+s4], $0x80, $0x38;
	[tilespmem:$0x15800] =	vst v63  }
0x258: {  	s20 =	sadd.s32 s8, s18;
	s21 =	sand.u32 $0x1FFFFFF0, s19;
	s25 =	spop (v2sf)  }
0x259: {  	(v2sf) =	vpush v7, $0xF;
	[tilespmem:s16], [sflag:$0x1] =	stream.linear.gather [hbm4b:s20+s4], $0x80, $0x38;
	[tilespmem:$0x15800] =	vst v63  }
0x25a: {  	s29 =	sadd.s32 s8, s21;
	s30 =	sand.u32 $0x1FFFFFF0, s25;
	s31 =	spop (v2sf)  }
0x25b: {  	[tilespmem:s9], [sflag:$0x1] =	stream.linear.gather [hbm4b:s29+s4], $0x80, $0x38;
	[tilespmem:$0x15800] =	vst v63  }
0x25c: {  	s12 =	sadd.s32 s8, s30;
	s13 =	sand.u32 $0x1FFFFFF0, s31;
	s16 =	spop (v2sf)  }
0x25d: {  	[tilespmem:s10], [sflag:$0x1] =	stream.linear.gather [hbm4b:s12+s4], $0x80, $0x38;
	[tilespmem:$0x15800] =	vst v63  }
0x25e: {  	s17 =	sadd.s32 s8, s13;
	s18 =	sand.u32 $0x1FFFFFF0, s16;
	s19 =	spop (v2sf)  }
0x25f: {  	[tilespmem:s11], [sflag:$0x1] =	stream.linear.gather [hbm4b:s17+s4], $0x80, $0x38;
	[tilespmem:$0x15800] =	vst v63  }
0x260: {  	s20 =	sadd.s32 s8, s18;
	s21 =	sand.u32 $0x1FFFFFF0, s19;
	s25 =	spop (v2sf)  }
0x261: {  	[tilespmem:s15], [sflag:$0x1] =	stream.linear.gather [hbm4b:s20+s4], $0x80, $0x38;
	[tilespmem:$0x15800] =	vst v63  }
0x262: {  	s29 =	sadd.s32 s8, s21;
	s30 =	sand.u32 $0x1FFFFFF0, s25;
	s31 =	spop (v2sf)  }
0x263: {  	[tilespmem:s3], [sflag:$0x1] =	stream.linear.gather [hbm4b:s29+s4], $0x80, $0x38;
	[tilespmem:$0x15800] =	vst v63  }
0x264: {  	s12 =	sadd.s32 s8, s30;
	s13 =	sand.u32 $0x1FFFFFF0, s31;
	s15 =	spop (v2sf)  }
0x265: {  	[tilespmem:s2], [sflag:$0x1] =	stream.linear.gather [hbm4b:s12+s4], $0x80, $0x38;
	[tilespmem:$0x15800] =	vst v63  }
0x266: {  	s16 =	sadd.s32 s8, s13;
	s17 =	sand.u32 $0x1FFFFFF0, s15;
	s18 =	spop (v2sf)  }
0x267: {  	[tilespmem:s1], [sflag:$0x1] =	stream.linear.gather [hbm4b:s16+s4], $0x80, $0x38;
	[tilespmem:$0x15800] =	vst v63  }
0x268: {  	s19 =	sadd.s32 s8, s17;
	s20 =	sand.u32 $0x1FFFFFF0, s18;
	s21 =	spop (v2sf)  }
0x269: {  	[tilespmem:s0], [sflag:$0x1] =	stream.linear.gather [hbm4b:s19+s4], $0x80, $0x38;
	[tilespmem:$0x15800] =	vst v63  }
0x26a: {  	s25 =	sadd.s32 $0xFFFFFF80, s28;
	s29 =	sadd.s32 s8, s20;
	s30 =	sand.u32 $0x1FFFFFF0, s21  }
0x26b: {  	[tilespmem:s25], [sflag:$0x1] =	stream.linear.gather [hbm4b:s29+s4], $0x80, $0x38;
	[tilespmem:$0x15800] =	vst v63  }
0x26c: {  	s31 =	sadd.s32 s8, s30  }
0x26d: {  	[tilespmem:s28], [sflag:$0x1] =	stream.linear.gather [hbm4b:s31+s4], $0x80, $0x38;
	[tilespmem:$0x15800] =	vst v63  }
0x26e: {  	_ =	swait.ge [sflag:s24], $0x80  }
0x26f: {  	[sflag:s24] =	ssyncset.done $0x0  }
0x270: {  	[sflag:s24] =	ssyncadd.s32 $0xFFFFFF80  }
0x271: {  	_ =	swait.ge [sflag:s24], $0x80  }
0x272: {  	[sflag:s24] =	ssyncset.done $0x0  }
0x273: {  	[sflag:s24] =	ssyncadd.s32 $0xFFFFFF80  }
0x274: {  	_ =	swait.ge [sflag:s24], $0x80  }
0x275: {  	[sflag:s24] =	ssyncset.done $0x0  }
0x276: {  	[sflag:s24] =	ssyncadd.s32 $0xFFFFFF80  }
0x277: {  	_ =	swait.ge [sflag:s24], $0x80  }
0x278: {  	[sflag:s24] =	ssyncset.done $0x0  }
0x279: {  	[sflag:s24] =	ssyncadd.s32 $0xFFFFFF80  }
0x27a: {  	_ =	swait.ge [sflag:s24], $0x80  }
0x27b: {  	[sflag:s24] =	ssyncset.done $0x0  }
0x27c: {  	[sflag:s24] =	ssyncadd.s32 $0xFFFFFF80  }
0x27d: {  	_ =	swait.ge [sflag:s24], $0x80  }
0x27e: {  	[sflag:s24] =	ssyncset.done $0x0  }
0x27f: {  	[sflag:s24] =	ssyncadd.s32 $0xFFFFFF80  }
0x280: {  	_ =	swait.ge [sflag:s24], $0x80  }
0x281: {  	[sflag:s24] =	ssyncset.done $0x0  }
0x282: {  	[sflag:s24] =	ssyncadd.s32 $0xFFFFFF80  }
0x283: {  	_ =	swait.ge [sflag:s24], $0x80  }
0x284: {  	s0 =	simm.s32 $0x0;
	[sflag:s24] =	ssyncset.done $0x0  }
.LBB2_18:
0x285: {  	s0 =	sadd.s32 $0x8, s0;
	[sflag:s24] =	ssyncadd.s32 $0xFFFFFF80  }
0x286: {  	_ =	swait.ge [sflag:s24], $0x80;
	p0 =	slt.u32 s0, $0x1F8  }
0x287: {  	[sflag:s24] =	ssyncset.done $0x0  }
0x288: {  	[sflag:s24] =	ssyncadd.s32 $0xFFFFFF80  }
0x289: {  	_ =	swait.ge [sflag:s24], $0x80  }
0x28a: {  	[sflag:s24] =	ssyncset.done $0x0  }
0x28b: {  	[sflag:s24] =	ssyncadd.s32 $0xFFFFFF80  }
0x28c: {  	_ =	swait.ge [sflag:s24], $0x80  }
0x28d: {  	[sflag:s24] =	ssyncset.done $0x0  }
0x28e: {  	[sflag:s24] =	ssyncadd.s32 $0xFFFFFF80  }
0x28f: {  	_ =	swait.ge [sflag:s24], $0x80  }
0x290: {  	[sflag:s24] =	ssyncset.done $0x0  }
0x291: {  	[sflag:s24] =	ssyncadd.s32 $0xFFFFFF80  }
0x292: {  	_ =	swait.ge [sflag:s24], $0x80  }
0x293: {  	[sflag:s24] =	ssyncset.done $0x0  }
0x294: {  	[sflag:s24] =	ssyncadd.s32 $0xFFFFFF80  }
0x295: {  	_ =	swait.ge [sflag:s24], $0x80  }
0x296: {  	[sflag:s24] =	ssyncset.done $0x0  }
0x297: {  	[sflag:s24] =	ssyncadd.s32 $0xFFFFFF80  }
.Ltmp8:
0x298: {  	_ =	swait.ge [sflag:s24], $0x80;
	(pc) =	sbr.rel @p0 .LBB2_18-.Ltmp8, $4  }
0x299: {  	[sflag:s24] =	ssyncset.done $0x0  }
0x29a: {  	[sflag:s24] =	ssyncadd.s32 $0xFFFFFF80  }
0x29b: {  	_ =	swait.ge [sflag:s24], $0x80  }
0x29c: {  	[sflag:s24] =	ssyncset.done $0x0  }
0x29d: {  	v10 =	vld [tilespmem:$0x15000]  }
0x29e: {  	v9 =	vld [tilespmem:$0x15010];
	_ =	sdelay $0x1  }
0x29f: {  	v8 =	vld [tilespmem:$0x15020];
	_ =	sdelay $0x1  }
0x2a0: {  	v7 =	vld [tilespmem:$0x15030]  }
0x2a1: {  	v11 =	vmul.f32 v10, v10;
	v12 =	vmul.f32 v9, v9;
	_ =	sdelay $0x1  }
0x2a2: {  	v11 =	vadd.f32 v12, v11;
	v12 =	vmul.f32 v8, v8;
	_ =	sdelay $0x1  }
0x2a3: {  	v11 =	vadd.f32 v12, v11;
	v12 =	vmul.f32 v7, v7  }
0x2a4: {  	[sflag:s24] =	ssyncadd.s32 $0xFFFFFF80;
	s28 =	simm.s32 $0x1100  }
0x2a5: {  	v21 =	vld [tilespmem:s28+$0x80];
	v11 =	vadd.f32 v12, v11  }
0x2a6: {  	v25 =	vld [tilespmem:s28+$0x90]  }
0x2a7: {  	v12 =	vperm.xlane v11, v3  }
0x2a8: {  	v30 =	vld [tilespmem:s28+$0xA0]  }
0x2a9: {  	v11 =	vadd.f32 v11, v12  }
0x2aa: {  	v18 =	vld [tilespmem:s28+$0xB0];
	v14 =	vmul.f32 v21, v10  }
0x2ab: {  	v15 =	vmul.f32 v25, v9;
	v12 =	vperm.xlane v11, v0  }
0x2ac: {  	v33 =	vld [tilespmem:s28+$0xFFFFFF80]  }
0x2ad: {  	v32 =	vld [tilespmem:s28+$0xFFFFFF90];
	v14 =	vadd.f32 v15, v14;
	v15 =	vmul.f32 v30, v8;
	v12 =	vadd.f32 v11, v12  }
0x2ae: {  	v38 =	vld [tilespmem:s28+$0xFFFFFF10]  }
0x2af: {  	v39 =	vld [tilespmem:s28+$0xFFFFFF00];
	v14 =	vadd.f32 v15, v14;
	v15 =	vmul.f32 v18, v7;
	v13 =	vperm.xlane v12, v1  }
0x2b0: {  	v34 =	vld [tilespmem:s28+$0xFFFFFFA0]  }
0x2b1: {  	v37 =	vld [tilespmem:s28+$0xFFFFFF20];
	v15 =	vadd.f32 v15, v14;
	v13 =	vadd.f32 v12, v13  }
0x2b2: {  	v19 =	vmul.f32 v33, v10;
	v20 =	vmul.f32 v32, v9;
	v11 =	vld [tilespmem:s28+$0x0]  }
0x2b3: {  	v24 =	vperm.xlane v15, v3;
	v12 =	vld [tilespmem:s28+$0x10];
	v16 =	vperm.xlane v13, v2  }
0x2b4: {  	v36 =	vld [tilespmem:s28+$0xFFFFFF30];
	v17 =	vmul.f32 v38, v9;
	v22 =	vmul.f32 v39, v10;
	v19 =	vadd.f32 v20, v19  }
0x2b5: {  	v20 =	vmul.f32 v34, v8;
	v15 =	vadd.f32 v15, v24;
	v16 =	vadd.f32 v13, v16;
	v13 =	vld [tilespmem:s28+$0x20]  }
0x2b6: {  	v35 =	vld [tilespmem:s28+$0xFFFFFFB0];
	v27 =	vmul.f32 v37, v8  }
0x2b7: {  	v17 =	vadd.f32 v17, v22;
	v19 =	vadd.f32 v20, v19;
	v14 =	vld [tilespmem:s28+$0x30];
	v20 =	vperm.xlane v15, v4  }
0x2b8: {  	v23 =	vmul.f32 v11, v10;
	v26 =	vmul.f32 v12, v9;
	v16 =	vmax.f32 v16, $1.000000020e-24  }
0x2b9: {  	v17 =	vadd.f32 v27, v17;
	v15 =	vadd.f32 v15, v20;
	(erf) = vrcp.f32 v16  }
0x2ba: {  	v24 =	vmul.f32 v36, v7;
	v22 =	vadd.f32 v26, v23;
	v23 =	vmul.f32 v13, v8  }
0x2bb: {  	v20 =	vperm.xlane v15, v5;
	v26 =	vmul.f32 v35, v7  }
0x2bc: {  	v16 =	vadd.f32 v24, v17;
	v22 =	vadd.f32 v23, v22;
	v23 =	vmul.f32 v14, v7  }
0x2bd: {  	v15 =	vadd.f32 v15, v20;
	v17 =	vadd.f32 v26, v19  }
0x2be: {  	v19 =	vadd.f32 v23, v22;
	v22 =	vperm.xlane v16, v3  }
0x2bf: {  	v20 =	vperm.xlane v15, v6;
	v23 =	vperm.xlane v17, v3  }
0x2c0: {  	v24 =	vperm.xlane v19, v3;
	v16 =	vadd.f32 v16, v22  }
0x2c1: {  	v20 =	vadd.f32 v15, v20;
	v17 =	vadd.f32 v17, v23  }
0x2c2: {  	s29 =	simm.s32 $0x1300;
	v15 =	vpop (erf);
	v19 =	vadd.f32 v19, v24;
	v22 =	vperm.xlane v16, v4  }
0x2c3: {  	v29 =	vld [tilespmem:s29+$0xB0];
	v23 =	vperm.xlane v17, v4;
	v20 =	vmul.f32 v20, v15  }
0x2c4: {  	v24 =	vperm.xlane v19, v4;
	v16 =	vadd.f32 v16, v22  }
0x2c5: {  	v23 =	vadd.f32 v17, v23;
	v22 =	vld [tilespmem:s29+$0x90];
	v28 =	vmul.f32 v20, v7  }
0x2c6: {  	v19 =	vadd.f32 v19, v24;
	v17 =	vperm.xlane v16, v5;
	v24 =	vld [tilespmem:s29+$0x80]  }
0x2c7: {  	v26 =	vperm.xlane v23, v5;
	v44 =	vsub.f32 v18, v28;
	v18 =	vld [tilespmem:s29+$0xFFFFFF90]  }
0x2c8: {  	v57 =	vmul.f32 v29, v7;
	v40 =	vmul.f32 v20, v10;
	v31 =	vadd.f32 v16, v17;
	v17 =	vld [tilespmem:s29+$0xFFFFFF10]  }
0x2c9: {  	v46 =	vmul.f32 v20, v8;
	v27 =	vperm.xlane v19, v5;
	v26 =	vadd.f32 v23, v26;
	v23 =	vld [tilespmem:s29+$0xA0]  }
0x2ca: {  	v40 =	vsub.f32 v21, v40;
	v16 =	vld [tilespmem:s29+$0xFFFFFF80];
	v45 =	vmul.f32 v22, v9;
	v41 =	vperm.xlane v31, v6  }
0x2cb: {  	v21 =	vld [tilespmem:s29+$0xFFFFFF20];
	v19 =	vadd.f32 v19, v27;
	v27 =	vmul.f32 v20, v9;
	v42 =	vperm.xlane v26, v6  }
0x2cc: {  	v20 =	vld [tilespmem:s29+$0x0];
	v28 =	vmul.f32 v24, v10;
	v51 =	vmul.f32 v18, v9;
	v31 =	vadd.f32 v31, v41  }
0x2cd: {  	v43 =	vperm.xlane v19, v6;
	v60 =	vadd.f32 v26, v42;
	v26 =	vld [tilespmem:s29+$0xFFFFFF00];
	v49 =	vsub.f32 v25, v27  }
0x2ce: {  	v27 =	vld [tilespmem:s29+$0x20];
	v28 =	vadd.f32 v45, v28;
	v62 =	vmul.f32 v23, v8;
	v63 =	vmul.f32 v17, v9  }
0x2cf: {  	v25 =	vld [tilespmem:s29+$0xFFFFFF30];
	v48 =	vmul.f32 v16, v10;
	v61 =	vadd.f32 v19, v43;
	v47 =	vmul.f32 v31, v15  }
0x2d0: {  	v19 =	vld [tilespmem:s29+$0x10];
	v41 =	vmul.f32 v60, v15;
	v60 =	vmul.f32 v21, v8;
	v31 =	vadd.f32 v62, v28  }
0x2d1: {  	v52 =	vmul.f32 v20, v10;
	v42 =	vmul.f32 v61, v15  }
0x2d2: {  	v28 =	vld [tilespmem:s29+$0xFFFFFFA0];
	v50 =	vmul.f32 v47, v10;
	v55 =	vmul.f32 v47, v9;
	v43 =	vadd.f32 v57, v31  }
0x2d3: {  	v48 =	vadd.f32 v51, v48;
	v51 =	vmul.f32 v41, v10;
	v58 =	vmul.f32 v26, v10  }
0x2d4: {  	v46 =	vsub.f32 v30, v46;
	v31 =	vld [tilespmem:s29+$0xFFFFFFB0];
	v62 =	vmul.f32 v27, v8;
	v54 =	vperm.xlane v43, v3  }
0x2d5: {  	v30 =	vld [tilespmem:s29+$0x30];
	v57 =	vmul.f32 v25, v7;
	v50 =	vsub.f32 v39, v50;
	v53 =	vmul.f32 v19, v9  }
0x2d6: {  	v45 =	vadd.f32 v63, v58;
	v63 =	vmul.f32 v47, v8;
	v43 =	vadd.f32 v43, v54  }
0x2d7: {  	v33 =	vsub.f32 v33, v51;
	v47 =	vmul.f32 v47, v7;
	v61 =	vmul.f32 v28, v8  }
0x2d8: {  	v59 =	vadd.f32 v53, v52;
	v54 =	vsub.f32 v38, v55;
	v56 =	vperm.xlane v43, v4  }
0x2d9: {  	v45 =	vadd.f32 v60, v45;
	v48 =	vadd.f32 v61, v48;
	v58 =	vmul.f32 v31, v7  }
0x2da: {  	v39 =	vadd.f32 v62, v59;
	v59 =	vmul.f32 v30, v7;
	v43 =	vadd.f32 v43, v56  }
0x2db: {  	v53 =	vmul.f32 v41, v9;
	v45 =	vadd.f32 v57, v45;
	v48 =	vadd.f32 v58, v48  }
0x2dc: {  	v38 =	vmul.f32 v42, v10;
	v52 =	vadd.f32 v59, v39;
	v60 =	vperm.xlane v43, v5  }
0x2dd: {  	[tilespmem:s28+$0xB0] =	vst v44;
	v55 =	vsub.f32 v37, v63;
	v61 =	vperm.xlane v45, v3;
	v62 =	vperm.xlane v48, v3  }
0x2de: {  	[tilespmem:s28+$0x80] =	vst v40;
	v37 =	vmul.f32 v42, v8;
	v58 =	vperm.xlane v52, v3;
	v43 =	vadd.f32 v43, v60  }
0x2df: {  	[tilespmem:s28+$0xA0] =	vst v46;
	v57 =	vmul.f32 v41, v7;
	v63 =	vadd.f32 v45, v61;
	v59 =	vadd.f32 v48, v62  }
0x2e0: {  	[tilespmem:s28+$0x90] =	vst v49;
	v56 =	vmul.f32 v41, v8;
	v41 =	vadd.f32 v52, v58;
	v60 =	vperm.xlane v43, v6  }
0x2e1: {  	[tilespmem:s28+$0xFFFFFF00] =	vst v50;
	v47 =	vsub.f32 v36, v47;
	v61 =	vperm.xlane v63, v4;
	v48 =	vperm.xlane v59, v4  }
0x2e2: {  	[tilespmem:s28+$0xFFFFFF80] =	vst v33;
	v36 =	vmul.f32 v42, v7;
	v62 =	vperm.xlane v41, v4;
	v45 =	vadd.f32 v43, v60  }
0x2e3: {  	[tilespmem:s28+$0xFFFFFF10] =	vst v54;
	v39 =	vmul.f32 v42, v9;
	v42 =	vadd.f32 v59, v48;
	v43 =	vadd.f32 v63, v61  }
0x2e4: {  	[tilespmem:s28+$0xFFFFFF20] =	vst v55;
	v41 =	vadd.f32 v41, v62;
	v63 =	vsub.f32 v32, v53;
	v40 =	vmul.f32 v45, v15  }
0x2e5: {  	[tilespmem:s28+$0xFFFFFF30] =	vst v47;
	v34 =	vsub.f32 v34, v56;
	v44 =	vperm.xlane v42, v5;
	v45 =	vperm.xlane v43, v5  }
0x2e6: {  	s30 =	simm.s32 $0x4;
	s31 =	simm.s32 $0x1500;
	v33 =	vsub.f32 v35, v57;
	v32 =	vperm.xlane v41, v5;
	[tilespmem:s28+$0xFFFFFF90] =	vst v63;
	v46 =	vmul.f32 v40, v7  }
.LBB2_20:
0x2e7: {  	v47 =	vld [tilespmem:s31+$0x80];
	v35 =	vadd.f32 v43, v45;
	v42 =	vadd.f32 v42, v44;
	v43 =	vmul.f32 v40, v10;
	[tilespmem:s28+$0xFFFFFFA0] =	vst v34  }
0x2e8: {  	s30 =	sadd.s32 $0x4, s30;
	v45 =	vmul.f32 v40, v9;
	v44 =	vld [tilespmem:s31+$0x90];
	v41 =	vadd.f32 v41, v32;
	v29 =	vsub.f32 v29, v46;
	[tilespmem:s28+$0xFFFFFFB0] =	vst v33  }
0x2e9: {  	v38 =	vsub.f32 v11, v38;
	v11 =	vmovc v20;
	p0 =	slt.u32 s30, $0x1FC;
	v46 =	vld [tilespmem:s31+$0xFFFFFF10];
	v50 =	vperm.xlane v35, v6;
	v51 =	vperm.xlane v42, v6  }
0x2ea: {  	v40 =	vmul.f32 v40, v8;
	v39 =	vsub.f32 v12, v39;
	v48 =	vld [tilespmem:s31+$0xA0];
	v20 =	vperm.xlane v41, v6;
	[tilespmem:s29+$0xB0] =	vst v29  }
0x2eb: {  	v12 =	vmovc v19;
	v32 =	vmov v28;
	v34 =	vld [tilespmem:s31+$0xFFFFFF80];
	v49 =	vadd.f32 v35, v50;
	v42 =	vadd.f32 v42, v51;
	[tilespmem:s28+$0x0] =	vst v38  }
0x2ec: {  	v19 =	vsub.f32 v13, v37;
	v13 =	vmovc v27;
	v33 =	vmov v31;
	v29 =	vld [tilespmem:s31+$0xB0];
	v28 =	vadd.f32 v41, v20;
	[tilespmem:s28+$0x10] =	vst v39  }
0x2ed: {  	v36 =	vsub.f32 v14, v36;
	v14 =	vmovc v30;
	v27 =	vmul.f32 v47, v10;
	v35 =	vld [tilespmem:s31+$0xFFFFFF90];
	v31 =	vmul.f32 v44, v9  }
0x2ee: {  	v30 =	vmul.f32 v49, v15;
	v49 =	vsub.f32 v24, v43;
	v37 =	vmul.f32 v46, v9;
	v20 =	vld [tilespmem:s31+$0x0];
	[tilespmem:s28+$0x20] =	vst v19  }
0x2ef: {  	v38 =	vmul.f32 v42, v15;
	v19 =	vld [tilespmem:s31+$0x10];
	v27 =	vadd.f32 v31, v27;
	v31 =	vmul.f32 v48, v8;
	[tilespmem:s28+$0x30] =	vst v36;
	s28 =	smov.u32 s29;
	s29 =	smov.u32 s31  }
0x2f0: {  	v51 =	vsub.f32 v22, v45;
	v41 =	vmul.f32 v28, v15;
	v36 =	vld [tilespmem:s31+$0xFFFFFF00];
	v39 =	vmul.f32 v34, v10;
	[tilespmem:s28+$0x80] =	vst v49  }
0x2f1: {  	v24 =	vmovc v47;
	v45 =	vmul.f32 v30, v10;
	v42 =	vld [tilespmem:s31+$0xFFFFFF20];
	v31 =	vadd.f32 v31, v27;
	v43 =	vmul.f32 v29, v7  }
0x2f2: {  	v54 =	vsub.f32 v23, v40;
	v49 =	vmul.f32 v30, v9;
	v28 =	vld [tilespmem:s31+$0xFFFFFFA0];
	v47 =	vmul.f32 v35, v9;
	[tilespmem:s28+$0x90] =	vst v51  }
0x2f3: {  	v22 =	vmovc v44;
	v50 =	vmul.f32 v30, v8;
	v27 =	vld [tilespmem:s31+$0x20];
	v40 =	vmul.f32 v20, v10;
	v43 =	vadd.f32 v43, v31  }
0x2f4: {  	v51 =	vmul.f32 v30, v7;
	v44 =	vld [tilespmem:s31+$0xFFFFFF30];
	v39 =	vadd.f32 v47, v39;
	v47 =	vmul.f32 v19, v9;
	[tilespmem:s28+$0xA0] =	vst v54  }
0x2f5: {  	v23 =	vmovc v48;
	v45 =	vsub.f32 v26, v45;
	v52 =	vmul.f32 v36, v10;
	v31 =	vld [tilespmem:s31+$0xFFFFFFB0];
	v53 =	vperm.xlane v43, v3  }
0x2f6: {  	v26 =	vmovc v36;
	v48 =	vmul.f32 v42, v8;
	v30 =	vld [tilespmem:s31+$0x30];
	v40 =	vadd.f32 v47, v40;
	v47 =	vmul.f32 v38, v10  }
0x2f7: {  	v36 =	vadd.f32 v37, v52;
	v37 =	vmul.f32 v28, v8;
	v43 =	vadd.f32 v43, v53;
	[tilespmem:s28+$0xFFFFFF00] =	vst v45  }
0x2f8: {  	v49 =	vsub.f32 v17, v49;
	v17 =	vmovc v46;
	v52 =	vmul.f32 v38, v9;
	v45 =	vmul.f32 v27, v8  }
0x2f9: {  	v36 =	vadd.f32 v48, v36;
	v37 =	vadd.f32 v37, v39;
	v39 =	vperm.xlane v43, v4  }
0x2fa: {  	v46 =	vmul.f32 v44, v7;
	v48 =	vmul.f32 v31, v7;
	v40 =	vadd.f32 v45, v40;
	[tilespmem:s28+$0xFFFFFF10] =	vst v49  }
0x2fb: {  	v49 =	vmul.f32 v38, v8;
	v45 =	vmul.f32 v30, v7;
	v39 =	vadd.f32 v43, v39  }
0x2fc: {  	v36 =	vadd.f32 v46, v36;
	v37 =	vadd.f32 v48, v37;
	v48 =	vmul.f32 v38, v7  }
0x2fd: {  	v38 =	vmul.f32 v41, v10;
	v40 =	vadd.f32 v45, v40;
	v43 =	vperm.xlane v39, v5  }
0x2fe: {  	v50 =	vsub.f32 v21, v50;
	v21 =	vmovc v42;
	v45 =	vperm.xlane v36, v3;
	v46 =	vperm.xlane v37, v3  }
0x2ff: {  	v42 =	vperm.xlane v40, v3;
	v43 =	vadd.f32 v39, v43;
	v39 =	vmul.f32 v41, v9  }
0x300: {  	v45 =	vadd.f32 v36, v45;
	v46 =	vadd.f32 v37, v46;
	[tilespmem:s28+$0xFFFFFF20] =	vst v50;
	v37 =	vmul.f32 v41, v8  }
0x301: {  	v36 =	vmul.f32 v41, v7;
	v40 =	vadd.f32 v40, v42;
	v42 =	vperm.xlane v43, v6  }
0x302: {  	v51 =	vsub.f32 v25, v51;
	v25 =	vmovc v44;
	v41 =	vperm.xlane v45, v4;
	v50 =	vperm.xlane v46, v4  }
.Ltmp9:
0x303: {  	v47 =	vsub.f32 v16, v47;
	v16 =	vmovc v34;
	v44 =	vperm.xlane v40, v4;
	v53 =	vadd.f32 v43, v42;
	(pc) =	sbr.rel @p0 .LBB2_20-.Ltmp9, $4  }
0x304: {  	v43 =	vadd.f32 v45, v41;
	v42 =	vadd.f32 v46, v50;
	[tilespmem:s28+$0xFFFFFF30] =	vst v51  }
0x305: {  	v41 =	vadd.f32 v40, v44;
	v40 =	vmul.f32 v53, v15;
	[tilespmem:s28+$0xFFFFFF80] =	vst v47;
	v47 =	vsub.f32 v18, v52  }
0x306: {  	v34 =	vsub.f32 v32, v49;
	v45 =	vperm.xlane v43, v5;
	v18 =	vmovc v35;
	v44 =	vperm.xlane v42, v5  }
0x307: {  	s31 =	sadd.s32 $0x200, s31;
	v33 =	vsub.f32 v33, v48;
	v32 =	vperm.xlane v41, v5;
	v46 =	vmul.f32 v40, v7;
	[tilespmem:s28+$0xFFFFFF90] =	vst v47  }
0x308: {  	v35 =	vadd.f32 v43, v45;
	_ =	sdelay $0x1  }
0x309: {  	[tilespmem:s28+$0xFFFFFFA0] =	vst v34;
	v11 =	vsub.f32 v11, v38;
	v63 =	vperm.xlane v35, v6  }
0x30a: {  	v42 =	vadd.f32 v42, v44;
	v12 =	vsub.f32 v12, v39;
	[tilespmem:s28+$0xFFFFFFB0] =	vst v33  }
0x30b: {  	v44 =	vsub.f32 v13, v37;
	[tilespmem:s28+$0x0] =	vst v11;
	v38 =	vadd.f32 v35, v63  }
0x30c: {  	v39 =	vmul.f32 v40, v10;
	v43 =	vmul.f32 v40, v9;
	v29 =	vsub.f32 v29, v46;
	[tilespmem:s28+$0x10] =	vst v12  }
0x30d: {  	v46 =	vsub.f32 v14, v36;
	v45 =	vperm.xlane v42, v6;
	[tilespmem:s28+$0x20] =	vst v44;
	v47 =	vmul.f32 v38, v15  }
0x30e: {  	v49 =	vmul.f32 v40, v8;
	v48 =	vadd.f32 v41, v32;
	v24 =	vsub.f32 v24, v39;
	[tilespmem:s29+$0xB0] =	vst v29  }
0x30f: {  	v51 =	vsub.f32 v22, v43;
	[tilespmem:s28+$0x30] =	vst v46;
	v50 =	vadd.f32 v42, v45;
	v52 =	vmul.f32 v47, v10  }
0x310: {  	v23 =	vsub.f32 v23, v49;
	v53 =	vperm.xlane v48, v6;
	[tilespmem:s29+$0x80] =	vst v24;
	v54 =	vmul.f32 v47, v9  }
0x311: {  	[tilespmem:s29+$0x90] =	vst v51;
	v11 =	vmul.f32 v50, v15;
	v55 =	vmul.f32 v47, v8;
	v13 =	vsub.f32 v26, v52  }
0x312: {  	[tilespmem:s29+$0xA0] =	vst v23;
	v22 =	vadd.f32 v48, v53;
	v14 =	vmul.f32 v47, v7;
	v17 =	vsub.f32 v17, v54  }
0x313: {  	v56 =	vmul.f32 v11, v10;
	v12 =	vsub.f32 v21, v55;
	[tilespmem:s29+$0xFFFFFF00] =	vst v13  }
0x314: {  	v58 =	vmul.f32 v22, v15;
	v59 =	vmul.f32 v11, v8;
	v14 =	vsub.f32 v25, v14;
	[tilespmem:s29+$0xFFFFFF10] =	vst v17  }
0x315: {  	v57 =	vmul.f32 v11, v9;
	v11 =	vmul.f32 v11, v7;
	v60 =	vsub.f32 v16, v56;
	[tilespmem:s29+$0xFFFFFF20] =	vst v12  }
0x316: {  	v61 =	vmul.f32 v58, v10;
	v62 =	vsub.f32 v28, v59;
	[tilespmem:s29+$0xFFFFFF30] =	vst v14  }
0x317: {  	v63 =	vmul.f32 v58, v9;
	v11 =	vsub.f32 v31, v11;
	[tilespmem:s29+$0xFFFFFF80] =	vst v60  }
0x318: {  	v8 =	vmul.f32 v58, v8;
	v10 =	vsub.f32 v20, v61;
	[tilespmem:s29+$0xFFFFFFA0] =	vst v62  }
0x319: {  	v7 =	vmul.f32 v58, v7;
	v9 =	vsub.f32 v19, v63;
	[tilespmem:s29+$0xFFFFFFB0] =	vst v11  }
0x31a: {  	v8 =	vsub.f32 v27, v8;
	[tilespmem:s29+$0x0] =	vst v10  }
0x31b: {  	v7 =	vsub.f32 v30, v7;
	[tilespmem:s29+$0x10] =	vst v9  }
0x31c: {  	v13 =	vsub.f32 v18, v57;
	[tilespmem:s29+$0x20] =	vst v8  }
0x31d: {  	[tilespmem:s29+$0x30] =	vst v7  }
0x31e: {  	[tilespmem:s29+$0xFFFFFF90] =	vst v13  }
0x31f: {  	s1 =	sld [smem:$0x7F7];
	_ =	sdelay $0x1  }
0x320: {  	s0 =	simm.s32 $0x0;
	s2 =	simm.s32 $0x1000  }
0x321: {  	[hbm4b:s1+s0] =	stream.linear.scatter [tilespmem:s2], [sflag:$0x2], $0x10000, $0x38;
	[tilespmem:$0x15800] =	vst v63  }
0x322: {  	s29 =	simm.s32 $0x0;
	_ =	swait.ge [sflag:s22], $0x10000  }
0x323: {  	s31 =	sand.u32 $0x70, s29;
	s0 =	sand.u32 $0xC00, s0;
	[sflag:s22] =	ssyncset.done $0x0  }
0x324: {  	s0 =	sor.u32 s31, s0;
	[sflag:s22] =	ssyncadd.s32 $0xFFFF0000  }
0x325: {  	v7 =	vld [tilespmem:s0+$0x100];
	_ =	sdelay $0x4  }
0x326: {  	v7 =	vshll.u32 v7, $0x4  }
0x327: {  	(v2sf) =	vpush v7, $0x0  }
0x328: {  	(v2sf) =	vpush v7, $0x1  }
0x329: {  	(v2sf) =	vpush v7, $0x2;
	_ =	sdelay $0x1  }
0x32a: {  	(v2sf) =	vpush v7, $0x3;
	_ =	sdelay $0x1  }
0x32b: {  	(v2sf) =	vpush v7, $0x4;
	_ =	sdelay $0x1  }
0x32c: {  	(v2sf) =	vpush v7, $0x5  }
0x32d: {  	s30 =	simm.s32 $0x80;
	s28 =	simm.s32 $0x1780  }
.LBB2_22:
0x32e: {  	s29 =	sadd.s32 $0x10, s29;
	s0 =	sadd.s32 $0xFFFFFE80, s28;
	s31 =	sadd.s32 $0xFFFFFF00, s28;
	(v2sf) =	vpush v7, $0x6  }
0x32f: {  	s3 =	sadd.s32 $0xFFFFFD00, s28;
	s1 =	sadd.s32 $0xFFFFFD80, s28;
	s2 =	sadd.s32 $0xFFFFFE00, s28  }
0x330: {  	s17 =	sadd.s32 $0xFFFFFB80, s28;
	s16 =	sadd.s32 $0xFFFFFC00, s28;
	s15 =	sadd.s32 $0xFFFFFC80, s28;
	(v2sf) =	vpush v7, $0x7  }
0x331: {  	s9 =	sadd.s32 $0xFFFFFA00, s28;
	s10 =	sadd.s32 $0xFFFFFA80, s28;
	s11 =	sadd.s32 $0xFFFFFB00, s28  }
0x332: {  	s12 =	sadd.s32 $0xFFFFF880, s28;
	s13 =	sadd.s32 $0xFFFFF900, s28;
	s19 =	sadd.s32 $0xFFFFF980, s28;
	(v2sf) =	vpush v7, $0x8  }
0x333: {  	s20 =	sand.u32 $0xC00, s30;
	s18 =	sand.u32 $0x70, s29;
	s21 =	spop (v2sf)  }
0x334: {  	s18 =	sor.u32 s18, s20;
	s20 =	sand.u32 $0x1FFFFFF0, s21;
	s21 =	spop (v2sf);
	(v2sf) =	vpush v7, $0x9  }
0x335: {  	s20 =	sadd.s32 s8, s20;
	s21 =	sand.u32 $0x1FFFFFF0, s21;
	s25 =	spop (v2sf)  }
0x336: {  	[tilespmem:s12], [sflag:$0x1] =	stream.linear.gather [hbm4b:s20+s4], $0x80, $0x38;
	(v2sf) =	vpush v7, $0xA;
	[tilespmem:$0x15800] =	vst v63  }
0x337: {  	s12 =	sadd.s32 s8, s21;
	s20 =	sand.u32 $0x1FFFFFF0, s25;
	s21 =	spop (v2sf)  }
0x338: {  	[tilespmem:s13], [sflag:$0x1] =	stream.linear.gather [hbm4b:s12+s4], $0x80, $0x38;
	(v2sf) =	vpush v7, $0xB;
	[tilespmem:$0x15800] =	vst v63  }
0x339: {  	s12 =	sadd.s32 s8, s20;
	s13 =	sand.u32 $0x1FFFFFF0, s21;
	s20 =	spop (v2sf)  }
0x33a: {  	[tilespmem:s19], [sflag:$0x1] =	stream.linear.gather [hbm4b:s12+s4], $0x80, $0x38;
	(v2sf) =	vpush v7, $0xC;
	[tilespmem:$0x15800] =	vst v63  }
0x33b: {  	s12 =	sadd.s32 s8, s13;
	s13 =	sand.u32 $0x1FFFFFF0, s20;
	s19 =	spop (v2sf)  }
0x33c: {  	[tilespmem:s9], [sflag:$0x1] =	stream.linear.gather [hbm4b:s12+s4], $0x80, $0x38;
	(v2sf) =	vpush v7, $0xD;
	[tilespmem:$0x15800] =	vst v63  }
0x33d: {  	s9 =	sadd.s32 s8, s13;
	s12 =	sand.u32 $0x1FFFFFF0, s19;
	s13 =	spop (v2sf)  }
0x33e: {  	[tilespmem:s10], [sflag:$0x1] =	stream.linear.gather [hbm4b:s9+s4], $0x80, $0x38;
	(v2sf) =	vpush v7, $0xE;
	[tilespmem:$0x15800] =	vst v63  }
0x33f: {  	s9 =	sadd.s32 s8, s12;
	s10 =	sand.u32 $0x1FFFFFF0, s13;
	s12 =	spop (v2sf)  }
0x340: {  	[tilespmem:s11], [sflag:$0x1] =	stream.linear.gather [hbm4b:s9+s4], $0x80, $0x38;
	(v2sf) =	vpush v7, $0xF;
	[tilespmem:$0x15800] =	vst v63  }
0x341: {  	s9 =	sadd.s32 s8, s10;
	s10 =	sand.u32 $0x1FFFFFF0, s12;
	s11 =	spop (v2sf)  }
0x342: {  	[tilespmem:s17], [sflag:$0x1] =	stream.linear.gather [hbm4b:s9+s4], $0x80, $0x38;
	[tilespmem:$0x15800] =	vst v63  }
0x343: {  	s9 =	sadd.s32 s8, s10;
	s10 =	sand.u32 $0x1FFFFFF0, s11;
	s11 =	spop (v2sf)  }
0x344: {  	[tilespmem:s16], [sflag:$0x1] =	stream.linear.gather [hbm4b:s9+s4], $0x80, $0x38;
	[tilespmem:$0x15800] =	vst v63  }
0x345: {  	s9 =	sadd.s32 s8, s10;
	s10 =	sand.u32 $0x1FFFFFF0, s11;
	s11 =	spop (v2sf)  }
0x346: {  	v7 =	vld [tilespmem:s18+$0x100];
	[tilespmem:s15], [sflag:$0x1] =	stream.linear.gather [hbm4b:s9+s4], $0x80, $0x38  }
0x347: {  	s9 =	sadd.s32 s8, s10;
	s10 =	sand.u32 $0x1FFFFFF0, s11;
	s11 =	spop (v2sf)  }
0x348: {  	[tilespmem:s3], [sflag:$0x1] =	stream.linear.gather [hbm4b:s9+s4], $0x80, $0x38;
	[tilespmem:$0x15800] =	vst v63  }
0x349: {  	s3 =	sadd.s32 s8, s10;
	s9 =	sand.u32 $0x1FFFFFF0, s11;
	s10 =	spop (v2sf)  }
0x34a: {  	[tilespmem:s1], [sflag:$0x1] =	stream.linear.gather [hbm4b:s3+s4], $0x80, $0x38;
	[tilespmem:$0x15800] =	vst v63  }
0x34b: {  	s1 =	sadd.s32 s8, s9;
	s3 =	sand.u32 $0x1FFFFFF0, s10;
	v7 =	vshll.u32 v7, $0x4;
	s9 =	spop (v2sf)  }
0x34c: {  	(v2sf) =	vpush v7, $0x0;
	[tilespmem:s2], [sflag:$0x1] =	stream.linear.gather [hbm4b:s1+s4], $0x80, $0x38;
	[tilespmem:$0x15800] =	vst v63  }
0x34d: {  	s1 =	sadd.s32 s8, s3;
	s2 =	sand.u32 $0x1FFFFFF0, s9;
	(v2sf) =	vpush v7, $0x1;
	s3 =	spop (v2sf)  }
0x34e: {  	[tilespmem:s0], [sflag:$0x1] =	stream.linear.gather [hbm4b:s1+s4], $0x80, $0x38;
	[tilespmem:$0x15800] =	vst v63  }
0x34f: {  	p0 =	slt.u32 s29, $0x1F0;
	(v2sf) =	vpush v7, $0x2;
	s1 =	sand.u32 $0x1FFFFFF0, s3  }
0x350: {  	s0 =	sadd.s32 s8, s2;
	s2 =	spop (v2sf);
	s1 =	sadd.s32 s8, s1  }
0x351: {  	(v2sf) =	vpush v7, $0x3;
	[tilespmem:s31], [sflag:$0x1] =	stream.linear.gather [hbm4b:s0+s4], $0x80, $0x38;
	[tilespmem:$0x15800] =	vst v63  }
.Ltmp10:
0x352: {  	s0 =	sadd.s32 $0xFFFFFF80, s28;
	s2 =	sand.u32 $0x1FFFFFF0, s2;
	(pc) =	sbr.rel @p0 .LBB2_22-.Ltmp10, $4  }
0x353: {  	(v2sf) =	vpush v7, $0x4;
	[tilespmem:s0], [sflag:$0x1] =	stream.linear.gather [hbm4b:s1+s4], $0x80, $0x38;
	[tilespmem:$0x15800] =	vst v63  }
0x354: {  	s0 =	sadd.s32 s8, s2  }
0x355: {  	(v2sf) =	vpush v7, $0x5;
	[tilespmem:s28], [sflag:$0x1] =	stream.linear.gather [hbm4b:s0+s4], $0x80, $0x38;
	[tilespmem:$0x15800] =	vst v63  }
0x356: {  	s30 =	sadd.s32 $0x80, s30;
	s28 =	sadd.s32 $0x800, s28  }
0x357: {  	(v2sf) =	vpush v7, $0x6  }
0x358: {  	s1 =	sadd.s32 $0xFFFFFE80, s28;
	s0 =	sadd.s32 $0xFFFFFF00, s28  }
0x359: {  	s15 =	sadd.s32 $0xFFFFFD00, s28;
	s3 =	sadd.s32 $0xFFFFFD80, s28;
	s2 =	sadd.s32 $0xFFFFFE00, s28;
	(v2sf) =	vpush v7, $0x7  }
0x35a: {  	s9 =	sadd.s32 $0xFFFFFB80, s28;
	s10 =	sadd.s32 $0xFFFFFC00, s28;
	s11 =	sadd.s32 $0xFFFFFC80, s28  }
0x35b: {  	s12 =	sadd.s32 $0xFFFFFA00, s28;
	s13 =	sadd.s32 $0xFFFFFA80, s28;
	s16 =	sadd.s32 $0xFFFFFB00, s28;
	(v2sf) =	vpush v7, $0x8  }
0x35c: {  	s17 =	sadd.s32 $0xFFFFF880, s28;
	s18 =	sadd.s32 $0xFFFFF900, s28;
	s19 =	spop (v2sf)  }
0x35d: {  	s20 =	sadd.s32 $0xFFFFF980, s28;
	s19 =	sand.u32 $0x1FFFFFF0, s19;
	s21 =	spop (v2sf);
	(v2sf) =	vpush v7, $0x9  }
0x35e: {  	s19 =	sadd.s32 s8, s19;
	s21 =	sand.u32 $0x1FFFFFF0, s21;
	s25 =	spop (v2sf)  }
0x35f: {  	[tilespmem:s17], [sflag:$0x1] =	stream.linear.gather [hbm4b:s19+s4], $0x80, $0x38;
	(v2sf) =	vpush v7, $0xA;
	[tilespmem:$0x15800] =	vst v63  }
0x360: {  	s29 =	sadd.s32 s8, s21;
	s30 =	sand.u32 $0x1FFFFFF0, s25;
	s31 =	spop (v2sf)  }
0x361: {  	[tilespmem:s18], [sflag:$0x1] =	stream.linear.gather [hbm4b:s29+s4], $0x80, $0x38;
	(v2sf) =	vpush v7, $0xB;
	[tilespmem:$0x15800] =	vst v63  }
0x362: {  	s19 =	sadd.s32 s8, s30;
	s21 =	sand.u32 $0x1FFFFFF0, s31;
	s25 =	spop (v2sf)  }
0x363: {  	[tilespmem:s20], [sflag:$0x1] =	stream.linear.gather [hbm4b:s19+s4], $0x80, $0x38;
	(v2sf) =	vpush v7, $0xC;
	[tilespmem:$0x15800] =	vst v63  }
0x364: {  	s29 =	sadd.s32 s8, s21;
	s30 =	sand.u32 $0x1FFFFFF0, s25;
	s31 =	spop (v2sf)  }
0x365: {  	[tilespmem:s12], [sflag:$0x1] =	stream.linear.gather [hbm4b:s29+s4], $0x80, $0x38;
	(v2sf) =	vpush v7, $0xD;
	[tilespmem:$0x15800] =	vst v63  }
0x366: {  	s17 =	sadd.s32 s8, s30;
	s18 =	sand.u32 $0x1FFFFFF0, s31;
	s19 =	spop (v2sf)  }
0x367: {  	(v2sf) =	vpush v7, $0xE;
	[tilespmem:s13], [sflag:$0x1] =	stream.linear.gather [hbm4b:s17+s4], $0x80, $0x38;
	[tilespmem:$0x15800] =	vst v63  }
0x368: {  	s20 =	sadd.s32 s8, s18;
	s21 =	sand.u32 $0x1FFFFFF0, s19;
	s25 =	spop (v2sf)  }
0x369: {  	(v2sf) =	vpush v7, $0xF;
	[tilespmem:s16], [sflag:$0x1] =	stream.linear.gather [hbm4b:s20+s4], $0x80, $0x38;
	[tilespmem:$0x15800] =	vst v63  }
0x36a: {  	s29 =	sadd.s32 s8, s21;
	s30 =	sand.u32 $0x1FFFFFF0, s25;
	s31 =	spop (v2sf)  }
0x36b: {  	[tilespmem:s9], [sflag:$0x1] =	stream.linear.gather [hbm4b:s29+s4], $0x80, $0x38;
	[tilespmem:$0x15800] =	vst v63  }
0x36c: {  	s12 =	sadd.s32 s8, s30;
	s13 =	sand.u32 $0x1FFFFFF0, s31;
	s16 =	spop (v2sf)  }
0x36d: {  	[tilespmem:s10], [sflag:$0x1] =	stream.linear.gather [hbm4b:s12+s4], $0x80, $0x38;
	[tilespmem:$0x15800] =	vst v63  }
0x36e: {  	s17 =	sadd.s32 s8, s13;
	s18 =	sand.u32 $0x1FFFFFF0, s16;
	s19 =	spop (v2sf)  }
0x36f: {  	[tilespmem:s11], [sflag:$0x1] =	stream.linear.gather [hbm4b:s17+s4], $0x80, $0x38;
	[tilespmem:$0x15800] =	vst v63  }
0x370: {  	s20 =	sadd.s32 s8, s18;
	s21 =	sand.u32 $0x1FFFFFF0, s19;
	s25 =	spop (v2sf)  }
0x371: {  	[tilespmem:s15], [sflag:$0x1] =	stream.linear.gather [hbm4b:s20+s4], $0x80, $0x38;
	[tilespmem:$0x15800] =	vst v63  }
0x372: {  	s29 =	sadd.s32 s8, s21;
	s30 =	sand.u32 $0x1FFFFFF0, s25;
	s31 =	spop (v2sf)  }
0x373: {  	[tilespmem:s3], [sflag:$0x1] =	stream.linear.gather [hbm4b:s29+s4], $0x80, $0x38;
	[tilespmem:$0x15800] =	vst v63  }
0x374: {  	s12 =	sadd.s32 s8, s30;
	s13 =	sand.u32 $0x1FFFFFF0, s31;
	s15 =	spop (v2sf)  }
0x375: {  	[tilespmem:s2], [sflag:$0x1] =	stream.linear.gather [hbm4b:s12+s4], $0x80, $0x38;
	[tilespmem:$0x15800] =	vst v63  }
0x376: {  	s16 =	sadd.s32 s8, s13;
	s17 =	sand.u32 $0x1FFFFFF0, s15;
	s18 =	spop (v2sf)  }
0x377: {  	[tilespmem:s1], [sflag:$0x1] =	stream.linear.gather [hbm4b:s16+s4], $0x80, $0x38;
	[tilespmem:$0x15800] =	vst v63  }
0x378: {  	s19 =	sadd.s32 s8, s17;
	s20 =	sand.u32 $0x1FFFFFF0, s18;
	s21 =	spop (v2sf)  }
0x379: {  	[tilespmem:s0], [sflag:$0x1] =	stream.linear.gather [hbm4b:s19+s4], $0x80, $0x38;
	[tilespmem:$0x15800] =	vst v63  }
0x37a: {  	s25 =	sadd.s32 $0xFFFFFF80, s28;
	s29 =	sadd.s32 s8, s20;
	s30 =	sand.u32 $0x1FFFFFF0, s21  }
0x37b: {  	[tilespmem:s25], [sflag:$0x1] =	stream.linear.gather [hbm4b:s29+s4], $0x80, $0x38;
	[tilespmem:$0x15800] =	vst v63  }
0x37c: {  	s31 =	sadd.s32 s8, s30  }
0x37d: {  	[tilespmem:s28], [sflag:$0x1] =	stream.linear.gather [hbm4b:s31+s4], $0x80, $0x38;
	[tilespmem:$0x15800] =	vst v63  }
0x37e: {  	_ =	swait.ge [sflag:s24], $0x80  }
0x37f: {  	[sflag:s24] =	ssyncset.done $0x0  }
0x380: {  	[sflag:s24] =	ssyncadd.s32 $0xFFFFFF80  }
0x381: {  	_ =	swait.ge [sflag:s24], $0x80  }
0x382: {  	[sflag:s24] =	ssyncset.done $0x0  }
0x383: {  	[sflag:s24] =	ssyncadd.s32 $0xFFFFFF80  }
0x384: {  	_ =	swait.ge [sflag:s24], $0x80  }
0x385: {  	[sflag:s24] =	ssyncset.done $0x0  }
0x386: {  	[sflag:s24] =	ssyncadd.s32 $0xFFFFFF80  }
0x387: {  	_ =	swait.ge [sflag:s24], $0x80  }
0x388: {  	[sflag:s24] =	ssyncset.done $0x0  }
0x389: {  	[sflag:s24] =	ssyncadd.s32 $0xFFFFFF80  }
0x38a: {  	_ =	swait.ge [sflag:s24], $0x80  }
0x38b: {  	[sflag:s24] =	ssyncset.done $0x0  }
0x38c: {  	[sflag:s24] =	ssyncadd.s32 $0xFFFFFF80  }
0x38d: {  	_ =	swait.ge [sflag:s24], $0x80  }
0x38e: {  	[sflag:s24] =	ssyncset.done $0x0  }
0x38f: {  	[sflag:s24] =	ssyncadd.s32 $0xFFFFFF80  }
0x390: {  	_ =	swait.ge [sflag:s24], $0x80  }
0x391: {  	[sflag:s24] =	ssyncset.done $0x0  }
0x392: {  	[sflag:s24] =	ssyncadd.s32 $0xFFFFFF80  }
0x393: {  	_ =	swait.ge [sflag:s24], $0x80  }
0x394: {  	s0 =	simm.s32 $0x0;
	[sflag:s24] =	ssyncset.done $0x0  }
.LBB2_24:
0x395: {  	s0 =	sadd.s32 $0x8, s0;
	[sflag:s24] =	ssyncadd.s32 $0xFFFFFF80  }
0x396: {  	_ =	swait.ge [sflag:s24], $0x80;
	p0 =	slt.u32 s0, $0x1F8  }
0x397: {  	[sflag:s24] =	ssyncset.done $0x0  }
0x398: {  	[sflag:s24] =	ssyncadd.s32 $0xFFFFFF80  }
0x399: {  	_ =	swait.ge [sflag:s24], $0x80  }
0x39a: {  	[sflag:s24] =	ssyncset.done $0x0  }
0x39b: {  	[sflag:s24] =	ssyncadd.s32 $0xFFFFFF80  }
0x39c: {  	_ =	swait.ge [sflag:s24], $0x80  }
0x39d: {  	[sflag:s24] =	ssyncset.done $0x0  }
0x39e: {  	[sflag:s24] =	ssyncadd.s32 $0xFFFFFF80  }
0x39f: {  	_ =	swait.ge [sflag:s24], $0x80  }
0x3a0: {  	[sflag:s24] =	ssyncset.done $0x0  }
0x3a1: {  	[sflag:s24] =	ssyncadd.s32 $0xFFFFFF80  }
0x3a2: {  	_ =	swait.ge [sflag:s24], $0x80  }
0x3a3: {  	[sflag:s24] =	ssyncset.done $0x0  }
0x3a4: {  	[sflag:s24] =	ssyncadd.s32 $0xFFFFFF80  }
0x3a5: {  	_ =	swait.ge [sflag:s24], $0x80  }
0x3a6: {  	[sflag:s24] =	ssyncset.done $0x0  }
0x3a7: {  	[sflag:s24] =	ssyncadd.s32 $0xFFFFFF80  }
.Ltmp11:
0x3a8: {  	_ =	swait.ge [sflag:s24], $0x80;
	(pc) =	sbr.rel @p0 .LBB2_24-.Ltmp11, $4  }
0x3a9: {  	[sflag:s24] =	ssyncset.done $0x0  }
0x3aa: {  	[sflag:s24] =	ssyncadd.s32 $0xFFFFFF80  }
0x3ab: {  	_ =	swait.ge [sflag:s24], $0x80  }
0x3ac: {  	[sflag:s24] =	ssyncset.done $0x0  }
0x3ad: {  	v10 =	vld [tilespmem:$0x15080]  }
0x3ae: {  	v9 =	vld [tilespmem:$0x15090];
	_ =	sdelay $0x1  }
0x3af: {  	v8 =	vld [tilespmem:$0x150A0];
	_ =	sdelay $0x1  }
0x3b0: {  	v7 =	vld [tilespmem:$0x150B0]  }
0x3b1: {  	v11 =	vmul.f32 v10, v10;
	v12 =	vmul.f32 v9, v9;
	_ =	sdelay $0x1  }
0x3b2: {  	v11 =	vadd.f32 v12, v11;
	v12 =	vmul.f32 v8, v8;
	_ =	sdelay $0x1  }
0x3b3: {  	v11 =	vadd.f32 v12, v11;
	v12 =	vmul.f32 v7, v7  }
0x3b4: {  	[sflag:s24] =	ssyncadd.s32 $0xFFFFFF80;
	s28 =	simm.s32 $0x1100  }
0x3b5: {  	v21 =	vld [tilespmem:s28+$0x80];
	v11 =	vadd.f32 v12, v11  }
0x3b6: {  	v25 =	vld [tilespmem:s28+$0x90]  }
0x3b7: {  	v12 =	vperm.xlane v11, v3  }
0x3b8: {  	v30 =	vld [tilespmem:s28+$0xA0]  }
0x3b9: {  	v11 =	vadd.f32 v11, v12  }
0x3ba: {  	v18 =	vld [tilespmem:s28+$0xB0];
	v14 =	vmul.f32 v21, v10  }
0x3bb: {  	v15 =	vmul.f32 v25, v9;
	v12 =	vperm.xlane v11, v0  }
0x3bc: {  	v33 =	vld [tilespmem:s28+$0xFFFFFF80]  }
0x3bd: {  	v32 =	vld [tilespmem:s28+$0xFFFFFF90];
	v14 =	vadd.f32 v15, v14;
	v15 =	vmul.f32 v30, v8;
	v12 =	vadd.f32 v11, v12  }
0x3be: {  	v38 =	vld [tilespmem:s28+$0xFFFFFF10]  }
0x3bf: {  	v39 =	vld [tilespmem:s28+$0xFFFFFF00];
	v14 =	vadd.f32 v15, v14;
	v15 =	vmul.f32 v18, v7;
	v13 =	vperm.xlane v12, v1  }
0x3c0: {  	v34 =	vld [tilespmem:s28+$0xFFFFFFA0]  }
0x3c1: {  	v37 =	vld [tilespmem:s28+$0xFFFFFF20];
	v15 =	vadd.f32 v15, v14;
	v13 =	vadd.f32 v12, v13  }
0x3c2: {  	v19 =	vmul.f32 v33, v10;
	v20 =	vmul.f32 v32, v9;
	v11 =	vld [tilespmem:s28+$0x0]  }
0x3c3: {  	v24 =	vperm.xlane v15, v3;
	v12 =	vld [tilespmem:s28+$0x10];
	v16 =	vperm.xlane v13, v2  }
0x3c4: {  	v36 =	vld [tilespmem:s28+$0xFFFFFF30];
	v17 =	vmul.f32 v38, v9;
	v22 =	vmul.f32 v39, v10;
	v19 =	vadd.f32 v20, v19  }
0x3c5: {  	v20 =	vmul.f32 v34, v8;
	v15 =	vadd.f32 v15, v24;
	v16 =	vadd.f32 v13, v16;
	v13 =	vld [tilespmem:s28+$0x20]  }
0x3c6: {  	v35 =	vld [tilespmem:s28+$0xFFFFFFB0];
	v27 =	vmul.f32 v37, v8  }
0x3c7: {  	v17 =	vadd.f32 v17, v22;
	v19 =	vadd.f32 v20, v19;
	v14 =	vld [tilespmem:s28+$0x30];
	v20 =	vperm.xlane v15, v4  }
0x3c8: {  	v23 =	vmul.f32 v11, v10;
	v26 =	vmul.f32 v12, v9;
	v16 =	vmax.f32 v16, $1.000000020e-24  }
0x3c9: {  	v17 =	vadd.f32 v27, v17;
	v15 =	vadd.f32 v15, v20;
	(erf) = vrcp.f32 v16  }
0x3ca: {  	v24 =	vmul.f32 v36, v7;
	v22 =	vadd.f32 v26, v23;
	v23 =	vmul.f32 v13, v8  }
0x3cb: {  	v20 =	vperm.xlane v15, v5;
	v26 =	vmul.f32 v35, v7  }
0x3cc: {  	v16 =	vadd.f32 v24, v17;
	v22 =	vadd.f32 v23, v22;
	v23 =	vmul.f32 v14, v7  }
0x3cd: {  	v15 =	vadd.f32 v15, v20;
	v17 =	vadd.f32 v26, v19  }
0x3ce: {  	v19 =	vadd.f32 v23, v22;
	v22 =	vperm.xlane v16, v3  }
0x3cf: {  	v20 =	vperm.xlane v15, v6;
	v23 =	vperm.xlane v17, v3  }
0x3d0: {  	v24 =	vperm.xlane v19, v3;
	v16 =	vadd.f32 v16, v22  }
0x3d1: {  	v20 =	vadd.f32 v15, v20;
	v17 =	vadd.f32 v17, v23  }
0x3d2: {  	s29 =	simm.s32 $0x1300;
	v15 =	vpop (erf);
	v19 =	vadd.f32 v19, v24;
	v22 =	vperm.xlane v16, v4  }
0x3d3: {  	v29 =	vld [tilespmem:s29+$0xB0];
	v23 =	vperm.xlane v17, v4;
	v20 =	vmul.f32 v20, v15  }
0x3d4: {  	v24 =	vperm.xlane v19, v4;
	v16 =	vadd.f32 v16, v22  }
0x3d5: {  	v23 =	vadd.f32 v17, v23;
	v22 =	vld [tilespmem:s29+$0x90];
	v28 =	vmul.f32 v20, v7  }
0x3d6: {  	v19 =	vadd.f32 v19, v24;
	v17 =	vperm.xlane v16, v5;
	v24 =	vld [tilespmem:s29+$0x80]  }
0x3d7: {  	v26 =	vperm.xlane v23, v5;
	v44 =	vsub.f32 v18, v28;
	v18 =	vld [tilespmem:s29+$0xFFFFFF90]  }
0x3d8: {  	v57 =	vmul.f32 v29, v7;
	v40 =	vmul.f32 v20, v10;
	v31 =	vadd.f32 v16, v17;
	v17 =	vld [tilespmem:s29+$0xFFFFFF10]  }
0x3d9: {  	v46 =	vmul.f32 v20, v8;
	v27 =	vperm.xlane v19, v5;
	v26 =	vadd.f32 v23, v26;
	v23 =	vld [tilespmem:s29+$0xA0]  }
0x3da: {  	v40 =	vsub.f32 v21, v40;
	v16 =	vld [tilespmem:s29+$0xFFFFFF80];
	v45 =	vmul.f32 v22, v9;
	v41 =	vperm.xlane v31, v6  }
0x3db: {  	v21 =	vld [tilespmem:s29+$0xFFFFFF20];
	v19 =	vadd.f32 v19, v27;
	v27 =	vmul.f32 v20, v9;
	v42 =	vperm.xlane v26, v6  }
0x3dc: {  	v20 =	vld [tilespmem:s29+$0x0];
	v28 =	vmul.f32 v24, v10;
	v51 =	vmul.f32 v18, v9;
	v31 =	vadd.f32 v31, v41  }
0x3dd: {  	v43 =	vperm.xlane v19, v6;
	v60 =	vadd.f32 v26, v42;
	v26 =	vld [tilespmem:s29+$0xFFFFFF00];
	v49 =	vsub.f32 v25, v27  }
0x3de: {  	v27 =	vld [tilespmem:s29+$0x20];
	v28 =	vadd.f32 v45, v28;
	v62 =	vmul.f32 v23, v8;
	v63 =	vmul.f32 v17, v9  }
0x3df: {  	v25 =	vld [tilespmem:s29+$0xFFFFFF30];
	v48 =	vmul.f32 v16, v10;
	v61 =	vadd.f32 v19, v43;
	v47 =	vmul.f32 v31, v15  }
0x3e0: {  	v19 =	vld [tilespmem:s29+$0x10];
	v41 =	vmul.f32 v60, v15;
	v60 =	vmul.f32 v21, v8;
	v31 =	vadd.f32 v62, v28  }
0x3e1: {  	v52 =	vmul.f32 v20, v10;
	v42 =	vmul.f32 v61, v15  }
0x3e2: {  	v28 =	vld [tilespmem:s29+$0xFFFFFFA0];
	v50 =	vmul.f32 v47, v10;
	v55 =	vmul.f32 v47, v9;
	v43 =	vadd.f32 v57, v31  }
0x3e3: {  	v48 =	vadd.f32 v51, v48;
	v51 =	vmul.f32 v41, v10;
	v58 =	vmul.f32 v26, v10  }
0x3e4: {  	v46 =	vsub.f32 v30, v46;
	v31 =	vld [tilespmem:s29+$0xFFFFFFB0];
	v62 =	vmul.f32 v27, v8;
	v54 =	vperm.xlane v43, v3  }
0x3e5: {  	v30 =	vld [tilespmem:s29+$0x30];
	v57 =	vmul.f32 v25, v7;
	v50 =	vsub.f32 v39, v50;
	v53 =	vmul.f32 v19, v9  }
0x3e6: {  	v45 =	vadd.f32 v63, v58;
	v63 =	vmul.f32 v47, v8;
	v43 =	vadd.f32 v43, v54  }
0x3e7: {  	v33 =	vsub.f32 v33, v51;
	v47 =	vmul.f32 v47, v7;
	v61 =	vmul.f32 v28, v8  }
0x3e8: {  	v59 =	vadd.f32 v53, v52;
	v54 =	vsub.f32 v38, v55;
	v56 =	vperm.xlane v43, v4  }
0x3e9: {  	v45 =	vadd.f32 v60, v45;
	v48 =	vadd.f32 v61, v48;
	v58 =	vmul.f32 v31, v7  }
0x3ea: {  	v39 =	vadd.f32 v62, v59;
	v59 =	vmul.f32 v30, v7;
	v43 =	vadd.f32 v43, v56  }
0x3eb: {  	v53 =	vmul.f32 v41, v9;
	v45 =	vadd.f32 v57, v45;
	v48 =	vadd.f32 v58, v48  }
0x3ec: {  	v38 =	vmul.f32 v42, v10;
	v52 =	vadd.f32 v59, v39;
	v60 =	vperm.xlane v43, v5  }
0x3ed: {  	[tilespmem:s28+$0xB0] =	vst v44;
	v55 =	vsub.f32 v37, v63;
	v61 =	vperm.xlane v45, v3;
	v62 =	vperm.xlane v48, v3  }
0x3ee: {  	[tilespmem:s28+$0x80] =	vst v40;
	v37 =	vmul.f32 v42, v8;
	v58 =	vperm.xlane v52, v3;
	v43 =	vadd.f32 v43, v60  }
0x3ef: {  	[tilespmem:s28+$0xA0] =	vst v46;
	v57 =	vmul.f32 v41, v7;
	v63 =	vadd.f32 v45, v61;
	v59 =	vadd.f32 v48, v62  }
0x3f0: {  	[tilespmem:s28+$0x90] =	vst v49;
	v56 =	vmul.f32 v41, v8;
	v41 =	vadd.f32 v52, v58;
	v60 =	vperm.xlane v43, v6  }
0x3f1: {  	[tilespmem:s28+$0xFFFFFF00] =	vst v50;
	v47 =	vsub.f32 v36, v47;
	v61 =	vperm.xlane v63, v4;
	v48 =	vperm.xlane v59, v4  }
0x3f2: {  	[tilespmem:s28+$0xFFFFFF80] =	vst v33;
	v36 =	vmul.f32 v42, v7;
	v62 =	vperm.xlane v41, v4;
	v45 =	vadd.f32 v43, v60  }
0x3f3: {  	[tilespmem:s28+$0xFFFFFF10] =	vst v54;
	v39 =	vmul.f32 v42, v9;
	v42 =	vadd.f32 v59, v48;
	v43 =	vadd.f32 v63, v61  }
0x3f4: {  	[tilespmem:s28+$0xFFFFFF20] =	vst v55;
	v41 =	vadd.f32 v41, v62;
	v63 =	vsub.f32 v32, v53;
	v40 =	vmul.f32 v45, v15  }
0x3f5: {  	[tilespmem:s28+$0xFFFFFF30] =	vst v47;
	v34 =	vsub.f32 v34, v56;
	v44 =	vperm.xlane v42, v5;
	v45 =	vperm.xlane v43, v5  }
0x3f6: {  	s30 =	simm.s32 $0x4;
	s31 =	simm.s32 $0x1500;
	v33 =	vsub.f32 v35, v57;
	v32 =	vperm.xlane v41, v5;
	[tilespmem:s28+$0xFFFFFF90] =	vst v63;
	v46 =	vmul.f32 v40, v7  }
.LBB2_26:
0x3f7: {  	v47 =	vld [tilespmem:s31+$0x80];
	v35 =	vadd.f32 v43, v45;
	v42 =	vadd.f32 v42, v44;
	v43 =	vmul.f32 v40, v10;
	[tilespmem:s28+$0xFFFFFFA0] =	vst v34  }
0x3f8: {  	s30 =	sadd.s32 $0x4, s30;
	v45 =	vmul.f32 v40, v9;
	v44 =	vld [tilespmem:s31+$0x90];
	v41 =	vadd.f32 v41, v32;
	v29 =	vsub.f32 v29, v46;
	[tilespmem:s28+$0xFFFFFFB0] =	vst v33  }
0x3f9: {  	v38 =	vsub.f32 v11, v38;
	v11 =	vmovc v20;
	p0 =	slt.u32 s30, $0x1FC;
	v46 =	vld [tilespmem:s31+$0xFFFFFF10];
	v50 =	vperm.xlane v35, v6;
	v51 =	vperm.xlane v42, v6  }
0x3fa: {  	v40 =	vmul.f32 v40, v8;
	v39 =	vsub.f32 v12, v39;
	v48 =	vld [tilespmem:s31+$0xA0];
	v20 =	vperm.xlane v41, v6;
	[tilespmem:s29+$0xB0] =	vst v29  }
0x3fb: {  	v12 =	vmovc v19;
	v32 =	vmov v28;
	v34 =	vld [tilespmem:s31+$0xFFFFFF80];
	v49 =	vadd.f32 v35, v50;
	v42 =	vadd.f32 v42, v51;
	[tilespmem:s28+$0x0] =	vst v38  }
0x3fc: {  	v19 =	vsub.f32 v13, v37;
	v13 =	vmovc v27;
	v33 =	vmov v31;
	v29 =	vld [tilespmem:s31+$0xB0];
	v28 =	vadd.f32 v41, v20;
	[tilespmem:s28+$0x10] =	vst v39  }
0x3fd: {  	v36 =	vsub.f32 v14, v36;
	v14 =	vmovc v30;
	v27 =	vmul.f32 v47, v10;
	v35 =	vld [tilespmem:s31+$0xFFFFFF90];
	v31 =	vmul.f32 v44, v9  }
0x3fe: {  	v30 =	vmul.f32 v49, v15;
	v49 =	vsub.f32 v24, v43;
	v37 =	vmul.f32 v46, v9;
	v20 =	vld [tilespmem:s31+$0x0];
	[tilespmem:s28+$0x20] =	vst v19  }
0x3ff: {  	v38 =	vmul.f32 v42, v15;
	v19 =	vld [tilespmem:s31+$0x10];
	v27 =	vadd.f32 v31, v27;
	v31 =	vmul.f32 v48, v8;
	[tilespmem:s28+$0x30] =	vst v36;
	s28 =	smov.u32 s29;
	s29 =	smov.u32 s31  }
0x400: {  	v51 =	vsub.f32 v22, v45;
	v41 =	vmul.f32 v28, v15;
	v36 =	vld [tilespmem:s31+$0xFFFFFF00];
	v39 =	vmul.f32 v34, v10;
	[tilespmem:s28+$0x80] =	vst v49  }
0x401: {  	v24 =	vmovc v47;
	v45 =	vmul.f32 v30, v10;
	v42 =	vld [tilespmem:s31+$0xFFFFFF20];
	v31 =	vadd.f32 v31, v27;
	v43 =	vmul.f32 v29, v7  }
0x402: {  	v54 =	vsub.f32 v23, v40;
	v49 =	vmul.f32 v30, v9;
	v28 =	vld [tilespmem:s31+$0xFFFFFFA0];
	v47 =	vmul.f32 v35, v9;
	[tilespmem:s28+$0x90] =	vst v51  }
0x403: {  	v22 =	vmovc v44;
	v50 =	vmul.f32 v30, v8;
	v27 =	vld [tilespmem:s31+$0x20];
	v40 =	vmul.f32 v20, v10;
	v43 =	vadd.f32 v43, v31  }
0x404: {  	v51 =	vmul.f32 v30, v7;
	v44 =	vld [tilespmem:s31+$0xFFFFFF30];
	v39 =	vadd.f32 v47, v39;
	v47 =	vmul.f32 v19, v9;
	[tilespmem:s28+$0xA0] =	vst v54  }
0x405: {  	v23 =	vmovc v48;
	v45 =	vsub.f32 v26, v45;
	v52 =	vmul.f32 v36, v10;
	v31 =	vld [tilespmem:s31+$0xFFFFFFB0];
	v53 =	vperm.xlane v43, v3  }
0x406: {  	v26 =	vmovc v36;
	v48 =	vmul.f32 v42, v8;
	v30 =	vld [tilespmem:s31+$0x30];
	v40 =	vadd.f32 v47, v40;
	v47 =	vmul.f32 v38, v10  }
0x407: {  	v36 =	vadd.f32 v37, v52;
	v37 =	vmul.f32 v28, v8;
	v43 =	vadd.f32 v43, v53;
	[tilespmem:s28+$0xFFFFFF00] =	vst v45  }
0x408: {  	v49 =	vsub.f32 v17, v49;
	v17 =	vmovc v46;
	v52 =	vmul.f32 v38, v9;
	v45 =	vmul.f32 v27, v8  }
0x409: {  	v36 =	vadd.f32 v48, v36;
	v37 =	vadd.f32 v37, v39;
	v39 =	vperm.xlane v43, v4  }
0x40a: {  	v46 =	vmul.f32 v44, v7;
	v48 =	vmul.f32 v31, v7;
	v40 =	vadd.f32 v45, v40;
	[tilespmem:s28+$0xFFFFFF10] =	vst v49  }
0x40b: {  	v49 =	vmul.f32 v38, v8;
	v45 =	vmul.f32 v30, v7;
	v39 =	vadd.f32 v43, v39  }
0x40c: {  	v36 =	vadd.f32 v46, v36;
	v37 =	vadd.f32 v48, v37;
	v48 =	vmul.f32 v38, v7  }
0x40d: {  	v38 =	vmul.f32 v41, v10;
	v40 =	vadd.f32 v45, v40;
	v43 =	vperm.xlane v39, v5  }
0x40e: {  	v50 =	vsub.f32 v21, v50;
	v21 =	vmovc v42;
	v45 =	vperm.xlane v36, v3;
	v46 =	vperm.xlane v37, v3  }
0x40f: {  	v42 =	vperm.xlane v40, v3;
	v43 =	vadd.f32 v39, v43;
	v39 =	vmul.f32 v41, v9  }
0x410: {  	v45 =	vadd.f32 v36, v45;
	v46 =	vadd.f32 v37, v46;
	[tilespmem:s28+$0xFFFFFF20] =	vst v50;
	v37 =	vmul.f32 v41, v8  }
0x411: {  	v36 =	vmul.f32 v41, v7;
	v40 =	vadd.f32 v40, v42;
	v42 =	vperm.xlane v43, v6  }
0x412: {  	v51 =	vsub.f32 v25, v51;
	v25 =	vmovc v44;
	v41 =	vperm.xlane v45, v4;
	v50 =	vperm.xlane v46, v4  }
.Ltmp12:
0x413: {  	v47 =	vsub.f32 v16, v47;
	v16 =	vmovc v34;
	v44 =	vperm.xlane v40, v4;
	v53 =	vadd.f32 v43, v42;
	(pc) =	sbr.rel @p0 .LBB2_26-.Ltmp12, $4  }
0x414: {  	v43 =	vadd.f32 v45, v41;
	v42 =	vadd.f32 v46, v50;
	[tilespmem:s28+$0xFFFFFF30] =	vst v51  }
0x415: {  	v41 =	vadd.f32 v40, v44;
	v40 =	vmul.f32 v53, v15;
	[tilespmem:s28+$0xFFFFFF80] =	vst v47;
	v47 =	vsub.f32 v18, v52  }
0x416: {  	v34 =	vsub.f32 v32, v49;
	v45 =	vperm.xlane v43, v5;
	v18 =	vmovc v35;
	v44 =	vperm.xlane v42, v5  }
0x417: {  	s31 =	sadd.s32 $0x200, s31;
	v33 =	vsub.f32 v33, v48;
	v32 =	vperm.xlane v41, v5;
	v46 =	vmul.f32 v40, v7;
	[tilespmem:s28+$0xFFFFFF90] =	vst v47  }
0x418: {  	v35 =	vadd.f32 v43, v45;
	_ =	sdelay $0x1  }
0x419: {  	[tilespmem:s28+$0xFFFFFFA0] =	vst v34;
	v11 =	vsub.f32 v11, v38;
	v63 =	vperm.xlane v35, v6  }
0x41a: {  	v42 =	vadd.f32 v42, v44;
	v12 =	vsub.f32 v12, v39;
	[tilespmem:s28+$0xFFFFFFB0] =	vst v33  }
0x41b: {  	v44 =	vsub.f32 v13, v37;
	[tilespmem:s28+$0x0] =	vst v11;
	v38 =	vadd.f32 v35, v63  }
0x41c: {  	v39 =	vmul.f32 v40, v10;
	v43 =	vmul.f32 v40, v9;
	v29 =	vsub.f32 v29, v46;
	[tilespmem:s28+$0x10] =	vst v12  }
0x41d: {  	v46 =	vsub.f32 v14, v36;
	v45 =	vperm.xlane v42, v6;
	[tilespmem:s28+$0x20] =	vst v44;
	v47 =	vmul.f32 v38, v15  }
0x41e: {  	v49 =	vmul.f32 v40, v8;
	v48 =	vadd.f32 v41, v32;
	v24 =	vsub.f32 v24, v39;
	[tilespmem:s29+$0xB0] =	vst v29  }
0x41f: {  	v51 =	vsub.f32 v22, v43;
	[tilespmem:s28+$0x30] =	vst v46;
	v50 =	vadd.f32 v42, v45;
	v52 =	vmul.f32 v47, v10  }
0x420: {  	v23 =	vsub.f32 v23, v49;
	v53 =	vperm.xlane v48, v6;
	[tilespmem:s29+$0x80] =	vst v24;
	v54 =	vmul.f32 v47, v9  }
0x421: {  	[tilespmem:s29+$0x90] =	vst v51;
	v11 =	vmul.f32 v50, v15;
	v55 =	vmul.f32 v47, v8;
	v13 =	vsub.f32 v26, v52  }
0x422: {  	[tilespmem:s29+$0xA0] =	vst v23;
	v22 =	vadd.f32 v48, v53;
	v14 =	vmul.f32 v47, v7;
	v17 =	vsub.f32 v17, v54  }
0x423: {  	v56 =	vmul.f32 v11, v10;
	v12 =	vsub.f32 v21, v55;
	[tilespmem:s29+$0xFFFFFF00] =	vst v13  }
0x424: {  	v58 =	vmul.f32 v22, v15;
	v59 =	vmul.f32 v11, v8;
	v14 =	vsub.f32 v25, v14;
	[tilespmem:s29+$0xFFFFFF10] =	vst v17  }
0x425: {  	v57 =	vmul.f32 v11, v9;
	v11 =	vmul.f32 v11, v7;
	v60 =	vsub.f32 v16, v56;
	[tilespmem:s29+$0xFFFFFF20] =	vst v12  }
0x426: {  	v61 =	vmul.f32 v58, v10;
	v62 =	vsub.f32 v28, v59;
	[tilespmem:s29+$0xFFFFFF30] =	vst v14  }
0x427: {  	v63 =	vmul.f32 v58, v9;
	v11 =	vsub.f32 v31, v11;
	[tilespmem:s29+$0xFFFFFF80] =	vst v60  }
0x428: {  	v8 =	vmul.f32 v58, v8;
	v10 =	vsub.f32 v20, v61;
	[tilespmem:s29+$0xFFFFFFA0] =	vst v62  }
0x429: {  	v7 =	vmul.f32 v58, v7;
	v9 =	vsub.f32 v19, v63;
	[tilespmem:s29+$0xFFFFFFB0] =	vst v11  }
0x42a: {  	v8 =	vsub.f32 v27, v8;
	[tilespmem:s29+$0x0] =	vst v10  }
0x42b: {  	v7 =	vsub.f32 v30, v7;
	[tilespmem:s29+$0x10] =	vst v9  }
0x42c: {  	v13 =	vsub.f32 v18, v57;
	[tilespmem:s29+$0x20] =	vst v8  }
0x42d: {  	[tilespmem:s29+$0x30] =	vst v7  }
0x42e: {  	[tilespmem:s29+$0xFFFFFF90] =	vst v13  }
0x42f: {  	s1 =	sld [smem:$0x7F9];
	_ =	sdelay $0x1  }
0x430: {  	s0 =	simm.s32 $0x0;
	s2 =	simm.s32 $0x1000  }
0x431: {  	[hbm4b:s1+s0] =	stream.linear.scatter [tilespmem:s2], [sflag:$0x2], $0x10000, $0x38;
	[tilespmem:$0x15800] =	vst v63  }
0x432: {  	s29 =	simm.s32 $0x0;
	_ =	swait.ge [sflag:s22], $0x10000  }
0x433: {  	s31 =	sand.u32 $0x70, s29;
	s0 =	sand.u32 $0xC00, s0;
	[sflag:s22] =	ssyncset.done $0x0  }
0x434: {  	s0 =	sor.u32 s31, s0;
	[sflag:s22] =	ssyncadd.s32 $0xFFFF0000  }
0x435: {  	v7 =	vld [tilespmem:s0+$0x180];
	_ =	sdelay $0x4  }
0x436: {  	v7 =	vshll.u32 v7, $0x4  }
0x437: {  	(v2sf) =	vpush v7, $0x0  }
0x438: {  	(v2sf) =	vpush v7, $0x1  }
0x439: {  	(v2sf) =	vpush v7, $0x2;
	_ =	sdelay $0x1  }
0x43a: {  	(v2sf) =	vpush v7, $0x3;
	_ =	sdelay $0x1  }
0x43b: {  	(v2sf) =	vpush v7, $0x4;
	_ =	sdelay $0x1  }
0x43c: {  	(v2sf) =	vpush v7, $0x5  }
0x43d: {  	s30 =	simm.s32 $0x80;
	s28 =	simm.s32 $0x1780  }
.LBB2_28:
0x43e: {  	s29 =	sadd.s32 $0x10, s29;
	s0 =	sadd.s32 $0xFFFFFE80, s28;
	s31 =	sadd.s32 $0xFFFFFF00, s28;
	(v2sf) =	vpush v7, $0x6  }
0x43f: {  	s3 =	sadd.s32 $0xFFFFFD00, s28;
	s1 =	sadd.s32 $0xFFFFFD80, s28;
	s2 =	sadd.s32 $0xFFFFFE00, s28  }
0x440: {  	s17 =	sadd.s32 $0xFFFFFB80, s28;
	s16 =	sadd.s32 $0xFFFFFC00, s28;
	s15 =	sadd.s32 $0xFFFFFC80, s28;
	(v2sf) =	vpush v7, $0x7  }
0x441: {  	s9 =	sadd.s32 $0xFFFFFA00, s28;
	s10 =	sadd.s32 $0xFFFFFA80, s28;
	s11 =	sadd.s32 $0xFFFFFB00, s28  }
0x442: {  	s12 =	sadd.s32 $0xFFFFF880, s28;
	s13 =	sadd.s32 $0xFFFFF900, s28;
	s19 =	sadd.s32 $0xFFFFF980, s28;
	(v2sf) =	vpush v7, $0x8  }
0x443: {  	s20 =	sand.u32 $0xC00, s30;
	s18 =	sand.u32 $0x70, s29;
	s21 =	spop (v2sf)  }
0x444: {  	s18 =	sor.u32 s18, s20;
	s20 =	sand.u32 $0x1FFFFFF0, s21;
	s21 =	spop (v2sf);
	(v2sf) =	vpush v7, $0x9  }
0x445: {  	s20 =	sadd.s32 s5, s20;
	s21 =	sand.u32 $0x1FFFFFF0, s21;
	s25 =	spop (v2sf)  }
0x446: {  	[tilespmem:s12], [sflag:$0x1] =	stream.linear.gather [hbm4b:s20+s4], $0x80, $0x38;
	(v2sf) =	vpush v7, $0xA;
	[tilespmem:$0x15800] =	vst v63  }
0x447: {  	s12 =	sadd.s32 s5, s21;
	s20 =	sand.u32 $0x1FFFFFF0, s25;
	s21 =	spop (v2sf)  }
0x448: {  	[tilespmem:s13], [sflag:$0x1] =	stream.linear.gather [hbm4b:s12+s4], $0x80, $0x38;
	(v2sf) =	vpush v7, $0xB;
	[tilespmem:$0x15800] =	vst v63  }
0x449: {  	s12 =	sadd.s32 s5, s20;
	s13 =	sand.u32 $0x1FFFFFF0, s21;
	s20 =	spop (v2sf)  }
0x44a: {  	[tilespmem:s19], [sflag:$0x1] =	stream.linear.gather [hbm4b:s12+s4], $0x80, $0x38;
	(v2sf) =	vpush v7, $0xC;
	[tilespmem:$0x15800] =	vst v63  }
0x44b: {  	s12 =	sadd.s32 s5, s13;
	s13 =	sand.u32 $0x1FFFFFF0, s20;
	s19 =	spop (v2sf)  }
0x44c: {  	[tilespmem:s9], [sflag:$0x1] =	stream.linear.gather [hbm4b:s12+s4], $0x80, $0x38;
	(v2sf) =	vpush v7, $0xD;
	[tilespmem:$0x15800] =	vst v63  }
0x44d: {  	s9 =	sadd.s32 s5, s13;
	s12 =	sand.u32 $0x1FFFFFF0, s19;
	s13 =	spop (v2sf)  }
0x44e: {  	[tilespmem:s10], [sflag:$0x1] =	stream.linear.gather [hbm4b:s9+s4], $0x80, $0x38;
	(v2sf) =	vpush v7, $0xE;
	[tilespmem:$0x15800] =	vst v63  }
0x44f: {  	s9 =	sadd.s32 s5, s12;
	s10 =	sand.u32 $0x1FFFFFF0, s13;
	s12 =	spop (v2sf)  }
0x450: {  	[tilespmem:s11], [sflag:$0x1] =	stream.linear.gather [hbm4b:s9+s4], $0x80, $0x38;
	(v2sf) =	vpush v7, $0xF;
	[tilespmem:$0x15800] =	vst v63  }
0x451: {  	s9 =	sadd.s32 s5, s10;
	s10 =	sand.u32 $0x1FFFFFF0, s12;
	s11 =	spop (v2sf)  }
0x452: {  	[tilespmem:s17], [sflag:$0x1] =	stream.linear.gather [hbm4b:s9+s4], $0x80, $0x38;
	[tilespmem:$0x15800] =	vst v63  }
0x453: {  	s9 =	sadd.s32 s5, s10;
	s10 =	sand.u32 $0x1FFFFFF0, s11;
	s11 =	spop (v2sf)  }
0x454: {  	[tilespmem:s16], [sflag:$0x1] =	stream.linear.gather [hbm4b:s9+s4], $0x80, $0x38;
	[tilespmem:$0x15800] =	vst v63  }
0x455: {  	s9 =	sadd.s32 s5, s10;
	s10 =	sand.u32 $0x1FFFFFF0, s11;
	s11 =	spop (v2sf)  }
0x456: {  	v7 =	vld [tilespmem:s18+$0x180];
	[tilespmem:s15], [sflag:$0x1] =	stream.linear.gather [hbm4b:s9+s4], $0x80, $0x38  }
0x457: {  	s9 =	sadd.s32 s5, s10;
	s10 =	sand.u32 $0x1FFFFFF0, s11;
	s11 =	spop (v2sf)  }
0x458: {  	[tilespmem:s3], [sflag:$0x1] =	stream.linear.gather [hbm4b:s9+s4], $0x80, $0x38;
	[tilespmem:$0x15800] =	vst v63  }
0x459: {  	s3 =	sadd.s32 s5, s10;
	s9 =	sand.u32 $0x1FFFFFF0, s11;
	s10 =	spop (v2sf)  }
0x45a: {  	[tilespmem:s1], [sflag:$0x1] =	stream.linear.gather [hbm4b:s3+s4], $0x80, $0x38;
	[tilespmem:$0x15800] =	vst v63  }
0x45b: {  	s1 =	sadd.s32 s5, s9;
	s3 =	sand.u32 $0x1FFFFFF0, s10;
	v7 =	vshll.u32 v7, $0x4;
	s9 =	spop (v2sf)  }
0x45c: {  	(v2sf) =	vpush v7, $0x0;
	[tilespmem:s2], [sflag:$0x1] =	stream.linear.gather [hbm4b:s1+s4], $0x80, $0x38;
	[tilespmem:$0x15800] =	vst v63  }
0x45d: {  	s1 =	sadd.s32 s5, s3;
	s2 =	sand.u32 $0x1FFFFFF0, s9;
	(v2sf) =	vpush v7, $0x1;
	s3 =	spop (v2sf)  }
0x45e: {  	[tilespmem:s0], [sflag:$0x1] =	stream.linear.gather [hbm4b:s1+s4], $0x80, $0x38;
	[tilespmem:$0x15800] =	vst v63  }
0x45f: {  	p0 =	slt.u32 s29, $0x1F0;
	(v2sf) =	vpush v7, $0x2;
	s1 =	sand.u32 $0x1FFFFFF0, s3  }
0x460: {  	s0 =	sadd.s32 s5, s2;
	s2 =	spop (v2sf);
	s1 =	sadd.s32 s5, s1  }
0x461: {  	(v2sf) =	vpush v7, $0x3;
	[tilespmem:s31], [sflag:$0x1] =	stream.linear.gather [hbm4b:s0+s4], $0x80, $0x38;
	[tilespmem:$0x15800] =	vst v63  }
.Ltmp13:
0x462: {  	s0 =	sadd.s32 $0xFFFFFF80, s28;
	s2 =	sand.u32 $0x1FFFFFF0, s2;
	(pc) =	sbr.rel @p0 .LBB2_28-.Ltmp13, $4  }
0x463: {  	(v2sf) =	vpush v7, $0x4;
	[tilespmem:s0], [sflag:$0x1] =	stream.linear.gather [hbm4b:s1+s4], $0x80, $0x38;
	[tilespmem:$0x15800] =	vst v63  }
0x464: {  	s0 =	sadd.s32 s5, s2  }
0x465: {  	(v2sf) =	vpush v7, $0x5;
	[tilespmem:s28], [sflag:$0x1] =	stream.linear.gather [hbm4b:s0+s4], $0x80, $0x38;
	[tilespmem:$0x15800] =	vst v63  }
0x466: {  	s30 =	sadd.s32 $0x80, s30;
	s28 =	sadd.s32 $0x800, s28  }
0x467: {  	(v2sf) =	vpush v7, $0x6  }
0x468: {  	s1 =	sadd.s32 $0xFFFFFE80, s28;
	s0 =	sadd.s32 $0xFFFFFF00, s28  }
0x469: {  	s15 =	sadd.s32 $0xFFFFFD00, s28;
	s3 =	sadd.s32 $0xFFFFFD80, s28;
	s2 =	sadd.s32 $0xFFFFFE00, s28;
	(v2sf) =	vpush v7, $0x7  }
0x46a: {  	s9 =	sadd.s32 $0xFFFFFB80, s28;
	s10 =	sadd.s32 $0xFFFFFC00, s28;
	s11 =	sadd.s32 $0xFFFFFC80, s28  }
0x46b: {  	s12 =	sadd.s32 $0xFFFFFA00, s28;
	s13 =	sadd.s32 $0xFFFFFA80, s28;
	s16 =	sadd.s32 $0xFFFFFB00, s28;
	(v2sf) =	vpush v7, $0x8  }
0x46c: {  	s17 =	sadd.s32 $0xFFFFF880, s28;
	s18 =	sadd.s32 $0xFFFFF900, s28;
	s19 =	spop (v2sf)  }
0x46d: {  	s20 =	sadd.s32 $0xFFFFF980, s28;
	s19 =	sand.u32 $0x1FFFFFF0, s19;
	s21 =	spop (v2sf);
	(v2sf) =	vpush v7, $0x9  }
0x46e: {  	s19 =	sadd.s32 s5, s19;
	s21 =	sand.u32 $0x1FFFFFF0, s21;
	s25 =	spop (v2sf)  }
0x46f: {  	[tilespmem:s17], [sflag:$0x1] =	stream.linear.gather [hbm4b:s19+s4], $0x80, $0x38;
	(v2sf) =	vpush v7, $0xA;
	[tilespmem:$0x15800] =	vst v63  }
0x470: {  	s29 =	sadd.s32 s5, s21;
	s30 =	sand.u32 $0x1FFFFFF0, s25;
	s31 =	spop (v2sf)  }
0x471: {  	[tilespmem:s18], [sflag:$0x1] =	stream.linear.gather [hbm4b:s29+s4], $0x80, $0x38;
	(v2sf) =	vpush v7, $0xB;
	[tilespmem:$0x15800] =	vst v63  }
0x472: {  	s19 =	sadd.s32 s5, s30;
	s21 =	sand.u32 $0x1FFFFFF0, s31;
	s25 =	spop (v2sf)  }
0x473: {  	[tilespmem:s20], [sflag:$0x1] =	stream.linear.gather [hbm4b:s19+s4], $0x80, $0x38;
	(v2sf) =	vpush v7, $0xC;
	[tilespmem:$0x15800] =	vst v63  }
0x474: {  	s29 =	sadd.s32 s5, s21;
	s30 =	sand.u32 $0x1FFFFFF0, s25;
	s31 =	spop (v2sf)  }
0x475: {  	[tilespmem:s12], [sflag:$0x1] =	stream.linear.gather [hbm4b:s29+s4], $0x80, $0x38;
	(v2sf) =	vpush v7, $0xD;
	[tilespmem:$0x15800] =	vst v63  }
0x476: {  	s17 =	sadd.s32 s5, s30;
	s18 =	sand.u32 $0x1FFFFFF0, s31;
	s19 =	spop (v2sf)  }
0x477: {  	(v2sf) =	vpush v7, $0xE;
	[tilespmem:s13], [sflag:$0x1] =	stream.linear.gather [hbm4b:s17+s4], $0x80, $0x38;
	[tilespmem:$0x15800] =	vst v63  }
0x478: {  	s20 =	sadd.s32 s5, s18;
	s21 =	sand.u32 $0x1FFFFFF0, s19;
	s25 =	spop (v2sf)  }
0x479: {  	(v2sf) =	vpush v7, $0xF;
	[tilespmem:s16], [sflag:$0x1] =	stream.linear.gather [hbm4b:s20+s4], $0x80, $0x38;
	[tilespmem:$0x15800] =	vst v63  }
0x47a: {  	s29 =	sadd.s32 s5, s21;
	s30 =	sand.u32 $0x1FFFFFF0, s25;
	s31 =	spop (v2sf)  }
0x47b: {  	[tilespmem:s9], [sflag:$0x1] =	stream.linear.gather [hbm4b:s29+s4], $0x80, $0x38;
	[tilespmem:$0x15800] =	vst v63  }
0x47c: {  	s12 =	sadd.s32 s5, s30;
	s13 =	sand.u32 $0x1FFFFFF0, s31;
	s16 =	spop (v2sf)  }
0x47d: {  	[tilespmem:s10], [sflag:$0x1] =	stream.linear.gather [hbm4b:s12+s4], $0x80, $0x38;
	[tilespmem:$0x15800] =	vst v63  }
0x47e: {  	s17 =	sadd.s32 s5, s13;
	s18 =	sand.u32 $0x1FFFFFF0, s16;
	s19 =	spop (v2sf)  }
0x47f: {  	[tilespmem:s11], [sflag:$0x1] =	stream.linear.gather [hbm4b:s17+s4], $0x80, $0x38;
	[tilespmem:$0x15800] =	vst v63  }
0x480: {  	s20 =	sadd.s32 s5, s18;
	s21 =	sand.u32 $0x1FFFFFF0, s19;
	s25 =	spop (v2sf)  }
0x481: {  	[tilespmem:s15], [sflag:$0x1] =	stream.linear.gather [hbm4b:s20+s4], $0x80, $0x38;
	[tilespmem:$0x15800] =	vst v63  }
0x482: {  	s29 =	sadd.s32 s5, s21;
	s30 =	sand.u32 $0x1FFFFFF0, s25;
	s31 =	spop (v2sf)  }
0x483: {  	[tilespmem:s3], [sflag:$0x1] =	stream.linear.gather [hbm4b:s29+s4], $0x80, $0x38;
	[tilespmem:$0x15800] =	vst v63  }
0x484: {  	s12 =	sadd.s32 s5, s30;
	s13 =	sand.u32 $0x1FFFFFF0, s31;
	s15 =	spop (v2sf)  }
0x485: {  	[tilespmem:s2], [sflag:$0x1] =	stream.linear.gather [hbm4b:s12+s4], $0x80, $0x38;
	[tilespmem:$0x15800] =	vst v63  }
0x486: {  	s16 =	sadd.s32 s5, s13;
	s17 =	sand.u32 $0x1FFFFFF0, s15;
	s18 =	spop (v2sf)  }
0x487: {  	[tilespmem:s1], [sflag:$0x1] =	stream.linear.gather [hbm4b:s16+s4], $0x80, $0x38;
	[tilespmem:$0x15800] =	vst v63  }
0x488: {  	s19 =	sadd.s32 s5, s17;
	s20 =	sand.u32 $0x1FFFFFF0, s18;
	s21 =	spop (v2sf)  }
0x489: {  	[tilespmem:s0], [sflag:$0x1] =	stream.linear.gather [hbm4b:s19+s4], $0x80, $0x38;
	[tilespmem:$0x15800] =	vst v63  }
0x48a: {  	s25 =	sadd.s32 $0xFFFFFF80, s28;
	s29 =	sadd.s32 s5, s20;
	s30 =	sand.u32 $0x1FFFFFF0, s21  }
0x48b: {  	[tilespmem:s25], [sflag:$0x1] =	stream.linear.gather [hbm4b:s29+s4], $0x80, $0x38;
	[tilespmem:$0x15800] =	vst v63  }
0x48c: {  	s31 =	sadd.s32 s5, s30  }
0x48d: {  	[tilespmem:s28], [sflag:$0x1] =	stream.linear.gather [hbm4b:s31+s4], $0x80, $0x38;
	[tilespmem:$0x15800] =	vst v63  }
0x48e: {  	_ =	swait.ge [sflag:s24], $0x80  }
0x48f: {  	[sflag:s24] =	ssyncset.done $0x0  }
0x490: {  	[sflag:s24] =	ssyncadd.s32 $0xFFFFFF80  }
0x491: {  	_ =	swait.ge [sflag:s24], $0x80  }
0x492: {  	[sflag:s24] =	ssyncset.done $0x0  }
0x493: {  	[sflag:s24] =	ssyncadd.s32 $0xFFFFFF80  }
0x494: {  	_ =	swait.ge [sflag:s24], $0x80  }
0x495: {  	[sflag:s24] =	ssyncset.done $0x0  }
0x496: {  	[sflag:s24] =	ssyncadd.s32 $0xFFFFFF80  }
0x497: {  	_ =	swait.ge [sflag:s24], $0x80  }
0x498: {  	[sflag:s24] =	ssyncset.done $0x0  }
0x499: {  	[sflag:s24] =	ssyncadd.s32 $0xFFFFFF80  }
0x49a: {  	_ =	swait.ge [sflag:s24], $0x80  }
0x49b: {  	[sflag:s24] =	ssyncset.done $0x0  }
0x49c: {  	[sflag:s24] =	ssyncadd.s32 $0xFFFFFF80  }
0x49d: {  	_ =	swait.ge [sflag:s24], $0x80  }
0x49e: {  	[sflag:s24] =	ssyncset.done $0x0  }
0x49f: {  	[sflag:s24] =	ssyncadd.s32 $0xFFFFFF80  }
0x4a0: {  	_ =	swait.ge [sflag:s24], $0x80  }
0x4a1: {  	[sflag:s24] =	ssyncset.done $0x0  }
0x4a2: {  	[sflag:s24] =	ssyncadd.s32 $0xFFFFFF80  }
0x4a3: {  	_ =	swait.ge [sflag:s24], $0x80  }
0x4a4: {  	s0 =	simm.s32 $0x0;
	[sflag:s24] =	ssyncset.done $0x0  }
.LBB2_30:
0x4a5: {  	s0 =	sadd.s32 $0x8, s0;
	[sflag:s24] =	ssyncadd.s32 $0xFFFFFF80  }
0x4a6: {  	_ =	swait.ge [sflag:s24], $0x80;
	p0 =	slt.u32 s0, $0x1F8  }
0x4a7: {  	[sflag:s24] =	ssyncset.done $0x0  }
0x4a8: {  	[sflag:s24] =	ssyncadd.s32 $0xFFFFFF80  }
0x4a9: {  	_ =	swait.ge [sflag:s24], $0x80  }
0x4aa: {  	[sflag:s24] =	ssyncset.done $0x0  }
0x4ab: {  	[sflag:s24] =	ssyncadd.s32 $0xFFFFFF80  }
0x4ac: {  	_ =	swait.ge [sflag:s24], $0x80  }
0x4ad: {  	[sflag:s24] =	ssyncset.done $0x0  }
0x4ae: {  	[sflag:s24] =	ssyncadd.s32 $0xFFFFFF80  }
0x4af: {  	_ =	swait.ge [sflag:s24], $0x80  }
0x4b0: {  	[sflag:s24] =	ssyncset.done $0x0  }
0x4b1: {  	[sflag:s24] =	ssyncadd.s32 $0xFFFFFF80  }
0x4b2: {  	_ =	swait.ge [sflag:s24], $0x80  }
0x4b3: {  	[sflag:s24] =	ssyncset.done $0x0  }
0x4b4: {  	[sflag:s24] =	ssyncadd.s32 $0xFFFFFF80  }
0x4b5: {  	_ =	swait.ge [sflag:s24], $0x80  }
0x4b6: {  	[sflag:s24] =	ssyncset.done $0x0  }
0x4b7: {  	[sflag:s24] =	ssyncadd.s32 $0xFFFFFF80  }
.Ltmp14:
0x4b8: {  	_ =	swait.ge [sflag:s24], $0x80;
	(pc) =	sbr.rel @p0 .LBB2_30-.Ltmp14, $4  }
0x4b9: {  	[sflag:s24] =	ssyncset.done $0x0  }
0x4ba: {  	[sflag:s24] =	ssyncadd.s32 $0xFFFFFF80  }
0x4bb: {  	_ =	swait.ge [sflag:s24], $0x80  }
0x4bc: {  	[sflag:s24] =	ssyncset.done $0x0  }
0x4bd: {  	v10 =	vld [tilespmem:$0x15100]  }
0x4be: {  	v9 =	vld [tilespmem:$0x15110];
	_ =	sdelay $0x1  }
0x4bf: {  	v8 =	vld [tilespmem:$0x15120];
	_ =	sdelay $0x1  }
0x4c0: {  	v7 =	vld [tilespmem:$0x15130]  }
0x4c1: {  	v11 =	vmul.f32 v10, v10;
	v12 =	vmul.f32 v9, v9;
	_ =	sdelay $0x1  }
0x4c2: {  	v11 =	vadd.f32 v12, v11;
	v12 =	vmul.f32 v8, v8;
	_ =	sdelay $0x1  }
0x4c3: {  	v11 =	vadd.f32 v12, v11;
	v12 =	vmul.f32 v7, v7  }
0x4c4: {  	[sflag:s24] =	ssyncadd.s32 $0xFFFFFF80;
	s28 =	simm.s32 $0x1100  }
0x4c5: {  	v21 =	vld [tilespmem:s28+$0x80];
	v11 =	vadd.f32 v12, v11  }
0x4c6: {  	v25 =	vld [tilespmem:s28+$0x90]  }
0x4c7: {  	v12 =	vperm.xlane v11, v3  }
0x4c8: {  	v30 =	vld [tilespmem:s28+$0xA0]  }
0x4c9: {  	v11 =	vadd.f32 v11, v12  }
0x4ca: {  	v18 =	vld [tilespmem:s28+$0xB0];
	v14 =	vmul.f32 v21, v10  }
0x4cb: {  	v15 =	vmul.f32 v25, v9;
	v12 =	vperm.xlane v11, v0  }
0x4cc: {  	v33 =	vld [tilespmem:s28+$0xFFFFFF80]  }
0x4cd: {  	v32 =	vld [tilespmem:s28+$0xFFFFFF90];
	v14 =	vadd.f32 v15, v14;
	v15 =	vmul.f32 v30, v8;
	v12 =	vadd.f32 v11, v12  }
0x4ce: {  	v38 =	vld [tilespmem:s28+$0xFFFFFF10]  }
0x4cf: {  	v39 =	vld [tilespmem:s28+$0xFFFFFF00];
	v14 =	vadd.f32 v15, v14;
	v15 =	vmul.f32 v18, v7;
	v13 =	vperm.xlane v12, v1  }
0x4d0: {  	v34 =	vld [tilespmem:s28+$0xFFFFFFA0]  }
0x4d1: {  	v37 =	vld [tilespmem:s28+$0xFFFFFF20];
	v15 =	vadd.f32 v15, v14;
	v13 =	vadd.f32 v12, v13  }
0x4d2: {  	v19 =	vmul.f32 v33, v10;
	v20 =	vmul.f32 v32, v9;
	v11 =	vld [tilespmem:s28+$0x0]  }
0x4d3: {  	v24 =	vperm.xlane v15, v3;
	v12 =	vld [tilespmem:s28+$0x10];
	v16 =	vperm.xlane v13, v2  }
0x4d4: {  	v36 =	vld [tilespmem:s28+$0xFFFFFF30];
	v17 =	vmul.f32 v38, v9;
	v22 =	vmul.f32 v39, v10;
	v19 =	vadd.f32 v20, v19  }
0x4d5: {  	v20 =	vmul.f32 v34, v8;
	v15 =	vadd.f32 v15, v24;
	v16 =	vadd.f32 v13, v16;
	v13 =	vld [tilespmem:s28+$0x20]  }
0x4d6: {  	v35 =	vld [tilespmem:s28+$0xFFFFFFB0];
	v27 =	vmul.f32 v37, v8  }
0x4d7: {  	v17 =	vadd.f32 v17, v22;
	v19 =	vadd.f32 v20, v19;
	v14 =	vld [tilespmem:s28+$0x30];
	v20 =	vperm.xlane v15, v4  }
0x4d8: {  	v23 =	vmul.f32 v11, v10;
	v26 =	vmul.f32 v12, v9;
	v16 =	vmax.f32 v16, $1.000000020e-24  }
0x4d9: {  	v17 =	vadd.f32 v27, v17;
	v15 =	vadd.f32 v15, v20;
	(erf) = vrcp.f32 v16  }
0x4da: {  	v24 =	vmul.f32 v36, v7;
	v22 =	vadd.f32 v26, v23;
	v23 =	vmul.f32 v13, v8  }
0x4db: {  	v20 =	vperm.xlane v15, v5;
	v26 =	vmul.f32 v35, v7  }
0x4dc: {  	v16 =	vadd.f32 v24, v17;
	v22 =	vadd.f32 v23, v22;
	v23 =	vmul.f32 v14, v7  }
0x4dd: {  	v15 =	vadd.f32 v15, v20;
	v17 =	vadd.f32 v26, v19  }
0x4de: {  	v19 =	vadd.f32 v23, v22;
	v22 =	vperm.xlane v16, v3  }
0x4df: {  	v20 =	vperm.xlane v15, v6;
	v23 =	vperm.xlane v17, v3  }
0x4e0: {  	v24 =	vperm.xlane v19, v3;
	v16 =	vadd.f32 v16, v22  }
0x4e1: {  	v20 =	vadd.f32 v15, v20;
	v17 =	vadd.f32 v17, v23  }
0x4e2: {  	s29 =	simm.s32 $0x1300;
	v15 =	vpop (erf);
	v19 =	vadd.f32 v19, v24;
	v22 =	vperm.xlane v16, v4  }
0x4e3: {  	v29 =	vld [tilespmem:s29+$0xB0];
	v23 =	vperm.xlane v17, v4;
	v20 =	vmul.f32 v20, v15  }
0x4e4: {  	v24 =	vperm.xlane v19, v4;
	v16 =	vadd.f32 v16, v22  }
0x4e5: {  	v23 =	vadd.f32 v17, v23;
	v22 =	vld [tilespmem:s29+$0x90];
	v28 =	vmul.f32 v20, v7  }
0x4e6: {  	v19 =	vadd.f32 v19, v24;
	v17 =	vperm.xlane v16, v5;
	v24 =	vld [tilespmem:s29+$0x80]  }
0x4e7: {  	v26 =	vperm.xlane v23, v5;
	v44 =	vsub.f32 v18, v28;
	v18 =	vld [tilespmem:s29+$0xFFFFFF90]  }
0x4e8: {  	v57 =	vmul.f32 v29, v7;
	v40 =	vmul.f32 v20, v10;
	v31 =	vadd.f32 v16, v17;
	v17 =	vld [tilespmem:s29+$0xFFFFFF10]  }
0x4e9: {  	v46 =	vmul.f32 v20, v8;
	v27 =	vperm.xlane v19, v5;
	v26 =	vadd.f32 v23, v26;
	v23 =	vld [tilespmem:s29+$0xA0]  }
0x4ea: {  	v40 =	vsub.f32 v21, v40;
	v16 =	vld [tilespmem:s29+$0xFFFFFF80];
	v45 =	vmul.f32 v22, v9;
	v41 =	vperm.xlane v31, v6  }
0x4eb: {  	v21 =	vld [tilespmem:s29+$0xFFFFFF20];
	v19 =	vadd.f32 v19, v27;
	v27 =	vmul.f32 v20, v9;
	v42 =	vperm.xlane v26, v6  }
0x4ec: {  	v20 =	vld [tilespmem:s29+$0x0];
	v28 =	vmul.f32 v24, v10;
	v51 =	vmul.f32 v18, v9;
	v31 =	vadd.f32 v31, v41  }
0x4ed: {  	v43 =	vperm.xlane v19, v6;
	v60 =	vadd.f32 v26, v42;
	v26 =	vld [tilespmem:s29+$0xFFFFFF00];
	v49 =	vsub.f32 v25, v27  }
0x4ee: {  	v27 =	vld [tilespmem:s29+$0x20];
	v28 =	vadd.f32 v45, v28;
	v62 =	vmul.f32 v23, v8;
	v63 =	vmul.f32 v17, v9  }
0x4ef: {  	v25 =	vld [tilespmem:s29+$0xFFFFFF30];
	v48 =	vmul.f32 v16, v10;
	v61 =	vadd.f32 v19, v43;
	v47 =	vmul.f32 v31, v15  }
0x4f0: {  	v19 =	vld [tilespmem:s29+$0x10];
	v41 =	vmul.f32 v60, v15;
	v60 =	vmul.f32 v21, v8;
	v31 =	vadd.f32 v62, v28  }
0x4f1: {  	v52 =	vmul.f32 v20, v10;
	v42 =	vmul.f32 v61, v15  }
0x4f2: {  	v28 =	vld [tilespmem:s29+$0xFFFFFFA0];
	v50 =	vmul.f32 v47, v10;
	v55 =	vmul.f32 v47, v9;
	v43 =	vadd.f32 v57, v31  }
0x4f3: {  	v48 =	vadd.f32 v51, v48;
	v51 =	vmul.f32 v41, v10;
	v58 =	vmul.f32 v26, v10  }
0x4f4: {  	v46 =	vsub.f32 v30, v46;
	v31 =	vld [tilespmem:s29+$0xFFFFFFB0];
	v62 =	vmul.f32 v27, v8;
	v54 =	vperm.xlane v43, v3  }
0x4f5: {  	v30 =	vld [tilespmem:s29+$0x30];
	v57 =	vmul.f32 v25, v7;
	v50 =	vsub.f32 v39, v50;
	v53 =	vmul.f32 v19, v9  }
0x4f6: {  	v45 =	vadd.f32 v63, v58;
	v63 =	vmul.f32 v47, v8;
	v43 =	vadd.f32 v43, v54  }
0x4f7: {  	v33 =	vsub.f32 v33, v51;
	v47 =	vmul.f32 v47, v7;
	v61 =	vmul.f32 v28, v8  }
0x4f8: {  	v59 =	vadd.f32 v53, v52;
	v54 =	vsub.f32 v38, v55;
	v56 =	vperm.xlane v43, v4  }
0x4f9: {  	v45 =	vadd.f32 v60, v45;
	v48 =	vadd.f32 v61, v48;
	v58 =	vmul.f32 v31, v7  }
0x4fa: {  	v39 =	vadd.f32 v62, v59;
	v59 =	vmul.f32 v30, v7;
	v43 =	vadd.f32 v43, v56  }
0x4fb: {  	v53 =	vmul.f32 v41, v9;
	v45 =	vadd.f32 v57, v45;
	v48 =	vadd.f32 v58, v48  }
0x4fc: {  	v38 =	vmul.f32 v42, v10;
	v52 =	vadd.f32 v59, v39;
	v60 =	vperm.xlane v43, v5  }
0x4fd: {  	[tilespmem:s28+$0xB0] =	vst v44;
	v55 =	vsub.f32 v37, v63;
	v61 =	vperm.xlane v45, v3;
	v62 =	vperm.xlane v48, v3  }
0x4fe: {  	[tilespmem:s28+$0x80] =	vst v40;
	v37 =	vmul.f32 v42, v8;
	v58 =	vperm.xlane v52, v3;
	v43 =	vadd.f32 v43, v60  }
0x4ff: {  	[tilespmem:s28+$0xA0] =	vst v46;
	v57 =	vmul.f32 v41, v7;
	v63 =	vadd.f32 v45, v61;
	v59 =	vadd.f32 v48, v62  }
0x500: {  	[tilespmem:s28+$0x90] =	vst v49;
	v56 =	vmul.f32 v41, v8;
	v41 =	vadd.f32 v52, v58;
	v60 =	vperm.xlane v43, v6  }
0x501: {  	[tilespmem:s28+$0xFFFFFF00] =	vst v50;
	v47 =	vsub.f32 v36, v47;
	v61 =	vperm.xlane v63, v4;
	v48 =	vperm.xlane v59, v4  }
0x502: {  	[tilespmem:s28+$0xFFFFFF80] =	vst v33;
	v36 =	vmul.f32 v42, v7;
	v62 =	vperm.xlane v41, v4;
	v45 =	vadd.f32 v43, v60  }
0x503: {  	[tilespmem:s28+$0xFFFFFF10] =	vst v54;
	v39 =	vmul.f32 v42, v9;
	v42 =	vadd.f32 v59, v48;
	v43 =	vadd.f32 v63, v61  }
0x504: {  	[tilespmem:s28+$0xFFFFFF20] =	vst v55;
	v41 =	vadd.f32 v41, v62;
	v63 =	vsub.f32 v32, v53;
	v40 =	vmul.f32 v45, v15  }
0x505: {  	[tilespmem:s28+$0xFFFFFF30] =	vst v47;
	v34 =	vsub.f32 v34, v56;
	v44 =	vperm.xlane v42, v5;
	v45 =	vperm.xlane v43, v5  }
0x506: {  	s30 =	simm.s32 $0x4;
	s31 =	simm.s32 $0x1500;
	v33 =	vsub.f32 v35, v57;
	v32 =	vperm.xlane v41, v5;
	[tilespmem:s28+$0xFFFFFF90] =	vst v63;
	v46 =	vmul.f32 v40, v7  }
.LBB2_32:
0x507: {  	v47 =	vld [tilespmem:s31+$0x80];
	v35 =	vadd.f32 v43, v45;
	v42 =	vadd.f32 v42, v44;
	v43 =	vmul.f32 v40, v10;
	[tilespmem:s28+$0xFFFFFFA0] =	vst v34  }
0x508: {  	s30 =	sadd.s32 $0x4, s30;
	v45 =	vmul.f32 v40, v9;
	v44 =	vld [tilespmem:s31+$0x90];
	v41 =	vadd.f32 v41, v32;
	v29 =	vsub.f32 v29, v46;
	[tilespmem:s28+$0xFFFFFFB0] =	vst v33  }
0x509: {  	v38 =	vsub.f32 v11, v38;
	v11 =	vmovc v20;
	p0 =	slt.u32 s30, $0x1FC;
	v46 =	vld [tilespmem:s31+$0xFFFFFF10];
	v50 =	vperm.xlane v35, v6;
	v51 =	vperm.xlane v42, v6  }
0x50a: {  	v40 =	vmul.f32 v40, v8;
	v39 =	vsub.f32 v12, v39;
	v48 =	vld [tilespmem:s31+$0xA0];
	v20 =	vperm.xlane v41, v6;
	[tilespmem:s29+$0xB0] =	vst v29  }
0x50b: {  	v12 =	vmovc v19;
	v32 =	vmov v28;
	v34 =	vld [tilespmem:s31+$0xFFFFFF80];
	v49 =	vadd.f32 v35, v50;
	v42 =	vadd.f32 v42, v51;
	[tilespmem:s28+$0x0] =	vst v38  }
0x50c: {  	v19 =	vsub.f32 v13, v37;
	v13 =	vmovc v27;
	v33 =	vmov v31;
	v29 =	vld [tilespmem:s31+$0xB0];
	v28 =	vadd.f32 v41, v20;
	[tilespmem:s28+$0x10] =	vst v39  }
0x50d: {  	v36 =	vsub.f32 v14, v36;
	v14 =	vmovc v30;
	v27 =	vmul.f32 v47, v10;
	v35 =	vld [tilespmem:s31+$0xFFFFFF90];
	v31 =	vmul.f32 v44, v9  }
0x50e: {  	v30 =	vmul.f32 v49, v15;
	v49 =	vsub.f32 v24, v43;
	v37 =	vmul.f32 v46, v9;
	v20 =	vld [tilespmem:s31+$0x0];
	[tilespmem:s28+$0x20] =	vst v19  }
0x50f: {  	v38 =	vmul.f32 v42, v15;
	v19 =	vld [tilespmem:s31+$0x10];
	v27 =	vadd.f32 v31, v27;
	v31 =	vmul.f32 v48, v8;
	[tilespmem:s28+$0x30] =	vst v36;
	s28 =	smov.u32 s29;
	s29 =	smov.u32 s31  }
0x510: {  	v51 =	vsub.f32 v22, v45;
	v41 =	vmul.f32 v28, v15;
	v36 =	vld [tilespmem:s31+$0xFFFFFF00];
	v39 =	vmul.f32 v34, v10;
	[tilespmem:s28+$0x80] =	vst v49  }
0x511: {  	v24 =	vmovc v47;
	v45 =	vmul.f32 v30, v10;
	v42 =	vld [tilespmem:s31+$0xFFFFFF20];
	v31 =	vadd.f32 v31, v27;
	v43 =	vmul.f32 v29, v7  }
0x512: {  	v54 =	vsub.f32 v23, v40;
	v49 =	vmul.f32 v30, v9;
	v28 =	vld [tilespmem:s31+$0xFFFFFFA0];
	v47 =	vmul.f32 v35, v9;
	[tilespmem:s28+$0x90] =	vst v51  }
0x513: {  	v22 =	vmovc v44;
	v50 =	vmul.f32 v30, v8;
	v27 =	vld [tilespmem:s31+$0x20];
	v40 =	vmul.f32 v20, v10;
	v43 =	vadd.f32 v43, v31  }
0x514: {  	v51 =	vmul.f32 v30, v7;
	v44 =	vld [tilespmem:s31+$0xFFFFFF30];
	v39 =	vadd.f32 v47, v39;
	v47 =	vmul.f32 v19, v9;
	[tilespmem:s28+$0xA0] =	vst v54  }
0x515: {  	v23 =	vmovc v48;
	v45 =	vsub.f32 v26, v45;
	v52 =	vmul.f32 v36, v10;
	v31 =	vld [tilespmem:s31+$0xFFFFFFB0];
	v53 =	vperm.xlane v43, v3  }
0x516: {  	v26 =	vmovc v36;
	v48 =	vmul.f32 v42, v8;
	v30 =	vld [tilespmem:s31+$0x30];
	v40 =	vadd.f32 v47, v40;
	v47 =	vmul.f32 v38, v10  }
0x517: {  	v36 =	vadd.f32 v37, v52;
	v37 =	vmul.f32 v28, v8;
	v43 =	vadd.f32 v43, v53;
	[tilespmem:s28+$0xFFFFFF00] =	vst v45  }
0x518: {  	v49 =	vsub.f32 v17, v49;
	v17 =	vmovc v46;
	v52 =	vmul.f32 v38, v9;
	v45 =	vmul.f32 v27, v8  }
0x519: {  	v36 =	vadd.f32 v48, v36;
	v37 =	vadd.f32 v37, v39;
	v39 =	vperm.xlane v43, v4  }
0x51a: {  	v46 =	vmul.f32 v44, v7;
	v48 =	vmul.f32 v31, v7;
	v40 =	vadd.f32 v45, v40;
	[tilespmem:s28+$0xFFFFFF10] =	vst v49  }
0x51b: {  	v49 =	vmul.f32 v38, v8;
	v45 =	vmul.f32 v30, v7;
	v39 =	vadd.f32 v43, v39  }
0x51c: {  	v36 =	vadd.f32 v46, v36;
	v37 =	vadd.f32 v48, v37;
	v48 =	vmul.f32 v38, v7  }
0x51d: {  	v38 =	vmul.f32 v41, v10;
	v40 =	vadd.f32 v45, v40;
	v43 =	vperm.xlane v39, v5  }
0x51e: {  	v50 =	vsub.f32 v21, v50;
	v21 =	vmovc v42;
	v45 =	vperm.xlane v36, v3;
	v46 =	vperm.xlane v37, v3  }
0x51f: {  	v42 =	vperm.xlane v40, v3;
	v43 =	vadd.f32 v39, v43;
	v39 =	vmul.f32 v41, v9  }
0x520: {  	v45 =	vadd.f32 v36, v45;
	v46 =	vadd.f32 v37, v46;
	[tilespmem:s28+$0xFFFFFF20] =	vst v50;
	v37 =	vmul.f32 v41, v8  }
0x521: {  	v36 =	vmul.f32 v41, v7;
	v40 =	vadd.f32 v40, v42;
	v42 =	vperm.xlane v43, v6  }
0x522: {  	v51 =	vsub.f32 v25, v51;
	v25 =	vmovc v44;
	v41 =	vperm.xlane v45, v4;
	v50 =	vperm.xlane v46, v4  }
.Ltmp15:
0x523: {  	v47 =	vsub.f32 v16, v47;
	v16 =	vmovc v34;
	v44 =	vperm.xlane v40, v4;
	v53 =	vadd.f32 v43, v42;
	(pc) =	sbr.rel @p0 .LBB2_32-.Ltmp15, $4  }
0x524: {  	v43 =	vadd.f32 v45, v41;
	v42 =	vadd.f32 v46, v50;
	[tilespmem:s28+$0xFFFFFF30] =	vst v51  }
0x525: {  	v41 =	vadd.f32 v40, v44;
	v40 =	vmul.f32 v53, v15;
	[tilespmem:s28+$0xFFFFFF80] =	vst v47;
	v47 =	vsub.f32 v18, v52  }
0x526: {  	v34 =	vsub.f32 v32, v49;
	v45 =	vperm.xlane v43, v5;
	v18 =	vmovc v35;
	v44 =	vperm.xlane v42, v5  }
0x527: {  	s31 =	sadd.s32 $0x200, s31;
	v33 =	vsub.f32 v33, v48;
	v32 =	vperm.xlane v41, v5;
	v46 =	vmul.f32 v40, v7;
	[tilespmem:s28+$0xFFFFFF90] =	vst v47  }
0x528: {  	v35 =	vadd.f32 v43, v45;
	_ =	sdelay $0x1  }
0x529: {  	[tilespmem:s28+$0xFFFFFFA0] =	vst v34;
	v11 =	vsub.f32 v11, v38;
	v63 =	vperm.xlane v35, v6  }
0x52a: {  	v42 =	vadd.f32 v42, v44;
	v12 =	vsub.f32 v12, v39;
	[tilespmem:s28+$0xFFFFFFB0] =	vst v33  }
0x52b: {  	v44 =	vsub.f32 v13, v37;
	[tilespmem:s28+$0x0] =	vst v11;
	v38 =	vadd.f32 v35, v63  }
0x52c: {  	v39 =	vmul.f32 v40, v10;
	v43 =	vmul.f32 v40, v9;
	v29 =	vsub.f32 v29, v46;
	[tilespmem:s28+$0x10] =	vst v12  }
0x52d: {  	v46 =	vsub.f32 v14, v36;
	v45 =	vperm.xlane v42, v6;
	[tilespmem:s28+$0x20] =	vst v44;
	v47 =	vmul.f32 v38, v15  }
0x52e: {  	v49 =	vmul.f32 v40, v8;
	v48 =	vadd.f32 v41, v32;
	v24 =	vsub.f32 v24, v39;
	[tilespmem:s29+$0xB0] =	vst v29  }
0x52f: {  	v51 =	vsub.f32 v22, v43;
	[tilespmem:s28+$0x30] =	vst v46;
	v50 =	vadd.f32 v42, v45;
	v52 =	vmul.f32 v47, v10  }
0x530: {  	v23 =	vsub.f32 v23, v49;
	v53 =	vperm.xlane v48, v6;
	[tilespmem:s29+$0x80] =	vst v24;
	v54 =	vmul.f32 v47, v9  }
0x531: {  	[tilespmem:s29+$0x90] =	vst v51;
	v11 =	vmul.f32 v50, v15;
	v55 =	vmul.f32 v47, v8;
	v13 =	vsub.f32 v26, v52  }
0x532: {  	[tilespmem:s29+$0xA0] =	vst v23;
	v22 =	vadd.f32 v48, v53;
	v14 =	vmul.f32 v47, v7;
	v17 =	vsub.f32 v17, v54  }
0x533: {  	v56 =	vmul.f32 v11, v10;
	v12 =	vsub.f32 v21, v55;
	[tilespmem:s29+$0xFFFFFF00] =	vst v13  }
0x534: {  	v58 =	vmul.f32 v22, v15;
	v59 =	vmul.f32 v11, v8;
	v14 =	vsub.f32 v25, v14;
	[tilespmem:s29+$0xFFFFFF10] =	vst v17  }
0x535: {  	v57 =	vmul.f32 v11, v9;
	v11 =	vmul.f32 v11, v7;
	v60 =	vsub.f32 v16, v56;
	[tilespmem:s29+$0xFFFFFF20] =	vst v12  }
0x536: {  	v61 =	vmul.f32 v58, v10;
	v62 =	vsub.f32 v28, v59;
	[tilespmem:s29+$0xFFFFFF30] =	vst v14  }
0x537: {  	v63 =	vmul.f32 v58, v9;
	v11 =	vsub.f32 v31, v11;
	[tilespmem:s29+$0xFFFFFF80] =	vst v60  }
0x538: {  	v8 =	vmul.f32 v58, v8;
	v10 =	vsub.f32 v20, v61;
	[tilespmem:s29+$0xFFFFFFA0] =	vst v62  }
0x539: {  	v7 =	vmul.f32 v58, v7;
	v9 =	vsub.f32 v19, v63;
	[tilespmem:s29+$0xFFFFFFB0] =	vst v11  }
0x53a: {  	v8 =	vsub.f32 v27, v8;
	[tilespmem:s29+$0x0] =	vst v10  }
0x53b: {  	v7 =	vsub.f32 v30, v7;
	[tilespmem:s29+$0x10] =	vst v9  }
0x53c: {  	v13 =	vsub.f32 v18, v57;
	[tilespmem:s29+$0x20] =	vst v8  }
0x53d: {  	[tilespmem:s29+$0x30] =	vst v7  }
0x53e: {  	[tilespmem:s29+$0xFFFFFF90] =	vst v13  }
0x53f: {  	s1 =	sld [smem:$0x7FA];
	_ =	sdelay $0x1  }
0x540: {  	s0 =	simm.s32 $0x0;
	s2 =	simm.s32 $0x1000  }
0x541: {  	[hbm4b:s1+s0] =	stream.linear.scatter [tilespmem:s2], [sflag:$0x2], $0x10000, $0x38;
	[tilespmem:$0x15800] =	vst v63  }
0x542: {  	s29 =	simm.s32 $0x0;
	_ =	swait.ge [sflag:s22], $0x10000  }
0x543: {  	s31 =	sand.u32 $0x70, s29;
	s0 =	sand.u32 $0xC00, s0;
	[sflag:s22] =	ssyncset.done $0x0  }
0x544: {  	s0 =	sor.u32 s31, s0;
	[sflag:s22] =	ssyncadd.s32 $0xFFFF0000  }
0x545: {  	v7 =	vld [tilespmem:s0+$0x200];
	_ =	sdelay $0x4  }
0x546: {  	v7 =	vshll.u32 v7, $0x4  }
0x547: {  	(v2sf) =	vpush v7, $0x0  }
0x548: {  	(v2sf) =	vpush v7, $0x1  }
0x549: {  	(v2sf) =	vpush v7, $0x2;
	_ =	sdelay $0x1  }
0x54a: {  	(v2sf) =	vpush v7, $0x3;
	_ =	sdelay $0x1  }
0x54b: {  	(v2sf) =	vpush v7, $0x4;
	_ =	sdelay $0x1  }
0x54c: {  	(v2sf) =	vpush v7, $0x5  }
0x54d: {  	s30 =	simm.s32 $0x80;
	s28 =	simm.s32 $0x1780  }
.LBB2_34:
0x54e: {  	s29 =	sadd.s32 $0x10, s29;
	s0 =	sadd.s32 $0xFFFFFE80, s28;
	s31 =	sadd.s32 $0xFFFFFF00, s28;
	(v2sf) =	vpush v7, $0x6  }
0x54f: {  	s3 =	sadd.s32 $0xFFFFFD00, s28;
	s1 =	sadd.s32 $0xFFFFFD80, s28;
	s2 =	sadd.s32 $0xFFFFFE00, s28  }
0x550: {  	s17 =	sadd.s32 $0xFFFFFB80, s28;
	s16 =	sadd.s32 $0xFFFFFC00, s28;
	s15 =	sadd.s32 $0xFFFFFC80, s28;
	(v2sf) =	vpush v7, $0x7  }
0x551: {  	s9 =	sadd.s32 $0xFFFFFA00, s28;
	s10 =	sadd.s32 $0xFFFFFA80, s28;
	s11 =	sadd.s32 $0xFFFFFB00, s28  }
0x552: {  	s12 =	sadd.s32 $0xFFFFF880, s28;
	s13 =	sadd.s32 $0xFFFFF900, s28;
	s19 =	sadd.s32 $0xFFFFF980, s28;
	(v2sf) =	vpush v7, $0x8  }
0x553: {  	s20 =	sand.u32 $0xC00, s30;
	s18 =	sand.u32 $0x70, s29;
	s21 =	spop (v2sf)  }
0x554: {  	s18 =	sor.u32 s18, s20;
	s20 =	sand.u32 $0x1FFFFFF0, s21;
	s21 =	spop (v2sf);
	(v2sf) =	vpush v7, $0x9  }
0x555: {  	s20 =	sadd.s32 s6, s20;
	s21 =	sand.u32 $0x1FFFFFF0, s21;
	s25 =	spop (v2sf)  }
0x556: {  	[tilespmem:s12], [sflag:$0x1] =	stream.linear.gather [hbm4b:s20+s4], $0x80, $0x38;
	(v2sf) =	vpush v7, $0xA;
	[tilespmem:$0x15800] =	vst v63  }
0x557: {  	s12 =	sadd.s32 s6, s21;
	s20 =	sand.u32 $0x1FFFFFF0, s25;
	s21 =	spop (v2sf)  }
0x558: {  	[tilespmem:s13], [sflag:$0x1] =	stream.linear.gather [hbm4b:s12+s4], $0x80, $0x38;
	(v2sf) =	vpush v7, $0xB;
	[tilespmem:$0x15800] =	vst v63  }
0x559: {  	s12 =	sadd.s32 s6, s20;
	s13 =	sand.u32 $0x1FFFFFF0, s21;
	s20 =	spop (v2sf)  }
0x55a: {  	[tilespmem:s19], [sflag:$0x1] =	stream.linear.gather [hbm4b:s12+s4], $0x80, $0x38;
	(v2sf) =	vpush v7, $0xC;
	[tilespmem:$0x15800] =	vst v63  }
0x55b: {  	s12 =	sadd.s32 s6, s13;
	s13 =	sand.u32 $0x1FFFFFF0, s20;
	s19 =	spop (v2sf)  }
0x55c: {  	[tilespmem:s9], [sflag:$0x1] =	stream.linear.gather [hbm4b:s12+s4], $0x80, $0x38;
	(v2sf) =	vpush v7, $0xD;
	[tilespmem:$0x15800] =	vst v63  }
0x55d: {  	s9 =	sadd.s32 s6, s13;
	s12 =	sand.u32 $0x1FFFFFF0, s19;
	s13 =	spop (v2sf)  }
0x55e: {  	[tilespmem:s10], [sflag:$0x1] =	stream.linear.gather [hbm4b:s9+s4], $0x80, $0x38;
	(v2sf) =	vpush v7, $0xE;
	[tilespmem:$0x15800] =	vst v63  }
0x55f: {  	s9 =	sadd.s32 s6, s12;
	s10 =	sand.u32 $0x1FFFFFF0, s13;
	s12 =	spop (v2sf)  }
0x560: {  	[tilespmem:s11], [sflag:$0x1] =	stream.linear.gather [hbm4b:s9+s4], $0x80, $0x38;
	(v2sf) =	vpush v7, $0xF;
	[tilespmem:$0x15800] =	vst v63  }
0x561: {  	s9 =	sadd.s32 s6, s10;
	s10 =	sand.u32 $0x1FFFFFF0, s12;
	s11 =	spop (v2sf)  }
0x562: {  	[tilespmem:s17], [sflag:$0x1] =	stream.linear.gather [hbm4b:s9+s4], $0x80, $0x38;
	[tilespmem:$0x15800] =	vst v63  }
0x563: {  	s9 =	sadd.s32 s6, s10;
	s10 =	sand.u32 $0x1FFFFFF0, s11;
	s11 =	spop (v2sf)  }
0x564: {  	[tilespmem:s16], [sflag:$0x1] =	stream.linear.gather [hbm4b:s9+s4], $0x80, $0x38;
	[tilespmem:$0x15800] =	vst v63  }
0x565: {  	s9 =	sadd.s32 s6, s10;
	s10 =	sand.u32 $0x1FFFFFF0, s11;
	s11 =	spop (v2sf)  }
0x566: {  	v7 =	vld [tilespmem:s18+$0x200];
	[tilespmem:s15], [sflag:$0x1] =	stream.linear.gather [hbm4b:s9+s4], $0x80, $0x38  }
0x567: {  	s9 =	sadd.s32 s6, s10;
	s10 =	sand.u32 $0x1FFFFFF0, s11;
	s11 =	spop (v2sf)  }
0x568: {  	[tilespmem:s3], [sflag:$0x1] =	stream.linear.gather [hbm4b:s9+s4], $0x80, $0x38;
	[tilespmem:$0x15800] =	vst v63  }
0x569: {  	s3 =	sadd.s32 s6, s10;
	s9 =	sand.u32 $0x1FFFFFF0, s11;
	s10 =	spop (v2sf)  }
0x56a: {  	[tilespmem:s1], [sflag:$0x1] =	stream.linear.gather [hbm4b:s3+s4], $0x80, $0x38;
	[tilespmem:$0x15800] =	vst v63  }
0x56b: {  	s1 =	sadd.s32 s6, s9;
	s3 =	sand.u32 $0x1FFFFFF0, s10;
	v7 =	vshll.u32 v7, $0x4;
	s9 =	spop (v2sf)  }
0x56c: {  	(v2sf) =	vpush v7, $0x0;
	[tilespmem:s2], [sflag:$0x1] =	stream.linear.gather [hbm4b:s1+s4], $0x80, $0x38;
	[tilespmem:$0x15800] =	vst v63  }
0x56d: {  	s1 =	sadd.s32 s6, s3;
	s2 =	sand.u32 $0x1FFFFFF0, s9;
	(v2sf) =	vpush v7, $0x1;
	s3 =	spop (v2sf)  }
0x56e: {  	[tilespmem:s0], [sflag:$0x1] =	stream.linear.gather [hbm4b:s1+s4], $0x80, $0x38;
	[tilespmem:$0x15800] =	vst v63  }
0x56f: {  	p0 =	slt.u32 s29, $0x1F0;
	(v2sf) =	vpush v7, $0x2;
	s1 =	sand.u32 $0x1FFFFFF0, s3  }
0x570: {  	s0 =	sadd.s32 s6, s2;
	s2 =	spop (v2sf);
	s1 =	sadd.s32 s6, s1  }
0x571: {  	(v2sf) =	vpush v7, $0x3;
	[tilespmem:s31], [sflag:$0x1] =	stream.linear.gather [hbm4b:s0+s4], $0x80, $0x38;
	[tilespmem:$0x15800] =	vst v63  }
.Ltmp16:
0x572: {  	s0 =	sadd.s32 $0xFFFFFF80, s28;
	s2 =	sand.u32 $0x1FFFFFF0, s2;
	(pc) =	sbr.rel @p0 .LBB2_34-.Ltmp16, $4  }
0x573: {  	(v2sf) =	vpush v7, $0x4;
	[tilespmem:s0], [sflag:$0x1] =	stream.linear.gather [hbm4b:s1+s4], $0x80, $0x38;
	[tilespmem:$0x15800] =	vst v63  }
0x574: {  	s0 =	sadd.s32 s6, s2  }
0x575: {  	(v2sf) =	vpush v7, $0x5;
	[tilespmem:s28], [sflag:$0x1] =	stream.linear.gather [hbm4b:s0+s4], $0x80, $0x38;
	[tilespmem:$0x15800] =	vst v63  }
0x576: {  	s30 =	sadd.s32 $0x80, s30;
	s28 =	sadd.s32 $0x800, s28  }
0x577: {  	(v2sf) =	vpush v7, $0x6  }
0x578: {  	s1 =	sadd.s32 $0xFFFFFE80, s28;
	s0 =	sadd.s32 $0xFFFFFF00, s28  }
0x579: {  	s15 =	sadd.s32 $0xFFFFFD00, s28;
	s3 =	sadd.s32 $0xFFFFFD80, s28;
	s2 =	sadd.s32 $0xFFFFFE00, s28;
	(v2sf) =	vpush v7, $0x7  }
0x57a: {  	s9 =	sadd.s32 $0xFFFFFB80, s28;
	s10 =	sadd.s32 $0xFFFFFC00, s28;
	s11 =	sadd.s32 $0xFFFFFC80, s28  }
0x57b: {  	s12 =	sadd.s32 $0xFFFFFA00, s28;
	s13 =	sadd.s32 $0xFFFFFA80, s28;
	s16 =	sadd.s32 $0xFFFFFB00, s28;
	(v2sf) =	vpush v7, $0x8  }
0x57c: {  	s17 =	sadd.s32 $0xFFFFF880, s28;
	s18 =	sadd.s32 $0xFFFFF900, s28;
	s19 =	spop (v2sf)  }
0x57d: {  	s20 =	sadd.s32 $0xFFFFF980, s28;
	s19 =	sand.u32 $0x1FFFFFF0, s19;
	s21 =	spop (v2sf);
	(v2sf) =	vpush v7, $0x9  }
0x57e: {  	s19 =	sadd.s32 s6, s19;
	s21 =	sand.u32 $0x1FFFFFF0, s21;
	s25 =	spop (v2sf)  }
0x57f: {  	[tilespmem:s17], [sflag:$0x1] =	stream.linear.gather [hbm4b:s19+s4], $0x80, $0x38;
	(v2sf) =	vpush v7, $0xA;
	[tilespmem:$0x15800] =	vst v63  }
0x580: {  	s29 =	sadd.s32 s6, s21;
	s30 =	sand.u32 $0x1FFFFFF0, s25;
	s31 =	spop (v2sf)  }
0x581: {  	[tilespmem:s18], [sflag:$0x1] =	stream.linear.gather [hbm4b:s29+s4], $0x80, $0x38;
	(v2sf) =	vpush v7, $0xB;
	[tilespmem:$0x15800] =	vst v63  }
0x582: {  	s19 =	sadd.s32 s6, s30;
	s21 =	sand.u32 $0x1FFFFFF0, s31;
	s25 =	spop (v2sf)  }
0x583: {  	[tilespmem:s20], [sflag:$0x1] =	stream.linear.gather [hbm4b:s19+s4], $0x80, $0x38;
	(v2sf) =	vpush v7, $0xC;
	[tilespmem:$0x15800] =	vst v63  }
0x584: {  	s29 =	sadd.s32 s6, s21;
	s30 =	sand.u32 $0x1FFFFFF0, s25;
	s31 =	spop (v2sf)  }
0x585: {  	[tilespmem:s12], [sflag:$0x1] =	stream.linear.gather [hbm4b:s29+s4], $0x80, $0x38;
	(v2sf) =	vpush v7, $0xD;
	[tilespmem:$0x15800] =	vst v63  }
0x586: {  	s17 =	sadd.s32 s6, s30;
	s18 =	sand.u32 $0x1FFFFFF0, s31;
	s19 =	spop (v2sf)  }
0x587: {  	(v2sf) =	vpush v7, $0xE;
	[tilespmem:s13], [sflag:$0x1] =	stream.linear.gather [hbm4b:s17+s4], $0x80, $0x38;
	[tilespmem:$0x15800] =	vst v63  }
0x588: {  	s20 =	sadd.s32 s6, s18;
	s21 =	sand.u32 $0x1FFFFFF0, s19;
	s25 =	spop (v2sf)  }
0x589: {  	(v2sf) =	vpush v7, $0xF;
	[tilespmem:s16], [sflag:$0x1] =	stream.linear.gather [hbm4b:s20+s4], $0x80, $0x38;
	[tilespmem:$0x15800] =	vst v63  }
0x58a: {  	s29 =	sadd.s32 s6, s21;
	s30 =	sand.u32 $0x1FFFFFF0, s25;
	s31 =	spop (v2sf)  }
0x58b: {  	[tilespmem:s9], [sflag:$0x1] =	stream.linear.gather [hbm4b:s29+s4], $0x80, $0x38;
	[tilespmem:$0x15800] =	vst v63  }
0x58c: {  	s12 =	sadd.s32 s6, s30;
	s13 =	sand.u32 $0x1FFFFFF0, s31;
	s16 =	spop (v2sf)  }
0x58d: {  	[tilespmem:s10], [sflag:$0x1] =	stream.linear.gather [hbm4b:s12+s4], $0x80, $0x38;
	[tilespmem:$0x15800] =	vst v63  }
0x58e: {  	s17 =	sadd.s32 s6, s13;
	s18 =	sand.u32 $0x1FFFFFF0, s16;
	s19 =	spop (v2sf)  }
0x58f: {  	[tilespmem:s11], [sflag:$0x1] =	stream.linear.gather [hbm4b:s17+s4], $0x80, $0x38;
	[tilespmem:$0x15800] =	vst v63  }
0x590: {  	s20 =	sadd.s32 s6, s18;
	s21 =	sand.u32 $0x1FFFFFF0, s19;
	s25 =	spop (v2sf)  }
0x591: {  	[tilespmem:s15], [sflag:$0x1] =	stream.linear.gather [hbm4b:s20+s4], $0x80, $0x38;
	[tilespmem:$0x15800] =	vst v63  }
0x592: {  	s29 =	sadd.s32 s6, s21;
	s30 =	sand.u32 $0x1FFFFFF0, s25;
	s31 =	spop (v2sf)  }
0x593: {  	[tilespmem:s3], [sflag:$0x1] =	stream.linear.gather [hbm4b:s29+s4], $0x80, $0x38;
	[tilespmem:$0x15800] =	vst v63  }
0x594: {  	s12 =	sadd.s32 s6, s30;
	s13 =	sand.u32 $0x1FFFFFF0, s31;
	s15 =	spop (v2sf)  }
0x595: {  	[tilespmem:s2], [sflag:$0x1] =	stream.linear.gather [hbm4b:s12+s4], $0x80, $0x38;
	[tilespmem:$0x15800] =	vst v63  }
0x596: {  	s16 =	sadd.s32 s6, s13;
	s17 =	sand.u32 $0x1FFFFFF0, s15;
	s18 =	spop (v2sf)  }
0x597: {  	[tilespmem:s1], [sflag:$0x1] =	stream.linear.gather [hbm4b:s16+s4], $0x80, $0x38;
	[tilespmem:$0x15800] =	vst v63  }
0x598: {  	s19 =	sadd.s32 s6, s17;
	s20 =	sand.u32 $0x1FFFFFF0, s18;
	s21 =	spop (v2sf)  }
0x599: {  	[tilespmem:s0], [sflag:$0x1] =	stream.linear.gather [hbm4b:s19+s4], $0x80, $0x38;
	[tilespmem:$0x15800] =	vst v63  }
0x59a: {  	s25 =	sadd.s32 $0xFFFFFF80, s28;
	s29 =	sadd.s32 s6, s20;
	s30 =	sand.u32 $0x1FFFFFF0, s21  }
0x59b: {  	[tilespmem:s25], [sflag:$0x1] =	stream.linear.gather [hbm4b:s29+s4], $0x80, $0x38;
	[tilespmem:$0x15800] =	vst v63  }
0x59c: {  	s31 =	sadd.s32 s6, s30  }
0x59d: {  	[tilespmem:s28], [sflag:$0x1] =	stream.linear.gather [hbm4b:s31+s4], $0x80, $0x38;
	[tilespmem:$0x15800] =	vst v63  }
0x59e: {  	_ =	swait.ge [sflag:s24], $0x80  }
0x59f: {  	[sflag:s24] =	ssyncset.done $0x0  }
0x5a0: {  	[sflag:s24] =	ssyncadd.s32 $0xFFFFFF80  }
0x5a1: {  	_ =	swait.ge [sflag:s24], $0x80  }
0x5a2: {  	[sflag:s24] =	ssyncset.done $0x0  }
0x5a3: {  	[sflag:s24] =	ssyncadd.s32 $0xFFFFFF80  }
0x5a4: {  	_ =	swait.ge [sflag:s24], $0x80  }
0x5a5: {  	[sflag:s24] =	ssyncset.done $0x0  }
0x5a6: {  	[sflag:s24] =	ssyncadd.s32 $0xFFFFFF80  }
0x5a7: {  	_ =	swait.ge [sflag:s24], $0x80  }
0x5a8: {  	[sflag:s24] =	ssyncset.done $0x0  }
0x5a9: {  	[sflag:s24] =	ssyncadd.s32 $0xFFFFFF80  }
0x5aa: {  	_ =	swait.ge [sflag:s24], $0x80  }
0x5ab: {  	[sflag:s24] =	ssyncset.done $0x0  }
0x5ac: {  	[sflag:s24] =	ssyncadd.s32 $0xFFFFFF80  }
0x5ad: {  	_ =	swait.ge [sflag:s24], $0x80  }
0x5ae: {  	[sflag:s24] =	ssyncset.done $0x0  }
0x5af: {  	[sflag:s24] =	ssyncadd.s32 $0xFFFFFF80  }
0x5b0: {  	_ =	swait.ge [sflag:s24], $0x80  }
0x5b1: {  	[sflag:s24] =	ssyncset.done $0x0  }
0x5b2: {  	[sflag:s24] =	ssyncadd.s32 $0xFFFFFF80  }
0x5b3: {  	_ =	swait.ge [sflag:s24], $0x80  }
0x5b4: {  	s0 =	simm.s32 $0x0;
	[sflag:s24] =	ssyncset.done $0x0  }
.LBB2_36:
0x5b5: {  	s0 =	sadd.s32 $0x8, s0;
	[sflag:s24] =	ssyncadd.s32 $0xFFFFFF80  }
0x5b6: {  	_ =	swait.ge [sflag:s24], $0x80;
	p0 =	slt.u32 s0, $0x1F8  }
0x5b7: {  	[sflag:s24] =	ssyncset.done $0x0  }
0x5b8: {  	[sflag:s24] =	ssyncadd.s32 $0xFFFFFF80  }
0x5b9: {  	_ =	swait.ge [sflag:s24], $0x80  }
0x5ba: {  	[sflag:s24] =	ssyncset.done $0x0  }
0x5bb: {  	[sflag:s24] =	ssyncadd.s32 $0xFFFFFF80  }
0x5bc: {  	_ =	swait.ge [sflag:s24], $0x80  }
0x5bd: {  	[sflag:s24] =	ssyncset.done $0x0  }
0x5be: {  	[sflag:s24] =	ssyncadd.s32 $0xFFFFFF80  }
0x5bf: {  	_ =	swait.ge [sflag:s24], $0x80  }
0x5c0: {  	[sflag:s24] =	ssyncset.done $0x0  }
0x5c1: {  	[sflag:s24] =	ssyncadd.s32 $0xFFFFFF80  }
0x5c2: {  	_ =	swait.ge [sflag:s24], $0x80  }
0x5c3: {  	[sflag:s24] =	ssyncset.done $0x0  }
0x5c4: {  	[sflag:s24] =	ssyncadd.s32 $0xFFFFFF80  }
0x5c5: {  	_ =	swait.ge [sflag:s24], $0x80  }
0x5c6: {  	[sflag:s24] =	ssyncset.done $0x0  }
0x5c7: {  	[sflag:s24] =	ssyncadd.s32 $0xFFFFFF80  }
.Ltmp17:
0x5c8: {  	_ =	swait.ge [sflag:s24], $0x80;
	(pc) =	sbr.rel @p0 .LBB2_36-.Ltmp17, $4  }
0x5c9: {  	[sflag:s24] =	ssyncset.done $0x0  }
0x5ca: {  	[sflag:s24] =	ssyncadd.s32 $0xFFFFFF80  }
0x5cb: {  	_ =	swait.ge [sflag:s24], $0x80  }
0x5cc: {  	[sflag:s24] =	ssyncset.done $0x0  }
0x5cd: {  	v10 =	vld [tilespmem:$0x15180]  }
0x5ce: {  	v9 =	vld [tilespmem:$0x15190];
	_ =	sdelay $0x1  }
0x5cf: {  	v8 =	vld [tilespmem:$0x151A0];
	_ =	sdelay $0x1  }
0x5d0: {  	v7 =	vld [tilespmem:$0x151B0]  }
0x5d1: {  	v11 =	vmul.f32 v10, v10;
	v12 =	vmul.f32 v9, v9;
	_ =	sdelay $0x1  }
0x5d2: {  	v11 =	vadd.f32 v12, v11;
	v12 =	vmul.f32 v8, v8;
	_ =	sdelay $0x1  }
0x5d3: {  	v11 =	vadd.f32 v12, v11;
	v12 =	vmul.f32 v7, v7  }
0x5d4: {  	[sflag:s24] =	ssyncadd.s32 $0xFFFFFF80;
	s28 =	simm.s32 $0x1100  }
0x5d5: {  	v21 =	vld [tilespmem:s28+$0x80];
	v11 =	vadd.f32 v12, v11  }
0x5d6: {  	v25 =	vld [tilespmem:s28+$0x90]  }
0x5d7: {  	v12 =	vperm.xlane v11, v3  }
0x5d8: {  	v30 =	vld [tilespmem:s28+$0xA0]  }
0x5d9: {  	v11 =	vadd.f32 v11, v12  }
0x5da: {  	v18 =	vld [tilespmem:s28+$0xB0];
	v14 =	vmul.f32 v21, v10  }
0x5db: {  	v15 =	vmul.f32 v25, v9;
	v12 =	vperm.xlane v11, v0  }
0x5dc: {  	v33 =	vld [tilespmem:s28+$0xFFFFFF80]  }
0x5dd: {  	v32 =	vld [tilespmem:s28+$0xFFFFFF90];
	v14 =	vadd.f32 v15, v14;
	v15 =	vmul.f32 v30, v8;
	v12 =	vadd.f32 v11, v12  }
0x5de: {  	v38 =	vld [tilespmem:s28+$0xFFFFFF10]  }
0x5df: {  	v39 =	vld [tilespmem:s28+$0xFFFFFF00];
	v14 =	vadd.f32 v15, v14;
	v15 =	vmul.f32 v18, v7;
	v13 =	vperm.xlane v12, v1  }
0x5e0: {  	v34 =	vld [tilespmem:s28+$0xFFFFFFA0]  }
0x5e1: {  	v37 =	vld [tilespmem:s28+$0xFFFFFF20];
	v15 =	vadd.f32 v15, v14;
	v13 =	vadd.f32 v12, v13  }
0x5e2: {  	v19 =	vmul.f32 v33, v10;
	v20 =	vmul.f32 v32, v9;
	v11 =	vld [tilespmem:s28+$0x0]  }
0x5e3: {  	v24 =	vperm.xlane v15, v3;
	v12 =	vld [tilespmem:s28+$0x10];
	v16 =	vperm.xlane v13, v2  }
0x5e4: {  	v36 =	vld [tilespmem:s28+$0xFFFFFF30];
	v17 =	vmul.f32 v38, v9;
	v22 =	vmul.f32 v39, v10;
	v19 =	vadd.f32 v20, v19  }
0x5e5: {  	v20 =	vmul.f32 v34, v8;
	v15 =	vadd.f32 v15, v24;
	v16 =	vadd.f32 v13, v16;
	v13 =	vld [tilespmem:s28+$0x20]  }
0x5e6: {  	v35 =	vld [tilespmem:s28+$0xFFFFFFB0];
	v27 =	vmul.f32 v37, v8  }
0x5e7: {  	v17 =	vadd.f32 v17, v22;
	v19 =	vadd.f32 v20, v19;
	v14 =	vld [tilespmem:s28+$0x30];
	v20 =	vperm.xlane v15, v4  }
0x5e8: {  	v23 =	vmul.f32 v11, v10;
	v26 =	vmul.f32 v12, v9;
	v16 =	vmax.f32 v16, $1.000000020e-24  }
0x5e9: {  	v17 =	vadd.f32 v27, v17;
	v15 =	vadd.f32 v15, v20;
	(erf) = vrcp.f32 v16  }
0x5ea: {  	v24 =	vmul.f32 v36, v7;
	v22 =	vadd.f32 v26, v23;
	v23 =	vmul.f32 v13, v8  }
0x5eb: {  	v20 =	vperm.xlane v15, v5;
	v26 =	vmul.f32 v35, v7  }
0x5ec: {  	v16 =	vadd.f32 v24, v17;
	v22 =	vadd.f32 v23, v22;
	v23 =	vmul.f32 v14, v7  }
0x5ed: {  	v15 =	vadd.f32 v15, v20;
	v17 =	vadd.f32 v26, v19  }
0x5ee: {  	v19 =	vadd.f32 v23, v22;
	v22 =	vperm.xlane v16, v3  }
0x5ef: {  	v20 =	vperm.xlane v15, v6;
	v23 =	vperm.xlane v17, v3  }
0x5f0: {  	v24 =	vperm.xlane v19, v3;
	v16 =	vadd.f32 v16, v22  }
0x5f1: {  	v20 =	vadd.f32 v15, v20;
	v17 =	vadd.f32 v17, v23  }
0x5f2: {  	s29 =	simm.s32 $0x1300;
	v15 =	vpop (erf);
	v19 =	vadd.f32 v19, v24;
	v22 =	vperm.xlane v16, v4  }
0x5f3: {  	v29 =	vld [tilespmem:s29+$0xB0];
	v23 =	vperm.xlane v17, v4;
	v20 =	vmul.f32 v20, v15  }
0x5f4: {  	v24 =	vperm.xlane v19, v4;
	v16 =	vadd.f32 v16, v22  }
0x5f5: {  	v23 =	vadd.f32 v17, v23;
	v22 =	vld [tilespmem:s29+$0x90];
	v28 =	vmul.f32 v20, v7  }
0x5f6: {  	v19 =	vadd.f32 v19, v24;
	v17 =	vperm.xlane v16, v5;
	v24 =	vld [tilespmem:s29+$0x80]  }
0x5f7: {  	v26 =	vperm.xlane v23, v5;
	v44 =	vsub.f32 v18, v28;
	v18 =	vld [tilespmem:s29+$0xFFFFFF90]  }
0x5f8: {  	v57 =	vmul.f32 v29, v7;
	v40 =	vmul.f32 v20, v10;
	v31 =	vadd.f32 v16, v17;
	v17 =	vld [tilespmem:s29+$0xFFFFFF10]  }
0x5f9: {  	v46 =	vmul.f32 v20, v8;
	v27 =	vperm.xlane v19, v5;
	v26 =	vadd.f32 v23, v26;
	v23 =	vld [tilespmem:s29+$0xA0]  }
0x5fa: {  	v40 =	vsub.f32 v21, v40;
	v16 =	vld [tilespmem:s29+$0xFFFFFF80];
	v45 =	vmul.f32 v22, v9;
	v41 =	vperm.xlane v31, v6  }
0x5fb: {  	v21 =	vld [tilespmem:s29+$0xFFFFFF20];
	v19 =	vadd.f32 v19, v27;
	v27 =	vmul.f32 v20, v9;
	v42 =	vperm.xlane v26, v6  }
0x5fc: {  	v20 =	vld [tilespmem:s29+$0x0];
	v28 =	vmul.f32 v24, v10;
	v51 =	vmul.f32 v18, v9;
	v31 =	vadd.f32 v31, v41  }
0x5fd: {  	v43 =	vperm.xlane v19, v6;
	v60 =	vadd.f32 v26, v42;
	v26 =	vld [tilespmem:s29+$0xFFFFFF00];
	v49 =	vsub.f32 v25, v27  }
0x5fe: {  	v27 =	vld [tilespmem:s29+$0x20];
	v28 =	vadd.f32 v45, v28;
	v62 =	vmul.f32 v23, v8;
	v63 =	vmul.f32 v17, v9  }
0x5ff: {  	v25 =	vld [tilespmem:s29+$0xFFFFFF30];
	v48 =	vmul.f32 v16, v10;
	v61 =	vadd.f32 v19, v43;
	v47 =	vmul.f32 v31, v15  }
0x600: {  	v19 =	vld [tilespmem:s29+$0x10];
	v41 =	vmul.f32 v60, v15;
	v60 =	vmul.f32 v21, v8;
	v31 =	vadd.f32 v62, v28  }
0x601: {  	v52 =	vmul.f32 v20, v10;
	v42 =	vmul.f32 v61, v15  }
0x602: {  	v28 =	vld [tilespmem:s29+$0xFFFFFFA0];
	v50 =	vmul.f32 v47, v10;
	v55 =	vmul.f32 v47, v9;
	v43 =	vadd.f32 v57, v31  }
0x603: {  	v48 =	vadd.f32 v51, v48;
	v51 =	vmul.f32 v41, v10;
	v58 =	vmul.f32 v26, v10  }
0x604: {  	v46 =	vsub.f32 v30, v46;
	v31 =	vld [tilespmem:s29+$0xFFFFFFB0];
	v62 =	vmul.f32 v27, v8;
	v54 =	vperm.xlane v43, v3  }
0x605: {  	v30 =	vld [tilespmem:s29+$0x30];
	v57 =	vmul.f32 v25, v7;
	v50 =	vsub.f32 v39, v50;
	v53 =	vmul.f32 v19, v9  }
0x606: {  	v45 =	vadd.f32 v63, v58;
	v63 =	vmul.f32 v47, v8;
	v43 =	vadd.f32 v43, v54  }
0x607: {  	v33 =	vsub.f32 v33, v51;
	v47 =	vmul.f32 v47, v7;
	v61 =	vmul.f32 v28, v8  }
0x608: {  	v59 =	vadd.f32 v53, v52;
	v54 =	vsub.f32 v38, v55;
	v56 =	vperm.xlane v43, v4  }
0x609: {  	v45 =	vadd.f32 v60, v45;
	v48 =	vadd.f32 v61, v48;
	v58 =	vmul.f32 v31, v7  }
0x60a: {  	v39 =	vadd.f32 v62, v59;
	v59 =	vmul.f32 v30, v7;
	v43 =	vadd.f32 v43, v56  }
0x60b: {  	v53 =	vmul.f32 v41, v9;
	v45 =	vadd.f32 v57, v45;
	v48 =	vadd.f32 v58, v48  }
0x60c: {  	v38 =	vmul.f32 v42, v10;
	v52 =	vadd.f32 v59, v39;
	v60 =	vperm.xlane v43, v5  }
0x60d: {  	[tilespmem:s28+$0xB0] =	vst v44;
	v55 =	vsub.f32 v37, v63;
	v61 =	vperm.xlane v45, v3;
	v62 =	vperm.xlane v48, v3  }
0x60e: {  	[tilespmem:s28+$0x80] =	vst v40;
	v37 =	vmul.f32 v42, v8;
	v58 =	vperm.xlane v52, v3;
	v43 =	vadd.f32 v43, v60  }
0x60f: {  	[tilespmem:s28+$0xA0] =	vst v46;
	v57 =	vmul.f32 v41, v7;
	v63 =	vadd.f32 v45, v61;
	v59 =	vadd.f32 v48, v62  }
0x610: {  	[tilespmem:s28+$0x90] =	vst v49;
	v56 =	vmul.f32 v41, v8;
	v41 =	vadd.f32 v52, v58;
	v60 =	vperm.xlane v43, v6  }
0x611: {  	[tilespmem:s28+$0xFFFFFF00] =	vst v50;
	v47 =	vsub.f32 v36, v47;
	v61 =	vperm.xlane v63, v4;
	v48 =	vperm.xlane v59, v4  }
0x612: {  	[tilespmem:s28+$0xFFFFFF80] =	vst v33;
	v36 =	vmul.f32 v42, v7;
	v62 =	vperm.xlane v41, v4;
	v45 =	vadd.f32 v43, v60  }
0x613: {  	[tilespmem:s28+$0xFFFFFF10] =	vst v54;
	v39 =	vmul.f32 v42, v9;
	v42 =	vadd.f32 v59, v48;
	v43 =	vadd.f32 v63, v61  }
0x614: {  	[tilespmem:s28+$0xFFFFFF20] =	vst v55;
	v41 =	vadd.f32 v41, v62;
	v63 =	vsub.f32 v32, v53;
	v40 =	vmul.f32 v45, v15  }
0x615: {  	[tilespmem:s28+$0xFFFFFF30] =	vst v47;
	v34 =	vsub.f32 v34, v56;
	v44 =	vperm.xlane v42, v5;
	v45 =	vperm.xlane v43, v5  }
0x616: {  	s30 =	simm.s32 $0x4;
	s31 =	simm.s32 $0x1500;
	v33 =	vsub.f32 v35, v57;
	v32 =	vperm.xlane v41, v5;
	[tilespmem:s28+$0xFFFFFF90] =	vst v63;
	v46 =	vmul.f32 v40, v7  }
.LBB2_38:
0x617: {  	v47 =	vld [tilespmem:s31+$0x80];
	v35 =	vadd.f32 v43, v45;
	v42 =	vadd.f32 v42, v44;
	v43 =	vmul.f32 v40, v10;
	[tilespmem:s28+$0xFFFFFFA0] =	vst v34  }
0x618: {  	s30 =	sadd.s32 $0x4, s30;
	v45 =	vmul.f32 v40, v9;
	v44 =	vld [tilespmem:s31+$0x90];
	v41 =	vadd.f32 v41, v32;
	v29 =	vsub.f32 v29, v46;
	[tilespmem:s28+$0xFFFFFFB0] =	vst v33  }
0x619: {  	v38 =	vsub.f32 v11, v38;
	v11 =	vmovc v20;
	p0 =	slt.u32 s30, $0x1FC;
	v46 =	vld [tilespmem:s31+$0xFFFFFF10];
	v50 =	vperm.xlane v35, v6;
	v51 =	vperm.xlane v42, v6  }
0x61a: {  	v40 =	vmul.f32 v40, v8;
	v39 =	vsub.f32 v12, v39;
	v48 =	vld [tilespmem:s31+$0xA0];
	v20 =	vperm.xlane v41, v6;
	[tilespmem:s29+$0xB0] =	vst v29  }
0x61b: {  	v12 =	vmovc v19;
	v32 =	vmov v28;
	v34 =	vld [tilespmem:s31+$0xFFFFFF80];
	v49 =	vadd.f32 v35, v50;
	v42 =	vadd.f32 v42, v51;
	[tilespmem:s28+$0x0] =	vst v38  }
0x61c: {  	v19 =	vsub.f32 v13, v37;
	v13 =	vmovc v27;
	v33 =	vmov v31;
	v29 =	vld [tilespmem:s31+$0xB0];
	v28 =	vadd.f32 v41, v20;
	[tilespmem:s28+$0x10] =	vst v39  }
0x61d: {  	v36 =	vsub.f32 v14, v36;
	v14 =	vmovc v30;
	v27 =	vmul.f32 v47, v10;
	v35 =	vld [tilespmem:s31+$0xFFFFFF90];
	v31 =	vmul.f32 v44, v9  }
0x61e: {  	v30 =	vmul.f32 v49, v15;
	v49 =	vsub.f32 v24, v43;
	v37 =	vmul.f32 v46, v9;
	v20 =	vld [tilespmem:s31+$0x0];
	[tilespmem:s28+$0x20] =	vst v19  }
0x61f: {  	v38 =	vmul.f32 v42, v15;
	v19 =	vld [tilespmem:s31+$0x10];
	v27 =	vadd.f32 v31, v27;
	v31 =	vmul.f32 v48, v8;
	[tilespmem:s28+$0x30] =	vst v36;
	s28 =	smov.u32 s29;
	s29 =	smov.u32 s31  }
0x620: {  	v51 =	vsub.f32 v22, v45;
	v41 =	vmul.f32 v28, v15;
	v36 =	vld [tilespmem:s31+$0xFFFFFF00];
	v39 =	vmul.f32 v34, v10;
	[tilespmem:s28+$0x80] =	vst v49  }
0x621: {  	v24 =	vmovc v47;
	v45 =	vmul.f32 v30, v10;
	v42 =	vld [tilespmem:s31+$0xFFFFFF20];
	v31 =	vadd.f32 v31, v27;
	v43 =	vmul.f32 v29, v7  }
0x622: {  	v54 =	vsub.f32 v23, v40;
	v49 =	vmul.f32 v30, v9;
	v28 =	vld [tilespmem:s31+$0xFFFFFFA0];
	v47 =	vmul.f32 v35, v9;
	[tilespmem:s28+$0x90] =	vst v51  }
0x623: {  	v22 =	vmovc v44;
	v50 =	vmul.f32 v30, v8;
	v27 =	vld [tilespmem:s31+$0x20];
	v40 =	vmul.f32 v20, v10;
	v43 =	vadd.f32 v43, v31  }
0x624: {  	v51 =	vmul.f32 v30, v7;
	v44 =	vld [tilespmem:s31+$0xFFFFFF30];
	v39 =	vadd.f32 v47, v39;
	v47 =	vmul.f32 v19, v9;
	[tilespmem:s28+$0xA0] =	vst v54  }
0x625: {  	v23 =	vmovc v48;
	v45 =	vsub.f32 v26, v45;
	v52 =	vmul.f32 v36, v10;
	v31 =	vld [tilespmem:s31+$0xFFFFFFB0];
	v53 =	vperm.xlane v43, v3  }
0x626: {  	v26 =	vmovc v36;
	v48 =	vmul.f32 v42, v8;
	v30 =	vld [tilespmem:s31+$0x30];
	v40 =	vadd.f32 v47, v40;
	v47 =	vmul.f32 v38, v10  }
0x627: {  	v36 =	vadd.f32 v37, v52;
	v37 =	vmul.f32 v28, v8;
	v43 =	vadd.f32 v43, v53;
	[tilespmem:s28+$0xFFFFFF00] =	vst v45  }
0x628: {  	v49 =	vsub.f32 v17, v49;
	v17 =	vmovc v46;
	v52 =	vmul.f32 v38, v9;
	v45 =	vmul.f32 v27, v8  }
0x629: {  	v36 =	vadd.f32 v48, v36;
	v37 =	vadd.f32 v37, v39;
	v39 =	vperm.xlane v43, v4  }
0x62a: {  	v46 =	vmul.f32 v44, v7;
	v48 =	vmul.f32 v31, v7;
	v40 =	vadd.f32 v45, v40;
	[tilespmem:s28+$0xFFFFFF10] =	vst v49  }
0x62b: {  	v49 =	vmul.f32 v38, v8;
	v45 =	vmul.f32 v30, v7;
	v39 =	vadd.f32 v43, v39  }
0x62c: {  	v36 =	vadd.f32 v46, v36;
	v37 =	vadd.f32 v48, v37;
	v48 =	vmul.f32 v38, v7  }
0x62d: {  	v38 =	vmul.f32 v41, v10;
	v40 =	vadd.f32 v45, v40;
	v43 =	vperm.xlane v39, v5  }
0x62e: {  	v50 =	vsub.f32 v21, v50;
	v21 =	vmovc v42;
	v45 =	vperm.xlane v36, v3;
	v46 =	vperm.xlane v37, v3  }
0x62f: {  	v42 =	vperm.xlane v40, v3;
	v43 =	vadd.f32 v39, v43;
	v39 =	vmul.f32 v41, v9  }
0x630: {  	v45 =	vadd.f32 v36, v45;
	v46 =	vadd.f32 v37, v46;
	[tilespmem:s28+$0xFFFFFF20] =	vst v50;
	v37 =	vmul.f32 v41, v8  }
0x631: {  	v36 =	vmul.f32 v41, v7;
	v40 =	vadd.f32 v40, v42;
	v42 =	vperm.xlane v43, v6  }
0x632: {  	v51 =	vsub.f32 v25, v51;
	v25 =	vmovc v44;
	v41 =	vperm.xlane v45, v4;
	v50 =	vperm.xlane v46, v4  }
.Ltmp18:
0x633: {  	v47 =	vsub.f32 v16, v47;
	v16 =	vmovc v34;
	v44 =	vperm.xlane v40, v4;
	v53 =	vadd.f32 v43, v42;
	(pc) =	sbr.rel @p0 .LBB2_38-.Ltmp18, $4  }
0x634: {  	v43 =	vadd.f32 v45, v41;
	v42 =	vadd.f32 v46, v50;
	[tilespmem:s28+$0xFFFFFF30] =	vst v51  }
0x635: {  	v41 =	vadd.f32 v40, v44;
	v40 =	vmul.f32 v53, v15;
	[tilespmem:s28+$0xFFFFFF80] =	vst v47;
	v47 =	vsub.f32 v18, v52  }
0x636: {  	v34 =	vsub.f32 v32, v49;
	v45 =	vperm.xlane v43, v5;
	v18 =	vmovc v35;
	v44 =	vperm.xlane v42, v5  }
0x637: {  	s31 =	sadd.s32 $0x200, s31;
	v33 =	vsub.f32 v33, v48;
	v32 =	vperm.xlane v41, v5;
	v46 =	vmul.f32 v40, v7;
	[tilespmem:s28+$0xFFFFFF90] =	vst v47  }
0x638: {  	v35 =	vadd.f32 v43, v45;
	_ =	sdelay $0x1  }
0x639: {  	[tilespmem:s28+$0xFFFFFFA0] =	vst v34;
	v11 =	vsub.f32 v11, v38;
	v63 =	vperm.xlane v35, v6  }
0x63a: {  	v42 =	vadd.f32 v42, v44;
	v12 =	vsub.f32 v12, v39;
	[tilespmem:s28+$0xFFFFFFB0] =	vst v33  }
0x63b: {  	v44 =	vsub.f32 v13, v37;
	[tilespmem:s28+$0x0] =	vst v11;
	v38 =	vadd.f32 v35, v63  }
0x63c: {  	v39 =	vmul.f32 v40, v10;
	v43 =	vmul.f32 v40, v9;
	v29 =	vsub.f32 v29, v46;
	[tilespmem:s28+$0x10] =	vst v12  }
0x63d: {  	v46 =	vsub.f32 v14, v36;
	v45 =	vperm.xlane v42, v6;
	[tilespmem:s28+$0x20] =	vst v44;
	v47 =	vmul.f32 v38, v15  }
0x63e: {  	v49 =	vmul.f32 v40, v8;
	v48 =	vadd.f32 v41, v32;
	v24 =	vsub.f32 v24, v39;
	[tilespmem:s29+$0xB0] =	vst v29  }
0x63f: {  	v51 =	vsub.f32 v22, v43;
	[tilespmem:s28+$0x30] =	vst v46;
	v50 =	vadd.f32 v42, v45;
	v52 =	vmul.f32 v47, v10  }
0x640: {  	v23 =	vsub.f32 v23, v49;
	v53 =	vperm.xlane v48, v6;
	[tilespmem:s29+$0x80] =	vst v24;
	v54 =	vmul.f32 v47, v9  }
0x641: {  	[tilespmem:s29+$0x90] =	vst v51;
	v11 =	vmul.f32 v50, v15;
	v55 =	vmul.f32 v47, v8;
	v13 =	vsub.f32 v26, v52  }
0x642: {  	[tilespmem:s29+$0xA0] =	vst v23;
	v22 =	vadd.f32 v48, v53;
	v14 =	vmul.f32 v47, v7;
	v17 =	vsub.f32 v17, v54  }
0x643: {  	v56 =	vmul.f32 v11, v10;
	v12 =	vsub.f32 v21, v55;
	[tilespmem:s29+$0xFFFFFF00] =	vst v13  }
0x644: {  	v58 =	vmul.f32 v22, v15;
	v59 =	vmul.f32 v11, v8;
	v14 =	vsub.f32 v25, v14;
	[tilespmem:s29+$0xFFFFFF10] =	vst v17  }
0x645: {  	v57 =	vmul.f32 v11, v9;
	v11 =	vmul.f32 v11, v7;
	v60 =	vsub.f32 v16, v56;
	[tilespmem:s29+$0xFFFFFF20] =	vst v12  }
0x646: {  	v61 =	vmul.f32 v58, v10;
	v62 =	vsub.f32 v28, v59;
	[tilespmem:s29+$0xFFFFFF30] =	vst v14  }
0x647: {  	v63 =	vmul.f32 v58, v9;
	v11 =	vsub.f32 v31, v11;
	[tilespmem:s29+$0xFFFFFF80] =	vst v60  }
0x648: {  	v8 =	vmul.f32 v58, v8;
	v10 =	vsub.f32 v20, v61;
	[tilespmem:s29+$0xFFFFFFA0] =	vst v62  }
0x649: {  	v7 =	vmul.f32 v58, v7;
	v9 =	vsub.f32 v19, v63;
	[tilespmem:s29+$0xFFFFFFB0] =	vst v11  }
0x64a: {  	v8 =	vsub.f32 v27, v8;
	[tilespmem:s29+$0x0] =	vst v10  }
0x64b: {  	v7 =	vsub.f32 v30, v7;
	[tilespmem:s29+$0x10] =	vst v9  }
0x64c: {  	v13 =	vsub.f32 v18, v57;
	[tilespmem:s29+$0x20] =	vst v8  }
0x64d: {  	[tilespmem:s29+$0x30] =	vst v7  }
0x64e: {  	[tilespmem:s29+$0xFFFFFF90] =	vst v13  }
0x64f: {  	s1 =	sld [smem:$0x7FB];
	_ =	sdelay $0x1  }
0x650: {  	s0 =	simm.s32 $0x0;
	s2 =	simm.s32 $0x1000  }
0x651: {  	[hbm4b:s1+s0] =	stream.linear.scatter [tilespmem:s2], [sflag:$0x2], $0x10000, $0x38;
	[tilespmem:$0x15800] =	vst v63  }
0x652: {  	s29 =	simm.s32 $0x0;
	_ =	swait.ge [sflag:s22], $0x10000  }
0x653: {  	s31 =	sand.u32 $0x70, s29;
	s0 =	sand.u32 $0xC00, s0;
	[sflag:s22] =	ssyncset.done $0x0  }
0x654: {  	s0 =	sor.u32 s31, s0;
	[sflag:s22] =	ssyncadd.s32 $0xFFFF0000  }
0x655: {  	v7 =	vld [tilespmem:s0+$0x280];
	_ =	sdelay $0x4  }
0x656: {  	v7 =	vshll.u32 v7, $0x4  }
0x657: {  	(v2sf) =	vpush v7, $0x0  }
0x658: {  	(v2sf) =	vpush v7, $0x1  }
0x659: {  	(v2sf) =	vpush v7, $0x2;
	_ =	sdelay $0x1  }
0x65a: {  	(v2sf) =	vpush v7, $0x3;
	_ =	sdelay $0x1  }
0x65b: {  	(v2sf) =	vpush v7, $0x4;
	_ =	sdelay $0x1  }
0x65c: {  	(v2sf) =	vpush v7, $0x5  }
0x65d: {  	s30 =	simm.s32 $0x80;
	s28 =	simm.s32 $0x1780  }
.LBB2_40:
0x65e: {  	s29 =	sadd.s32 $0x10, s29;
	s0 =	sadd.s32 $0xFFFFFE80, s28;
	s31 =	sadd.s32 $0xFFFFFF00, s28;
	(v2sf) =	vpush v7, $0x6  }
0x65f: {  	s3 =	sadd.s32 $0xFFFFFD00, s28;
	s1 =	sadd.s32 $0xFFFFFD80, s28;
	s2 =	sadd.s32 $0xFFFFFE00, s28  }
0x660: {  	s17 =	sadd.s32 $0xFFFFFB80, s28;
	s16 =	sadd.s32 $0xFFFFFC00, s28;
	s15 =	sadd.s32 $0xFFFFFC80, s28;
	(v2sf) =	vpush v7, $0x7  }
0x661: {  	s9 =	sadd.s32 $0xFFFFFA00, s28;
	s10 =	sadd.s32 $0xFFFFFA80, s28;
	s11 =	sadd.s32 $0xFFFFFB00, s28  }
0x662: {  	s12 =	sadd.s32 $0xFFFFF880, s28;
	s13 =	sadd.s32 $0xFFFFF900, s28;
	s19 =	sadd.s32 $0xFFFFF980, s28;
	(v2sf) =	vpush v7, $0x8  }
0x663: {  	s20 =	sand.u32 $0xC00, s30;
	s18 =	sand.u32 $0x70, s29;
	s21 =	spop (v2sf)  }
0x664: {  	s18 =	sor.u32 s18, s20;
	s20 =	sand.u32 $0x1FFFFFF0, s21;
	s21 =	spop (v2sf);
	(v2sf) =	vpush v7, $0x9  }
0x665: {  	s20 =	sadd.s32 s7, s20;
	s21 =	sand.u32 $0x1FFFFFF0, s21;
	s25 =	spop (v2sf)  }
0x666: {  	[tilespmem:s12], [sflag:$0x1] =	stream.linear.gather [hbm4b:s20+s4], $0x80, $0x38;
	(v2sf) =	vpush v7, $0xA;
	[tilespmem:$0x15800] =	vst v63  }
0x667: {  	s12 =	sadd.s32 s7, s21;
	s20 =	sand.u32 $0x1FFFFFF0, s25;
	s21 =	spop (v2sf)  }
0x668: {  	[tilespmem:s13], [sflag:$0x1] =	stream.linear.gather [hbm4b:s12+s4], $0x80, $0x38;
	(v2sf) =	vpush v7, $0xB;
	[tilespmem:$0x15800] =	vst v63  }
0x669: {  	s12 =	sadd.s32 s7, s20;
	s13 =	sand.u32 $0x1FFFFFF0, s21;
	s20 =	spop (v2sf)  }
0x66a: {  	[tilespmem:s19], [sflag:$0x1] =	stream.linear.gather [hbm4b:s12+s4], $0x80, $0x38;
	(v2sf) =	vpush v7, $0xC;
	[tilespmem:$0x15800] =	vst v63  }
0x66b: {  	s12 =	sadd.s32 s7, s13;
	s13 =	sand.u32 $0x1FFFFFF0, s20;
	s19 =	spop (v2sf)  }
0x66c: {  	[tilespmem:s9], [sflag:$0x1] =	stream.linear.gather [hbm4b:s12+s4], $0x80, $0x38;
	(v2sf) =	vpush v7, $0xD;
	[tilespmem:$0x15800] =	vst v63  }
0x66d: {  	s9 =	sadd.s32 s7, s13;
	s12 =	sand.u32 $0x1FFFFFF0, s19;
	s13 =	spop (v2sf)  }
0x66e: {  	[tilespmem:s10], [sflag:$0x1] =	stream.linear.gather [hbm4b:s9+s4], $0x80, $0x38;
	(v2sf) =	vpush v7, $0xE;
	[tilespmem:$0x15800] =	vst v63  }
0x66f: {  	s9 =	sadd.s32 s7, s12;
	s10 =	sand.u32 $0x1FFFFFF0, s13;
	s12 =	spop (v2sf)  }
0x670: {  	[tilespmem:s11], [sflag:$0x1] =	stream.linear.gather [hbm4b:s9+s4], $0x80, $0x38;
	(v2sf) =	vpush v7, $0xF;
	[tilespmem:$0x15800] =	vst v63  }
0x671: {  	s9 =	sadd.s32 s7, s10;
	s10 =	sand.u32 $0x1FFFFFF0, s12;
	s11 =	spop (v2sf)  }
0x672: {  	[tilespmem:s17], [sflag:$0x1] =	stream.linear.gather [hbm4b:s9+s4], $0x80, $0x38;
	[tilespmem:$0x15800] =	vst v63  }
0x673: {  	s9 =	sadd.s32 s7, s10;
	s10 =	sand.u32 $0x1FFFFFF0, s11;
	s11 =	spop (v2sf)  }
0x674: {  	[tilespmem:s16], [sflag:$0x1] =	stream.linear.gather [hbm4b:s9+s4], $0x80, $0x38;
	[tilespmem:$0x15800] =	vst v63  }
0x675: {  	s9 =	sadd.s32 s7, s10;
	s10 =	sand.u32 $0x1FFFFFF0, s11;
	s11 =	spop (v2sf)  }
0x676: {  	v7 =	vld [tilespmem:s18+$0x280];
	[tilespmem:s15], [sflag:$0x1] =	stream.linear.gather [hbm4b:s9+s4], $0x80, $0x38  }
0x677: {  	s9 =	sadd.s32 s7, s10;
	s10 =	sand.u32 $0x1FFFFFF0, s11;
	s11 =	spop (v2sf)  }
0x678: {  	[tilespmem:s3], [sflag:$0x1] =	stream.linear.gather [hbm4b:s9+s4], $0x80, $0x38;
	[tilespmem:$0x15800] =	vst v63  }
0x679: {  	s3 =	sadd.s32 s7, s10;
	s9 =	sand.u32 $0x1FFFFFF0, s11;
	s10 =	spop (v2sf)  }
0x67a: {  	[tilespmem:s1], [sflag:$0x1] =	stream.linear.gather [hbm4b:s3+s4], $0x80, $0x38;
	[tilespmem:$0x15800] =	vst v63  }
0x67b: {  	s1 =	sadd.s32 s7, s9;
	s3 =	sand.u32 $0x1FFFFFF0, s10;
	v7 =	vshll.u32 v7, $0x4;
	s9 =	spop (v2sf)  }
0x67c: {  	(v2sf) =	vpush v7, $0x0;
	[tilespmem:s2], [sflag:$0x1] =	stream.linear.gather [hbm4b:s1+s4], $0x80, $0x38;
	[tilespmem:$0x15800] =	vst v63  }
0x67d: {  	s1 =	sadd.s32 s7, s3;
	s2 =	sand.u32 $0x1FFFFFF0, s9;
	(v2sf) =	vpush v7, $0x1;
	s3 =	spop (v2sf)  }
0x67e: {  	[tilespmem:s0], [sflag:$0x1] =	stream.linear.gather [hbm4b:s1+s4], $0x80, $0x38;
	[tilespmem:$0x15800] =	vst v63  }
0x67f: {  	p0 =	slt.u32 s29, $0x1F0;
	(v2sf) =	vpush v7, $0x2;
	s1 =	sand.u32 $0x1FFFFFF0, s3  }
0x680: {  	s0 =	sadd.s32 s7, s2;
	s2 =	spop (v2sf);
	s1 =	sadd.s32 s7, s1  }
0x681: {  	(v2sf) =	vpush v7, $0x3;
	[tilespmem:s31], [sflag:$0x1] =	stream.linear.gather [hbm4b:s0+s4], $0x80, $0x38;
	[tilespmem:$0x15800] =	vst v63  }
.Ltmp19:
0x682: {  	s0 =	sadd.s32 $0xFFFFFF80, s28;
	s2 =	sand.u32 $0x1FFFFFF0, s2;
	(pc) =	sbr.rel @p0 .LBB2_40-.Ltmp19, $4  }
0x683: {  	(v2sf) =	vpush v7, $0x4;
	[tilespmem:s0], [sflag:$0x1] =	stream.linear.gather [hbm4b:s1+s4], $0x80, $0x38;
	[tilespmem:$0x15800] =	vst v63  }
0x684: {  	s0 =	sadd.s32 s7, s2  }
0x685: {  	(v2sf) =	vpush v7, $0x5;
	[tilespmem:s28], [sflag:$0x1] =	stream.linear.gather [hbm4b:s0+s4], $0x80, $0x38;
	[tilespmem:$0x15800] =	vst v63  }
0x686: {  	s30 =	sadd.s32 $0x80, s30;
	s28 =	sadd.s32 $0x800, s28  }
0x687: {  	(v2sf) =	vpush v7, $0x6  }
0x688: {  	s1 =	sadd.s32 $0xFFFFFE80, s28;
	s0 =	sadd.s32 $0xFFFFFF00, s28  }
0x689: {  	s15 =	sadd.s32 $0xFFFFFD00, s28;
	s3 =	sadd.s32 $0xFFFFFD80, s28;
	s2 =	sadd.s32 $0xFFFFFE00, s28;
	(v2sf) =	vpush v7, $0x7  }
0x68a: {  	s9 =	sadd.s32 $0xFFFFFB80, s28;
	s10 =	sadd.s32 $0xFFFFFC00, s28;
	s11 =	sadd.s32 $0xFFFFFC80, s28  }
0x68b: {  	s12 =	sadd.s32 $0xFFFFFA00, s28;
	s13 =	sadd.s32 $0xFFFFFA80, s28;
	s16 =	sadd.s32 $0xFFFFFB00, s28;
	(v2sf) =	vpush v7, $0x8  }
0x68c: {  	s17 =	sadd.s32 $0xFFFFF880, s28;
	s18 =	sadd.s32 $0xFFFFF900, s28;
	s19 =	spop (v2sf)  }
0x68d: {  	s20 =	sadd.s32 $0xFFFFF980, s28;
	s19 =	sand.u32 $0x1FFFFFF0, s19;
	s21 =	spop (v2sf);
	(v2sf) =	vpush v7, $0x9  }
0x68e: {  	s19 =	sadd.s32 s7, s19;
	s21 =	sand.u32 $0x1FFFFFF0, s21;
	s25 =	spop (v2sf)  }
0x68f: {  	[tilespmem:s17], [sflag:$0x1] =	stream.linear.gather [hbm4b:s19+s4], $0x80, $0x38;
	(v2sf) =	vpush v7, $0xA;
	[tilespmem:$0x15800] =	vst v63  }
0x690: {  	s29 =	sadd.s32 s7, s21;
	s30 =	sand.u32 $0x1FFFFFF0, s25;
	s31 =	spop (v2sf)  }
0x691: {  	[tilespmem:s18], [sflag:$0x1] =	stream.linear.gather [hbm4b:s29+s4], $0x80, $0x38;
	(v2sf) =	vpush v7, $0xB;
	[tilespmem:$0x15800] =	vst v63  }
0x692: {  	s19 =	sadd.s32 s7, s30;
	s21 =	sand.u32 $0x1FFFFFF0, s31;
	s25 =	spop (v2sf)  }
0x693: {  	[tilespmem:s20], [sflag:$0x1] =	stream.linear.gather [hbm4b:s19+s4], $0x80, $0x38;
	(v2sf) =	vpush v7, $0xC;
	[tilespmem:$0x15800] =	vst v63  }
0x694: {  	s29 =	sadd.s32 s7, s21;
	s30 =	sand.u32 $0x1FFFFFF0, s25;
	s31 =	spop (v2sf)  }
0x695: {  	[tilespmem:s12], [sflag:$0x1] =	stream.linear.gather [hbm4b:s29+s4], $0x80, $0x38;
	(v2sf) =	vpush v7, $0xD;
	[tilespmem:$0x15800] =	vst v63  }
0x696: {  	s17 =	sadd.s32 s7, s30;
	s18 =	sand.u32 $0x1FFFFFF0, s31;
	s19 =	spop (v2sf)  }
0x697: {  	(v2sf) =	vpush v7, $0xE;
	[tilespmem:s13], [sflag:$0x1] =	stream.linear.gather [hbm4b:s17+s4], $0x80, $0x38;
	[tilespmem:$0x15800] =	vst v63  }
0x698: {  	s20 =	sadd.s32 s7, s18;
	s21 =	sand.u32 $0x1FFFFFF0, s19;
	s25 =	spop (v2sf)  }
0x699: {  	(v2sf) =	vpush v7, $0xF;
	[tilespmem:s16], [sflag:$0x1] =	stream.linear.gather [hbm4b:s20+s4], $0x80, $0x38;
	[tilespmem:$0x15800] =	vst v63  }
0x69a: {  	s29 =	sadd.s32 s7, s21;
	s30 =	sand.u32 $0x1FFFFFF0, s25;
	s31 =	spop (v2sf)  }
0x69b: {  	[tilespmem:s9], [sflag:$0x1] =	stream.linear.gather [hbm4b:s29+s4], $0x80, $0x38;
	[tilespmem:$0x15800] =	vst v63  }
0x69c: {  	s12 =	sadd.s32 s7, s30;
	s13 =	sand.u32 $0x1FFFFFF0, s31;
	s16 =	spop (v2sf)  }
0x69d: {  	[tilespmem:s10], [sflag:$0x1] =	stream.linear.gather [hbm4b:s12+s4], $0x80, $0x38;
	[tilespmem:$0x15800] =	vst v63  }
0x69e: {  	s17 =	sadd.s32 s7, s13;
	s18 =	sand.u32 $0x1FFFFFF0, s16;
	s19 =	spop (v2sf)  }
0x69f: {  	[tilespmem:s11], [sflag:$0x1] =	stream.linear.gather [hbm4b:s17+s4], $0x80, $0x38;
	[tilespmem:$0x15800] =	vst v63  }
0x6a0: {  	s20 =	sadd.s32 s7, s18;
	s21 =	sand.u32 $0x1FFFFFF0, s19;
	s25 =	spop (v2sf)  }
0x6a1: {  	[tilespmem:s15], [sflag:$0x1] =	stream.linear.gather [hbm4b:s20+s4], $0x80, $0x38;
	[tilespmem:$0x15800] =	vst v63  }
0x6a2: {  	s29 =	sadd.s32 s7, s21;
	s30 =	sand.u32 $0x1FFFFFF0, s25;
	s31 =	spop (v2sf)  }
0x6a3: {  	[tilespmem:s3], [sflag:$0x1] =	stream.linear.gather [hbm4b:s29+s4], $0x80, $0x38;
	[tilespmem:$0x15800] =	vst v63  }
0x6a4: {  	s12 =	sadd.s32 s7, s30;
	s13 =	sand.u32 $0x1FFFFFF0, s31;
	s15 =	spop (v2sf)  }
0x6a5: {  	[tilespmem:s2], [sflag:$0x1] =	stream.linear.gather [hbm4b:s12+s4], $0x80, $0x38;
	[tilespmem:$0x15800] =	vst v63  }
0x6a6: {  	s16 =	sadd.s32 s7, s13;
	s17 =	sand.u32 $0x1FFFFFF0, s15;
	s18 =	spop (v2sf)  }
0x6a7: {  	[tilespmem:s1], [sflag:$0x1] =	stream.linear.gather [hbm4b:s16+s4], $0x80, $0x38;
	[tilespmem:$0x15800] =	vst v63  }
0x6a8: {  	s19 =	sadd.s32 s7, s17;
	s20 =	sand.u32 $0x1FFFFFF0, s18;
	s21 =	spop (v2sf)  }
0x6a9: {  	[tilespmem:s0], [sflag:$0x1] =	stream.linear.gather [hbm4b:s19+s4], $0x80, $0x38;
	[tilespmem:$0x15800] =	vst v63  }
0x6aa: {  	s25 =	sadd.s32 $0xFFFFFF80, s28;
	s29 =	sadd.s32 s7, s20;
	s30 =	sand.u32 $0x1FFFFFF0, s21  }
0x6ab: {  	[tilespmem:s25], [sflag:$0x1] =	stream.linear.gather [hbm4b:s29+s4], $0x80, $0x38;
	[tilespmem:$0x15800] =	vst v63  }
0x6ac: {  	s31 =	sadd.s32 s7, s30  }
0x6ad: {  	[tilespmem:s28], [sflag:$0x1] =	stream.linear.gather [hbm4b:s31+s4], $0x80, $0x38;
	[tilespmem:$0x15800] =	vst v63  }
0x6ae: {  	_ =	swait.ge [sflag:s24], $0x80  }
0x6af: {  	[sflag:s24] =	ssyncset.done $0x0  }
0x6b0: {  	[sflag:s24] =	ssyncadd.s32 $0xFFFFFF80  }
0x6b1: {  	_ =	swait.ge [sflag:s24], $0x80  }
0x6b2: {  	[sflag:s24] =	ssyncset.done $0x0  }
0x6b3: {  	[sflag:s24] =	ssyncadd.s32 $0xFFFFFF80  }
0x6b4: {  	_ =	swait.ge [sflag:s24], $0x80  }
0x6b5: {  	[sflag:s24] =	ssyncset.done $0x0  }
0x6b6: {  	[sflag:s24] =	ssyncadd.s32 $0xFFFFFF80  }
0x6b7: {  	_ =	swait.ge [sflag:s24], $0x80  }
0x6b8: {  	[sflag:s24] =	ssyncset.done $0x0  }
0x6b9: {  	[sflag:s24] =	ssyncadd.s32 $0xFFFFFF80  }
0x6ba: {  	_ =	swait.ge [sflag:s24], $0x80  }
0x6bb: {  	[sflag:s24] =	ssyncset.done $0x0  }
0x6bc: {  	[sflag:s24] =	ssyncadd.s32 $0xFFFFFF80  }
0x6bd: {  	_ =	swait.ge [sflag:s24], $0x80  }
0x6be: {  	[sflag:s24] =	ssyncset.done $0x0  }
0x6bf: {  	[sflag:s24] =	ssyncadd.s32 $0xFFFFFF80  }
0x6c0: {  	_ =	swait.ge [sflag:s24], $0x80  }
0x6c1: {  	[sflag:s24] =	ssyncset.done $0x0  }
0x6c2: {  	[sflag:s24] =	ssyncadd.s32 $0xFFFFFF80  }
0x6c3: {  	_ =	swait.ge [sflag:s24], $0x80  }
0x6c4: {  	s0 =	simm.s32 $0x0;
	[sflag:s24] =	ssyncset.done $0x0  }
.LBB2_42:
0x6c5: {  	s0 =	sadd.s32 $0x8, s0;
	[sflag:s24] =	ssyncadd.s32 $0xFFFFFF80  }
0x6c6: {  	_ =	swait.ge [sflag:s24], $0x80;
	p0 =	slt.u32 s0, $0x1F8  }
0x6c7: {  	[sflag:s24] =	ssyncset.done $0x0  }
0x6c8: {  	[sflag:s24] =	ssyncadd.s32 $0xFFFFFF80  }
0x6c9: {  	_ =	swait.ge [sflag:s24], $0x80  }
0x6ca: {  	[sflag:s24] =	ssyncset.done $0x0  }
0x6cb: {  	[sflag:s24] =	ssyncadd.s32 $0xFFFFFF80  }
0x6cc: {  	_ =	swait.ge [sflag:s24], $0x80  }
0x6cd: {  	[sflag:s24] =	ssyncset.done $0x0  }
0x6ce: {  	[sflag:s24] =	ssyncadd.s32 $0xFFFFFF80  }
0x6cf: {  	_ =	swait.ge [sflag:s24], $0x80  }
0x6d0: {  	[sflag:s24] =	ssyncset.done $0x0  }
0x6d1: {  	[sflag:s24] =	ssyncadd.s32 $0xFFFFFF80  }
0x6d2: {  	_ =	swait.ge [sflag:s24], $0x80  }
0x6d3: {  	[sflag:s24] =	ssyncset.done $0x0  }
0x6d4: {  	[sflag:s24] =	ssyncadd.s32 $0xFFFFFF80  }
0x6d5: {  	_ =	swait.ge [sflag:s24], $0x80  }
0x6d6: {  	[sflag:s24] =	ssyncset.done $0x0  }
0x6d7: {  	[sflag:s24] =	ssyncadd.s32 $0xFFFFFF80  }
.Ltmp20:
0x6d8: {  	_ =	swait.ge [sflag:s24], $0x80;
	(pc) =	sbr.rel @p0 .LBB2_42-.Ltmp20, $4  }
0x6d9: {  	[sflag:s24] =	ssyncset.done $0x0  }
0x6da: {  	[sflag:s24] =	ssyncadd.s32 $0xFFFFFF80  }
0x6db: {  	_ =	swait.ge [sflag:s24], $0x80  }
0x6dc: {  	[sflag:s24] =	ssyncset.done $0x0  }
0x6dd: {  	v10 =	vld [tilespmem:$0x15200]  }
0x6de: {  	v9 =	vld [tilespmem:$0x15210];
	_ =	sdelay $0x1  }
0x6df: {  	v8 =	vld [tilespmem:$0x15220];
	_ =	sdelay $0x1  }
0x6e0: {  	v7 =	vld [tilespmem:$0x15230]  }
0x6e1: {  	v11 =	vmul.f32 v10, v10;
	v12 =	vmul.f32 v9, v9;
	_ =	sdelay $0x1  }
0x6e2: {  	v11 =	vadd.f32 v12, v11;
	v12 =	vmul.f32 v8, v8;
	_ =	sdelay $0x1  }
0x6e3: {  	v11 =	vadd.f32 v12, v11;
	v12 =	vmul.f32 v7, v7  }
0x6e4: {  	[sflag:s24] =	ssyncadd.s32 $0xFFFFFF80;
	s28 =	simm.s32 $0x1100  }
0x6e5: {  	v21 =	vld [tilespmem:s28+$0x80];
	v11 =	vadd.f32 v12, v11  }
0x6e6: {  	v25 =	vld [tilespmem:s28+$0x90]  }
0x6e7: {  	v12 =	vperm.xlane v11, v3  }
0x6e8: {  	v30 =	vld [tilespmem:s28+$0xA0]  }
0x6e9: {  	v11 =	vadd.f32 v11, v12  }
0x6ea: {  	v18 =	vld [tilespmem:s28+$0xB0];
	v14 =	vmul.f32 v21, v10  }
0x6eb: {  	v15 =	vmul.f32 v25, v9;
	v12 =	vperm.xlane v11, v0  }
0x6ec: {  	v33 =	vld [tilespmem:s28+$0xFFFFFF80]  }
0x6ed: {  	v32 =	vld [tilespmem:s28+$0xFFFFFF90];
	v14 =	vadd.f32 v15, v14;
	v15 =	vmul.f32 v30, v8;
	v12 =	vadd.f32 v11, v12  }
0x6ee: {  	v38 =	vld [tilespmem:s28+$0xFFFFFF10]  }
0x6ef: {  	v39 =	vld [tilespmem:s28+$0xFFFFFF00];
	v14 =	vadd.f32 v15, v14;
	v15 =	vmul.f32 v18, v7;
	v13 =	vperm.xlane v12, v1  }
0x6f0: {  	v34 =	vld [tilespmem:s28+$0xFFFFFFA0]  }
0x6f1: {  	v37 =	vld [tilespmem:s28+$0xFFFFFF20];
	v15 =	vadd.f32 v15, v14;
	v13 =	vadd.f32 v12, v13  }
0x6f2: {  	v19 =	vmul.f32 v33, v10;
	v20 =	vmul.f32 v32, v9;
	v11 =	vld [tilespmem:s28+$0x0]  }
0x6f3: {  	v24 =	vperm.xlane v15, v3;
	v12 =	vld [tilespmem:s28+$0x10];
	v16 =	vperm.xlane v13, v2  }
0x6f4: {  	v36 =	vld [tilespmem:s28+$0xFFFFFF30];
	v17 =	vmul.f32 v38, v9;
	v22 =	vmul.f32 v39, v10;
	v19 =	vadd.f32 v20, v19  }
0x6f5: {  	v20 =	vmul.f32 v34, v8;
	v15 =	vadd.f32 v15, v24;
	v16 =	vadd.f32 v13, v16;
	v13 =	vld [tilespmem:s28+$0x20]  }
0x6f6: {  	v35 =	vld [tilespmem:s28+$0xFFFFFFB0];
	v27 =	vmul.f32 v37, v8  }
0x6f7: {  	v17 =	vadd.f32 v17, v22;
	v19 =	vadd.f32 v20, v19;
	v14 =	vld [tilespmem:s28+$0x30];
	v20 =	vperm.xlane v15, v4  }
0x6f8: {  	v23 =	vmul.f32 v11, v10;
	v26 =	vmul.f32 v12, v9;
	v16 =	vmax.f32 v16, $1.000000020e-24  }
0x6f9: {  	v17 =	vadd.f32 v27, v17;
	v15 =	vadd.f32 v15, v20;
	(erf) = vrcp.f32 v16  }
0x6fa: {  	v24 =	vmul.f32 v36, v7;
	v22 =	vadd.f32 v26, v23;
	v23 =	vmul.f32 v13, v8  }
0x6fb: {  	v20 =	vperm.xlane v15, v5;
	v26 =	vmul.f32 v35, v7  }
0x6fc: {  	v16 =	vadd.f32 v24, v17;
	v22 =	vadd.f32 v23, v22;
	v23 =	vmul.f32 v14, v7  }
0x6fd: {  	v15 =	vadd.f32 v15, v20;
	v17 =	vadd.f32 v26, v19  }
0x6fe: {  	v19 =	vadd.f32 v23, v22;
	v22 =	vperm.xlane v16, v3  }
0x6ff: {  	v20 =	vperm.xlane v15, v6;
	v23 =	vperm.xlane v17, v3  }
0x700: {  	v24 =	vperm.xlane v19, v3;
	v16 =	vadd.f32 v16, v22  }
0x701: {  	v20 =	vadd.f32 v15, v20;
	v17 =	vadd.f32 v17, v23  }
0x702: {  	s29 =	simm.s32 $0x1300;
	v15 =	vpop (erf);
	v19 =	vadd.f32 v19, v24;
	v22 =	vperm.xlane v16, v4  }
0x703: {  	v29 =	vld [tilespmem:s29+$0xB0];
	v23 =	vperm.xlane v17, v4;
	v20 =	vmul.f32 v20, v15  }
0x704: {  	v24 =	vperm.xlane v19, v4;
	v16 =	vadd.f32 v16, v22  }
0x705: {  	v23 =	vadd.f32 v17, v23;
	v22 =	vld [tilespmem:s29+$0x90];
	v28 =	vmul.f32 v20, v7  }
0x706: {  	v19 =	vadd.f32 v19, v24;
	v17 =	vperm.xlane v16, v5;
	v24 =	vld [tilespmem:s29+$0x80]  }
0x707: {  	v26 =	vperm.xlane v23, v5;
	v44 =	vsub.f32 v18, v28;
	v18 =	vld [tilespmem:s29+$0xFFFFFF90]  }
0x708: {  	v57 =	vmul.f32 v29, v7;
	v40 =	vmul.f32 v20, v10;
	v31 =	vadd.f32 v16, v17;
	v17 =	vld [tilespmem:s29+$0xFFFFFF10]  }
0x709: {  	v46 =	vmul.f32 v20, v8;
	v27 =	vperm.xlane v19, v5;
	v26 =	vadd.f32 v23, v26;
	v23 =	vld [tilespmem:s29+$0xA0]  }
0x70a: {  	v40 =	vsub.f32 v21, v40;
	v16 =	vld [tilespmem:s29+$0xFFFFFF80];
	v45 =	vmul.f32 v22, v9;
	v41 =	vperm.xlane v31, v6  }
0x70b: {  	v21 =	vld [tilespmem:s29+$0xFFFFFF20];
	v19 =	vadd.f32 v19, v27;
	v27 =	vmul.f32 v20, v9;
	v42 =	vperm.xlane v26, v6  }
0x70c: {  	v20 =	vld [tilespmem:s29+$0x0];
	v28 =	vmul.f32 v24, v10;
	v51 =	vmul.f32 v18, v9;
	v31 =	vadd.f32 v31, v41  }
0x70d: {  	v43 =	vperm.xlane v19, v6;
	v60 =	vadd.f32 v26, v42;
	v26 =	vld [tilespmem:s29+$0xFFFFFF00];
	v49 =	vsub.f32 v25, v27  }
0x70e: {  	v27 =	vld [tilespmem:s29+$0x20];
	v28 =	vadd.f32 v45, v28;
	v62 =	vmul.f32 v23, v8;
	v63 =	vmul.f32 v17, v9  }
0x70f: {  	v25 =	vld [tilespmem:s29+$0xFFFFFF30];
	v48 =	vmul.f32 v16, v10;
	v61 =	vadd.f32 v19, v43;
	v47 =	vmul.f32 v31, v15  }
0x710: {  	v19 =	vld [tilespmem:s29+$0x10];
	v41 =	vmul.f32 v60, v15;
	v60 =	vmul.f32 v21, v8;
	v31 =	vadd.f32 v62, v28  }
0x711: {  	v52 =	vmul.f32 v20, v10;
	v42 =	vmul.f32 v61, v15  }
0x712: {  	v28 =	vld [tilespmem:s29+$0xFFFFFFA0];
	v50 =	vmul.f32 v47, v10;
	v55 =	vmul.f32 v47, v9;
	v43 =	vadd.f32 v57, v31  }
0x713: {  	v48 =	vadd.f32 v51, v48;
	v51 =	vmul.f32 v41, v10;
	v58 =	vmul.f32 v26, v10  }
0x714: {  	v46 =	vsub.f32 v30, v46;
	v31 =	vld [tilespmem:s29+$0xFFFFFFB0];
	v62 =	vmul.f32 v27, v8;
	v54 =	vperm.xlane v43, v3  }
0x715: {  	v30 =	vld [tilespmem:s29+$0x30];
	v57 =	vmul.f32 v25, v7;
	v50 =	vsub.f32 v39, v50;
	v53 =	vmul.f32 v19, v9  }
0x716: {  	v45 =	vadd.f32 v63, v58;
	v63 =	vmul.f32 v47, v8;
	v43 =	vadd.f32 v43, v54  }
0x717: {  	v33 =	vsub.f32 v33, v51;
	v47 =	vmul.f32 v47, v7;
	v61 =	vmul.f32 v28, v8  }
0x718: {  	v59 =	vadd.f32 v53, v52;
	v54 =	vsub.f32 v38, v55;
	v56 =	vperm.xlane v43, v4  }
0x719: {  	v45 =	vadd.f32 v60, v45;
	v48 =	vadd.f32 v61, v48;
	v58 =	vmul.f32 v31, v7  }
0x71a: {  	v39 =	vadd.f32 v62, v59;
	v59 =	vmul.f32 v30, v7;
	v43 =	vadd.f32 v43, v56  }
0x71b: {  	v53 =	vmul.f32 v41, v9;
	v45 =	vadd.f32 v57, v45;
	v48 =	vadd.f32 v58, v48  }
0x71c: {  	v38 =	vmul.f32 v42, v10;
	v52 =	vadd.f32 v59, v39;
	v60 =	vperm.xlane v43, v5  }
0x71d: {  	[tilespmem:s28+$0xB0] =	vst v44;
	v55 =	vsub.f32 v37, v63;
	v61 =	vperm.xlane v45, v3;
	v62 =	vperm.xlane v48, v3  }
0x71e: {  	[tilespmem:s28+$0x80] =	vst v40;
	v37 =	vmul.f32 v42, v8;
	v58 =	vperm.xlane v52, v3;
	v43 =	vadd.f32 v43, v60  }
0x71f: {  	[tilespmem:s28+$0xA0] =	vst v46;
	v57 =	vmul.f32 v41, v7;
	v63 =	vadd.f32 v45, v61;
	v59 =	vadd.f32 v48, v62  }
0x720: {  	[tilespmem:s28+$0x90] =	vst v49;
	v56 =	vmul.f32 v41, v8;
	v41 =	vadd.f32 v52, v58;
	v60 =	vperm.xlane v43, v6  }
0x721: {  	[tilespmem:s28+$0xFFFFFF00] =	vst v50;
	v47 =	vsub.f32 v36, v47;
	v61 =	vperm.xlane v63, v4;
	v48 =	vperm.xlane v59, v4  }
0x722: {  	[tilespmem:s28+$0xFFFFFF80] =	vst v33;
	v36 =	vmul.f32 v42, v7;
	v62 =	vperm.xlane v41, v4;
	v45 =	vadd.f32 v43, v60  }
0x723: {  	[tilespmem:s28+$0xFFFFFF10] =	vst v54;
	v39 =	vmul.f32 v42, v9;
	v42 =	vadd.f32 v59, v48;
	v43 =	vadd.f32 v63, v61  }
0x724: {  	[tilespmem:s28+$0xFFFFFF20] =	vst v55;
	v41 =	vadd.f32 v41, v62;
	v63 =	vsub.f32 v32, v53;
	v40 =	vmul.f32 v45, v15  }
0x725: {  	[tilespmem:s28+$0xFFFFFF30] =	vst v47;
	v34 =	vsub.f32 v34, v56;
	v44 =	vperm.xlane v42, v5;
	v45 =	vperm.xlane v43, v5  }
0x726: {  	s30 =	simm.s32 $0x4;
	s31 =	simm.s32 $0x1500;
	v33 =	vsub.f32 v35, v57;
	v32 =	vperm.xlane v41, v5;
	[tilespmem:s28+$0xFFFFFF90] =	vst v63;
	v46 =	vmul.f32 v40, v7  }
.LBB2_44:
0x727: {  	v47 =	vld [tilespmem:s31+$0x80];
	v35 =	vadd.f32 v43, v45;
	v42 =	vadd.f32 v42, v44;
	v43 =	vmul.f32 v40, v10;
	[tilespmem:s28+$0xFFFFFFA0] =	vst v34  }
0x728: {  	s30 =	sadd.s32 $0x4, s30;
	v45 =	vmul.f32 v40, v9;
	v44 =	vld [tilespmem:s31+$0x90];
	v41 =	vadd.f32 v41, v32;
	v29 =	vsub.f32 v29, v46;
	[tilespmem:s28+$0xFFFFFFB0] =	vst v33  }
0x729: {  	v38 =	vsub.f32 v11, v38;
	v11 =	vmovc v20;
	p0 =	slt.u32 s30, $0x1FC;
	v46 =	vld [tilespmem:s31+$0xFFFFFF10];
	v50 =	vperm.xlane v35, v6;
	v51 =	vperm.xlane v42, v6  }
0x72a: {  	v40 =	vmul.f32 v40, v8;
	v39 =	vsub.f32 v12, v39;
	v48 =	vld [tilespmem:s31+$0xA0];
	v20 =	vperm.xlane v41, v6;
	[tilespmem:s29+$0xB0] =	vst v29  }
0x72b: {  	v12 =	vmovc v19;
	v32 =	vmov v28;
	v34 =	vld [tilespmem:s31+$0xFFFFFF80];
	v49 =	vadd.f32 v35, v50;
	v42 =	vadd.f32 v42, v51;
	[tilespmem:s28+$0x0] =	vst v38  }
0x72c: {  	v19 =	vsub.f32 v13, v37;
	v13 =	vmovc v27;
	v33 =	vmov v31;
	v29 =	vld [tilespmem:s31+$0xB0];
	v28 =	vadd.f32 v41, v20;
	[tilespmem:s28+$0x10] =	vst v39  }
0x72d: {  	v36 =	vsub.f32 v14, v36;
	v14 =	vmovc v30;
	v27 =	vmul.f32 v47, v10;
	v35 =	vld [tilespmem:s31+$0xFFFFFF90];
	v31 =	vmul.f32 v44, v9  }
0x72e: {  	v30 =	vmul.f32 v49, v15;
	v49 =	vsub.f32 v24, v43;
	v37 =	vmul.f32 v46, v9;
	v20 =	vld [tilespmem:s31+$0x0];
	[tilespmem:s28+$0x20] =	vst v19  }
0x72f: {  	v38 =	vmul.f32 v42, v15;
	v19 =	vld [tilespmem:s31+$0x10];
	v27 =	vadd.f32 v31, v27;
	v31 =	vmul.f32 v48, v8;
	[tilespmem:s28+$0x30] =	vst v36;
	s28 =	smov.u32 s29;
	s29 =	smov.u32 s31  }
0x730: {  	v51 =	vsub.f32 v22, v45;
	v41 =	vmul.f32 v28, v15;
	v36 =	vld [tilespmem:s31+$0xFFFFFF00];
	v39 =	vmul.f32 v34, v10;
	[tilespmem:s28+$0x80] =	vst v49  }
0x731: {  	v24 =	vmovc v47;
	v45 =	vmul.f32 v30, v10;
	v42 =	vld [tilespmem:s31+$0xFFFFFF20];
	v31 =	vadd.f32 v31, v27;
	v43 =	vmul.f32 v29, v7  }
0x732: {  	v54 =	vsub.f32 v23, v40;
	v49 =	vmul.f32 v30, v9;
	v28 =	vld [tilespmem:s31+$0xFFFFFFA0];
	v47 =	vmul.f32 v35, v9;
	[tilespmem:s28+$0x90] =	vst v51  }
0x733: {  	v22 =	vmovc v44;
	v50 =	vmul.f32 v30, v8;
	v27 =	vld [tilespmem:s31+$0x20];
	v40 =	vmul.f32 v20, v10;
	v43 =	vadd.f32 v43, v31  }
0x734: {  	v51 =	vmul.f32 v30, v7;
	v44 =	vld [tilespmem:s31+$0xFFFFFF30];
	v39 =	vadd.f32 v47, v39;
	v47 =	vmul.f32 v19, v9;
	[tilespmem:s28+$0xA0] =	vst v54  }
0x735: {  	v23 =	vmovc v48;
	v45 =	vsub.f32 v26, v45;
	v52 =	vmul.f32 v36, v10;
	v31 =	vld [tilespmem:s31+$0xFFFFFFB0];
	v53 =	vperm.xlane v43, v3  }
0x736: {  	v26 =	vmovc v36;
	v48 =	vmul.f32 v42, v8;
	v30 =	vld [tilespmem:s31+$0x30];
	v40 =	vadd.f32 v47, v40;
	v47 =	vmul.f32 v38, v10  }
0x737: {  	v36 =	vadd.f32 v37, v52;
	v37 =	vmul.f32 v28, v8;
	v43 =	vadd.f32 v43, v53;
	[tilespmem:s28+$0xFFFFFF00] =	vst v45  }
0x738: {  	v49 =	vsub.f32 v17, v49;
	v17 =	vmovc v46;
	v52 =	vmul.f32 v38, v9;
	v45 =	vmul.f32 v27, v8  }
0x739: {  	v36 =	vadd.f32 v48, v36;
	v37 =	vadd.f32 v37, v39;
	v39 =	vperm.xlane v43, v4  }
0x73a: {  	v46 =	vmul.f32 v44, v7;
	v48 =	vmul.f32 v31, v7;
	v40 =	vadd.f32 v45, v40;
	[tilespmem:s28+$0xFFFFFF10] =	vst v49  }
0x73b: {  	v49 =	vmul.f32 v38, v8;
	v45 =	vmul.f32 v30, v7;
	v39 =	vadd.f32 v43, v39  }
0x73c: {  	v36 =	vadd.f32 v46, v36;
	v37 =	vadd.f32 v48, v37;
	v48 =	vmul.f32 v38, v7  }
0x73d: {  	v38 =	vmul.f32 v41, v10;
	v40 =	vadd.f32 v45, v40;
	v43 =	vperm.xlane v39, v5  }
0x73e: {  	v50 =	vsub.f32 v21, v50;
	v21 =	vmovc v42;
	v45 =	vperm.xlane v36, v3;
	v46 =	vperm.xlane v37, v3  }
0x73f: {  	v42 =	vperm.xlane v40, v3;
	v43 =	vadd.f32 v39, v43;
	v39 =	vmul.f32 v41, v9  }
0x740: {  	v45 =	vadd.f32 v36, v45;
	v46 =	vadd.f32 v37, v46;
	[tilespmem:s28+$0xFFFFFF20] =	vst v50;
	v37 =	vmul.f32 v41, v8  }
0x741: {  	v36 =	vmul.f32 v41, v7;
	v40 =	vadd.f32 v40, v42;
	v42 =	vperm.xlane v43, v6  }
0x742: {  	v51 =	vsub.f32 v25, v51;
	v25 =	vmovc v44;
	v41 =	vperm.xlane v45, v4;
	v50 =	vperm.xlane v46, v4  }
.Ltmp21:
0x743: {  	v47 =	vsub.f32 v16, v47;
	v16 =	vmovc v34;
	v44 =	vperm.xlane v40, v4;
	v53 =	vadd.f32 v43, v42;
	(pc) =	sbr.rel @p0 .LBB2_44-.Ltmp21, $4  }
0x744: {  	v43 =	vadd.f32 v45, v41;
	v42 =	vadd.f32 v46, v50;
	[tilespmem:s28+$0xFFFFFF30] =	vst v51  }
0x745: {  	v41 =	vadd.f32 v40, v44;
	v40 =	vmul.f32 v53, v15;
	[tilespmem:s28+$0xFFFFFF80] =	vst v47;
	v47 =	vsub.f32 v18, v52  }
0x746: {  	v34 =	vsub.f32 v32, v49;
	v45 =	vperm.xlane v43, v5;
	v18 =	vmovc v35;
	v44 =	vperm.xlane v42, v5  }
0x747: {  	s31 =	sadd.s32 $0x200, s31;
	v33 =	vsub.f32 v33, v48;
	v32 =	vperm.xlane v41, v5;
	v46 =	vmul.f32 v40, v7;
	[tilespmem:s28+$0xFFFFFF90] =	vst v47  }
0x748: {  	v35 =	vadd.f32 v43, v45;
	_ =	sdelay $0x1  }
0x749: {  	[tilespmem:s28+$0xFFFFFFA0] =	vst v34;
	v11 =	vsub.f32 v11, v38;
	v63 =	vperm.xlane v35, v6  }
0x74a: {  	v42 =	vadd.f32 v42, v44;
	v12 =	vsub.f32 v12, v39;
	[tilespmem:s28+$0xFFFFFFB0] =	vst v33  }
0x74b: {  	v44 =	vsub.f32 v13, v37;
	[tilespmem:s28+$0x0] =	vst v11;
	v38 =	vadd.f32 v35, v63  }
0x74c: {  	v39 =	vmul.f32 v40, v10;
	v43 =	vmul.f32 v40, v9;
	v29 =	vsub.f32 v29, v46;
	[tilespmem:s28+$0x10] =	vst v12  }
0x74d: {  	v46 =	vsub.f32 v14, v36;
	v45 =	vperm.xlane v42, v6;
	[tilespmem:s28+$0x20] =	vst v44;
	v47 =	vmul.f32 v38, v15  }
0x74e: {  	v49 =	vmul.f32 v40, v8;
	v48 =	vadd.f32 v41, v32;
	v24 =	vsub.f32 v24, v39;
	[tilespmem:s29+$0xB0] =	vst v29  }
0x74f: {  	v51 =	vsub.f32 v22, v43;
	[tilespmem:s28+$0x30] =	vst v46;
	v50 =	vadd.f32 v42, v45;
	v52 =	vmul.f32 v47, v10  }
0x750: {  	v23 =	vsub.f32 v23, v49;
	v53 =	vperm.xlane v48, v6;
	[tilespmem:s29+$0x80] =	vst v24;
	v54 =	vmul.f32 v47, v9  }
0x751: {  	[tilespmem:s29+$0x90] =	vst v51;
	v11 =	vmul.f32 v50, v15;
	v55 =	vmul.f32 v47, v8;
	v13 =	vsub.f32 v26, v52  }
0x752: {  	[tilespmem:s29+$0xA0] =	vst v23;
	v22 =	vadd.f32 v48, v53;
	v14 =	vmul.f32 v47, v7;
	v17 =	vsub.f32 v17, v54  }
0x753: {  	v56 =	vmul.f32 v11, v10;
	v12 =	vsub.f32 v21, v55;
	[tilespmem:s29+$0xFFFFFF00] =	vst v13  }
0x754: {  	v58 =	vmul.f32 v22, v15;
	v59 =	vmul.f32 v11, v8;
	v14 =	vsub.f32 v25, v14;
	[tilespmem:s29+$0xFFFFFF10] =	vst v17  }
0x755: {  	v57 =	vmul.f32 v11, v9;
	v11 =	vmul.f32 v11, v7;
	v60 =	vsub.f32 v16, v56;
	[tilespmem:s29+$0xFFFFFF20] =	vst v12  }
0x756: {  	v61 =	vmul.f32 v58, v10;
	v62 =	vsub.f32 v28, v59;
	[tilespmem:s29+$0xFFFFFF30] =	vst v14  }
0x757: {  	v63 =	vmul.f32 v58, v9;
	v11 =	vsub.f32 v31, v11;
	[tilespmem:s29+$0xFFFFFF80] =	vst v60  }
0x758: {  	v8 =	vmul.f32 v58, v8;
	v10 =	vsub.f32 v20, v61;
	[tilespmem:s29+$0xFFFFFFA0] =	vst v62  }
0x759: {  	v7 =	vmul.f32 v58, v7;
	v9 =	vsub.f32 v19, v63;
	[tilespmem:s29+$0xFFFFFFB0] =	vst v11  }
0x75a: {  	v8 =	vsub.f32 v27, v8;
	[tilespmem:s29+$0x0] =	vst v10  }
0x75b: {  	v7 =	vsub.f32 v30, v7;
	[tilespmem:s29+$0x10] =	vst v9  }
0x75c: {  	v13 =	vsub.f32 v18, v57;
	[tilespmem:s29+$0x20] =	vst v8  }
0x75d: {  	[tilespmem:s29+$0x30] =	vst v7  }
0x75e: {  	[tilespmem:s29+$0xFFFFFF90] =	vst v13  }
0x75f: {  	s0 =	sld [smem:$0x7FC];
	_ =	sdelay $0x1  }
0x760: {  	s1 =	simm.s32 $0x1000  }
0x761: {  	[hbm4b:s0+s4] =	stream.linear.scatter [tilespmem:s1], [sflag:$0x2], $0x10000, $0x38;
	[tilespmem:$0x15800] =	vst v63  }
0x762: {  	_ =	swait.ge [sflag:s22], $0x10000  }
0x763: {  	s31 =	sld [smem:$0x7FD];
	_ =	sdelay $0x1  }
0x764: {  	s26 =	sadd.s32 $0x1, s26  }
0x765: {  	p0 =	sne.s32 s26, s31  }
.Ltmp22:
0x766: {  	_ = 	snop;
	(pc) =	sbr.rel @p0 .LBB2_1-.Ltmp22, $3  }
0x767: {  	_ =	sdelay $0x1  }
0x768: {  	[sflag:s22] =	ssyncset.done $0x0  }
0x769: {  	[sflag:s22] =	ssyncadd.s32 $0xFFFF0000  }
0x76a: {  	_ =	sfence.sel $0x180000  }
0x76b: {  	[bflag:$0x0] =	sbarrier.arrive $0xFFFF  }
0x76c: {  	_ =	strace $0x90000047  }
0x76d: {  	s0 =	stileid.u32;
	[bflag:$0x2] =	sbarrier.arrive $0xFFFF  }
0x76e: {  	p0 =	sne.s32 s0, $0x0;
	s0 =	rddreg [dreg:$0x9]  }
0x76f: {  	s0 =	sadd.s32 @!p0 $0x100000, s0  }
0x770: {  	[sflag:s0] =	ssyncadd.tile.s32 @!p0 $0x1;
	_ =	shalt  }
.Lfunc_end2:
_tile_overlayer_lowered:
.L_overlay_start_2:
0x771: {  	(tag) =	ssettag $0x2  }
0x772: {  	s0 =	rddreg [dreg:$0x0];
	s2 =	stileid.u32  }
0x773: {  	s1 =	rddreg [dreg:$0x1];
	p0 =	sne.s32 s2, $0x0  }
0x774: {  	s3 =	rddreg [dreg:$0x2];
	[bflag:$0x3] =	sbarrier.arrive $0xFFFF;
	s2 =	simm.s32 @!p0 $0x1C02  }
0x775: {  	[timem:s3], [sflag:s2] =	dma.local @!p0 [hbm:s0], s1  }
0x776: {  	s0 =	simm.s32 @!p0 $0x2  }
0x777: {  	_ =	swait.ge @!p0 [sflag:s0], s1  }
0x778: {  	s1 =	ssub.s32 @!p0 $0x0, s1;
	[sflag:s0] =	ssyncset.done @!p0 $0x0  }
0x779: {  	[sflag:s0] =	ssyncadd.s32 @!p0 s1  }
0x77a: {  	[bflag:$0x3] =	sbarrier.arrive $0xFFFF  }
0x77b: {  	_ =	shalt  }

</sc_bundles>
